<compile_context>
chip_gen: v7x
topology: tpu7x:2x2x1
jax: 0.10.2.dev20260603
libtpu: 0.0.44.dev20260713+nightly
codegen_flags: <defaults>
</compile_context>

<pallas_src>
import jax
import jax.numpy as jnp
from jax import lax
from jax.experimental import pallas as pl
from jax.experimental.pallas import tpu as pltpu
from jax.experimental.pallas import tpu_sc as plsc

N = 10000
E = 320000
H = 128
G = 64
D_OUT = 16
EPS = 1e-5

NC = 2
NS = 16
NW = NC * NS
C = 128
NBUF = 2
WCHUNK = 80
EPAD = NW * WCHUNK * C
NP = 10240
NPH = 10008
ROWS_PER_TILE = NP // NS
ZC = 128


def _spmm_body(hw_ref, src_ref, dst_ref, out_ref,
               idxs2, idxd2, rows0, rows1, acc,
               si0, si1, s0, s1):
    cid = lax.axis_index("c")
    sid = lax.axis_index("s")
    wid = sid * NC + cid

    rows = (rows0, rows1)
    sems = (s0, s1)
    isems = (si0, si1)

    def idx_start(ch, b):
        base = pl.multiple_of((wid + ch * NW) * C, 8)
        pltpu.async_copy(src_ref.at[pl.ds(base, C)], idxs2.at[b], isems[b])
        pltpu.async_copy(dst_ref.at[pl.ds(base, C)], idxd2.at[b], isems[b])

    def idx_wait(b):
        pltpu.make_async_copy(src_ref.at[pl.ds(0, C)], idxs2.at[b],
                              isems[b]).wait()
        pltpu.make_async_copy(dst_ref.at[pl.ds(0, C)], idxd2.at[b],
                              isems[b]).wait()

    def gather_start(b):
        pltpu.async_copy(hw_ref.at[idxs2.at[b]], rows[b], sems[b])

    def gather_wait(b):
        pltpu.make_async_copy(hw_ref.at[idxs2.at[b]], rows[b],
                              sems[b]).wait()

    for b in range(NBUF):
        idx_start(b, b)

    def _zrow(i, carry):
        for j in range(H // 16):
            rows0[i, pl.ds(j * 16, 16)] = jnp.zeros((16,), jnp.float32)
        return carry

    lax.fori_loop(0, ZC, _zrow, 0)
    row0 = sid * ROWS_PER_TILE
    for k in range(ROWS_PER_TILE // ZC):
        pltpu.sync_copy(rows0.at[pl.ds(0, ZC)],
                        acc.at[pl.ds(row0 + k * ZC, ZC)])
    plsc.subcore_barrier()

    for ch in range(NBUF - 1):
        idx_wait(ch)
        gather_start(ch)

    def _group(t, carry):
        for j in range(NBUF):
            ch = t * NBUF + j
            b = j
            pb = (j - 1) % NBUF

            @pl.when(ch + NBUF - 1 < WCHUNK)
            def _():
                idx_wait(pb)
                gather_start(pb)

            gather_wait(b)
            pltpu.sync_copy(rows[b], acc.at[idxd2.at[b]], add=True)

            @pl.when(ch + NBUF < WCHUNK)
            def _():
                idx_start(ch + NBUF, b)

        return carry

    lax.fori_loop(0, WCHUNK // NBUF, _group, 0)
    plsc.subcore_barrier()

    nko = ROWS_PER_TILE // ZC

    def _wr_drain(b):
        pltpu.make_async_copy(hw_ref.at[pl.ds(0, ZC)],
                              rows[b].at[pl.ds(0, ZC)], sems[b]).wait()

    for k in range(nko):
        b = k % 2
        if k >= 2:
            _wr_drain(b)
        r = row0 + k * ZC
        pltpu.sync_copy(acc.at[pl.ds(r, ZC)], rows[b].at[pl.ds(0, ZC)])
        pltpu.async_copy(rows[b].at[pl.ds(0, ZC)],
                         out_ref.at[cid, pl.ds(r, ZC), :], sems[b])
    _wr_drain((nko - 2) % 2)
    _wr_drain((nko - 1) % 2)


def _spmm_sc(hw, src1, dst1):
    mesh = plsc.VectorSubcoreMesh(core_axis_name="c", subcore_axis_name="s")
    kern = pl.kernel(
        _spmm_body,
        out_type=jax.ShapeDtypeStruct((NC, NP, H), jnp.float32),
        mesh=mesh,
        scratch_types=(
            [pltpu.VMEM((NBUF, C), jnp.int32)] * 2
            + [pltpu.VMEM((C, H), jnp.float32)] * NBUF
            + [pltpu.VMEM_SHARED((NP, H), jnp.float32)]
            + [pltpu.SemaphoreType.DMA] * (2 * NBUF)
        ),
    )
    return kern(hw, src1, dst1)


def _matmul_t(a, w):
    return lax.dot_general(a, w, (((1,), (1,)), ((), ())),
                           preferred_element_type=jnp.float32)


def _store_padded_hw(hw_ref, hw):
    hw_ref[:N] = hw
    hw_ref[N:] = jnp.zeros((NPH - N, H), jnp.float32)


def _tc_in_body(x_ref, wi_ref, bi_ref, w0_ref, b0_ref, h_ref, hw_ref):
    h = jnp.maximum(_matmul_t(x_ref[...], wi_ref[...]) + bi_ref[...], 0.0)
    h_ref[...] = h
    _store_padded_hw(hw_ref, _matmul_t(h, w0_ref[...]) + b0_ref[...])


def _tc_in(x, W_in, b_in, W0, b0):
    return pl.pallas_call(
        _tc_in_body,
        out_shape=[
            jax.ShapeDtypeStruct((N, H), jnp.float32),
            jax.ShapeDtypeStruct((NPH, H), jnp.float32),
        ],
    )(x, W_in, b_in, W0, b0)


def _bn_relu_res(h, p, g, be):
    agg = p[0, :N] + p[1, :N]
    mean = jnp.mean(agg, axis=0, keepdims=True)
    cen = agg - mean
    var = jnp.mean(cen * cen, axis=0, keepdims=True)
    hn = cen * lax.rsqrt(var + EPS) * g + be
    return h + jnp.maximum(hn, 0.0)


def _tc_mid_body(h_ref, p_ref, g_ref, be_ref, wn_ref, bn_ref,
                 h_out_ref, hw_ref):
    h_new = _bn_relu_res(h_ref[...], p_ref[...], g_ref[...], be_ref[...])
    h_out_ref[...] = h_new
    _store_padded_hw(hw_ref, _matmul_t(h_new, wn_ref[...]) + bn_ref[...])


def _tc_mid(h, p, g, be, Wn, bn_):
    return pl.pallas_call(
        _tc_mid_body,
        out_shape=[
            jax.ShapeDtypeStruct((N, H), jnp.float32),
            jax.ShapeDtypeStruct((NPH, H), jnp.float32),
        ],
    )(h, p, g, be, Wn, bn_)


def _tc_out_body(h_ref, p_ref, g_ref, be_ref, bcol_ref, wg_ref,
                 bg_ref, w1_ref, b1_ref, w2_ref, b2_ref, out_ref):
    h_f = _bn_relu_res(h_ref[...], p_ref[...], g_ref[...], be_ref[...])
    gate = jnp.sum(h_f * wg_ref[...], axis=1, keepdims=True) + bg_ref[...]
    bcol = bcol_ref[...]
    seg = lax.broadcasted_iota(jnp.int32, (N, G), 1)
    mask = bcol == seg
    neg = jnp.float32(-1e30)
    gm = jnp.max(jnp.where(mask, gate, neg), axis=0, keepdims=True)
    gmb = jnp.max(jnp.where(mask, gm, neg), axis=1, keepdims=True)
    expv = jnp.exp(gate - gmb)
    oh = mask.astype(jnp.float32)
    ssum = jnp.sum(oh * expv, axis=0, keepdims=True)
    ssb = jnp.sum(oh * ssum, axis=1, keepdims=True)
    alpha = expv / (ssb + 1e-10)
    wt = h_f * alpha
    ge = lax.dot_general(oh, wt, (((0,), (0,)), ((), ())),
                         preferred_element_type=jnp.float32)
    e1 = jnp.maximum(_matmul_t(ge, w1_ref[...]) + b1_ref[...], 0.0)
    out_ref[...] = _matmul_t(e1, w2_ref[...]) + b2_ref[...]


def _tc_out(h, p, g, be, bcol, Wg, bg, W1, b1, W2, b2):
    return pl.pallas_call(
        _tc_out_body,
        out_shape=jax.ShapeDtypeStruct((G, D_OUT), jnp.float32),
    )(h, p, g, be, bcol, Wg, bg, W1, b1, W2, b2)


def kernel(x, edge_index, batch, W_in, b_in,
           W_conv0, b_conv0, bn_g0, bn_b0,
           W_conv1, b_conv1, bn_g1, bn_b1,
           W_conv2, b_conv2, bn_g2, bn_b2,
           W_gate, b_gate, W_h1, b_h1, W_h2, b_h2):
    src = edge_index[0]
    dst = edge_index[1]
    bcol = batch.reshape(N, 1)
    npad = EPAD - E
    pad_iota = jnp.arange(npad, dtype=jnp.int32)
    src2 = jnp.concatenate([src, N + pad_iota % (NPH - N)])
    dst2 = jnp.concatenate([dst, N + pad_iota % (NP - N)])
    h, hw = _tc_in(x, W_in, b_in.reshape(1, H), W_conv0,
                   b_conv0.reshape(1, H))
    layers = ((bn_g0, bn_b0, W_conv1, b_conv1),
              (bn_g1, bn_b1, W_conv2, b_conv2))
    for (g, be, Wn, bn_) in layers:
        p = _spmm_sc(hw, src2, dst2)
        h, hw = _tc_mid(h, p, g.reshape(1, H), be.reshape(1, H),
                        Wn, bn_.reshape(1, H))
    p = _spmm_sc(hw, src2, dst2)
    out = _tc_out(h, p, bn_g2.reshape(1, H), bn_b2.reshape(1, H),
                  bcol, W_gate, b_gate.reshape(1, 1),
                  W_h1, b_h1.reshape(1, H), W_h2, b_h2.reshape(1, D_OUT))
    return out

# --- scband reference (transcript-rebuilt; emitter-appended) ---
"""Pipeline reference for scband-gcn-global-attention-78718160601830 (READ-ONLY COPY).

The authoritative reference and input builder live on the scoring server;
editing this copy changes nothing except your own understanding.
"""

import jax, jax.numpy as jnp
import numpy as np

N = 10000
E = 320000
D_IN = 128
H = 128
D_OUT = 16
G = 64
EPS = 1e-5


def _p(key, shape, scale):
    return jax.random.normal(key, shape, dtype=jnp.float32) * scale


def setup_inputs(seed: int = 0) -> dict:
    key = jax.random.key(seed)
    ks = jax.random.split(key, 16)
    inp = {}
    inp["x"] = jax.random.normal(ks[0], (N, D_IN), dtype=jnp.float32)
    inp["edge_index"] = jax.random.randint(ks[1], (2, E), 0, N, dtype=jnp.int32)
    inp["batch"] = jnp.sort(jax.random.randint(ks[2], (N,), 0, G, dtype=jnp.int32))
    s = 1.0 / np.sqrt(H)
    inp["W_in"] = _p(ks[3], (H, D_IN), 1.0 / np.sqrt(D_IN))
    inp["b_in"] = jnp.zeros((H,), dtype=jnp.float32)
    for i in range(3):
        inp[f"W_conv{i}"] = _p(ks[4 + i], (H, H), s)
        inp[f"b_conv{i}"] = jnp.zeros((H,), dtype=jnp.float32)
        inp[f"bn_g{i}"] = jnp.ones((H,), dtype=jnp.float32)
        inp[f"bn_b{i}"] = jnp.zeros((H,), dtype=jnp.float32)
    inp["W_gate"] = _p(ks[8], (1, H), s)
    inp["b_gate"] = jnp.zeros((1,), dtype=jnp.float32)
    inp["W_h1"] = _p(ks[9], (H, H), s)
    inp["b_h1"] = jnp.zeros((H,), dtype=jnp.float32)
    inp["W_h2"] = _p(ks[10], (D_OUT, H), s)
    inp["b_h2"] = jnp.zeros((D_OUT,), dtype=jnp.float32)
    return inp


def reference(x, edge_index, batch, W_in, b_in,
              W_conv0, b_conv0, bn_g0, bn_b0,
              W_conv1, b_conv1, bn_g1, bn_b1,
              W_conv2, b_conv2, bn_g2, bn_b2,
              W_gate, b_gate, W_h1, b_h1, W_h2, b_h2):
    src = edge_index[0]
    dst = edge_index[1]
    # input projection + relu
    h = jax.nn.relu(x @ W_in.T + b_in)
    layers = ((W_conv0, b_conv0, bn_g0, bn_b0),
              (W_conv1, b_conv1, bn_g1, bn_b1),
              (W_conv2, b_conv2, bn_g2, bn_b2))
    for (W, b, g, be) in layers:
        # GCNLayer: linear then sparse adj @ h (unweighted COO adjacency)
        hw = h @ W.T + b
        agg = jax.ops.segment_sum(hw[src], dst, num_segments=N)
        # BatchNorm1d (batch statistics, biased variance)
        mean = jnp.mean(agg, axis=0)
        var = jnp.var(agg, axis=0)
        hn = (agg - mean) / jnp.sqrt(var + EPS) * g + be
        # relu (+ dropout is identity in eval) + residual
        h = h + jax.nn.relu(hn)
    # global attention pooling via scatter softmax
    gate = (h @ W_gate.T + b_gate)[:, 0]
    gmax = jax.ops.segment_max(gate, batch, num_segments=G)
    expv = jnp.exp(gate - gmax[batch])
    ssum = jax.ops.segment_sum(expv, batch, num_segments=G)
    alpha = expv / (ssum[batch] + 1e-10)
    graph_emb = jax.ops.segment_sum(h * alpha[:, None], batch, num_segments=G)
    out = jax.nn.relu(graph_emb @ W_h1.T + b_h1) @ W_h2.T + b_h2
    return out

if __name__ == "__main__":
    import jax
    _d = setup_inputs()
    print(jax.jit(kernel)(*tuple(_d.values())))

</pallas_src>

<mosaic_0001>
#map = affine_map<(d0, d1) -> (0, 0)>
#map1 = affine_map<(d0, d1) -> (0)>
#map2 = affine_map<(d0, d1) -> (0, 0, 0)>
module attributes {stable_mosaic.version = 14 : i64} {
  func.func @_spmm_body(%arg0: i32, %arg1: i32, %arg2: memref<10008x128xf32, #tpu.memory_space<hbm>>, %arg3: memref<327680xi32, #tpu.memory_space<hbm>>, %arg4: memref<327680xi32, #tpu.memory_space<hbm>>, %arg5: memref<2x10240x128xf32, #tpu.memory_space<hbm>>, %arg6: memref<2x128xi32, #tpu.memory_space<vmem>>, %arg7: memref<2x128xi32, #tpu.memory_space<vmem>>, %arg8: memref<128x128xf32, #tpu.memory_space<vmem>>, %arg9: memref<128x128xf32, #tpu.memory_space<vmem>>, %arg10: memref<10240x128xf32, #tpu.memory_space<vmem_shared>>, %arg11: memref<!tpu.dma_semaphore, #tpu.memory_space<semaphore_mem>>, %arg12: memref<!tpu.dma_semaphore, #tpu.memory_space<semaphore_mem>>, %arg13: memref<!tpu.dma_semaphore, #tpu.memory_space<semaphore_mem>>, %arg14: memref<!tpu.dma_semaphore, #tpu.memory_space<semaphore_mem>>) attributes {dimension_semantics = [#tpu.dimension_semantics<core_parallel>, #tpu.dimension_semantics<subcore_parallel>], iteration_bounds = array<i64: 2, 16>, scalar_prefetch = 0 : i64, scratch_operands = 9 : i64, tpu.core_type = #tpu.core_type<sc_vector_subcore>, window_params = [{transform_indices = #map}, {transform_indices = #map1}, {transform_indices = #map1}, {transform_indices = #map2}]} {
    %mul3A = arith.constant 2 : i32
    %mul3A_0 = arith.muli %arg1, %mul3A : i32
    %add3A = arith.addi %mul3A_0, %arg0 : i32
    %add3A_1 = arith.constant 0 : i32
    %add3A_2 = arith.addi %add3A, %add3A_1 : i32
    %mul3A_3 = arith.constant 128 : i32
    %mul3A_4 = arith.muli %add3A_2, %mul3A_3 : i32
    %multiple_of3A = tpu.assume_multiple %mul3A_4, 8 : i32
    %dma_start3A = arith.constant 0 : i32
    %dma_start3A_5 = arith.constant 0 : i32
    %dma_start3A_6 = tpu.memref_slice %arg6[%dma_start3A, %dma_start3A_5] : memref<2x128xi32, #tpu.memory_space<vmem>> -> memref<1x128xi32, #tpu.memory_space<vmem>>
    %dma_start3A_7 = tpu.memref_squeeze %dma_start3A_6 : memref<1x128xi32, #tpu.memory_space<vmem>> -> memref<128xi32, #tpu.memory_space<vmem>>
    %dma_start3A_8 = tpu.memref_slice %arg3[%multiple_of3A] : memref<327680xi32, #tpu.memory_space<hbm>> -> memref<128xi32, #tpu.memory_space<hbm>>
    %dma_start3A_9 = arith.constant 0 : i32
    %dma_start3A_10 = tpu.memref_slice %arg6[%dma_start3A, %dma_start3A_9] : memref<2x128xi32, #tpu.memory_space<vmem>> -> memref<1x128xi32, #tpu.memory_space<vmem>>
    %dma_start3A_11 = tpu.memref_squeeze %dma_start3A_10 : memref<1x128xi32, #tpu.memory_space<vmem>> -> memref<128xi32, #tpu.memory_space<vmem>>
    %dma_start3A_12 = tpu.memref_slice %arg3[%multiple_of3A] : memref<327680xi32, #tpu.memory_space<hbm>> -> memref<128xi32, #tpu.memory_space<hbm>>
    tpu.enqueue_dma source(%dma_start3A_12 : memref<128xi32, #tpu.memory_space<hbm>>) target(%dma_start3A_11 : memref<128xi32, #tpu.memory_space<vmem>>) target_semaphore(%arg11 : memref<!tpu.dma_semaphore, #tpu.memory_space<semaphore_mem>>)
    %dma_start3A_13 = arith.constant 0 : i32
    %dma_start3A_14 = arith.constant 0 : i32
    %dma_start3A_15 = tpu.memref_slice %arg7[%dma_start3A_13, %dma_start3A_14] : memref<2x128xi32, #tpu.memory_space<vmem>> -> memref<1x128xi32, #tpu.memory_space<vmem>>
    %dma_start3A_16 = tpu.memref_squeeze %dma_start3A_15 : memref<1x128xi32, #tpu.memory_space<vmem>> -> memref<128xi32, #tpu.memory_space<vmem>>
    %dma_start3A_17 = tpu.memref_slice %arg4[%multiple_of3A] : memref<327680xi32, #tpu.memory_space<hbm>> -> memref<128xi32, #tpu.memory_space<hbm>>
    %dma_start3A_18 = arith.constant 0 : i32
    %dma_start3A_19 = tpu.memref_slice %arg7[%dma_start3A_13, %dma_start3A_18] : memref<2x128xi32, #tpu.memory_space<vmem>> -> memref<1x128xi32, #tpu.memory_space<vmem>>
    %dma_start3A_20 = tpu.memref_squeeze %dma_start3A_19 : memref<1x128xi32, #tpu.memory_space<vmem>> -> memref<128xi32, #tpu.memory_space<vmem>>
    %dma_start3A_21 = tpu.memref_slice %arg4[%multiple_of3A] : memref<327680xi32, #tpu.memory_space<hbm>> -> memref<128xi32, #tpu.memory_space<hbm>>
    tpu.enqueue_dma source(%dma_start3A_21 : memref<128xi32, #tpu.memory_space<hbm>>) target(%dma_start3A_20 : memref<128xi32, #tpu.memory_space<vmem>>) target_semaphore(%arg11 : memref<!tpu.dma_semaphore, #tpu.memory_space<semaphore_mem>>)
    %add3A_22 = arith.constant 32 : i32
    %add3A_23 = arith.addi %add3A, %add3A_22 : i32
    %mul3A_24 = arith.constant 128 : i32
    %mul3A_25 = arith.muli %add3A_23, %mul3A_24 : i32
    %multiple_of3A_26 = tpu.assume_multiple %mul3A_25, 8 : i32
    %dma_start3A_27 = arith.constant 1 : i32
    %dma_start3A_28 = arith.constant 0 : i32
    %dma_start3A_29 = tpu.memref_slice %arg6[%dma_start3A_27, %dma_start3A_28] : memref<2x128xi32, #tpu.memory_space<vmem>> -> memref<1x128xi32, #tpu.memory_space<vmem>>
    %dma_start3A_30 = tpu.memref_squeeze %dma_start3A_29 : memref<1x128xi32, #tpu.memory_space<vmem>> -> memref<128xi32, #tpu.memory_space<vmem>>
    %dma_start3A_31 = tpu.memref_slice %arg3[%multiple_of3A_26] : memref<327680xi32, #tpu.memory_space<hbm>> -> memref<128xi32, #tpu.memory_space<hbm>>
    %dma_start3A_32 = arith.constant 0 : i32
    %dma_start3A_33 = tpu.memref_slice %arg6[%dma_start3A_27, %dma_start3A_32] : memref<2x128xi32, #tpu.memory_space<vmem>> -> memref<1x128xi32, #tpu.memory_space<vmem>>
    %dma_start3A_34 = tpu.memref_squeeze %dma_start3A_33 : memref<1x128xi32, #tpu.memory_space<vmem>> -> memref<128xi32, #tpu.memory_space<vmem>>
    %dma_start3A_35 = tpu.memref_slice %arg3[%multiple_of3A_26] : memref<327680xi32, #tpu.memory_space<hbm>> -> memref<128xi32, #tpu.memory_space<hbm>>
    tpu.enqueue_dma source(%dma_start3A_35 : memref<128xi32, #tpu.memory_space<hbm>>) target(%dma_start3A_34 : memref<128xi32, #tpu.memory_space<vmem>>) target_semaphore(%arg12 : memref<!tpu.dma_semaphore, #tpu.memory_space<semaphore_mem>>)
    %dma_start3A_36 = arith.constant 1 : i32
    %dma_start3A_37 = arith.constant 0 : i32
    %dma_start3A_38 = tpu.memref_slice %arg7[%dma_start3A_36, %dma_start3A_37] : memref<2x128xi32, #tpu.memory_space<vmem>> -> memref<1x128xi32, #tpu.memory_space<vmem>>
    %dma_start3A_39 = tpu.memref_squeeze %dma_start3A_38 : memref<1x128xi32, #tpu.memory_space<vmem>> -> memref<128xi32, #tpu.memory_space<vmem>>
    %dma_start3A_40 = tpu.memref_slice %arg4[%multiple_of3A_26] : memref<327680xi32, #tpu.memory_space<hbm>> -> memref<128xi32, #tpu.memory_space<hbm>>
    %dma_start3A_41 = arith.constant 0 : i32
    %dma_start3A_42 = tpu.memref_slice %arg7[%dma_start3A_36, %dma_start3A_41] : memref<2x128xi32, #tpu.memory_space<vmem>> -> memref<1x128xi32, #tpu.memory_space<vmem>>
    %dma_start3A_43 = tpu.memref_squeeze %dma_start3A_42 : memref<1x128xi32, #tpu.memory_space<vmem>> -> memref<128xi32, #tpu.memory_space<vmem>>
    %dma_start3A_44 = tpu.memref_slice %arg4[%multiple_of3A_26] : memref<327680xi32, #tpu.memory_space<hbm>> -> memref<128xi32, #tpu.memory_space<hbm>>
    tpu.enqueue_dma source(%dma_start3A_44 : memref<128xi32, #tpu.memory_space<hbm>>) target(%dma_start3A_43 : memref<128xi32, #tpu.memory_space<vmem>>) target_semaphore(%arg12 : memref<!tpu.dma_semaphore, #tpu.memory_space<semaphore_mem>>)
    %scan3A = arith.constant 0 : i32
    %scan3A_45 = arith.constant 0 : i32
    %scan3A_46 = arith.constant 128 : i32
    %scan3A_47 = arith.addi %scan3A_45, %scan3A_46 : i32
    %scan3A_48 = arith.constant 1 : i32
    scf.for %scan3A_227 = %scan3A_45 to %scan3A_47 step %scan3A_48  : i32 {
      %broadcast_in_dim3A = arith.constant 0.000000e+00 : f32
      %broadcast_in_dim3A_228 = vector.broadcast %broadcast_in_dim3A : f32 to vector<16xf32>
      %swap3A = arith.index_cast %scan3A_227 : i32 to index
      %swap3A_229 = arith.constant 0 : index
      %swap3A_230 = tpu.vector_load %arg8[%swap3A, %swap3A_229] {strides = array<i32>} : memref<128x128xf32, #tpu.memory_space<vmem>>, vector<1x16xf32>,
      %swap3A_231 = vector.shape_cast %swap3A_230 : vector<1x16xf32> to vector<16xf32>
      %swap3A_232 = vector.shape_cast %broadcast_in_dim3A_228 : vector<16xf32> to vector<1x16xf32>
      tpu.vector_store %arg8[%swap3A, %swap3A_229], %swap3A_232 {strides = array<i32>} : memref<128x128xf32, #tpu.memory_space<vmem>>, vector<1x16xf32>,
      %broadcast_in_dim3A_233 = arith.constant 0.000000e+00 : f32
      %broadcast_in_dim3A_234 = vector.broadcast %broadcast_in_dim3A_233 : f32 to vector<16xf32>
      %swap3A_235 = arith.index_cast %scan3A_227 : i32 to index
      %swap3A_236 = arith.constant 16 : index
      %swap3A_237 = tpu.vector_load %arg8[%swap3A_235, %swap3A_236] {strides = array<i32>} : memref<128x128xf32, #tpu.memory_space<vmem>>, vector<1x16xf32>,
      %swap3A_238 = vector.shape_cast %swap3A_237 : vector<1x16xf32> to vector<16xf32>
      %swap3A_239 = vector.shape_cast %broadcast_in_dim3A_234 : vector<16xf32> to vector<1x16xf32>
      tpu.vector_store %arg8[%swap3A_235, %swap3A_236], %swap3A_239 {strides = array<i32>} : memref<128x128xf32, #tpu.memory_space<vmem>>, vector<1x16xf32>,
      %broadcast_in_dim3A_240 = arith.constant 0.000000e+00 : f32
      %broadcast_in_dim3A_241 = vector.broadcast %broadcast_in_dim3A_240 : f32 to vector<16xf32>
      %swap3A_242 = arith.index_cast %scan3A_227 : i32 to index
      %swap3A_243 = arith.constant 32 : index
      %swap3A_244 = tpu.vector_load %arg8[%swap3A_242, %swap3A_243] {strides = array<i32>} : memref<128x128xf32, #tpu.memory_space<vmem>>, vector<1x16xf32>,
      %swap3A_245 = vector.shape_cast %swap3A_244 : vector<1x16xf32> to vector<16xf32>
      %swap3A_246 = vector.shape_cast %broadcast_in_dim3A_241 : vector<16xf32> to vector<1x16xf32>
      tpu.vector_store %arg8[%swap3A_242, %swap3A_243], %swap3A_246 {strides = array<i32>} : memref<128x128xf32, #tpu.memory_space<vmem>>, vector<1x16xf32>,
      %broadcast_in_dim3A_247 = arith.constant 0.000000e+00 : f32
      %broadcast_in_dim3A_248 = vector.broadcast %broadcast_in_dim3A_247 : f32 to vector<16xf32>
      %swap3A_249 = arith.index_cast %scan3A_227 : i32 to index
      %swap3A_250 = arith.constant 48 : index
      %swap3A_251 = tpu.vector_load %arg8[%swap3A_249, %swap3A_250] {strides = array<i32>} : memref<128x128xf32, #tpu.memory_space<vmem>>, vector<1x16xf32>,
      %swap3A_252 = vector.shape_cast %swap3A_251 : vector<1x16xf32> to vector<16xf32>
      %swap3A_253 = vector.shape_cast %broadcast_in_dim3A_248 : vector<16xf32> to vector<1x16xf32>
      tpu.vector_store %arg8[%swap3A_249, %swap3A_250], %swap3A_253 {strides = array<i32>} : memref<128x128xf32, #tpu.memory_space<vmem>>, vector<1x16xf32>,
      %broadcast_in_dim3A_254 = arith.constant 0.000000e+00 : f32
      %broadcast_in_dim3A_255 = vector.broadcast %broadcast_in_dim3A_254 : f32 to vector<16xf32>
      %swap3A_256 = arith.index_cast %scan3A_227 : i32 to index
      %swap3A_257 = arith.constant 64 : index
      %swap3A_258 = tpu.vector_load %arg8[%swap3A_256, %swap3A_257] {strides = array<i32>} : memref<128x128xf32, #tpu.memory_space<vmem>>, vector<1x16xf32>,
      %swap3A_259 = vector.shape_cast %swap3A_258 : vector<1x16xf32> to vector<16xf32>
      %swap3A_260 = vector.shape_cast %broadcast_in_dim3A_255 : vector<16xf32> to vector<1x16xf32>
      tpu.vector_store %arg8[%swap3A_256, %swap3A_257], %swap3A_260 {strides = array<i32>} : memref<128x128xf32, #tpu.memory_space<vmem>>, vector<1x16xf32>,
      %broadcast_in_dim3A_261 = arith.constant 0.000000e+00 : f32
      %broadcast_in_dim3A_262 = vector.broadcast %broadcast_in_dim3A_261 : f32 to vector<16xf32>
      %swap3A_263 = arith.index_cast %scan3A_227 : i32 to index
      %swap3A_264 = arith.constant 80 : index
      %swap3A_265 = tpu.vector_load %arg8[%swap3A_263, %swap3A_264] {strides = array<i32>} : memref<128x128xf32, #tpu.memory_space<vmem>>, vector<1x16xf32>,
      %swap3A_266 = vector.shape_cast %swap3A_265 : vector<1x16xf32> to vector<16xf32>
      %swap3A_267 = vector.shape_cast %broadcast_in_dim3A_262 : vector<16xf32> to vector<1x16xf32>
      tpu.vector_store %arg8[%swap3A_263, %swap3A_264], %swap3A_267 {strides = array<i32>} : memref<128x128xf32, #tpu.memory_space<vmem>>, vector<1x16xf32>,
      %broadcast_in_dim3A_268 = arith.constant 0.000000e+00 : f32
      %broadcast_in_dim3A_269 = vector.broadcast %broadcast_in_dim3A_268 : f32 to vector<16xf32>
      %swap3A_270 = arith.index_cast %scan3A_227 : i32 to index
      %swap3A_271 = arith.constant 96 : index
      %swap3A_272 = tpu.vector_load %arg8[%swap3A_270, %swap3A_271] {strides = array<i32>} : memref<128x128xf32, #tpu.memory_space<vmem>>, vector<1x16xf32>,
      %swap3A_273 = vector.shape_cast %swap3A_272 : vector<1x16xf32> to vector<16xf32>
      %swap3A_274 = vector.shape_cast %broadcast_in_dim3A_269 : vector<16xf32> to vector<1x16xf32>
      tpu.vector_store %arg8[%swap3A_270, %swap3A_271], %swap3A_274 {strides = array<i32>} : memref<128x128xf32, #tpu.memory_space<vmem>>, vector<1x16xf32>,
      %broadcast_in_dim3A_275 = arith.constant 0.000000e+00 : f32
      %broadcast_in_dim3A_276 = vector.broadcast %broadcast_in_dim3A_275 : f32 to vector<16xf32>
      %swap3A_277 = arith.index_cast %scan3A_227 : i32 to index
      %swap3A_278 = arith.constant 112 : index
      %swap3A_279 = tpu.vector_load %arg8[%swap3A_277, %swap3A_278] {strides = array<i32>} : memref<128x128xf32, #tpu.memory_space<vmem>>, vector<1x16xf32>,
      %swap3A_280 = vector.shape_cast %swap3A_279 : vector<1x16xf32> to vector<16xf32>
      %swap3A_281 = vector.shape_cast %broadcast_in_dim3A_276 : vector<16xf32> to vector<1x16xf32>
      tpu.vector_store %arg8[%swap3A_277, %swap3A_278], %swap3A_281 {strides = array<i32>} : memref<128x128xf32, #tpu.memory_space<vmem>>, vector<1x16xf32>,
    }
    %scan3A_49 = arith.constant 128 : i32
    %mul3A_50 = arith.constant 640 : i32
    %mul3A_51 = arith.muli %arg1, %mul3A_50 : i32
    %add3A_52 = arith.constant 0 : i32
    %add3A_53 = arith.addi %mul3A_51, %add3A_52 : i32
    "tpu.region"() ({
      %run_scoped3A = tpu.sem_alloc : memref<!tpu.dma_semaphore, #tpu.memory_space<semaphore_mem>>
      %dma_start3A_227 = arith.constant 0 : i32
      %dma_start3A_228 = arith.constant 0 : i32
      %dma_start3A_229 = tpu.memref_slice %arg8[%dma_start3A_227, %dma_start3A_228] : memref<128x128xf32, #tpu.memory_space<vmem>> -> memref<128x128xf32, #tpu.memory_space<vmem>>
      %dma_start3A_230 = arith.constant 0 : i32
      %dma_start3A_231 = tpu.memref_slice %arg10[%add3A_53, %dma_start3A_230] : memref<10240x128xf32, #tpu.memory_space<vmem_shared>> -> memref<128x128xf32, #tpu.memory_space<vmem_shared>>
      %dma_start3A_232 = arith.constant 0 : i32
      %dma_start3A_233 = tpu.memref_slice %arg10[%add3A_53, %dma_start3A_232] : memref<10240x128xf32, #tpu.memory_space<vmem_shared>> -> memref<128x128xf32, #tpu.memory_space<vmem_shared>>
      %dma_start3A_234 = arith.constant 0 : i32
      %dma_start3A_235 = arith.constant 0 : i32
      %dma_start3A_236 = tpu.memref_slice %arg8[%dma_start3A_234, %dma_start3A_235] : memref<128x128xf32, #tpu.memory_space<vmem>> -> memref<128x128xf32, #tpu.memory_space<vmem>>
      tpu.enqueue_dma source(%dma_start3A_236 : memref<128x128xf32, #tpu.memory_space<vmem>>) target(%dma_start3A_233 : memref<128x128xf32, #tpu.memory_space<vmem_shared>>) target_semaphore(%run_scoped3A : memref<!tpu.dma_semaphore, #tpu.memory_space<semaphore_mem>>)
      %dma_wait3A_237 = arith.constant 0 : i32
      %dma_wait3A_238 = arith.constant 0 : i32
      %dma_wait3A_239 = tpu.memref_slice %arg8[%dma_wait3A_237, %dma_wait3A_238] : memref<128x128xf32, #tpu.memory_space<vmem>> -> memref<128x128xf32, #tpu.memory_space<vmem>>
      %dma_wait3A_240 = arith.constant 0 : i32
      %dma_wait3A_241 = tpu.memref_slice %arg10[%add3A_53, %dma_wait3A_240] : memref<10240x128xf32, #tpu.memory_space<vmem_shared>> -> memref<128x128xf32, #tpu.memory_space<vmem_shared>>
      %dma_wait3A_242 = arith.constant 0 : i32
      %dma_wait3A_243 = tpu.memref_slice %arg10[%add3A_53, %dma_wait3A_242] : memref<10240x128xf32, #tpu.memory_space<vmem_shared>> -> memref<128x128xf32, #tpu.memory_space<vmem_shared>>
      %dma_wait3A_244 = arith.constant 0 : i32
      %dma_wait3A_245 = arith.constant 0 : i32
      %dma_wait3A_246 = tpu.memref_slice %arg8[%dma_wait3A_244, %dma_wait3A_245] : memref<128x128xf32, #tpu.memory_space<vmem>> -> memref<128x128xf32, #tpu.memory_space<vmem>>
      tpu.wait_dma2 semaphore(%run_scoped3A : memref<!tpu.dma_semaphore, #tpu.memory_space<semaphore_mem>>) src(%dma_wait3A_246 : memref<128x128xf32, #tpu.memory_space<vmem>>) dst(%dma_wait3A_243 : memref<128x128xf32, #tpu.memory_space<vmem_shared>>)
      tpu.yield
    }) : () -> ()
    %add3A_54 = arith.constant 128 : i32
    %add3A_55 = arith.addi %mul3A_51, %add3A_54 : i32
    "tpu.region"() ({
      %run_scoped3A = tpu.sem_alloc : memref<!tpu.dma_semaphore, #tpu.memory_space<semaphore_mem>>
      %dma_start3A_227 = arith.constant 0 : i32
      %dma_start3A_228 = arith.constant 0 : i32
      %dma_start3A_229 = tpu.memref_slice %arg8[%dma_start3A_227, %dma_start3A_228] : memref<128x128xf32, #tpu.memory_space<vmem>> -> memref<128x128xf32, #tpu.memory_space<vmem>>
      %dma_start3A_230 = arith.constant 0 : i32
      %dma_start3A_231 = tpu.memref_slice %arg10[%add3A_55, %dma_start3A_230] : memref<10240x128xf32, #tpu.memory_space<vmem_shared>> -> memref<128x128xf32, #tpu.memory_space<vmem_shared>>
      %dma_start3A_232 = arith.constant 0 : i32
      %dma_start3A_233 = tpu.memref_slice %arg10[%add3A_55, %dma_start3A_232] : memref<10240x128xf32, #tpu.memory_space<vmem_shared>> -> memref<128x128xf32, #tpu.memory_space<vmem_shared>>
      %dma_start3A_234 = arith.constant 0 : i32
      %dma_start3A_235 = arith.constant 0 : i32
      %dma_start3A_236 = tpu.memref_slice %arg8[%dma_start3A_234, %dma_start3A_235] : memref<128x128xf32, #tpu.memory_space<vmem>> -> memref<128x128xf32, #tpu.memory_space<vmem>>
      tpu.enqueue_dma source(%dma_start3A_236 : memref<128x128xf32, #tpu.memory_space<vmem>>) target(%dma_start3A_233 : memref<128x128xf32, #tpu.memory_space<vmem_shared>>) target_semaphore(%run_scoped3A : memref<!tpu.dma_semaphore, #tpu.memory_space<semaphore_mem>>)
      %dma_wait3A_237 = arith.constant 0 : i32
      %dma_wait3A_238 = arith.constant 0 : i32
      %dma_wait3A_239 = tpu.memref_slice %arg8[%dma_wait3A_237, %dma_wait3A_238] : memref<128x128xf32, #tpu.memory_space<vmem>> -> memref<128x128xf32, #tpu.memory_space<vmem>>
      %dma_wait3A_240 = arith.constant 0 : i32
      %dma_wait3A_241 = tpu.memref_slice %arg10[%add3A_55, %dma_wait3A_240] : memref<10240x128xf32, #tpu.memory_space<vmem_shared>> -> memref<128x128xf32, #tpu.memory_space<vmem_shared>>
      %dma_wait3A_242 = arith.constant 0 : i32
      %dma_wait3A_243 = tpu.memref_slice %arg10[%add3A_55, %dma_wait3A_242] : memref<10240x128xf32, #tpu.memory_space<vmem_shared>> -> memref<128x128xf32, #tpu.memory_space<vmem_shared>>
      %dma_wait3A_244 = arith.constant 0 : i32
      %dma_wait3A_245 = arith.constant 0 : i32
      %dma_wait3A_246 = tpu.memref_slice %arg8[%dma_wait3A_244, %dma_wait3A_245] : memref<128x128xf32, #tpu.memory_space<vmem>> -> memref<128x128xf32, #tpu.memory_space<vmem>>
      tpu.wait_dma2 semaphore(%run_scoped3A : memref<!tpu.dma_semaphore, #tpu.memory_space<semaphore_mem>>) src(%dma_wait3A_246 : memref<128x128xf32, #tpu.memory_space<vmem>>) dst(%dma_wait3A_243 : memref<128x128xf32, #tpu.memory_space<vmem_shared>>)
      tpu.yield
    }) : () -> ()
    %add3A_56 = arith.constant 256 : i32
    %add3A_57 = arith.addi %mul3A_51, %add3A_56 : i32
    "tpu.region"() ({
      %run_scoped3A = tpu.sem_alloc : memref<!tpu.dma_semaphore, #tpu.memory_space<semaphore_mem>>
      %dma_start3A_227 = arith.constant 0 : i32
      %dma_start3A_228 = arith.constant 0 : i32
      %dma_start3A_229 = tpu.memref_slice %arg8[%dma_start3A_227, %dma_start3A_228] : memref<128x128xf32, #tpu.memory_space<vmem>> -> memref<128x128xf32, #tpu.memory_space<vmem>>
      %dma_start3A_230 = arith.constant 0 : i32
      %dma_start3A_231 = tpu.memref_slice %arg10[%add3A_57, %dma_start3A_230] : memref<10240x128xf32, #tpu.memory_space<vmem_shared>> -> memref<128x128xf32, #tpu.memory_space<vmem_shared>>
      %dma_start3A_232 = arith.constant 0 : i32
      %dma_start3A_233 = tpu.memref_slice %arg10[%add3A_57, %dma_start3A_232] : memref<10240x128xf32, #tpu.memory_space<vmem_shared>> -> memref<128x128xf32, #tpu.memory_space<vmem_shared>>
      %dma_start3A_234 = arith.constant 0 : i32
      %dma_start3A_235 = arith.constant 0 : i32
      %dma_start3A_236 = tpu.memref_slice %arg8[%dma_start3A_234, %dma_start3A_235] : memref<128x128xf32, #tpu.memory_space<vmem>> -> memref<128x128xf32, #tpu.memory_space<vmem>>
      tpu.enqueue_dma source(%dma_start3A_236 : memref<128x128xf32, #tpu.memory_space<vmem>>) target(%dma_start3A_233 : memref<128x128xf32, #tpu.memory_space<vmem_shared>>) target_semaphore(%run_scoped3A : memref<!tpu.dma_semaphore, #tpu.memory_space<semaphore_mem>>)
      %dma_wait3A_237 = arith.constant 0 : i32
      %dma_wait3A_238 = arith.constant 0 : i32
      %dma_wait3A_239 = tpu.memref_slice %arg8[%dma_wait3A_237, %dma_wait3A_238] : memref<128x128xf32, #tpu.memory_space<vmem>> -> memref<128x128xf32, #tpu.memory_space<vmem>>
      %dma_wait3A_240 = arith.constant 0 : i32
      %dma_wait3A_241 = tpu.memref_slice %arg10[%add3A_57, %dma_wait3A_240] : memref<10240x128xf32, #tpu.memory_space<vmem_shared>> -> memref<128x128xf32, #tpu.memory_space<vmem_shared>>
      %dma_wait3A_242 = arith.constant 0 : i32
      %dma_wait3A_243 = tpu.memref_slice %arg10[%add3A_57, %dma_wait3A_242] : memref<10240x128xf32, #tpu.memory_space<vmem_shared>> -> memref<128x128xf32, #tpu.memory_space<vmem_shared>>
      %dma_wait3A_244 = arith.constant 0 : i32
      %dma_wait3A_245 = arith.constant 0 : i32
      %dma_wait3A_246 = tpu.memref_slice %arg8[%dma_wait3A_244, %dma_wait3A_245] : memref<128x128xf32, #tpu.memory_space<vmem>> -> memref<128x128xf32, #tpu.memory_space<vmem>>
      tpu.wait_dma2 semaphore(%run_scoped3A : memref<!tpu.dma_semaphore, #tpu.memory_space<semaphore_mem>>) src(%dma_wait3A_246 : memref<128x128xf32, #tpu.memory_space<vmem>>) dst(%dma_wait3A_243 : memref<128x128xf32, #tpu.memory_space<vmem_shared>>)
      tpu.yield
    }) : () -> ()
    %add3A_58 = arith.constant 384 : i32
    %add3A_59 = arith.addi %mul3A_51, %add3A_58 : i32
    "tpu.region"() ({
      %run_scoped3A = tpu.sem_alloc : memref<!tpu.dma_semaphore, #tpu.memory_space<semaphore_mem>>
      %dma_start3A_227 = arith.constant 0 : i32
      %dma_start3A_228 = arith.constant 0 : i32
      %dma_start3A_229 = tpu.memref_slice %arg8[%dma_start3A_227, %dma_start3A_228] : memref<128x128xf32, #tpu.memory_space<vmem>> -> memref<128x128xf32, #tpu.memory_space<vmem>>
      %dma_start3A_230 = arith.constant 0 : i32
      %dma_start3A_231 = tpu.memref_slice %arg10[%add3A_59, %dma_start3A_230] : memref<10240x128xf32, #tpu.memory_space<vmem_shared>> -> memref<128x128xf32, #tpu.memory_space<vmem_shared>>
      %dma_start3A_232 = arith.constant 0 : i32
      %dma_start3A_233 = tpu.memref_slice %arg10[%add3A_59, %dma_start3A_232] : memref<10240x128xf32, #tpu.memory_space<vmem_shared>> -> memref<128x128xf32, #tpu.memory_space<vmem_shared>>
      %dma_start3A_234 = arith.constant 0 : i32
      %dma_start3A_235 = arith.constant 0 : i32
      %dma_start3A_236 = tpu.memref_slice %arg8[%dma_start3A_234, %dma_start3A_235] : memref<128x128xf32, #tpu.memory_space<vmem>> -> memref<128x128xf32, #tpu.memory_space<vmem>>
      tpu.enqueue_dma source(%dma_start3A_236 : memref<128x128xf32, #tpu.memory_space<vmem>>) target(%dma_start3A_233 : memref<128x128xf32, #tpu.memory_space<vmem_shared>>) target_semaphore(%run_scoped3A : memref<!tpu.dma_semaphore, #tpu.memory_space<semaphore_mem>>)
      %dma_wait3A_237 = arith.constant 0 : i32
      %dma_wait3A_238 = arith.constant 0 : i32
      %dma_wait3A_239 = tpu.memref_slice %arg8[%dma_wait3A_237, %dma_wait3A_238] : memref<128x128xf32, #tpu.memory_space<vmem>> -> memref<128x128xf32, #tpu.memory_space<vmem>>
      %dma_wait3A_240 = arith.constant 0 : i32
      %dma_wait3A_241 = tpu.memref_slice %arg10[%add3A_59, %dma_wait3A_240] : memref<10240x128xf32, #tpu.memory_space<vmem_shared>> -> memref<128x128xf32, #tpu.memory_space<vmem_shared>>
      %dma_wait3A_242 = arith.constant 0 : i32
      %dma_wait3A_243 = tpu.memref_slice %arg10[%add3A_59, %dma_wait3A_242] : memref<10240x128xf32, #tpu.memory_space<vmem_shared>> -> memref<128x128xf32, #tpu.memory_space<vmem_shared>>
      %dma_wait3A_244 = arith.constant 0 : i32
      %dma_wait3A_245 = arith.constant 0 : i32
      %dma_wait3A_246 = tpu.memref_slice %arg8[%dma_wait3A_244, %dma_wait3A_245] : memref<128x128xf32, #tpu.memory_space<vmem>> -> memref<128x128xf32, #tpu.memory_space<vmem>>
      tpu.wait_dma2 semaphore(%run_scoped3A : memref<!tpu.dma_semaphore, #tpu.memory_space<semaphore_mem>>) src(%dma_wait3A_246 : memref<128x128xf32, #tpu.memory_space<vmem>>) dst(%dma_wait3A_243 : memref<128x128xf32, #tpu.memory_space<vmem_shared>>)
      tpu.yield
    }) : () -> ()
    %add3A_60 = arith.constant 512 : i32
    %add3A_61 = arith.addi %mul3A_51, %add3A_60 : i32
    "tpu.region"() ({
      %run_scoped3A = tpu.sem_alloc : memref<!tpu.dma_semaphore, #tpu.memory_space<semaphore_mem>>
      %dma_start3A_227 = arith.constant 0 : i32
      %dma_start3A_228 = arith.constant 0 : i32
      %dma_start3A_229 = tpu.memref_slice %arg8[%dma_start3A_227, %dma_start3A_228] : memref<128x128xf32, #tpu.memory_space<vmem>> -> memref<128x128xf32, #tpu.memory_space<vmem>>
      %dma_start3A_230 = arith.constant 0 : i32
      %dma_start3A_231 = tpu.memref_slice %arg10[%add3A_61, %dma_start3A_230] : memref<10240x128xf32, #tpu.memory_space<vmem_shared>> -> memref<128x128xf32, #tpu.memory_space<vmem_shared>>
      %dma_start3A_232 = arith.constant 0 : i32
      %dma_start3A_233 = tpu.memref_slice %arg10[%add3A_61, %dma_start3A_232] : memref<10240x128xf32, #tpu.memory_space<vmem_shared>> -> memref<128x128xf32, #tpu.memory_space<vmem_shared>>
      %dma_start3A_234 = arith.constant 0 : i32
      %dma_start3A_235 = arith.constant 0 : i32
      %dma_start3A_236 = tpu.memref_slice %arg8[%dma_start3A_234, %dma_start3A_235] : memref<128x128xf32, #tpu.memory_space<vmem>> -> memref<128x128xf32, #tpu.memory_space<vmem>>
      tpu.enqueue_dma source(%dma_start3A_236 : memref<128x128xf32, #tpu.memory_space<vmem>>) target(%dma_start3A_233 : memref<128x128xf32, #tpu.memory_space<vmem_shared>>) target_semaphore(%run_scoped3A : memref<!tpu.dma_semaphore, #tpu.memory_space<semaphore_mem>>)
      %dma_wait3A_237 = arith.constant 0 : i32
      %dma_wait3A_238 = arith.constant 0 : i32
      %dma_wait3A_239 = tpu.memref_slice %arg8[%dma_wait3A_237, %dma_wait3A_238] : memref<128x128xf32, #tpu.memory_space<vmem>> -> memref<128x128xf32, #tpu.memory_space<vmem>>
      %dma_wait3A_240 = arith.constant 0 : i32
      %dma_wait3A_241 = tpu.memref_slice %arg10[%add3A_61, %dma_wait3A_240] : memref<10240x128xf32, #tpu.memory_space<vmem_shared>> -> memref<128x128xf32, #tpu.memory_space<vmem_shared>>
      %dma_wait3A_242 = arith.constant 0 : i32
      %dma_wait3A_243 = tpu.memref_slice %arg10[%add3A_61, %dma_wait3A_242] : memref<10240x128xf32, #tpu.memory_space<vmem_shared>> -> memref<128x128xf32, #tpu.memory_space<vmem_shared>>
      %dma_wait3A_244 = arith.constant 0 : i32
      %dma_wait3A_245 = arith.constant 0 : i32
      %dma_wait3A_246 = tpu.memref_slice %arg8[%dma_wait3A_244, %dma_wait3A_245] : memref<128x128xf32, #tpu.memory_space<vmem>> -> memref<128x128xf32, #tpu.memory_space<vmem>>
      tpu.wait_dma2 semaphore(%run_scoped3A : memref<!tpu.dma_semaphore, #tpu.memory_space<semaphore_mem>>) src(%dma_wait3A_246 : memref<128x128xf32, #tpu.memory_space<vmem>>) dst(%dma_wait3A_243 : memref<128x128xf32, #tpu.memory_space<vmem_shared>>)
      tpu.yield
    }) : () -> ()
    %barrier3A = arith.constant 0 : index
    tpu.barrier barrier_id(%barrier3A)
    %dma_wait3A = arith.constant 0 : i32
    %dma_wait3A_62 = arith.constant 0 : i32
    %dma_wait3A_63 = tpu.memref_slice %arg6[%dma_wait3A, %dma_wait3A_62] : memref<2x128xi32, #tpu.memory_space<vmem>> -> memref<1x128xi32, #tpu.memory_space<vmem>>
    %dma_wait3A_64 = tpu.memref_squeeze %dma_wait3A_63 : memref<1x128xi32, #tpu.memory_space<vmem>> -> memref<128xi32, #tpu.memory_space<vmem>>
    %dma_wait3A_65 = arith.constant 0 : i32
    %dma_wait3A_66 = tpu.memref_slice %arg3[%dma_wait3A_65] : memref<327680xi32, #tpu.memory_space<hbm>> -> memref<128xi32, #tpu.memory_space<hbm>>
    %dma_wait3A_67 = arith.constant 0 : i32
    %dma_wait3A_68 = tpu.memref_slice %arg6[%dma_wait3A, %dma_wait3A_67] : memref<2x128xi32, #tpu.memory_space<vmem>> -> memref<1x128xi32, #tpu.memory_space<vmem>>
    %dma_wait3A_69 = tpu.memref_squeeze %dma_wait3A_68 : memref<1x128xi32, #tpu.memory_space<vmem>> -> memref<128xi32, #tpu.memory_space<vmem>>
    %dma_wait3A_70 = arith.constant 0 : i32
    %dma_wait3A_71 = tpu.memref_slice %arg3[%dma_wait3A_70] : memref<327680xi32, #tpu.memory_space<hbm>> -> memref<128xi32, #tpu.memory_space<hbm>>
    tpu.wait_dma2 semaphore(%arg11 : memref<!tpu.dma_semaphore, #tpu.memory_space<semaphore_mem>>) src(%dma_wait3A_71 : memref<128xi32, #tpu.memory_space<hbm>>) dst(%dma_wait3A_69 : memref<128xi32, #tpu.memory_space<vmem>>)
    %dma_wait3A_72 = arith.constant 0 : i32
    %dma_wait3A_73 = arith.constant 0 : i32
    %dma_wait3A_74 = tpu.memref_slice %arg7[%dma_wait3A_72, %dma_wait3A_73] : memref<2x128xi32, #tpu.memory_space<vmem>> -> memref<1x128xi32, #tpu.memory_space<vmem>>
    %dma_wait3A_75 = tpu.memref_squeeze %dma_wait3A_74 : memref<1x128xi32, #tpu.memory_space<vmem>> -> memref<128xi32, #tpu.memory_space<vmem>>
    %dma_wait3A_76 = arith.constant 0 : i32
    %dma_wait3A_77 = tpu.memref_slice %arg4[%dma_wait3A_76] : memref<327680xi32, #tpu.memory_space<hbm>> -> memref<128xi32, #tpu.memory_space<hbm>>
    %dma_wait3A_78 = arith.constant 0 : i32
    %dma_wait3A_79 = tpu.memref_slice %arg7[%dma_wait3A_72, %dma_wait3A_78] : memref<2x128xi32, #tpu.memory_space<vmem>> -> memref<1x128xi32, #tpu.memory_space<vmem>>
    %dma_wait3A_80 = tpu.memref_squeeze %dma_wait3A_79 : memref<1x128xi32, #tpu.memory_space<vmem>> -> memref<128xi32, #tpu.memory_space<vmem>>
    %dma_wait3A_81 = arith.constant 0 : i32
    %dma_wait3A_82 = tpu.memref_slice %arg4[%dma_wait3A_81] : memref<327680xi32, #tpu.memory_space<hbm>> -> memref<128xi32, #tpu.memory_space<hbm>>
    tpu.wait_dma2 semaphore(%arg11 : memref<!tpu.dma_semaphore, #tpu.memory_space<semaphore_mem>>) src(%dma_wait3A_82 : memref<128xi32, #tpu.memory_space<hbm>>) dst(%dma_wait3A_80 : memref<128xi32, #tpu.memory_space<vmem>>)
    %dma_start3A_83 = arith.constant 0 : i32
    %dma_start3A_84 = arith.constant 0 : i32
    %dma_start3A_85 = tpu.memref_slice %arg6[%dma_start3A_83, %dma_start3A_84] : memref<2x128xi32, #tpu.memory_space<vmem>> -> memref<1x128xi32, #tpu.memory_space<vmem>>
    %dma_start3A_86 = tpu.memref_squeeze %dma_start3A_85 : memref<1x128xi32, #tpu.memory_space<vmem>> -> memref<128xi32, #tpu.memory_space<vmem>>
    %dma_start3A_87 = arith.constant 0 : i32
    %dma_start3A_88 = arith.constant 0 : i32
    %dma_start3A_89 = tpu.memref_slice %arg2[%dma_start3A_87, %dma_start3A_88] : memref<10008x128xf32, #tpu.memory_space<hbm>> -> memref<10008x128xf32, #tpu.memory_space<hbm>>
    tpu.enqueue_indirect_dma source(%dma_start3A_89 : memref<10008x128xf32, #tpu.memory_space<hbm>>) target(%arg8 : memref<128x128xf32, #tpu.memory_space<vmem>>) offsets(%dma_start3A_86 : memref<128xi32, #tpu.memory_space<vmem>>) semaphore(%arg13 : memref<!tpu.dma_semaphore, #tpu.memory_space<semaphore_mem>>)
    %scan3A_90 = arith.constant 0 : i32
    %scan3A_91 = arith.constant 0 : i32
    %scan3A_92 = arith.constant 40 : i32
    %scan3A_93 = arith.addi %scan3A_91, %scan3A_92 : i32
    %scan3A_94 = arith.constant 1 : i32
    scf.for %scan3A_227 = %scan3A_91 to %scan3A_93 step %scan3A_94  : i32 {
      %mul3A_228 = arith.constant 2 : i32
      %mul3A_229 = arith.muli %scan3A_227, %mul3A_228 : i32
      %add3A_230 = arith.constant 0 : i32
      %add3A_231 = arith.addi %mul3A_229, %add3A_230 : i32
      %add3A_232 = arith.constant 2 : i32
      %add3A_233 = arith.addi %add3A_231, %add3A_232 : i32
      %sub3A = arith.constant 1 : i32
      %sub3A_234 = arith.subi %add3A_233, %sub3A : i32
      %lt3A = arith.constant 80 : i32
      %lt3A_235 = arith.cmpi slt, %sub3A_234, %lt3A : i32
      %convert_element_type3A = arith.extui %lt3A_235 : i1 to i32
      %cond3A = arith.constant 0 : i32
      %cond3A_236 = arith.cmpi ne, %convert_element_type3A, %cond3A : i32
      scf.if %cond3A_236 {
        %dma_wait3A_279 = arith.constant 1 : i32
        %dma_wait3A_280 = arith.constant 0 : i32
        %dma_wait3A_281 = tpu.memref_slice %arg6[%dma_wait3A_279, %dma_wait3A_280] : memref<2x128xi32, #tpu.memory_space<vmem>> -> memref<1x128xi32, #tpu.memory_space<vmem>>
        %dma_wait3A_282 = tpu.memref_squeeze %dma_wait3A_281 : memref<1x128xi32, #tpu.memory_space<vmem>> -> memref<128xi32, #tpu.memory_space<vmem>>
        %dma_wait3A_283 = arith.constant 0 : i32
        %dma_wait3A_284 = tpu.memref_slice %arg3[%dma_wait3A_283] : memref<327680xi32, #tpu.memory_space<hbm>> -> memref<128xi32, #tpu.memory_space<hbm>>
        %dma_wait3A_285 = arith.constant 0 : i32
        %dma_wait3A_286 = tpu.memref_slice %arg6[%dma_wait3A_279, %dma_wait3A_285] : memref<2x128xi32, #tpu.memory_space<vmem>> -> memref<1x128xi32, #tpu.memory_space<vmem>>
        %dma_wait3A_287 = tpu.memref_squeeze %dma_wait3A_286 : memref<1x128xi32, #tpu.memory_space<vmem>> -> memref<128xi32, #tpu.memory_space<vmem>>
        %dma_wait3A_288 = arith.constant 0 : i32
        %dma_wait3A_289 = tpu.memref_slice %arg3[%dma_wait3A_288] : memref<327680xi32, #tpu.memory_space<hbm>> -> memref<128xi32, #tpu.memory_space<hbm>>
        tpu.wait_dma2 semaphore(%arg12 : memref<!tpu.dma_semaphore, #tpu.memory_space<semaphore_mem>>) src(%dma_wait3A_289 : memref<128xi32, #tpu.memory_space<hbm>>) dst(%dma_wait3A_287 : memref<128xi32, #tpu.memory_space<vmem>>)
        %dma_wait3A_290 = arith.constant 1 : i32
        %dma_wait3A_291 = arith.constant 0 : i32
        %dma_wait3A_292 = tpu.memref_slice %arg7[%dma_wait3A_290, %dma_wait3A_291] : memref<2x128xi32, #tpu.memory_space<vmem>> -> memref<1x128xi32, #tpu.memory_space<vmem>>
        %dma_wait3A_293 = tpu.memref_squeeze %dma_wait3A_292 : memref<1x128xi32, #tpu.memory_space<vmem>> -> memref<128xi32, #tpu.memory_space<vmem>>
        %dma_wait3A_294 = arith.constant 0 : i32
        %dma_wait3A_295 = tpu.memref_slice %arg4[%dma_wait3A_294] : memref<327680xi32, #tpu.memory_space<hbm>> -> memref<128xi32, #tpu.memory_space<hbm>>
        %dma_wait3A_296 = arith.constant 0 : i32
        %dma_wait3A_297 = tpu.memref_slice %arg7[%dma_wait3A_290, %dma_wait3A_296] : memref<2x128xi32, #tpu.memory_space<vmem>> -> memref<1x128xi32, #tpu.memory_space<vmem>>
        %dma_wait3A_298 = tpu.memref_squeeze %dma_wait3A_297 : memref<1x128xi32, #tpu.memory_space<vmem>> -> memref<128xi32, #tpu.memory_space<vmem>>
        %dma_wait3A_299 = arith.constant 0 : i32
        %dma_wait3A_300 = tpu.memref_slice %arg4[%dma_wait3A_299] : memref<327680xi32, #tpu.memory_space<hbm>> -> memref<128xi32, #tpu.memory_space<hbm>>
        tpu.wait_dma2 semaphore(%arg12 : memref<!tpu.dma_semaphore, #tpu.memory_space<semaphore_mem>>) src(%dma_wait3A_300 : memref<128xi32, #tpu.memory_space<hbm>>) dst(%dma_wait3A_298 : memref<128xi32, #tpu.memory_space<vmem>>)
        %dma_start3A_301 = arith.constant 1 : i32
        %dma_start3A_302 = arith.constant 0 : i32
        %dma_start3A_303 = tpu.memref_slice %arg6[%dma_start3A_301, %dma_start3A_302] : memref<2x128xi32, #tpu.memory_space<vmem>> -> memref<1x128xi32, #tpu.memory_space<vmem>>
        %dma_start3A_304 = tpu.memref_squeeze %dma_start3A_303 : memref<1x128xi32, #tpu.memory_space<vmem>> -> memref<128xi32, #tpu.memory_space<vmem>>
        %dma_start3A_305 = arith.constant 0 : i32
        %dma_start3A_306 = arith.constant 0 : i32
        %dma_start3A_307 = tpu.memref_slice %arg2[%dma_start3A_305, %dma_start3A_306] : memref<10008x128xf32, #tpu.memory_space<hbm>> -> memref<10008x128xf32, #tpu.memory_space<hbm>>
        tpu.enqueue_indirect_dma source(%dma_start3A_307 : memref<10008x128xf32, #tpu.memory_space<hbm>>) target(%arg9 : memref<128x128xf32, #tpu.memory_space<vmem>>) offsets(%dma_start3A_304 : memref<128xi32, #tpu.memory_space<vmem>>) semaphore(%arg14 : memref<!tpu.dma_semaphore, #tpu.memory_space<semaphore_mem>>)
      } else {
      }
      %dma_wait3A_237 = arith.constant 0 : i32
      %dma_wait3A_238 = arith.constant 0 : i32
      %dma_wait3A_239 = tpu.memref_slice %arg6[%dma_wait3A_237, %dma_wait3A_238] : memref<2x128xi32, #tpu.memory_space<vmem>> -> memref<1x128xi32, #tpu.memory_space<vmem>>
      %dma_wait3A_240 = tpu.memref_squeeze %dma_wait3A_239 : memref<1x128xi32, #tpu.memory_space<vmem>> -> memref<128xi32, #tpu.memory_space<vmem>>
      %dma_wait3A_241 = arith.constant 0 : i32
      %dma_wait3A_242 = arith.constant 0 : i32
      %dma_wait3A_243 = tpu.memref_slice %arg2[%dma_wait3A_241, %dma_wait3A_242] : memref<10008x128xf32, #tpu.memory_space<hbm>> -> memref<10008x128xf32, #tpu.memory_space<hbm>>
      tpu.wait_indirect_dma semaphore(%arg13 : memref<!tpu.dma_semaphore, #tpu.memory_space<semaphore_mem>>) src(%dma_wait3A_243 : memref<10008x128xf32, #tpu.memory_space<hbm>>) dst(%arg8 : memref<128x128xf32, #tpu.memory_space<vmem>>)
      %run_scoped3A = arith.constant 0 : i32
      "tpu.region"() ({
        %run_scoped3A_279 = tpu.sem_alloc : memref<!tpu.dma_semaphore, #tpu.memory_space<semaphore_mem>>
        %dma_start3A_280 = arith.constant 0 : i32
        %dma_start3A_281 = tpu.memref_slice %arg7[%run_scoped3A, %dma_start3A_280] : memref<2x128xi32, #tpu.memory_space<vmem>> -> memref<1x128xi32, #tpu.memory_space<vmem>>
        %dma_start3A_282 = tpu.memref_squeeze %dma_start3A_281 : memref<1x128xi32, #tpu.memory_space<vmem>> -> memref<128xi32, #tpu.memory_space<vmem>>
        %dma_start3A_283 = arith.constant 0 : i32
        %dma_start3A_284 = arith.constant 0 : i32
        %dma_start3A_285 = tpu.memref_slice %arg10[%dma_start3A_283, %dma_start3A_284] : memref<10240x128xf32, #tpu.memory_space<vmem_shared>> -> memref<10240x128xf32, #tpu.memory_space<vmem_shared>>
        tpu.enqueue_indirect_dma source(%arg8 : memref<128x128xf32, #tpu.memory_space<vmem>>) target(%dma_start3A_285 : memref<10240x128xf32, #tpu.memory_space<vmem_shared>>) offsets(%dma_start3A_282 : memref<128xi32, #tpu.memory_space<vmem>>) semaphore(%run_scoped3A_279 : memref<!tpu.dma_semaphore, #tpu.memory_space<semaphore_mem>>) {add = true}
        %dma_wait3A_286 = arith.constant 0 : i32
        %dma_wait3A_287 = tpu.memref_slice %arg7[%run_scoped3A, %dma_wait3A_286] : memref<2x128xi32, #tpu.memory_space<vmem>> -> memref<1x128xi32, #tpu.memory_space<vmem>>
        %dma_wait3A_288 = tpu.memref_squeeze %dma_wait3A_287 : memref<1x128xi32, #tpu.memory_space<vmem>> -> memref<128xi32, #tpu.memory_space<vmem>>
        %dma_wait3A_289 = arith.constant 0 : i32
        %dma_wait3A_290 = arith.constant 0 : i32
        %dma_wait3A_291 = tpu.memref_slice %arg10[%dma_wait3A_289, %dma_wait3A_290] : memref<10240x128xf32, #tpu.memory_space<vmem_shared>> -> memref<10240x128xf32, #tpu.memory_space<vmem_shared>>
        tpu.wait_indirect_dma semaphore(%run_scoped3A_279 : memref<!tpu.dma_semaphore, #tpu.memory_space<semaphore_mem>>) src(%arg8 : memref<128x128xf32, #tpu.memory_space<vmem>>) dst(%dma_wait3A_291 : memref<10240x128xf32, #tpu.memory_space<vmem_shared>>)
        tpu.yield
      }) : () -> ()
      %add3A_244 = arith.constant 2 : i32
      %add3A_245 = arith.addi %add3A_231, %add3A_244 : i32
      %lt3A_246 = arith.constant 80 : i32
      %lt3A_247 = arith.cmpi slt, %add3A_245, %lt3A_246 : i32
      %convert_element_type3A_248 = arith.extui %lt3A_247 : i1 to i32
      %cond3A_249 = arith.constant 0 : i32
      %cond3A_250 = arith.cmpi ne, %convert_element_type3A_248, %cond3A_249 : i32
      scf.if %cond3A_250 {
        %add3A_279 = arith.constant 2 : i32
        %add3A_280 = arith.addi %add3A_231, %add3A_279 : i32
        %mul3A_281 = arith.constant 32 : i32
        %mul3A_282 = arith.muli %add3A_280, %mul3A_281 : i32
        %add3A_283 = arith.addi %add3A, %mul3A_282 : i32
        %mul3A_284 = arith.constant 128 : i32
        %mul3A_285 = arith.muli %add3A_283, %mul3A_284 : i32
        %multiple_of3A_286 = tpu.assume_multiple %mul3A_285, 8 : i32
        %dma_start3A_287 = arith.constant 0 : i32
        %dma_start3A_288 = arith.constant 0 : i32
        %dma_start3A_289 = tpu.memref_slice %arg6[%dma_start3A_287, %dma_start3A_288] : memref<2x128xi32, #tpu.memory_space<vmem>> -> memref<1x128xi32, #tpu.memory_space<vmem>>
        %dma_start3A_290 = tpu.memref_squeeze %dma_start3A_289 : memref<1x128xi32, #tpu.memory_space<vmem>> -> memref<128xi32, #tpu.memory_space<vmem>>
        %dma_start3A_291 = tpu.memref_slice %arg3[%multiple_of3A_286] : memref<327680xi32, #tpu.memory_space<hbm>> -> memref<128xi32, #tpu.memory_space<hbm>>
        %dma_start3A_292 = arith.constant 0 : i32
        %dma_start3A_293 = tpu.memref_slice %arg6[%dma_start3A_287, %dma_start3A_292] : memref<2x128xi32, #tpu.memory_space<vmem>> -> memref<1x128xi32, #tpu.memory_space<vmem>>
        %dma_start3A_294 = tpu.memref_squeeze %dma_start3A_293 : memref<1x128xi32, #tpu.memory_space<vmem>> -> memref<128xi32, #tpu.memory_space<vmem>>
        %dma_start3A_295 = tpu.memref_slice %arg3[%multiple_of3A_286] : memref<327680xi32, #tpu.memory_space<hbm>> -> memref<128xi32, #tpu.memory_space<hbm>>
        tpu.enqueue_dma source(%dma_start3A_295 : memref<128xi32, #tpu.memory_space<hbm>>) target(%dma_start3A_294 : memref<128xi32, #tpu.memory_space<vmem>>) target_semaphore(%arg11 : memref<!tpu.dma_semaphore, #tpu.memory_space<semaphore_mem>>)
        %dma_start3A_296 = arith.constant 0 : i32
        %dma_start3A_297 = arith.constant 0 : i32
        %dma_start3A_298 = tpu.memref_slice %arg7[%dma_start3A_296, %dma_start3A_297] : memref<2x128xi32, #tpu.memory_space<vmem>> -> memref<1x128xi32, #tpu.memory_space<vmem>>
        %dma_start3A_299 = tpu.memref_squeeze %dma_start3A_298 : memref<1x128xi32, #tpu.memory_space<vmem>> -> memref<128xi32, #tpu.memory_space<vmem>>
        %dma_start3A_300 = tpu.memref_slice %arg4[%multiple_of3A_286] : memref<327680xi32, #tpu.memory_space<hbm>> -> memref<128xi32, #tpu.memory_space<hbm>>
        %dma_start3A_301 = arith.constant 0 : i32
        %dma_start3A_302 = tpu.memref_slice %arg7[%dma_start3A_296, %dma_start3A_301] : memref<2x128xi32, #tpu.memory_space<vmem>> -> memref<1x128xi32, #tpu.memory_space<vmem>>
        %dma_start3A_303 = tpu.memref_squeeze %dma_start3A_302 : memref<1x128xi32, #tpu.memory_space<vmem>> -> memref<128xi32, #tpu.memory_space<vmem>>
        %dma_start3A_304 = tpu.memref_slice %arg4[%multiple_of3A_286] : memref<327680xi32, #tpu.memory_space<hbm>> -> memref<128xi32, #tpu.memory_space<hbm>>
        tpu.enqueue_dma source(%dma_start3A_304 : memref<128xi32, #tpu.memory_space<hbm>>) target(%dma_start3A_303 : memref<128xi32, #tpu.memory_space<vmem>>) target_semaphore(%arg11 : memref<!tpu.dma_semaphore, #tpu.memory_space<semaphore_mem>>)
      } else {
      }
      %mul3A_251 = arith.constant 2 : i32
      %mul3A_252 = arith.muli %scan3A_227, %mul3A_251 : i32
      %add3A_253 = arith.constant 1 : i32
      %add3A_254 = arith.addi %mul3A_252, %add3A_253 : i32
      %add3A_255 = arith.constant 2 : i32
      %add3A_256 = arith.addi %add3A_254, %add3A_255 : i32
      %sub3A_257 = arith.constant 1 : i32
      %sub3A_258 = arith.subi %add3A_256, %sub3A_257 : i32
      %lt3A_259 = arith.constant 80 : i32
      %lt3A_260 = arith.cmpi slt, %sub3A_258, %lt3A_259 : i32
      %convert_element_type3A_261 = arith.extui %lt3A_260 : i1 to i32
      %cond3A_262 = arith.constant 0 : i32
      %cond3A_263 = arith.cmpi ne, %convert_element_type3A_261, %cond3A_262 : i32
      scf.if %cond3A_263 {
        %dma_wait3A_279 = arith.constant 0 : i32
        %dma_wait3A_280 = arith.constant 0 : i32
        %dma_wait3A_281 = tpu.memref_slice %arg6[%dma_wait3A_279, %dma_wait3A_280] : memref<2x128xi32, #tpu.memory_space<vmem>> -> memref<1x128xi32, #tpu.memory_space<vmem>>
        %dma_wait3A_282 = tpu.memref_squeeze %dma_wait3A_281 : memref<1x128xi32, #tpu.memory_space<vmem>> -> memref<128xi32, #tpu.memory_space<vmem>>
        %dma_wait3A_283 = arith.constant 0 : i32
        %dma_wait3A_284 = tpu.memref_slice %arg3[%dma_wait3A_283] : memref<327680xi32, #tpu.memory_space<hbm>> -> memref<128xi32, #tpu.memory_space<hbm>>
        %dma_wait3A_285 = arith.constant 0 : i32
        %dma_wait3A_286 = tpu.memref_slice %arg6[%dma_wait3A_279, %dma_wait3A_285] : memref<2x128xi32, #tpu.memory_space<vmem>> -> memref<1x128xi32, #tpu.memory_space<vmem>>
        %dma_wait3A_287 = tpu.memref_squeeze %dma_wait3A_286 : memref<1x128xi32, #tpu.memory_space<vmem>> -> memref<128xi32, #tpu.memory_space<vmem>>
        %dma_wait3A_288 = arith.constant 0 : i32
        %dma_wait3A_289 = tpu.memref_slice %arg3[%dma_wait3A_288] : memref<327680xi32, #tpu.memory_space<hbm>> -> memref<128xi32, #tpu.memory_space<hbm>>
        tpu.wait_dma2 semaphore(%arg11 : memref<!tpu.dma_semaphore, #tpu.memory_space<semaphore_mem>>) src(%dma_wait3A_289 : memref<128xi32, #tpu.memory_space<hbm>>) dst(%dma_wait3A_287 : memref<128xi32, #tpu.memory_space<vmem>>)
        %dma_wait3A_290 = arith.constant 0 : i32
        %dma_wait3A_291 = arith.constant 0 : i32
        %dma_wait3A_292 = tpu.memref_slice %arg7[%dma_wait3A_290, %dma_wait3A_291] : memref<2x128xi32, #tpu.memory_space<vmem>> -> memref<1x128xi32, #tpu.memory_space<vmem>>
        %dma_wait3A_293 = tpu.memref_squeeze %dma_wait3A_292 : memref<1x128xi32, #tpu.memory_space<vmem>> -> memref<128xi32, #tpu.memory_space<vmem>>
        %dma_wait3A_294 = arith.constant 0 : i32
        %dma_wait3A_295 = tpu.memref_slice %arg4[%dma_wait3A_294] : memref<327680xi32, #tpu.memory_space<hbm>> -> memref<128xi32, #tpu.memory_space<hbm>>
        %dma_wait3A_296 = arith.constant 0 : i32
        %dma_wait3A_297 = tpu.memref_slice %arg7[%dma_wait3A_290, %dma_wait3A_296] : memref<2x128xi32, #tpu.memory_space<vmem>> -> memref<1x128xi32, #tpu.memory_space<vmem>>
        %dma_wait3A_298 = tpu.memref_squeeze %dma_wait3A_297 : memref<1x128xi32, #tpu.memory_space<vmem>> -> memref<128xi32, #tpu.memory_space<vmem>>
        %dma_wait3A_299 = arith.constant 0 : i32
        %dma_wait3A_300 = tpu.memref_slice %arg4[%dma_wait3A_299] : memref<327680xi32, #tpu.memory_space<hbm>> -> memref<128xi32, #tpu.memory_space<hbm>>
        tpu.wait_dma2 semaphore(%arg11 : memref<!tpu.dma_semaphore, #tpu.memory_space<semaphore_mem>>) src(%dma_wait3A_300 : memref<128xi32, #tpu.memory_space<hbm>>) dst(%dma_wait3A_298 : memref<128xi32, #tpu.memory_space<vmem>>)
        %dma_start3A_301 = arith.constant 0 : i32
        %dma_start3A_302 = arith.constant 0 : i32
        %dma_start3A_303 = tpu.memref_slice %arg6[%dma_start3A_301, %dma_start3A_302] : memref<2x128xi32, #tpu.memory_space<vmem>> -> memref<1x128xi32, #tpu.memory_space<vmem>>
        %dma_start3A_304 = tpu.memref_squeeze %dma_start3A_303 : memref<1x128xi32, #tpu.memory_space<vmem>> -> memref<128xi32, #tpu.memory_space<vmem>>
        %dma_start3A_305 = arith.constant 0 : i32
        %dma_start3A_306 = arith.constant 0 : i32
        %dma_start3A_307 = tpu.memref_slice %arg2[%dma_start3A_305, %dma_start3A_306] : memref<10008x128xf32, #tpu.memory_space<hbm>> -> memref<10008x128xf32, #tpu.memory_space<hbm>>
        tpu.enqueue_indirect_dma source(%dma_start3A_307 : memref<10008x128xf32, #tpu.memory_space<hbm>>) target(%arg8 : memref<128x128xf32, #tpu.memory_space<vmem>>) offsets(%dma_start3A_304 : memref<128xi32, #tpu.memory_space<vmem>>) semaphore(%arg13 : memref<!tpu.dma_semaphore, #tpu.memory_space<semaphore_mem>>)
      } else {
      }
      %dma_wait3A_264 = arith.constant 1 : i32
      %dma_wait3A_265 = arith.constant 0 : i32
      %dma_wait3A_266 = tpu.memref_slice %arg6[%dma_wait3A_264, %dma_wait3A_265] : memref<2x128xi32, #tpu.memory_space<vmem>> -> memref<1x128xi32, #tpu.memory_space<vmem>>
      %dma_wait3A_267 = tpu.memref_squeeze %dma_wait3A_266 : memref<1x128xi32, #tpu.memory_space<vmem>> -> memref<128xi32, #tpu.memory_space<vmem>>
      %dma_wait3A_268 = arith.constant 0 : i32
      %dma_wait3A_269 = arith.constant 0 : i32
      %dma_wait3A_270 = tpu.memref_slice %arg2[%dma_wait3A_268, %dma_wait3A_269] : memref<10008x128xf32, #tpu.memory_space<hbm>> -> memref<10008x128xf32, #tpu.memory_space<hbm>>
      tpu.wait_indirect_dma semaphore(%arg14 : memref<!tpu.dma_semaphore, #tpu.memory_space<semaphore_mem>>) src(%dma_wait3A_270 : memref<10008x128xf32, #tpu.memory_space<hbm>>) dst(%arg9 : memref<128x128xf32, #tpu.memory_space<vmem>>)
      %run_scoped3A_271 = arith.constant 1 : i32
      "tpu.region"() ({
        %run_scoped3A_279 = tpu.sem_alloc : memref<!tpu.dma_semaphore, #tpu.memory_space<semaphore_mem>>
        %dma_start3A_280 = arith.constant 0 : i32
        %dma_start3A_281 = tpu.memref_slice %arg7[%run_scoped3A_271, %dma_start3A_280] : memref<2x128xi32, #tpu.memory_space<vmem>> -> memref<1x128xi32, #tpu.memory_space<vmem>>
        %dma_start3A_282 = tpu.memref_squeeze %dma_start3A_281 : memref<1x128xi32, #tpu.memory_space<vmem>> -> memref<128xi32, #tpu.memory_space<vmem>>
        %dma_start3A_283 = arith.constant 0 : i32
        %dma_start3A_284 = arith.constant 0 : i32
        %dma_start3A_285 = tpu.memref_slice %arg10[%dma_start3A_283, %dma_start3A_284] : memref<10240x128xf32, #tpu.memory_space<vmem_shared>> -> memref<10240x128xf32, #tpu.memory_space<vmem_shared>>
        tpu.enqueue_indirect_dma source(%arg9 : memref<128x128xf32, #tpu.memory_space<vmem>>) target(%dma_start3A_285 : memref<10240x128xf32, #tpu.memory_space<vmem_shared>>) offsets(%dma_start3A_282 : memref<128xi32, #tpu.memory_space<vmem>>) semaphore(%run_scoped3A_279 : memref<!tpu.dma_semaphore, #tpu.memory_space<semaphore_mem>>) {add = true}
        %dma_wait3A_286 = arith.constant 0 : i32
        %dma_wait3A_287 = tpu.memref_slice %arg7[%run_scoped3A_271, %dma_wait3A_286] : memref<2x128xi32, #tpu.memory_space<vmem>> -> memref<1x128xi32, #tpu.memory_space<vmem>>
        %dma_wait3A_288 = tpu.memref_squeeze %dma_wait3A_287 : memref<1x128xi32, #tpu.memory_space<vmem>> -> memref<128xi32, #tpu.memory_space<vmem>>
        %dma_wait3A_289 = arith.constant 0 : i32
        %dma_wait3A_290 = arith.constant 0 : i32
        %dma_wait3A_291 = tpu.memref_slice %arg10[%dma_wait3A_289, %dma_wait3A_290] : memref<10240x128xf32, #tpu.memory_space<vmem_shared>> -> memref<10240x128xf32, #tpu.memory_space<vmem_shared>>
        tpu.wait_indirect_dma semaphore(%run_scoped3A_279 : memref<!tpu.dma_semaphore, #tpu.memory_space<semaphore_mem>>) src(%arg9 : memref<128x128xf32, #tpu.memory_space<vmem>>) dst(%dma_wait3A_291 : memref<10240x128xf32, #tpu.memory_space<vmem_shared>>)
        tpu.yield
      }) : () -> ()
      %add3A_272 = arith.constant 2 : i32
      %add3A_273 = arith.addi %add3A_254, %add3A_272 : i32
      %lt3A_274 = arith.constant 80 : i32
      %lt3A_275 = arith.cmpi slt, %add3A_273, %lt3A_274 : i32
      %convert_element_type3A_276 = arith.extui %lt3A_275 : i1 to i32
      %cond3A_277 = arith.constant 0 : i32
      %cond3A_278 = arith.cmpi ne, %convert_element_type3A_276, %cond3A_277 : i32
      scf.if %cond3A_278 {
        %add3A_279 = arith.constant 2 : i32
        %add3A_280 = arith.addi %add3A_254, %add3A_279 : i32
        %mul3A_281 = arith.constant 32 : i32
        %mul3A_282 = arith.muli %add3A_280, %mul3A_281 : i32
        %add3A_283 = arith.addi %add3A, %mul3A_282 : i32
        %mul3A_284 = arith.constant 128 : i32
        %mul3A_285 = arith.muli %add3A_283, %mul3A_284 : i32
        %multiple_of3A_286 = tpu.assume_multiple %mul3A_285, 8 : i32
        %dma_start3A_287 = arith.constant 1 : i32
        %dma_start3A_288 = arith.constant 0 : i32
        %dma_start3A_289 = tpu.memref_slice %arg6[%dma_start3A_287, %dma_start3A_288] : memref<2x128xi32, #tpu.memory_space<vmem>> -> memref<1x128xi32, #tpu.memory_space<vmem>>
        %dma_start3A_290 = tpu.memref_squeeze %dma_start3A_289 : memref<1x128xi32, #tpu.memory_space<vmem>> -> memref<128xi32, #tpu.memory_space<vmem>>
        %dma_start3A_291 = tpu.memref_slice %arg3[%multiple_of3A_286] : memref<327680xi32, #tpu.memory_space<hbm>> -> memref<128xi32, #tpu.memory_space<hbm>>
        %dma_start3A_292 = arith.constant 0 : i32
        %dma_start3A_293 = tpu.memref_slice %arg6[%dma_start3A_287, %dma_start3A_292] : memref<2x128xi32, #tpu.memory_space<vmem>> -> memref<1x128xi32, #tpu.memory_space<vmem>>
        %dma_start3A_294 = tpu.memref_squeeze %dma_start3A_293 : memref<1x128xi32, #tpu.memory_space<vmem>> -> memref<128xi32, #tpu.memory_space<vmem>>
        %dma_start3A_295 = tpu.memref_slice %arg3[%multiple_of3A_286] : memref<327680xi32, #tpu.memory_space<hbm>> -> memref<128xi32, #tpu.memory_space<hbm>>
        tpu.enqueue_dma source(%dma_start3A_295 : memref<128xi32, #tpu.memory_space<hbm>>) target(%dma_start3A_294 : memref<128xi32, #tpu.memory_space<vmem>>) target_semaphore(%arg12 : memref<!tpu.dma_semaphore, #tpu.memory_space<semaphore_mem>>)
        %dma_start3A_296 = arith.constant 1 : i32
        %dma_start3A_297 = arith.constant 0 : i32
        %dma_start3A_298 = tpu.memref_slice %arg7[%dma_start3A_296, %dma_start3A_297] : memref<2x128xi32, #tpu.memory_space<vmem>> -> memref<1x128xi32, #tpu.memory_space<vmem>>
        %dma_start3A_299 = tpu.memref_squeeze %dma_start3A_298 : memref<1x128xi32, #tpu.memory_space<vmem>> -> memref<128xi32, #tpu.memory_space<vmem>>
        %dma_start3A_300 = tpu.memref_slice %arg4[%multiple_of3A_286] : memref<327680xi32, #tpu.memory_space<hbm>> -> memref<128xi32, #tpu.memory_space<hbm>>
        %dma_start3A_301 = arith.constant 0 : i32
        %dma_start3A_302 = tpu.memref_slice %arg7[%dma_start3A_296, %dma_start3A_301] : memref<2x128xi32, #tpu.memory_space<vmem>> -> memref<1x128xi32, #tpu.memory_space<vmem>>
        %dma_start3A_303 = tpu.memref_squeeze %dma_start3A_302 : memref<1x128xi32, #tpu.memory_space<vmem>> -> memref<128xi32, #tpu.memory_space<vmem>>
        %dma_start3A_304 = tpu.memref_slice %arg4[%multiple_of3A_286] : memref<327680xi32, #tpu.memory_space<hbm>> -> memref<128xi32, #tpu.memory_space<hbm>>
        tpu.enqueue_dma source(%dma_start3A_304 : memref<128xi32, #tpu.memory_space<hbm>>) target(%dma_start3A_303 : memref<128xi32, #tpu.memory_space<vmem>>) target_semaphore(%arg12 : memref<!tpu.dma_semaphore, #tpu.memory_space<semaphore_mem>>)
      } else {
      }
    }
    %scan3A_95 = arith.constant 40 : i32
    %barrier3A_96 = arith.constant 0 : index
    tpu.barrier barrier_id(%barrier3A_96)
    %add3A_97 = arith.constant 0 : i32
    %add3A_98 = arith.addi %mul3A_51, %add3A_97 : i32
    "tpu.region"() ({
      %run_scoped3A = tpu.sem_alloc : memref<!tpu.dma_semaphore, #tpu.memory_space<semaphore_mem>>
      %dma_start3A_227 = arith.constant 0 : i32
      %dma_start3A_228 = arith.constant 0 : i32
      %dma_start3A_229 = tpu.memref_slice %arg8[%dma_start3A_227, %dma_start3A_228] : memref<128x128xf32, #tpu.memory_space<vmem>> -> memref<128x128xf32, #tpu.memory_space<vmem>>
      %dma_start3A_230 = arith.constant 0 : i32
      %dma_start3A_231 = tpu.memref_slice %arg10[%add3A_98, %dma_start3A_230] : memref<10240x128xf32, #tpu.memory_space<vmem_shared>> -> memref<128x128xf32, #tpu.memory_space<vmem_shared>>
      %dma_start3A_232 = arith.constant 0 : i32
      %dma_start3A_233 = arith.constant 0 : i32
      %dma_start3A_234 = tpu.memref_slice %arg8[%dma_start3A_232, %dma_start3A_233] : memref<128x128xf32, #tpu.memory_space<vmem>> -> memref<128x128xf32, #tpu.memory_space<vmem>>
      %dma_start3A_235 = arith.constant 0 : i32
      %dma_start3A_236 = tpu.memref_slice %arg10[%add3A_98, %dma_start3A_235] : memref<10240x128xf32, #tpu.memory_space<vmem_shared>> -> memref<128x128xf32, #tpu.memory_space<vmem_shared>>
      tpu.enqueue_dma source(%dma_start3A_236 : memref<128x128xf32, #tpu.memory_space<vmem_shared>>) target(%dma_start3A_234 : memref<128x128xf32, #tpu.memory_space<vmem>>) target_semaphore(%run_scoped3A : memref<!tpu.dma_semaphore, #tpu.memory_space<semaphore_mem>>)
      %dma_wait3A_237 = arith.constant 0 : i32
      %dma_wait3A_238 = arith.constant 0 : i32
      %dma_wait3A_239 = tpu.memref_slice %arg8[%dma_wait3A_237, %dma_wait3A_238] : memref<128x128xf32, #tpu.memory_space<vmem>> -> memref<128x128xf32, #tpu.memory_space<vmem>>
      %dma_wait3A_240 = arith.constant 0 : i32
      %dma_wait3A_241 = tpu.memref_slice %arg10[%add3A_98, %dma_wait3A_240] : memref<10240x128xf32, #tpu.memory_space<vmem_shared>> -> memref<128x128xf32, #tpu.memory_space<vmem_shared>>
      %dma_wait3A_242 = arith.constant 0 : i32
      %dma_wait3A_243 = arith.constant 0 : i32
      %dma_wait3A_244 = tpu.memref_slice %arg8[%dma_wait3A_242, %dma_wait3A_243] : memref<128x128xf32, #tpu.memory_space<vmem>> -> memref<128x128xf32, #tpu.memory_space<vmem>>
      %dma_wait3A_245 = arith.constant 0 : i32
      %dma_wait3A_246 = tpu.memref_slice %arg10[%add3A_98, %dma_wait3A_245] : memref<10240x128xf32, #tpu.memory_space<vmem_shared>> -> memref<128x128xf32, #tpu.memory_space<vmem_shared>>
      tpu.wait_dma2 semaphore(%run_scoped3A : memref<!tpu.dma_semaphore, #tpu.memory_space<semaphore_mem>>) src(%dma_wait3A_246 : memref<128x128xf32, #tpu.memory_space<vmem_shared>>) dst(%dma_wait3A_244 : memref<128x128xf32, #tpu.memory_space<vmem>>)
      tpu.yield
    }) : () -> ()
    %dma_start3A_99 = arith.constant 0 : i32
    %dma_start3A_100 = arith.constant 0 : i32
    %dma_start3A_101 = tpu.memref_slice %arg8[%dma_start3A_99, %dma_start3A_100] : memref<128x128xf32, #tpu.memory_space<vmem>> -> memref<128x128xf32, #tpu.memory_space<vmem>>
    %dma_start3A_102 = arith.constant 0 : i32
    %dma_start3A_103 = tpu.memref_slice %arg5[%arg0, %add3A_98, %dma_start3A_102] : memref<2x10240x128xf32, #tpu.memory_space<hbm>> -> memref<1x128x128xf32, #tpu.memory_space<hbm>>
    %dma_start3A_104 = tpu.memref_squeeze %dma_start3A_103 : memref<1x128x128xf32, #tpu.memory_space<hbm>> -> memref<128x128xf32, #tpu.memory_space<hbm>>
    %dma_start3A_105 = arith.constant 0 : i32
    %dma_start3A_106 = tpu.memref_slice %arg5[%arg0, %add3A_98, %dma_start3A_105] : memref<2x10240x128xf32, #tpu.memory_space<hbm>> -> memref<1x128x128xf32, #tpu.memory_space<hbm>>
    %dma_start3A_107 = tpu.memref_squeeze %dma_start3A_106 : memref<1x128x128xf32, #tpu.memory_space<hbm>> -> memref<128x128xf32, #tpu.memory_space<hbm>>
    %dma_start3A_108 = arith.constant 0 : i32
    %dma_start3A_109 = arith.constant 0 : i32
    %dma_start3A_110 = tpu.memref_slice %arg8[%dma_start3A_108, %dma_start3A_109] : memref<128x128xf32, #tpu.memory_space<vmem>> -> memref<128x128xf32, #tpu.memory_space<vmem>>
    tpu.enqueue_dma source(%dma_start3A_110 : memref<128x128xf32, #tpu.memory_space<vmem>>) target(%dma_start3A_107 : memref<128x128xf32, #tpu.memory_space<hbm>>) target_semaphore(%arg13 : memref<!tpu.dma_semaphore, #tpu.memory_space<semaphore_mem>>)
    %add3A_111 = arith.constant 128 : i32
    %add3A_112 = arith.addi %mul3A_51, %add3A_111 : i32
    "tpu.region"() ({
      %run_scoped3A = tpu.sem_alloc : memref<!tpu.dma_semaphore, #tpu.memory_space<semaphore_mem>>
      %dma_start3A_227 = arith.constant 0 : i32
      %dma_start3A_228 = arith.constant 0 : i32
      %dma_start3A_229 = tpu.memref_slice %arg9[%dma_start3A_227, %dma_start3A_228] : memref<128x128xf32, #tpu.memory_space<vmem>> -> memref<128x128xf32, #tpu.memory_space<vmem>>
      %dma_start3A_230 = arith.constant 0 : i32
      %dma_start3A_231 = tpu.memref_slice %arg10[%add3A_112, %dma_start3A_230] : memref<10240x128xf32, #tpu.memory_space<vmem_shared>> -> memref<128x128xf32, #tpu.memory_space<vmem_shared>>
      %dma_start3A_232 = arith.constant 0 : i32
      %dma_start3A_233 = arith.constant 0 : i32
      %dma_start3A_234 = tpu.memref_slice %arg9[%dma_start3A_232, %dma_start3A_233] : memref<128x128xf32, #tpu.memory_space<vmem>> -> memref<128x128xf32, #tpu.memory_space<vmem>>
      %dma_start3A_235 = arith.constant 0 : i32
      %dma_start3A_236 = tpu.memref_slice %arg10[%add3A_112, %dma_start3A_235] : memref<10240x128xf32, #tpu.memory_space<vmem_shared>> -> memref<128x128xf32, #tpu.memory_space<vmem_shared>>
      tpu.enqueue_dma source(%dma_start3A_236 : memref<128x128xf32, #tpu.memory_space<vmem_shared>>) target(%dma_start3A_234 : memref<128x128xf32, #tpu.memory_space<vmem>>) target_semaphore(%run_scoped3A : memref<!tpu.dma_semaphore, #tpu.memory_space<semaphore_mem>>)
      %dma_wait3A_237 = arith.constant 0 : i32
      %dma_wait3A_238 = arith.constant 0 : i32
      %dma_wait3A_239 = tpu.memref_slice %arg9[%dma_wait3A_237, %dma_wait3A_238] : memref<128x128xf32, #tpu.memory_space<vmem>> -> memref<128x128xf32, #tpu.memory_space<vmem>>
      %dma_wait3A_240 = arith.constant 0 : i32
      %dma_wait3A_241 = tpu.memref_slice %arg10[%add3A_112, %dma_wait3A_240] : memref<10240x128xf32, #tpu.memory_space<vmem_shared>> -> memref<128x128xf32, #tpu.memory_space<vmem_shared>>
      %dma_wait3A_242 = arith.constant 0 : i32
      %dma_wait3A_243 = arith.constant 0 : i32
      %dma_wait3A_244 = tpu.memref_slice %arg9[%dma_wait3A_242, %dma_wait3A_243] : memref<128x128xf32, #tpu.memory_space<vmem>> -> memref<128x128xf32, #tpu.memory_space<vmem>>
      %dma_wait3A_245 = arith.constant 0 : i32
      %dma_wait3A_246 = tpu.memref_slice %arg10[%add3A_112, %dma_wait3A_245] : memref<10240x128xf32, #tpu.memory_space<vmem_shared>> -> memref<128x128xf32, #tpu.memory_space<vmem_shared>>
      tpu.wait_dma2 semaphore(%run_scoped3A : memref<!tpu.dma_semaphore, #tpu.memory_space<semaphore_mem>>) src(%dma_wait3A_246 : memref<128x128xf32, #tpu.memory_space<vmem_shared>>) dst(%dma_wait3A_244 : memref<128x128xf32, #tpu.memory_space<vmem>>)
      tpu.yield
    }) : () -> ()
    %dma_start3A_113 = arith.constant 0 : i32
    %dma_start3A_114 = arith.constant 0 : i32
    %dma_start3A_115 = tpu.memref_slice %arg9[%dma_start3A_113, %dma_start3A_114] : memref<128x128xf32, #tpu.memory_space<vmem>> -> memref<128x128xf32, #tpu.memory_space<vmem>>
    %dma_start3A_116 = arith.constant 0 : i32
    %dma_start3A_117 = tpu.memref_slice %arg5[%arg0, %add3A_112, %dma_start3A_116] : memref<2x10240x128xf32, #tpu.memory_space<hbm>> -> memref<1x128x128xf32, #tpu.memory_space<hbm>>
    %dma_start3A_118 = tpu.memref_squeeze %dma_start3A_117 : memref<1x128x128xf32, #tpu.memory_space<hbm>> -> memref<128x128xf32, #tpu.memory_space<hbm>>
    %dma_start3A_119 = arith.constant 0 : i32
    %dma_start3A_120 = tpu.memref_slice %arg5[%arg0, %add3A_112, %dma_start3A_119] : memref<2x10240x128xf32, #tpu.memory_space<hbm>> -> memref<1x128x128xf32, #tpu.memory_space<hbm>>
    %dma_start3A_121 = tpu.memref_squeeze %dma_start3A_120 : memref<1x128x128xf32, #tpu.memory_space<hbm>> -> memref<128x128xf32, #tpu.memory_space<hbm>>
    %dma_start3A_122 = arith.constant 0 : i32
    %dma_start3A_123 = arith.constant 0 : i32
    %dma_start3A_124 = tpu.memref_slice %arg9[%dma_start3A_122, %dma_start3A_123] : memref<128x128xf32, #tpu.memory_space<vmem>> -> memref<128x128xf32, #tpu.memory_space<vmem>>
    tpu.enqueue_dma source(%dma_start3A_124 : memref<128x128xf32, #tpu.memory_space<vmem>>) target(%dma_start3A_121 : memref<128x128xf32, #tpu.memory_space<hbm>>) target_semaphore(%arg14 : memref<!tpu.dma_semaphore, #tpu.memory_space<semaphore_mem>>)
    %dma_wait3A_125 = arith.constant 0 : i32
    %dma_wait3A_126 = arith.constant 0 : i32
    %dma_wait3A_127 = tpu.memref_slice %arg8[%dma_wait3A_125, %dma_wait3A_126] : memref<128x128xf32, #tpu.memory_space<vmem>> -> memref<128x128xf32, #tpu.memory_space<vmem>>
    %dma_wait3A_128 = arith.constant 0 : i32
    %dma_wait3A_129 = arith.constant 0 : i32
    %dma_wait3A_130 = tpu.memref_slice %arg2[%dma_wait3A_128, %dma_wait3A_129] : memref<10008x128xf32, #tpu.memory_space<hbm>> -> memref<128x128xf32, #tpu.memory_space<hbm>>
    %dma_wait3A_131 = arith.constant 0 : i32
    %dma_wait3A_132 = arith.constant 0 : i32
    %dma_wait3A_133 = tpu.memref_slice %arg8[%dma_wait3A_131, %dma_wait3A_132] : memref<128x128xf32, #tpu.memory_space<vmem>> -> memref<128x128xf32, #tpu.memory_space<vmem>>
    %dma_wait3A_134 = arith.constant 0 : i32
    %dma_wait3A_135 = arith.constant 0 : i32
    %dma_wait3A_136 = tpu.memref_slice %arg2[%dma_wait3A_134, %dma_wait3A_135] : memref<10008x128xf32, #tpu.memory_space<hbm>> -> memref<128x128xf32, #tpu.memory_space<hbm>>
    tpu.wait_dma2 semaphore(%arg13 : memref<!tpu.dma_semaphore, #tpu.memory_space<semaphore_mem>>) src(%dma_wait3A_136 : memref<128x128xf32, #tpu.memory_space<hbm>>) dst(%dma_wait3A_133 : memref<128x128xf32, #tpu.memory_space<vmem>>)
    %add3A_137 = arith.constant 256 : i32
    %add3A_138 = arith.addi %mul3A_51, %add3A_137 : i32
    "tpu.region"() ({
      %run_scoped3A = tpu.sem_alloc : memref<!tpu.dma_semaphore, #tpu.memory_space<semaphore_mem>>
      %dma_start3A_227 = arith.constant 0 : i32
      %dma_start3A_228 = arith.constant 0 : i32
      %dma_start3A_229 = tpu.memref_slice %arg8[%dma_start3A_227, %dma_start3A_228] : memref<128x128xf32, #tpu.memory_space<vmem>> -> memref<128x128xf32, #tpu.memory_space<vmem>>
      %dma_start3A_230 = arith.constant 0 : i32
      %dma_start3A_231 = tpu.memref_slice %arg10[%add3A_138, %dma_start3A_230] : memref<10240x128xf32, #tpu.memory_space<vmem_shared>> -> memref<128x128xf32, #tpu.memory_space<vmem_shared>>
      %dma_start3A_232 = arith.constant 0 : i32
      %dma_start3A_233 = arith.constant 0 : i32
      %dma_start3A_234 = tpu.memref_slice %arg8[%dma_start3A_232, %dma_start3A_233] : memref<128x128xf32, #tpu.memory_space<vmem>> -> memref<128x128xf32, #tpu.memory_space<vmem>>
      %dma_start3A_235 = arith.constant 0 : i32
      %dma_start3A_236 = tpu.memref_slice %arg10[%add3A_138, %dma_start3A_235] : memref<10240x128xf32, #tpu.memory_space<vmem_shared>> -> memref<128x128xf32, #tpu.memory_space<vmem_shared>>
      tpu.enqueue_dma source(%dma_start3A_236 : memref<128x128xf32, #tpu.memory_space<vmem_shared>>) target(%dma_start3A_234 : memref<128x128xf32, #tpu.memory_space<vmem>>) target_semaphore(%run_scoped3A : memref<!tpu.dma_semaphore, #tpu.memory_space<semaphore_mem>>)
      %dma_wait3A_237 = arith.constant 0 : i32
      %dma_wait3A_238 = arith.constant 0 : i32
      %dma_wait3A_239 = tpu.memref_slice %arg8[%dma_wait3A_237, %dma_wait3A_238] : memref<128x128xf32, #tpu.memory_space<vmem>> -> memref<128x128xf32, #tpu.memory_space<vmem>>
      %dma_wait3A_240 = arith.constant 0 : i32
      %dma_wait3A_241 = tpu.memref_slice %arg10[%add3A_138, %dma_wait3A_240] : memref<10240x128xf32, #tpu.memory_space<vmem_shared>> -> memref<128x128xf32, #tpu.memory_space<vmem_shared>>
      %dma_wait3A_242 = arith.constant 0 : i32
      %dma_wait3A_243 = arith.constant 0 : i32
      %dma_wait3A_244 = tpu.memref_slice %arg8[%dma_wait3A_242, %dma_wait3A_243] : memref<128x128xf32, #tpu.memory_space<vmem>> -> memref<128x128xf32, #tpu.memory_space<vmem>>
      %dma_wait3A_245 = arith.constant 0 : i32
      %dma_wait3A_246 = tpu.memref_slice %arg10[%add3A_138, %dma_wait3A_245] : memref<10240x128xf32, #tpu.memory_space<vmem_shared>> -> memref<128x128xf32, #tpu.memory_space<vmem_shared>>
      tpu.wait_dma2 semaphore(%run_scoped3A : memref<!tpu.dma_semaphore, #tpu.memory_space<semaphore_mem>>) src(%dma_wait3A_246 : memref<128x128xf32, #tpu.memory_space<vmem_shared>>) dst(%dma_wait3A_244 : memref<128x128xf32, #tpu.memory_space<vmem>>)
      tpu.yield
    }) : () -> ()
    %dma_start3A_139 = arith.constant 0 : i32
    %dma_start3A_140 = arith.constant 0 : i32
    %dma_start3A_141 = tpu.memref_slice %arg8[%dma_start3A_139, %dma_start3A_140] : memref<128x128xf32, #tpu.memory_space<vmem>> -> memref<128x128xf32, #tpu.memory_space<vmem>>
    %dma_start3A_142 = arith.constant 0 : i32
    %dma_start3A_143 = tpu.memref_slice %arg5[%arg0, %add3A_138, %dma_start3A_142] : memref<2x10240x128xf32, #tpu.memory_space<hbm>> -> memref<1x128x128xf32, #tpu.memory_space<hbm>>
    %dma_start3A_144 = tpu.memref_squeeze %dma_start3A_143 : memref<1x128x128xf32, #tpu.memory_space<hbm>> -> memref<128x128xf32, #tpu.memory_space<hbm>>
    %dma_start3A_145 = arith.constant 0 : i32
    %dma_start3A_146 = tpu.memref_slice %arg5[%arg0, %add3A_138, %dma_start3A_145] : memref<2x10240x128xf32, #tpu.memory_space<hbm>> -> memref<1x128x128xf32, #tpu.memory_space<hbm>>
    %dma_start3A_147 = tpu.memref_squeeze %dma_start3A_146 : memref<1x128x128xf32, #tpu.memory_space<hbm>> -> memref<128x128xf32, #tpu.memory_space<hbm>>
    %dma_start3A_148 = arith.constant 0 : i32
    %dma_start3A_149 = arith.constant 0 : i32
    %dma_start3A_150 = tpu.memref_slice %arg8[%dma_start3A_148, %dma_start3A_149] : memref<128x128xf32, #tpu.memory_space<vmem>> -> memref<128x128xf32, #tpu.memory_space<vmem>>
    tpu.enqueue_dma source(%dma_start3A_150 : memref<128x128xf32, #tpu.memory_space<vmem>>) target(%dma_start3A_147 : memref<128x128xf32, #tpu.memory_space<hbm>>) target_semaphore(%arg13 : memref<!tpu.dma_semaphore, #tpu.memory_space<semaphore_mem>>)
    %dma_wait3A_151 = arith.constant 0 : i32
    %dma_wait3A_152 = arith.constant 0 : i32
    %dma_wait3A_153 = tpu.memref_slice %arg9[%dma_wait3A_151, %dma_wait3A_152] : memref<128x128xf32, #tpu.memory_space<vmem>> -> memref<128x128xf32, #tpu.memory_space<vmem>>
    %dma_wait3A_154 = arith.constant 0 : i32
    %dma_wait3A_155 = arith.constant 0 : i32
    %dma_wait3A_156 = tpu.memref_slice %arg2[%dma_wait3A_154, %dma_wait3A_155] : memref<10008x128xf32, #tpu.memory_space<hbm>> -> memref<128x128xf32, #tpu.memory_space<hbm>>
    %dma_wait3A_157 = arith.constant 0 : i32
    %dma_wait3A_158 = arith.constant 0 : i32
    %dma_wait3A_159 = tpu.memref_slice %arg9[%dma_wait3A_157, %dma_wait3A_158] : memref<128x128xf32, #tpu.memory_space<vmem>> -> memref<128x128xf32, #tpu.memory_space<vmem>>
    %dma_wait3A_160 = arith.constant 0 : i32
    %dma_wait3A_161 = arith.constant 0 : i32
    %dma_wait3A_162 = tpu.memref_slice %arg2[%dma_wait3A_160, %dma_wait3A_161] : memref<10008x128xf32, #tpu.memory_space<hbm>> -> memref<128x128xf32, #tpu.memory_space<hbm>>
    tpu.wait_dma2 semaphore(%arg14 : memref<!tpu.dma_semaphore, #tpu.memory_space<semaphore_mem>>) src(%dma_wait3A_162 : memref<128x128xf32, #tpu.memory_space<hbm>>) dst(%dma_wait3A_159 : memref<128x128xf32, #tpu.memory_space<vmem>>)
    %add3A_163 = arith.constant 384 : i32
    %add3A_164 = arith.addi %mul3A_51, %add3A_163 : i32
    "tpu.region"() ({
      %run_scoped3A = tpu.sem_alloc : memref<!tpu.dma_semaphore, #tpu.memory_space<semaphore_mem>>
      %dma_start3A_227 = arith.constant 0 : i32
      %dma_start3A_228 = arith.constant 0 : i32
      %dma_start3A_229 = tpu.memref_slice %arg9[%dma_start3A_227, %dma_start3A_228] : memref<128x128xf32, #tpu.memory_space<vmem>> -> memref<128x128xf32, #tpu.memory_space<vmem>>
      %dma_start3A_230 = arith.constant 0 : i32
      %dma_start3A_231 = tpu.memref_slice %arg10[%add3A_164, %dma_start3A_230] : memref<10240x128xf32, #tpu.memory_space<vmem_shared>> -> memref<128x128xf32, #tpu.memory_space<vmem_shared>>
      %dma_start3A_232 = arith.constant 0 : i32
      %dma_start3A_233 = arith.constant 0 : i32
      %dma_start3A_234 = tpu.memref_slice %arg9[%dma_start3A_232, %dma_start3A_233] : memref<128x128xf32, #tpu.memory_space<vmem>> -> memref<128x128xf32, #tpu.memory_space<vmem>>
      %dma_start3A_235 = arith.constant 0 : i32
      %dma_start3A_236 = tpu.memref_slice %arg10[%add3A_164, %dma_start3A_235] : memref<10240x128xf32, #tpu.memory_space<vmem_shared>> -> memref<128x128xf32, #tpu.memory_space<vmem_shared>>
      tpu.enqueue_dma source(%dma_start3A_236 : memref<128x128xf32, #tpu.memory_space<vmem_shared>>) target(%dma_start3A_234 : memref<128x128xf32, #tpu.memory_space<vmem>>) target_semaphore(%run_scoped3A : memref<!tpu.dma_semaphore, #tpu.memory_space<semaphore_mem>>)
      %dma_wait3A_237 = arith.constant 0 : i32
      %dma_wait3A_238 = arith.constant 0 : i32
      %dma_wait3A_239 = tpu.memref_slice %arg9[%dma_wait3A_237, %dma_wait3A_238] : memref<128x128xf32, #tpu.memory_space<vmem>> -> memref<128x128xf32, #tpu.memory_space<vmem>>
      %dma_wait3A_240 = arith.constant 0 : i32
      %dma_wait3A_241 = tpu.memref_slice %arg10[%add3A_164, %dma_wait3A_240] : memref<10240x128xf32, #tpu.memory_space<vmem_shared>> -> memref<128x128xf32, #tpu.memory_space<vmem_shared>>
      %dma_wait3A_242 = arith.constant 0 : i32
      %dma_wait3A_243 = arith.constant 0 : i32
      %dma_wait3A_244 = tpu.memref_slice %arg9[%dma_wait3A_242, %dma_wait3A_243] : memref<128x128xf32, #tpu.memory_space<vmem>> -> memref<128x128xf32, #tpu.memory_space<vmem>>
      %dma_wait3A_245 = arith.constant 0 : i32
      %dma_wait3A_246 = tpu.memref_slice %arg10[%add3A_164, %dma_wait3A_245] : memref<10240x128xf32, #tpu.memory_space<vmem_shared>> -> memref<128x128xf32, #tpu.memory_space<vmem_shared>>
      tpu.wait_dma2 semaphore(%run_scoped3A : memref<!tpu.dma_semaphore, #tpu.memory_space<semaphore_mem>>) src(%dma_wait3A_246 : memref<128x128xf32, #tpu.memory_space<vmem_shared>>) dst(%dma_wait3A_244 : memref<128x128xf32, #tpu.memory_space<vmem>>)
      tpu.yield
    }) : () -> ()
    %dma_start3A_165 = arith.constant 0 : i32
    %dma_start3A_166 = arith.constant 0 : i32
    %dma_start3A_167 = tpu.memref_slice %arg9[%dma_start3A_165, %dma_start3A_166] : memref<128x128xf32, #tpu.memory_space<vmem>> -> memref<128x128xf32, #tpu.memory_space<vmem>>
    %dma_start3A_168 = arith.constant 0 : i32
    %dma_start3A_169 = tpu.memref_slice %arg5[%arg0, %add3A_164, %dma_start3A_168] : memref<2x10240x128xf32, #tpu.memory_space<hbm>> -> memref<1x128x128xf32, #tpu.memory_space<hbm>>
    %dma_start3A_170 = tpu.memref_squeeze %dma_start3A_169 : memref<1x128x128xf32, #tpu.memory_space<hbm>> -> memref<128x128xf32, #tpu.memory_space<hbm>>
    %dma_start3A_171 = arith.constant 0 : i32
    %dma_start3A_172 = tpu.memref_slice %arg5[%arg0, %add3A_164, %dma_start3A_171] : memref<2x10240x128xf32, #tpu.memory_space<hbm>> -> memref<1x128x128xf32, #tpu.memory_space<hbm>>
    %dma_start3A_173 = tpu.memref_squeeze %dma_start3A_172 : memref<1x128x128xf32, #tpu.memory_space<hbm>> -> memref<128x128xf32, #tpu.memory_space<hbm>>
    %dma_start3A_174 = arith.constant 0 : i32
    %dma_start3A_175 = arith.constant 0 : i32
    %dma_start3A_176 = tpu.memref_slice %arg9[%dma_start3A_174, %dma_start3A_175] : memref<128x128xf32, #tpu.memory_space<vmem>> -> memref<128x128xf32, #tpu.memory_space<vmem>>
    tpu.enqueue_dma source(%dma_start3A_176 : memref<128x128xf32, #tpu.memory_space<vmem>>) target(%dma_start3A_173 : memref<128x128xf32, #tpu.memory_space<hbm>>) target_semaphore(%arg14 : memref<!tpu.dma_semaphore, #tpu.memory_space<semaphore_mem>>)
    %dma_wait3A_177 = arith.constant 0 : i32
    %dma_wait3A_178 = arith.constant 0 : i32
    %dma_wait3A_179 = tpu.memref_slice %arg8[%dma_wait3A_177, %dma_wait3A_178] : memref<128x128xf32, #tpu.memory_space<vmem>> -> memref<128x128xf32, #tpu.memory_space<vmem>>
    %dma_wait3A_180 = arith.constant 0 : i32
    %dma_wait3A_181 = arith.constant 0 : i32
    %dma_wait3A_182 = tpu.memref_slice %arg2[%dma_wait3A_180, %dma_wait3A_181] : memref<10008x128xf32, #tpu.memory_space<hbm>> -> memref<128x128xf32, #tpu.memory_space<hbm>>
    %dma_wait3A_183 = arith.constant 0 : i32
    %dma_wait3A_184 = arith.constant 0 : i32
    %dma_wait3A_185 = tpu.memref_slice %arg8[%dma_wait3A_183, %dma_wait3A_184] : memref<128x128xf32, #tpu.memory_space<vmem>> -> memref<128x128xf32, #tpu.memory_space<vmem>>
    %dma_wait3A_186 = arith.constant 0 : i32
    %dma_wait3A_187 = arith.constant 0 : i32
    %dma_wait3A_188 = tpu.memref_slice %arg2[%dma_wait3A_186, %dma_wait3A_187] : memref<10008x128xf32, #tpu.memory_space<hbm>> -> memref<128x128xf32, #tpu.memory_space<hbm>>
    tpu.wait_dma2 semaphore(%arg13 : memref<!tpu.dma_semaphore, #tpu.memory_space<semaphore_mem>>) src(%dma_wait3A_188 : memref<128x128xf32, #tpu.memory_space<hbm>>) dst(%dma_wait3A_185 : memref<128x128xf32, #tpu.memory_space<vmem>>)
    %add3A_189 = arith.constant 512 : i32
    %add3A_190 = arith.addi %mul3A_51, %add3A_189 : i32
    "tpu.region"() ({
      %run_scoped3A = tpu.sem_alloc : memref<!tpu.dma_semaphore, #tpu.memory_space<semaphore_mem>>
      %dma_start3A_227 = arith.constant 0 : i32
      %dma_start3A_228 = arith.constant 0 : i32
      %dma_start3A_229 = tpu.memref_slice %arg8[%dma_start3A_227, %dma_start3A_228] : memref<128x128xf32, #tpu.memory_space<vmem>> -> memref<128x128xf32, #tpu.memory_space<vmem>>
      %dma_start3A_230 = arith.constant 0 : i32
      %dma_start3A_231 = tpu.memref_slice %arg10[%add3A_190, %dma_start3A_230] : memref<10240x128xf32, #tpu.memory_space<vmem_shared>> -> memref<128x128xf32, #tpu.memory_space<vmem_shared>>
      %dma_start3A_232 = arith.constant 0 : i32
      %dma_start3A_233 = arith.constant 0 : i32
      %dma_start3A_234 = tpu.memref_slice %arg8[%dma_start3A_232, %dma_start3A_233] : memref<128x128xf32, #tpu.memory_space<vmem>> -> memref<128x128xf32, #tpu.memory_space<vmem>>
      %dma_start3A_235 = arith.constant 0 : i32
      %dma_start3A_236 = tpu.memref_slice %arg10[%add3A_190, %dma_start3A_235] : memref<10240x128xf32, #tpu.memory_space<vmem_shared>> -> memref<128x128xf32, #tpu.memory_space<vmem_shared>>
      tpu.enqueue_dma source(%dma_start3A_236 : memref<128x128xf32, #tpu.memory_space<vmem_shared>>) target(%dma_start3A_234 : memref<128x128xf32, #tpu.memory_space<vmem>>) target_semaphore(%run_scoped3A : memref<!tpu.dma_semaphore, #tpu.memory_space<semaphore_mem>>)
      %dma_wait3A_237 = arith.constant 0 : i32
      %dma_wait3A_238 = arith.constant 0 : i32
      %dma_wait3A_239 = tpu.memref_slice %arg8[%dma_wait3A_237, %dma_wait3A_238] : memref<128x128xf32, #tpu.memory_space<vmem>> -> memref<128x128xf32, #tpu.memory_space<vmem>>
      %dma_wait3A_240 = arith.constant 0 : i32
      %dma_wait3A_241 = tpu.memref_slice %arg10[%add3A_190, %dma_wait3A_240] : memref<10240x128xf32, #tpu.memory_space<vmem_shared>> -> memref<128x128xf32, #tpu.memory_space<vmem_shared>>
      %dma_wait3A_242 = arith.constant 0 : i32
      %dma_wait3A_243 = arith.constant 0 : i32
      %dma_wait3A_244 = tpu.memref_slice %arg8[%dma_wait3A_242, %dma_wait3A_243] : memref<128x128xf32, #tpu.memory_space<vmem>> -> memref<128x128xf32, #tpu.memory_space<vmem>>
      %dma_wait3A_245 = arith.constant 0 : i32
      %dma_wait3A_246 = tpu.memref_slice %arg10[%add3A_190, %dma_wait3A_245] : memref<10240x128xf32, #tpu.memory_space<vmem_shared>> -> memref<128x128xf32, #tpu.memory_space<vmem_shared>>
      tpu.wait_dma2 semaphore(%run_scoped3A : memref<!tpu.dma_semaphore, #tpu.memory_space<semaphore_mem>>) src(%dma_wait3A_246 : memref<128x128xf32, #tpu.memory_space<vmem_shared>>) dst(%dma_wait3A_244 : memref<128x128xf32, #tpu.memory_space<vmem>>)
      tpu.yield
    }) : () -> ()
    %dma_start3A_191 = arith.constant 0 : i32
    %dma_start3A_192 = arith.constant 0 : i32
    %dma_start3A_193 = tpu.memref_slice %arg8[%dma_start3A_191, %dma_start3A_192] : memref<128x128xf32, #tpu.memory_space<vmem>> -> memref<128x128xf32, #tpu.memory_space<vmem>>
    %dma_start3A_194 = arith.constant 0 : i32
    %dma_start3A_195 = tpu.memref_slice %arg5[%arg0, %add3A_190, %dma_start3A_194] : memref<2x10240x128xf32, #tpu.memory_space<hbm>> -> memref<1x128x128xf32, #tpu.memory_space<hbm>>
    %dma_start3A_196 = tpu.memref_squeeze %dma_start3A_195 : memref<1x128x128xf32, #tpu.memory_space<hbm>> -> memref<128x128xf32, #tpu.memory_space<hbm>>
    %dma_start3A_197 = arith.constant 0 : i32
    %dma_start3A_198 = tpu.memref_slice %arg5[%arg0, %add3A_190, %dma_start3A_197] : memref<2x10240x128xf32, #tpu.memory_space<hbm>> -> memref<1x128x128xf32, #tpu.memory_space<hbm>>
    %dma_start3A_199 = tpu.memref_squeeze %dma_start3A_198 : memref<1x128x128xf32, #tpu.memory_space<hbm>> -> memref<128x128xf32, #tpu.memory_space<hbm>>
    %dma_start3A_200 = arith.constant 0 : i32
    %dma_start3A_201 = arith.constant 0 : i32
    %dma_start3A_202 = tpu.memref_slice %arg8[%dma_start3A_200, %dma_start3A_201] : memref<128x128xf32, #tpu.memory_space<vmem>> -> memref<128x128xf32, #tpu.memory_space<vmem>>
    tpu.enqueue_dma source(%dma_start3A_202 : memref<128x128xf32, #tpu.memory_space<vmem>>) target(%dma_start3A_199 : memref<128x128xf32, #tpu.memory_space<hbm>>) target_semaphore(%arg13 : memref<!tpu.dma_semaphore, #tpu.memory_space<semaphore_mem>>)
    %dma_wait3A_203 = arith.constant 0 : i32
    %dma_wait3A_204 = arith.constant 0 : i32
    %dma_wait3A_205 = tpu.memref_slice %arg9[%dma_wait3A_203, %dma_wait3A_204] : memref<128x128xf32, #tpu.memory_space<vmem>> -> memref<128x128xf32, #tpu.memory_space<vmem>>
    %dma_wait3A_206 = arith.constant 0 : i32
    %dma_wait3A_207 = arith.constant 0 : i32
    %dma_wait3A_208 = tpu.memref_slice %arg2[%dma_wait3A_206, %dma_wait3A_207] : memref<10008x128xf32, #tpu.memory_space<hbm>> -> memref<128x128xf32, #tpu.memory_space<hbm>>
    %dma_wait3A_209 = arith.constant 0 : i32
    %dma_wait3A_210 = arith.constant 0 : i32
    %dma_wait3A_211 = tpu.memref_slice %arg9[%dma_wait3A_209, %dma_wait3A_210] : memref<128x128xf32, #tpu.memory_space<vmem>> -> memref<128x128xf32, #tpu.memory_space<vmem>>
    %dma_wait3A_212 = arith.constant 0 : i32
    %dma_wait3A_213 = arith.constant 0 : i32
    %dma_wait3A_214 = tpu.memref_slice %arg2[%dma_wait3A_212, %dma_wait3A_213] : memref<10008x128xf32, #tpu.memory_space<hbm>> -> memref<128x128xf32, #tpu.memory_space<hbm>>
    tpu.wait_dma2 semaphore(%arg14 : memref<!tpu.dma_semaphore, #tpu.memory_space<semaphore_mem>>) src(%dma_wait3A_214 : memref<128x128xf32, #tpu.memory_space<hbm>>) dst(%dma_wait3A_211 : memref<128x128xf32, #tpu.memory_space<vmem>>)
    %dma_wait3A_215 = arith.constant 0 : i32
    %dma_wait3A_216 = arith.constant 0 : i32
    %dma_wait3A_217 = tpu.memref_slice %arg8[%dma_wait3A_215, %dma_wait3A_216] : memref<128x128xf32, #tpu.memory_space<vmem>> -> memref<128x128xf32, #tpu.memory_space<vmem>>
    %dma_wait3A_218 = arith.constant 0 : i32
    %dma_wait3A_219 = arith.constant 0 : i32
    %dma_wait3A_220 = tpu.memref_slice %arg2[%dma_wait3A_218, %dma_wait3A_219] : memref<10008x128xf32, #tpu.memory_space<hbm>> -> memref<128x128xf32, #tpu.memory_space<hbm>>
    %dma_wait3A_221 = arith.constant 0 : i32
    %dma_wait3A_222 = arith.constant 0 : i32
    %dma_wait3A_223 = tpu.memref_slice %arg8[%dma_wait3A_221, %dma_wait3A_222] : memref<128x128xf32, #tpu.memory_space<vmem>> -> memref<128x128xf32, #tpu.memory_space<vmem>>
    %dma_wait3A_224 = arith.constant 0 : i32
    %dma_wait3A_225 = arith.constant 0 : i32
    %dma_wait3A_226 = tpu.memref_slice %arg2[%dma_wait3A_224, %dma_wait3A_225] : memref<10008x128xf32, #tpu.memory_space<hbm>> -> memref<128x128xf32, #tpu.memory_space<hbm>>
    tpu.wait_dma2 semaphore(%arg13 : memref<!tpu.dma_semaphore, #tpu.memory_space<semaphore_mem>>) src(%dma_wait3A_226 : memref<128x128xf32, #tpu.memory_space<hbm>>) dst(%dma_wait3A_223 : memref<128x128xf32, #tpu.memory_space<vmem>>)
    return
  }
}

#map = affine_map<(d0, d1) -> (0, 0)>
#map1 = affine_map<(d0, d1) -> (0)>
#map2 = affine_map<(d0, d1) -> (0, 0, 0)>
module attributes {stable_mosaic.version = 14 : i64} {
  func.func @_spmm_body(%arg0: i32, %arg1: i32, %arg2: memref<10008x128xf32, #tpu.memory_space<hbm>>, %arg3: memref<327680xi32, #tpu.memory_space<hbm>>, %arg4: memref<327680xi32, #tpu.memory_space<hbm>>, %arg5: memref<2x10240x128xf32, #tpu.memory_space<hbm>>, %arg6: memref<2x128xi32, #tpu.memory_space<vmem>>, %arg7: memref<2x128xi32, #tpu.memory_space<vmem>>, %arg8: memref<128x128xf32, #tpu.memory_space<vmem>>, %arg9: memref<128x128xf32, #tpu.memory_space<vmem>>, %arg10: memref<10240x128xf32, #tpu.memory_space<vmem_shared>>, %arg11: memref<!tpu.dma_semaphore, #tpu.memory_space<semaphore_mem>>, %arg12: memref<!tpu.dma_semaphore, #tpu.memory_space<semaphore_mem>>, %arg13: memref<!tpu.dma_semaphore, #tpu.memory_space<semaphore_mem>>, %arg14: memref<!tpu.dma_semaphore, #tpu.memory_space<semaphore_mem>>) attributes {dimension_semantics = [#tpu.dimension_semantics<core_parallel>, #tpu.dimension_semantics<subcore_parallel>], iteration_bounds = array<i64: 2, 16>, scalar_prefetch = 0 : i64, scratch_operands = 9 : i64, tpu.core_type = #tpu.core_type<sc_vector_subcore>, window_params = [{transform_indices = #map}, {transform_indices = #map1}, {transform_indices = #map1}, {transform_indices = #map2}]} {
    %mul3A = arith.constant 2 : i32
    %mul3A_0 = arith.muli %arg1, %mul3A : i32
    %add3A = arith.addi %mul3A_0, %arg0 : i32
    %add3A_1 = arith.constant 0 : i32
    %add3A_2 = arith.addi %add3A, %add3A_1 : i32
    %mul3A_3 = arith.constant 128 : i32
    %mul3A_4 = arith.muli %add3A_2, %mul3A_3 : i32
    %multiple_of3A = tpu.assume_multiple %mul3A_4, 8 : i32
    %dma_start3A = arith.constant 0 : i32
    %dma_start3A_5 = arith.constant 0 : i32
    %dma_start3A_6 = tpu.memref_slice %arg6[%dma_start3A, %dma_start3A_5] : memref<2x128xi32, #tpu.memory_space<vmem>> -> memref<1x128xi32, #tpu.memory_space<vmem>>
    %dma_start3A_7 = tpu.memref_squeeze %dma_start3A_6 : memref<1x128xi32, #tpu.memory_space<vmem>> -> memref<128xi32, #tpu.memory_space<vmem>>
    %dma_start3A_8 = tpu.memref_slice %arg3[%multiple_of3A] : memref<327680xi32, #tpu.memory_space<hbm>> -> memref<128xi32, #tpu.memory_space<hbm>>
    %dma_start3A_9 = arith.constant 0 : i32
    %dma_start3A_10 = tpu.memref_slice %arg6[%dma_start3A, %dma_start3A_9] : memref<2x128xi32, #tpu.memory_space<vmem>> -> memref<1x128xi32, #tpu.memory_space<vmem>>
    %dma_start3A_11 = tpu.memref_squeeze %dma_start3A_10 : memref<1x128xi32, #tpu.memory_space<vmem>> -> memref<128xi32, #tpu.memory_space<vmem>>
    %dma_start3A_12 = tpu.memref_slice %arg3[%multiple_of3A] : memref<327680xi32, #tpu.memory_space<hbm>> -> memref<128xi32, #tpu.memory_space<hbm>>
    tpu.enqueue_dma source(%dma_start3A_12 : memref<128xi32, #tpu.memory_space<hbm>>) target(%dma_start3A_11 : memref<128xi32, #tpu.memory_space<vmem>>) target_semaphore(%arg11 : memref<!tpu.dma_semaphore, #tpu.memory_space<semaphore_mem>>)
    %dma_start3A_13 = arith.constant 0 : i32
    %dma_start3A_14 = arith.constant 0 : i32
    %dma_start3A_15 = tpu.memref_slice %arg7[%dma_start3A_13, %dma_start3A_14] : memref<2x128xi32, #tpu.memory_space<vmem>> -> memref<1x128xi32, #tpu.memory_space<vmem>>
    %dma_start3A_16 = tpu.memref_squeeze %dma_start3A_15 : memref<1x128xi32, #tpu.memory_space<vmem>> -> memref<128xi32, #tpu.memory_space<vmem>>
    %dma_start3A_17 = tpu.memref_slice %arg4[%multiple_of3A] : memref<327680xi32, #tpu.memory_space<hbm>> -> memref<128xi32, #tpu.memory_space<hbm>>
    %dma_start3A_18 = arith.constant 0 : i32
    %dma_start3A_19 = tpu.memref_slice %arg7[%dma_start3A_13, %dma_start3A_18] : memref<2x128xi32, #tpu.memory_space<vmem>> -> memref<1x128xi32, #tpu.memory_space<vmem>>
    %dma_start3A_20 = tpu.memref_squeeze %dma_start3A_19 : memref<1x128xi32, #tpu.memory_space<vmem>> -> memref<128xi32, #tpu.memory_space<vmem>>
    %dma_start3A_21 = tpu.memref_slice %arg4[%multiple_of3A] : memref<327680xi32, #tpu.memory_space<hbm>> -> memref<128xi32, #tpu.memory_space<hbm>>
    tpu.enqueue_dma source(%dma_start3A_21 : memref<128xi32, #tpu.memory_space<hbm>>) target(%dma_start3A_20 : memref<128xi32, #tpu.memory_space<vmem>>) target_semaphore(%arg11 : memref<!tpu.dma_semaphore, #tpu.memory_space<semaphore_mem>>)
    %add3A_22 = arith.constant 32 : i32
    %add3A_23 = arith.addi %add3A, %add3A_22 : i32
    %mul3A_24 = arith.constant 128 : i32
    %mul3A_25 = arith.muli %add3A_23, %mul3A_24 : i32
    %multiple_of3A_26 = tpu.assume_multiple %mul3A_25, 8 : i32
    %dma_start3A_27 = arith.constant 1 : i32
    %dma_start3A_28 = arith.constant 0 : i32
    %dma_start3A_29 = tpu.memref_slice %arg6[%dma_start3A_27, %dma_start3A_28] : memref<2x128xi32, #tpu.memory_space<vmem>> -> memref<1x128xi32, #tpu.memory_space<vmem>>
    %dma_start3A_30 = tpu.memref_squeeze %dma_start3A_29 : memref<1x128xi32, #tpu.memory_space<vmem>> -> memref<128xi32, #tpu.memory_space<vmem>>
    %dma_start3A_31 = tpu.memref_slice %arg3[%multiple_of3A_26] : memref<327680xi32, #tpu.memory_space<hbm>> -> memref<128xi32, #tpu.memory_space<hbm>>
    %dma_start3A_32 = arith.constant 0 : i32
    %dma_start3A_33 = tpu.memref_slice %arg6[%dma_start3A_27, %dma_start3A_32] : memref<2x128xi32, #tpu.memory_space<vmem>> -> memref<1x128xi32, #tpu.memory_space<vmem>>
    %dma_start3A_34 = tpu.memref_squeeze %dma_start3A_33 : memref<1x128xi32, #tpu.memory_space<vmem>> -> memref<128xi32, #tpu.memory_space<vmem>>
    %dma_start3A_35 = tpu.memref_slice %arg3[%multiple_of3A_26] : memref<327680xi32, #tpu.memory_space<hbm>> -> memref<128xi32, #tpu.memory_space<hbm>>
    tpu.enqueue_dma source(%dma_start3A_35 : memref<128xi32, #tpu.memory_space<hbm>>) target(%dma_start3A_34 : memref<128xi32, #tpu.memory_space<vmem>>) target_semaphore(%arg12 : memref<!tpu.dma_semaphore, #tpu.memory_space<semaphore_mem>>)
    %dma_start3A_36 = arith.constant 1 : i32
    %dma_start3A_37 = arith.constant 0 : i32
    %dma_start3A_38 = tpu.memref_slice %arg7[%dma_start3A_36, %dma_start3A_37] : memref<2x128xi32, #tpu.memory_space<vmem>> -> memref<1x128xi32, #tpu.memory_space<vmem>>
    %dma_start3A_39 = tpu.memref_squeeze %dma_start3A_38 : memref<1x128xi32, #tpu.memory_space<vmem>> -> memref<128xi32, #tpu.memory_space<vmem>>
    %dma_start3A_40 = tpu.memref_slice %arg4[%multiple_of3A_26] : memref<327680xi32, #tpu.memory_space<hbm>> -> memref<128xi32, #tpu.memory_space<hbm>>
    %dma_start3A_41 = arith.constant 0 : i32
    %dma_start3A_42 = tpu.memref_slice %arg7[%dma_start3A_36, %dma_start3A_41] : memref<2x128xi32, #tpu.memory_space<vmem>> -> memref<1x128xi32, #tpu.memory_space<vmem>>
    %dma_start3A_43 = tpu.memref_squeeze %dma_start3A_42 : memref<1x128xi32, #tpu.memory_space<vmem>> -> memref<128xi32, #tpu.memory_space<vmem>>
    %dma_start3A_44 = tpu.memref_slice %arg4[%multiple_of3A_26] : memref<327680xi32, #tpu.memory_space<hbm>> -> memref<128xi32, #tpu.memory_space<hbm>>
    tpu.enqueue_dma source(%dma_start3A_44 : memref<128xi32, #tpu.memory_space<hbm>>) target(%dma_start3A_43 : memref<128xi32, #tpu.memory_space<vmem>>) target_semaphore(%arg12 : memref<!tpu.dma_semaphore, #tpu.memory_space<semaphore_mem>>)
    %scan3A = arith.constant 0 : i32
    %scan3A_45 = arith.constant 0 : i32
    %scan3A_46 = arith.constant 128 : i32
    %scan3A_47 = arith.addi %scan3A_45, %scan3A_46 : i32
    %scan3A_48 = arith.constant 1 : i32
    scf.for %scan3A_227 = %scan3A_45 to %scan3A_47 step %scan3A_48  : i32 {
      %broadcast_in_dim3A = arith.constant 0.000000e+00 : f32
      %broadcast_in_dim3A_228 = vector.broadcast %broadcast_in_dim3A : f32 to vector<16xf32>
      %swap3A = arith.index_cast %scan3A_227 : i32 to index
      %swap3A_229 = arith.constant 0 : index
      %swap3A_230 = tpu.vector_load %arg8[%swap3A, %swap3A_229] {strides = array<i32>} : memref<128x128xf32, #tpu.memory_space<vmem>>, vector<1x16xf32>,
      %swap3A_231 = vector.shape_cast %swap3A_230 : vector<1x16xf32> to vector<16xf32>
      %swap3A_232 = vector.shape_cast %broadcast_in_dim3A_228 : vector<16xf32> to vector<1x16xf32>
      tpu.vector_store %arg8[%swap3A, %swap3A_229], %swap3A_232 {strides = array<i32>} : memref<128x128xf32, #tpu.memory_space<vmem>>, vector<1x16xf32>,
      %broadcast_in_dim3A_233 = arith.constant 0.000000e+00 : f32
      %broadcast_in_dim3A_234 = vector.broadcast %broadcast_in_dim3A_233 : f32 to vector<16xf32>
      %swap3A_235 = arith.index_cast %scan3A_227 : i32 to index
      %swap3A_236 = arith.constant 16 : index
      %swap3A_237 = tpu.vector_load %arg8[%swap3A_235, %swap3A_236] {strides = array<i32>} : memref<128x128xf32, #tpu.memory_space<vmem>>, vector<1x16xf32>,
      %swap3A_238 = vector.shape_cast %swap3A_237 : vector<1x16xf32> to vector<16xf32>
      %swap3A_239 = vector.shape_cast %broadcast_in_dim3A_234 : vector<16xf32> to vector<1x16xf32>
      tpu.vector_store %arg8[%swap3A_235, %swap3A_236], %swap3A_239 {strides = array<i32>} : memref<128x128xf32, #tpu.memory_space<vmem>>, vector<1x16xf32>,
      %broadcast_in_dim3A_240 = arith.constant 0.000000e+00 : f32
      %broadcast_in_dim3A_241 = vector.broadcast %broadcast_in_dim3A_240 : f32 to vector<16xf32>
      %swap3A_242 = arith.index_cast %scan3A_227 : i32 to index
      %swap3A_243 = arith.constant 32 : index
      %swap3A_244 = tpu.vector_load %arg8[%swap3A_242, %swap3A_243] {strides = array<i32>} : memref<128x128xf32, #tpu.memory_space<vmem>>, vector<1x16xf32>,
      %swap3A_245 = vector.shape_cast %swap3A_244 : vector<1x16xf32> to vector<16xf32>
      %swap3A_246 = vector.shape_cast %broadcast_in_dim3A_241 : vector<16xf32> to vector<1x16xf32>
      tpu.vector_store %arg8[%swap3A_242, %swap3A_243], %swap3A_246 {strides = array<i32>} : memref<128x128xf32, #tpu.memory_space<vmem>>, vector<1x16xf32>,
      %broadcast_in_dim3A_247 = arith.constant 0.000000e+00 : f32
      %broadcast_in_dim3A_248 = vector.broadcast %broadcast_in_dim3A_247 : f32 to vector<16xf32>
      %swap3A_249 = arith.index_cast %scan3A_227 : i32 to index
      %swap3A_250 = arith.constant 48 : index
      %swap3A_251 = tpu.vector_load %arg8[%swap3A_249, %swap3A_250] {strides = array<i32>} : memref<128x128xf32, #tpu.memory_space<vmem>>, vector<1x16xf32>,
      %swap3A_252 = vector.shape_cast %swap3A_251 : vector<1x16xf32> to vector<16xf32>
      %swap3A_253 = vector.shape_cast %broadcast_in_dim3A_248 : vector<16xf32> to vector<1x16xf32>
      tpu.vector_store %arg8[%swap3A_249, %swap3A_250], %swap3A_253 {strides = array<i32>} : memref<128x128xf32, #tpu.memory_space<vmem>>, vector<1x16xf32>,
      %broadcast_in_dim3A_254 = arith.constant 0.000000e+00 : f32
      %broadcast_in_dim3A_255 = vector.broadcast %broadcast_in_dim3A_254 : f32 to vector<16xf32>
      %swap3A_256 = arith.index_cast %scan3A_227 : i32 to index
      %swap3A_257 = arith.constant 64 : index
      %swap3A_258 = tpu.vector_load %arg8[%swap3A_256, %swap3A_257] {strides = array<i32>} : memref<128x128xf32, #tpu.memory_space<vmem>>, vector<1x16xf32>,
      %swap3A_259 = vector.shape_cast %swap3A_258 : vector<1x16xf32> to vector<16xf32>
      %swap3A_260 = vector.shape_cast %broadcast_in_dim3A_255 : vector<16xf32> to vector<1x16xf32>
      tpu.vector_store %arg8[%swap3A_256, %swap3A_257], %swap3A_260 {strides = array<i32>} : memref<128x128xf32, #tpu.memory_space<vmem>>, vector<1x16xf32>,
      %broadcast_in_dim3A_261 = arith.constant 0.000000e+00 : f32
      %broadcast_in_dim3A_262 = vector.broadcast %broadcast_in_dim3A_261 : f32 to vector<16xf32>
      %swap3A_263 = arith.index_cast %scan3A_227 : i32 to index
      %swap3A_264 = arith.constant 80 : index
      %swap3A_265 = tpu.vector_load %arg8[%swap3A_263, %swap3A_264] {strides = array<i32>} : memref<128x128xf32, #tpu.memory_space<vmem>>, vector<1x16xf32>,
      %swap3A_266 = vector.shape_cast %swap3A_265 : vector<1x16xf32> to vector<16xf32>
      %swap3A_267 = vector.shape_cast %broadcast_in_dim3A_262 : vector<16xf32> to vector<1x16xf32>
      tpu.vector_store %arg8[%swap3A_263, %swap3A_264], %swap3A_267 {strides = array<i32>} : memref<128x128xf32, #tpu.memory_space<vmem>>, vector<1x16xf32>,
      %broadcast_in_dim3A_268 = arith.constant 0.000000e+00 : f32
      %broadcast_in_dim3A_269 = vector.broadcast %broadcast_in_dim3A_268 : f32 to vector<16xf32>
      %swap3A_270 = arith.index_cast %scan3A_227 : i32 to index
      %swap3A_271 = arith.constant 96 : index
      %swap3A_272 = tpu.vector_load %arg8[%swap3A_270, %swap3A_271] {strides = array<i32>} : memref<128x128xf32, #tpu.memory_space<vmem>>, vector<1x16xf32>,
      %swap3A_273 = vector.shape_cast %swap3A_272 : vector<1x16xf32> to vector<16xf32>
      %swap3A_274 = vector.shape_cast %broadcast_in_dim3A_269 : vector<16xf32> to vector<1x16xf32>
      tpu.vector_store %arg8[%swap3A_270, %swap3A_271], %swap3A_274 {strides = array<i32>} : memref<128x128xf32, #tpu.memory_space<vmem>>, vector<1x16xf32>,
      %broadcast_in_dim3A_275 = arith.constant 0.000000e+00 : f32
      %broadcast_in_dim3A_276 = vector.broadcast %broadcast_in_dim3A_275 : f32 to vector<16xf32>
      %swap3A_277 = arith.index_cast %scan3A_227 : i32 to index
      %swap3A_278 = arith.constant 112 : index
      %swap3A_279 = tpu.vector_load %arg8[%swap3A_277, %swap3A_278] {strides = array<i32>} : memref<128x128xf32, #tpu.memory_space<vmem>>, vector<1x16xf32>,
      %swap3A_280 = vector.shape_cast %swap3A_279 : vector<1x16xf32> to vector<16xf32>
      %swap3A_281 = vector.shape_cast %broadcast_in_dim3A_276 : vector<16xf32> to vector<1x16xf32>
      tpu.vector_store %arg8[%swap3A_277, %swap3A_278], %swap3A_281 {strides = array<i32>} : memref<128x128xf32, #tpu.memory_space<vmem>>, vector<1x16xf32>,
    }
    %scan3A_49 = arith.constant 128 : i32
    %mul3A_50 = arith.constant 640 : i32
    %mul3A_51 = arith.muli %arg1, %mul3A_50 : i32
    %add3A_52 = arith.constant 0 : i32
    %add3A_53 = arith.addi %mul3A_51, %add3A_52 : i32
    "tpu.region"() ({
      %run_scoped3A = tpu.sem_alloc : memref<!tpu.dma_semaphore, #tpu.memory_space<semaphore_mem>>
      %dma_start3A_227 = arith.constant 0 : i32
      %dma_start3A_228 = arith.constant 0 : i32
      %dma_start3A_229 = tpu.memref_slice %arg8[%dma_start3A_227, %dma_start3A_228] : memref<128x128xf32, #tpu.memory_space<vmem>> -> memref<128x128xf32, #tpu.memory_space<vmem>>
      %dma_start3A_230 = arith.constant 0 : i32
      %dma_start3A_231 = tpu.memref_slice %arg10[%add3A_53, %dma_start3A_230] : memref<10240x128xf32, #tpu.memory_space<vmem_shared>> -> memref<128x128xf32, #tpu.memory_space<vmem_shared>>
      %dma_start3A_232 = arith.constant 0 : i32
      %dma_start3A_233 = tpu.memref_slice %arg10[%add3A_53, %dma_start3A_232] : memref<10240x128xf32, #tpu.memory_space<vmem_shared>> -> memref<128x128xf32, #tpu.memory_space<vmem_shared>>
      %dma_start3A_234 = arith.constant 0 : i32
      %dma_start3A_235 = arith.constant 0 : i32
      %dma_start3A_236 = tpu.memref_slice %arg8[%dma_start3A_234, %dma_start3A_235] : memref<128x128xf32, #tpu.memory_space<vmem>> -> memref<128x128xf32, #tpu.memory_space<vmem>>
      tpu.enqueue_dma source(%dma_start3A_236 : memref<128x128xf32, #tpu.memory_space<vmem>>) target(%dma_start3A_233 : memref<128x128xf32, #tpu.memory_space<vmem_shared>>) target_semaphore(%run_scoped3A : memref<!tpu.dma_semaphore, #tpu.memory_space<semaphore_mem>>)
      %dma_wait3A_237 = arith.constant 0 : i32
      %dma_wait3A_238 = arith.constant 0 : i32
      %dma_wait3A_239 = tpu.memref_slice %arg8[%dma_wait3A_237, %dma_wait3A_238] : memref<128x128xf32, #tpu.memory_space<vmem>> -> memref<128x128xf32, #tpu.memory_space<vmem>>
      %dma_wait3A_240 = arith.constant 0 : i32
      %dma_wait3A_241 = tpu.memref_slice %arg10[%add3A_53, %dma_wait3A_240] : memref<10240x128xf32, #tpu.memory_space<vmem_shared>> -> memref<128x128xf32, #tpu.memory_space<vmem_shared>>
      %dma_wait3A_242 = arith.constant 0 : i32
      %dma_wait3A_243 = tpu.memref_slice %arg10[%add3A_53, %dma_wait3A_242] : memref<10240x128xf32, #tpu.memory_space<vmem_shared>> -> memref<128x128xf32, #tpu.memory_space<vmem_shared>>
      %dma_wait3A_244 = arith.constant 0 : i32
      %dma_wait3A_245 = arith.constant 0 : i32
      %dma_wait3A_246 = tpu.memref_slice %arg8[%dma_wait3A_244, %dma_wait3A_245] : memref<128x128xf32, #tpu.memory_space<vmem>> -> memref<128x128xf32, #tpu.memory_space<vmem>>
      tpu.wait_dma2 semaphore(%run_scoped3A : memref<!tpu.dma_semaphore, #tpu.memory_space<semaphore_mem>>) src(%dma_wait3A_246 : memref<128x128xf32, #tpu.memory_space<vmem>>) dst(%dma_wait3A_243 : memref<128x128xf32, #tpu.memory_space<vmem_shared>>)
      tpu.yield
    }) : () -> ()
    %add3A_54 = arith.constant 128 : i32
    %add3A_55 = arith.addi %mul3A_51, %add3A_54 : i32
    "tpu.region"() ({
      %run_scoped3A = tpu.sem_alloc : memref<!tpu.dma_semaphore, #tpu.memory_space<semaphore_mem>>
      %dma_start3A_227 = arith.constant 0 : i32
      %dma_start3A_228 = arith.constant 0 : i32
      %dma_start3A_229 = tpu.memref_slice %arg8[%dma_start3A_227, %dma_start3A_228] : memref<128x128xf32, #tpu.memory_space<vmem>> -> memref<128x128xf32, #tpu.memory_space<vmem>>
      %dma_start3A_230 = arith.constant 0 : i32
      %dma_start3A_231 = tpu.memref_slice %arg10[%add3A_55, %dma_start3A_230] : memref<10240x128xf32, #tpu.memory_space<vmem_shared>> -> memref<128x128xf32, #tpu.memory_space<vmem_shared>>
      %dma_start3A_232 = arith.constant 0 : i32
      %dma_start3A_233 = tpu.memref_slice %arg10[%add3A_55, %dma_start3A_232] : memref<10240x128xf32, #tpu.memory_space<vmem_shared>> -> memref<128x128xf32, #tpu.memory_space<vmem_shared>>
      %dma_start3A_234 = arith.constant 0 : i32
      %dma_start3A_235 = arith.constant 0 : i32
      %dma_start3A_236 = tpu.memref_slice %arg8[%dma_start3A_234, %dma_start3A_235] : memref<128x128xf32, #tpu.memory_space<vmem>> -> memref<128x128xf32, #tpu.memory_space<vmem>>
      tpu.enqueue_dma source(%dma_start3A_236 : memref<128x128xf32, #tpu.memory_space<vmem>>) target(%dma_start3A_233 : memref<128x128xf32, #tpu.memory_space<vmem_shared>>) target_semaphore(%run_scoped3A : memref<!tpu.dma_semaphore, #tpu.memory_space<semaphore_mem>>)
      %dma_wait3A_237 = arith.constant 0 : i32
      %dma_wait3A_238 = arith.constant 0 : i32
      %dma_wait3A_239 = tpu.memref_slice %arg8[%dma_wait3A_237, %dma_wait3A_238] : memref<128x128xf32, #tpu.memory_space<vmem>> -> memref<128x128xf32, #tpu.memory_space<vmem>>
      %dma_wait3A_240 = arith.constant 0 : i32
      %dma_wait3A_241 = tpu.memref_slice %arg10[%add3A_55, %dma_wait3A_240] : memref<10240x128xf32, #tpu.memory_space<vmem_shared>> -> memref<128x128xf32, #tpu.memory_space<vmem_shared>>
      %dma_wait3A_242 = arith.constant 0 : i32
      %dma_wait3A_243 = tpu.memref_slice %arg10[%add3A_55, %dma_wait3A_242] : memref<10240x128xf32, #tpu.memory_space<vmem_shared>> -> memref<128x128xf32, #tpu.memory_space<vmem_shared>>
      %dma_wait3A_244 = arith.constant 0 : i32
      %dma_wait3A_245 = arith.constant 0 : i32
      %dma_wait3A_246 = tpu.memref_slice %arg8[%dma_wait3A_244, %dma_wait3A_245] : memref<128x128xf32, #tpu.memory_space<vmem>> -> memref<128x128xf32, #tpu.memory_space<vmem>>
      tpu.wait_dma2 semaphore(%run_scoped3A : memref<!tpu.dma_semaphore, #tpu.memory_space<semaphore_mem>>) src(%dma_wait3A_246 : memref<128x128xf32, #tpu.memory_space<vmem>>) dst(%dma_wait3A_243 : memref<128x128xf32, #tpu.memory_space<vmem_shared>>)
      tpu.yield
    }) : () -> ()
    %add3A_56 = arith.constant 256 : i32
    %add3A_57 = arith.addi %mul3A_51, %add3A_56 : i32
    "tpu.region"() ({
      %run_scoped3A = tpu.sem_alloc : memref<!tpu.dma_semaphore, #tpu.memory_space<semaphore_mem>>
      %dma_start3A_227 = arith.constant 0 : i32
      %dma_start3A_228 = arith.constant 0 : i32
      %dma_start3A_229 = tpu.memref_slice %arg8[%dma_start3A_227, %dma_start3A_228] : memref<128x128xf32, #tpu.memory_space<vmem>> -> memref<128x128xf32, #tpu.memory_space<vmem>>
      %dma_start3A_230 = arith.constant 0 : i32
      %dma_start3A_231 = tpu.memref_slice %arg10[%add3A_57, %dma_start3A_230] : memref<10240x128xf32, #tpu.memory_space<vmem_shared>> -> memref<128x128xf32, #tpu.memory_space<vmem_shared>>
      %dma_start3A_232 = arith.constant 0 : i32
      %dma_start3A_233 = tpu.memref_slice %arg10[%add3A_57, %dma_start3A_232] : memref<10240x128xf32, #tpu.memory_space<vmem_shared>> -> memref<128x128xf32, #tpu.memory_space<vmem_shared>>
      %dma_start3A_234 = arith.constant 0 : i32
      %dma_start3A_235 = arith.constant 0 : i32
      %dma_start3A_236 = tpu.memref_slice %arg8[%dma_start3A_234, %dma_start3A_235] : memref<128x128xf32, #tpu.memory_space<vmem>> -> memref<128x128xf32, #tpu.memory_space<vmem>>
      tpu.enqueue_dma source(%dma_start3A_236 : memref<128x128xf32, #tpu.memory_space<vmem>>) target(%dma_start3A_233 : memref<128x128xf32, #tpu.memory_space<vmem_shared>>) target_semaphore(%run_scoped3A : memref<!tpu.dma_semaphore, #tpu.memory_space<semaphore_mem>>)
      %dma_wait3A_237 = arith.constant 0 : i32
      %dma_wait3A_238 = arith.constant 0 : i32
      %dma_wait3A_239 = tpu.memref_slice %arg8[%dma_wait3A_237, %dma_wait3A_238] : memref<128x128xf32, #tpu.memory_space<vmem>> -> memref<128x128xf32, #tpu.memory_space<vmem>>
      %dma_wait3A_240 = arith.constant 0 : i32
      %dma_wait3A_241 = tpu.memref_slice %arg10[%add3A_57, %dma_wait3A_240] : memref<10240x128xf32, #tpu.memory_space<vmem_shared>> -> memref<128x128xf32, #tpu.memory_space<vmem_shared>>
      %dma_wait3A_242 = arith.constant 0 : i32
      %dma_wait3A_243 = tpu.memref_slice %arg10[%add3A_57, %dma_wait3A_242] : memref<10240x128xf32, #tpu.memory_space<vmem_shared>> -> memref<128x128xf32, #tpu.memory_space<vmem_shared>>
      %dma_wait3A_244 = arith.constant 0 : i32
      %dma_wait3A_245 = arith.constant 0 : i32
      %dma_wait3A_246 = tpu.memref_slice %arg8[%dma_wait3A_244, %dma_wait3A_245] : memref<128x128xf32, #tpu.memory_space<vmem>> -> memref<128x128xf32, #tpu.memory_space<vmem>>
      tpu.wait_dma2 semaphore(%run_scoped3A : memref<!tpu.dma_semaphore, #tpu.memory_space<semaphore_mem>>) src(%dma_wait3A_246 : memref<128x128xf32, #tpu.memory_space<vmem>>) dst(%dma_wait3A_243 : memref<128x128xf32, #tpu.memory_space<vmem_shared>>)
      tpu.yield
    }) : () -> ()
    %add3A_58 = arith.constant 384 : i32
    %add3A_59 = arith.addi %mul3A_51, %add3A_58 : i32
    "tpu.region"() ({
      %run_scoped3A = tpu.sem_alloc : memref<!tpu.dma_semaphore, #tpu.memory_space<semaphore_mem>>
      %dma_start3A_227 = arith.constant 0 : i32
      %dma_start3A_228 = arith.constant 0 : i32
      %dma_start3A_229 = tpu.memref_slice %arg8[%dma_start3A_227, %dma_start3A_228] : memref<128x128xf32, #tpu.memory_space<vmem>> -> memref<128x128xf32, #tpu.memory_space<vmem>>
      %dma_start3A_230 = arith.constant 0 : i32
      %dma_start3A_231 = tpu.memref_slice %arg10[%add3A_59, %dma_start3A_230] : memref<10240x128xf32, #tpu.memory_space<vmem_shared>> -> memref<128x128xf32, #tpu.memory_space<vmem_shared>>
      %dma_start3A_232 = arith.constant 0 : i32
      %dma_start3A_233 = tpu.memref_slice %arg10[%add3A_59, %dma_start3A_232] : memref<10240x128xf32, #tpu.memory_space<vmem_shared>> -> memref<128x128xf32, #tpu.memory_space<vmem_shared>>
      %dma_start3A_234 = arith.constant 0 : i32
      %dma_start3A_235 = arith.constant 0 : i32
      %dma_start3A_236 = tpu.memref_slice %arg8[%dma_start3A_234, %dma_start3A_235] : memref<128x128xf32, #tpu.memory_space<vmem>> -> memref<128x128xf32, #tpu.memory_space<vmem>>
      tpu.enqueue_dma source(%dma_start3A_236 : memref<128x128xf32, #tpu.memory_space<vmem>>) target(%dma_start3A_233 : memref<128x128xf32, #tpu.memory_space<vmem_shared>>) target_semaphore(%run_scoped3A : memref<!tpu.dma_semaphore, #tpu.memory_space<semaphore_mem>>)
      %dma_wait3A_237 = arith.constant 0 : i32
      %dma_wait3A_238 = arith.constant 0 : i32
      %dma_wait3A_239 = tpu.memref_slice %arg8[%dma_wait3A_237, %dma_wait3A_238] : memref<128x128xf32, #tpu.memory_space<vmem>> -> memref<128x128xf32, #tpu.memory_space<vmem>>
      %dma_wait3A_240 = arith.constant 0 : i32
      %dma_wait3A_241 = tpu.memref_slice %arg10[%add3A_59, %dma_wait3A_240] : memref<10240x128xf32, #tpu.memory_space<vmem_shared>> -> memref<128x128xf32, #tpu.memory_space<vmem_shared>>
      %dma_wait3A_242 = arith.constant 0 : i32
      %dma_wait3A_243 = tpu.memref_slice %arg10[%add3A_59, %dma_wait3A_242] : memref<10240x128xf32, #tpu.memory_space<vmem_shared>> -> memref<128x128xf32, #tpu.memory_space<vmem_shared>>
      %dma_wait3A_244 = arith.constant 0 : i32
      %dma_wait3A_245 = arith.constant 0 : i32
      %dma_wait3A_246 = tpu.memref_slice %arg8[%dma_wait3A_244, %dma_wait3A_245] : memref<128x128xf32, #tpu.memory_space<vmem>> -> memref<128x128xf32, #tpu.memory_space<vmem>>
      tpu.wait_dma2 semaphore(%run_scoped3A : memref<!tpu.dma_semaphore, #tpu.memory_space<semaphore_mem>>) src(%dma_wait3A_246 : memref<128x128xf32, #tpu.memory_space<vmem>>) dst(%dma_wait3A_243 : memref<128x128xf32, #tpu.memory_space<vmem_shared>>)
      tpu.yield
    }) : () -> ()
    %add3A_60 = arith.constant 512 : i32
    %add3A_61 = arith.addi %mul3A_51, %add3A_60 : i32
    "tpu.region"() ({
      %run_scoped3A = tpu.sem_alloc : memref<!tpu.dma_semaphore, #tpu.memory_space<semaphore_mem>>
      %dma_start3A_227 = arith.constant 0 : i32
      %dma_start3A_228 = arith.constant 0 : i32
      %dma_start3A_229 = tpu.memref_slice %arg8[%dma_start3A_227, %dma_start3A_228] : memref<128x128xf32, #tpu.memory_space<vmem>> -> memref<128x128xf32, #tpu.memory_space<vmem>>
      %dma_start3A_230 = arith.constant 0 : i32
      %dma_start3A_231 = tpu.memref_slice %arg10[%add3A_61, %dma_start3A_230] : memref<10240x128xf32, #tpu.memory_space<vmem_shared>> -> memref<128x128xf32, #tpu.memory_space<vmem_shared>>
      %dma_start3A_232 = arith.constant 0 : i32
      %dma_start3A_233 = tpu.memref_slice %arg10[%add3A_61, %dma_start3A_232] : memref<10240x128xf32, #tpu.memory_space<vmem_shared>> -> memref<128x128xf32, #tpu.memory_space<vmem_shared>>
      %dma_start3A_234 = arith.constant 0 : i32
      %dma_start3A_235 = arith.constant 0 : i32
      %dma_start3A_236 = tpu.memref_slice %arg8[%dma_start3A_234, %dma_start3A_235] : memref<128x128xf32, #tpu.memory_space<vmem>> -> memref<128x128xf32, #tpu.memory_space<vmem>>
      tpu.enqueue_dma source(%dma_start3A_236 : memref<128x128xf32, #tpu.memory_space<vmem>>) target(%dma_start3A_233 : memref<128x128xf32, #tpu.memory_space<vmem_shared>>) target_semaphore(%run_scoped3A : memref<!tpu.dma_semaphore, #tpu.memory_space<semaphore_mem>>)
      %dma_wait3A_237 = arith.constant 0 : i32
      %dma_wait3A_238 = arith.constant 0 : i32
      %dma_wait3A_239 = tpu.memref_slice %arg8[%dma_wait3A_237, %dma_wait3A_238] : memref<128x128xf32, #tpu.memory_space<vmem>> -> memref<128x128xf32, #tpu.memory_space<vmem>>
      %dma_wait3A_240 = arith.constant 0 : i32
      %dma_wait3A_241 = tpu.memref_slice %arg10[%add3A_61, %dma_wait3A_240] : memref<10240x128xf32, #tpu.memory_space<vmem_shared>> -> memref<128x128xf32, #tpu.memory_space<vmem_shared>>
      %dma_wait3A_242 = arith.constant 0 : i32
      %dma_wait3A_243 = tpu.memref_slice %arg10[%add3A_61, %dma_wait3A_242] : memref<10240x128xf32, #tpu.memory_space<vmem_shared>> -> memref<128x128xf32, #tpu.memory_space<vmem_shared>>
      %dma_wait3A_244 = arith.constant 0 : i32
      %dma_wait3A_245 = arith.constant 0 : i32
      %dma_wait3A_246 = tpu.memref_slice %arg8[%dma_wait3A_244, %dma_wait3A_245] : memref<128x128xf32, #tpu.memory_space<vmem>> -> memref<128x128xf32, #tpu.memory_space<vmem>>
      tpu.wait_dma2 semaphore(%run_scoped3A : memref<!tpu.dma_semaphore, #tpu.memory_space<semaphore_mem>>) src(%dma_wait3A_246 : memref<128x128xf32, #tpu.memory_space<vmem>>) dst(%dma_wait3A_243 : memref<128x128xf32, #tpu.memory_space<vmem_shared>>)
      tpu.yield
    }) : () -> ()
    %barrier3A = arith.constant 0 : index
    tpu.barrier barrier_id(%barrier3A)
    %dma_wait3A = arith.constant 0 : i32
    %dma_wait3A_62 = arith.constant 0 : i32
    %dma_wait3A_63 = tpu.memref_slice %arg6[%dma_wait3A, %dma_wait3A_62] : memref<2x128xi32, #tpu.memory_space<vmem>> -> memref<1x128xi32, #tpu.memory_space<vmem>>
    %dma_wait3A_64 = tpu.memref_squeeze %dma_wait3A_63 : memref<1x128xi32, #tpu.memory_space<vmem>> -> memref<128xi32, #tpu.memory_space<vmem>>
    %dma_wait3A_65 = arith.constant 0 : i32
    %dma_wait3A_66 = tpu.memref_slice %arg3[%dma_wait3A_65] : memref<327680xi32, #tpu.memory_space<hbm>> -> memref<128xi32, #tpu.memory_space<hbm>>
    %dma_wait3A_67 = arith.constant 0 : i32
    %dma_wait3A_68 = tpu.memref_slice %arg6[%dma_wait3A, %dma_wait3A_67] : memref<2x128xi32, #tpu.memory_space<vmem>> -> memref<1x128xi32, #tpu.memory_space<vmem>>
    %dma_wait3A_69 = tpu.memref_squeeze %dma_wait3A_68 : memref<1x128xi32, #tpu.memory_space<vmem>> -> memref<128xi32, #tpu.memory_space<vmem>>
    %dma_wait3A_70 = arith.constant 0 : i32
    %dma_wait3A_71 = tpu.memref_slice %arg3[%dma_wait3A_70] : memref<327680xi32, #tpu.memory_space<hbm>> -> memref<128xi32, #tpu.memory_space<hbm>>
    tpu.wait_dma2 semaphore(%arg11 : memref<!tpu.dma_semaphore, #tpu.memory_space<semaphore_mem>>) src(%dma_wait3A_71 : memref<128xi32, #tpu.memory_space<hbm>>) dst(%dma_wait3A_69 : memref<128xi32, #tpu.memory_space<vmem>>)
    %dma_wait3A_72 = arith.constant 0 : i32
    %dma_wait3A_73 = arith.constant 0 : i32
    %dma_wait3A_74 = tpu.memref_slice %arg7[%dma_wait3A_72, %dma_wait3A_73] : memref<2x128xi32, #tpu.memory_space<vmem>> -> memref<1x128xi32, #tpu.memory_space<vmem>>
    %dma_wait3A_75 = tpu.memref_squeeze %dma_wait3A_74 : memref<1x128xi32, #tpu.memory_space<vmem>> -> memref<128xi32, #tpu.memory_space<vmem>>
    %dma_wait3A_76 = arith.constant 0 : i32
    %dma_wait3A_77 = tpu.memref_slice %arg4[%dma_wait3A_76] : memref<327680xi32, #tpu.memory_space<hbm>> -> memref<128xi32, #tpu.memory_space<hbm>>
    %dma_wait3A_78 = arith.constant 0 : i32
    %dma_wait3A_79 = tpu.memref_slice %arg7[%dma_wait3A_72, %dma_wait3A_78] : memref<2x128xi32, #tpu.memory_space<vmem>> -> memref<1x128xi32, #tpu.memory_space<vmem>>
    %dma_wait3A_80 = tpu.memref_squeeze %dma_wait3A_79 : memref<1x128xi32, #tpu.memory_space<vmem>> -> memref<128xi32, #tpu.memory_space<vmem>>
    %dma_wait3A_81 = arith.constant 0 : i32
    %dma_wait3A_82 = tpu.memref_slice %arg4[%dma_wait3A_81] : memref<327680xi32, #tpu.memory_space<hbm>> -> memref<128xi32, #tpu.memory_space<hbm>>
    tpu.wait_dma2 semaphore(%arg11 : memref<!tpu.dma_semaphore, #tpu.memory_space<semaphore_mem>>) src(%dma_wait3A_82 : memref<128xi32, #tpu.memory_space<hbm>>) dst(%dma_wait3A_80 : memref<128xi32, #tpu.memory_space<vmem>>)
    %dma_start3A_83 = arith.constant 0 : i32
    %dma_start3A_84 = arith.constant 0 : i32
    %dma_start3A_85 = tpu.memref_slice %arg6[%dma_start3A_83, %dma_start3A_84] : memref<2x128xi32, #tpu.memory_space<vmem>> -> memref<1x128xi32, #tpu.memory_space<vmem>>
    %dma_start3A_86 = tpu.memref_squeeze %dma_start3A_85 : memref<1x128xi32, #tpu.memory_space<vmem>> -> memref<128xi32, #tpu.memory_space<vmem>>
    %dma_start3A_87 = arith.constant 0 : i32
    %dma_start3A_88 = arith.constant 0 : i32
    %dma_start3A_89 = tpu.memref_slice %arg2[%dma_start3A_87, %dma_start3A_88] : memref<10008x128xf32, #tpu.memory_space<hbm>> -> memref<10008x128xf32, #tpu.memory_space<hbm>>
    tpu.enqueue_indirect_dma source(%dma_start3A_89 : memref<10008x128xf32, #tpu.memory_space<hbm>>) target(%arg8 : memref<128x128xf32, #tpu.memory_space<vmem>>) offsets(%dma_start3A_86 : memref<128xi32, #tpu.memory_space<vmem>>) semaphore(%arg13 : memref<!tpu.dma_semaphore, #tpu.memory_space<semaphore_mem>>)
    %scan3A_90 = arith.constant 0 : i32
    %scan3A_91 = arith.constant 0 : i32
    %scan3A_92 = arith.constant 40 : i32
    %scan3A_93 = arith.addi %scan3A_91, %scan3A_92 : i32
    %scan3A_94 = arith.constant 1 : i32
    scf.for %scan3A_227 = %scan3A_91 to %scan3A_93 step %scan3A_94  : i32 {
      %mul3A_228 = arith.constant 2 : i32
      %mul3A_229 = arith.muli %scan3A_227, %mul3A_228 : i32
      %add3A_230 = arith.constant 0 : i32
      %add3A_231 = arith.addi %mul3A_229, %add3A_230 : i32
      %add3A_232 = arith.constant 2 : i32
      %add3A_233 = arith.addi %add3A_231, %add3A_232 : i32
      %sub3A = arith.constant 1 : i32
      %sub3A_234 = arith.subi %add3A_233, %sub3A : i32
      %lt3A = arith.constant 80 : i32
      %lt3A_235 = arith.cmpi slt, %sub3A_234, %lt3A : i32
      %convert_element_type3A = arith.extui %lt3A_235 : i1 to i32
      %cond3A = arith.constant 0 : i32
      %cond3A_236 = arith.cmpi ne, %convert_element_type3A, %cond3A : i32
      scf.if %cond3A_236 {
        %dma_wait3A_279 = arith.constant 1 : i32
        %dma_wait3A_280 = arith.constant 0 : i32
        %dma_wait3A_281 = tpu.memref_slice %arg6[%dma_wait3A_279, %dma_wait3A_280] : memref<2x128xi32, #tpu.memory_space<vmem>> -> memref<1x128xi32, #tpu.memory_space<vmem>>
        %dma_wait3A_282 = tpu.memref_squeeze %dma_wait3A_281 : memref<1x128xi32, #tpu.memory_space<vmem>> -> memref<128xi32, #tpu.memory_space<vmem>>
        %dma_wait3A_283 = arith.constant 0 : i32
        %dma_wait3A_284 = tpu.memref_slice %arg3[%dma_wait3A_283] : memref<327680xi32, #tpu.memory_space<hbm>> -> memref<128xi32, #tpu.memory_space<hbm>>
        %dma_wait3A_285 = arith.constant 0 : i32
        %dma_wait3A_286 = tpu.memref_slice %arg6[%dma_wait3A_279, %dma_wait3A_285] : memref<2x128xi32, #tpu.memory_space<vmem>> -> memref<1x128xi32, #tpu.memory_space<vmem>>
        %dma_wait3A_287 = tpu.memref_squeeze %dma_wait3A_286 : memref<1x128xi32, #tpu.memory_space<vmem>> -> memref<128xi32, #tpu.memory_space<vmem>>
        %dma_wait3A_288 = arith.constant 0 : i32
        %dma_wait3A_289 = tpu.memref_slice %arg3[%dma_wait3A_288] : memref<327680xi32, #tpu.memory_space<hbm>> -> memref<128xi32, #tpu.memory_space<hbm>>
        tpu.wait_dma2 semaphore(%arg12 : memref<!tpu.dma_semaphore, #tpu.memory_space<semaphore_mem>>) src(%dma_wait3A_289 : memref<128xi32, #tpu.memory_space<hbm>>) dst(%dma_wait3A_287 : memref<128xi32, #tpu.memory_space<vmem>>)
        %dma_wait3A_290 = arith.constant 1 : i32
        %dma_wait3A_291 = arith.constant 0 : i32
        %dma_wait3A_292 = tpu.memref_slice %arg7[%dma_wait3A_290, %dma_wait3A_291] : memref<2x128xi32, #tpu.memory_space<vmem>> -> memref<1x128xi32, #tpu.memory_space<vmem>>
        %dma_wait3A_293 = tpu.memref_squeeze %dma_wait3A_292 : memref<1x128xi32, #tpu.memory_space<vmem>> -> memref<128xi32, #tpu.memory_space<vmem>>
        %dma_wait3A_294 = arith.constant 0 : i32
        %dma_wait3A_295 = tpu.memref_slice %arg4[%dma_wait3A_294] : memref<327680xi32, #tpu.memory_space<hbm>> -> memref<128xi32, #tpu.memory_space<hbm>>
        %dma_wait3A_296 = arith.constant 0 : i32
        %dma_wait3A_297 = tpu.memref_slice %arg7[%dma_wait3A_290, %dma_wait3A_296] : memref<2x128xi32, #tpu.memory_space<vmem>> -> memref<1x128xi32, #tpu.memory_space<vmem>>
        %dma_wait3A_298 = tpu.memref_squeeze %dma_wait3A_297 : memref<1x128xi32, #tpu.memory_space<vmem>> -> memref<128xi32, #tpu.memory_space<vmem>>
        %dma_wait3A_299 = arith.constant 0 : i32
        %dma_wait3A_300 = tpu.memref_slice %arg4[%dma_wait3A_299] : memref<327680xi32, #tpu.memory_space<hbm>> -> memref<128xi32, #tpu.memory_space<hbm>>
        tpu.wait_dma2 semaphore(%arg12 : memref<!tpu.dma_semaphore, #tpu.memory_space<semaphore_mem>>) src(%dma_wait3A_300 : memref<128xi32, #tpu.memory_space<hbm>>) dst(%dma_wait3A_298 : memref<128xi32, #tpu.memory_space<vmem>>)
        %dma_start3A_301 = arith.constant 1 : i32
        %dma_start3A_302 = arith.constant 0 : i32
        %dma_start3A_303 = tpu.memref_slice %arg6[%dma_start3A_301, %dma_start3A_302] : memref<2x128xi32, #tpu.memory_space<vmem>> -> memref<1x128xi32, #tpu.memory_space<vmem>>
        %dma_start3A_304 = tpu.memref_squeeze %dma_start3A_303 : memref<1x128xi32, #tpu.memory_space<vmem>> -> memref<128xi32, #tpu.memory_space<vmem>>
        %dma_start3A_305 = arith.constant 0 : i32
        %dma_start3A_306 = arith.constant 0 : i32
        %dma_start3A_307 = tpu.memref_slice %arg2[%dma_start3A_305, %dma_start3A_306] : memref<10008x128xf32, #tpu.memory_space<hbm>> -> memref<10008x128xf32, #tpu.memory_space<hbm>>
        tpu.enqueue_indirect_dma source(%dma_start3A_307 : memref<10008x128xf32, #tpu.memory_space<hbm>>) target(%arg9 : memref<128x128xf32, #tpu.memory_space<vmem>>) offsets(%dma_start3A_304 : memref<128xi32, #tpu.memory_space<vmem>>) semaphore(%arg14 : memref<!tpu.dma_semaphore, #tpu.memory_space<semaphore_mem>>)
      } else {
      }
      %dma_wait3A_237 = arith.constant 0 : i32
      %dma_wait3A_238 = arith.constant 0 : i32
      %dma_wait3A_239 = tpu.memref_slice %arg6[%dma_wait3A_237, %dma_wait3A_238] : memref<2x128xi32, #tpu.memory_space<vmem>> -> memref<1x128xi32, #tpu.memory_space<vmem>>
      %dma_wait3A_240 = tpu.memref_squeeze %dma_wait3A_239 : memref<1x128xi32, #tpu.memory_space<vmem>> -> memref<128xi32, #tpu.memory_space<vmem>>
      %dma_wait3A_241 = arith.constant 0 : i32
      %dma_wait3A_242 = arith.constant 0 : i32
      %dma_wait3A_243 = tpu.memref_slice %arg2[%dma_wait3A_241, %dma_wait3A_242] : memref<10008x128xf32, #tpu.memory_space<hbm>> -> memref<10008x128xf32, #tpu.memory_space<hbm>>
      tpu.wait_indirect_dma semaphore(%arg13 : memref<!tpu.dma_semaphore, #tpu.memory_space<semaphore_mem>>) src(%dma_wait3A_243 : memref<10008x128xf32, #tpu.memory_space<hbm>>) dst(%arg8 : memref<128x128xf32, #tpu.memory_space<vmem>>)
      %run_scoped3A = arith.constant 0 : i32
      "tpu.region"() ({
        %run_scoped3A_279 = tpu.sem_alloc : memref<!tpu.dma_semaphore, #tpu.memory_space<semaphore_mem>>
        %dma_start3A_280 = arith.constant 0 : i32
        %dma_start3A_281 = tpu.memref_slice %arg7[%run_scoped3A, %dma_start3A_280] : memref<2x128xi32, #tpu.memory_space<vmem>> -> memref<1x128xi32, #tpu.memory_space<vmem>>
        %dma_start3A_282 = tpu.memref_squeeze %dma_start3A_281 : memref<1x128xi32, #tpu.memory_space<vmem>> -> memref<128xi32, #tpu.memory_space<vmem>>
        %dma_start3A_283 = arith.constant 0 : i32
        %dma_start3A_284 = arith.constant 0 : i32
        %dma_start3A_285 = tpu.memref_slice %arg10[%dma_start3A_283, %dma_start3A_284] : memref<10240x128xf32, #tpu.memory_space<vmem_shared>> -> memref<10240x128xf32, #tpu.memory_space<vmem_shared>>
        tpu.enqueue_indirect_dma source(%arg8 : memref<128x128xf32, #tpu.memory_space<vmem>>) target(%dma_start3A_285 : memref<10240x128xf32, #tpu.memory_space<vmem_shared>>) offsets(%dma_start3A_282 : memref<128xi32, #tpu.memory_space<vmem>>) semaphore(%run_scoped3A_279 : memref<!tpu.dma_semaphore, #tpu.memory_space<semaphore_mem>>) {add = true}
        %dma_wait3A_286 = arith.constant 0 : i32
        %dma_wait3A_287 = tpu.memref_slice %arg7[%run_scoped3A, %dma_wait3A_286] : memref<2x128xi32, #tpu.memory_space<vmem>> -> memref<1x128xi32, #tpu.memory_space<vmem>>
        %dma_wait3A_288 = tpu.memref_squeeze %dma_wait3A_287 : memref<1x128xi32, #tpu.memory_space<vmem>> -> memref<128xi32, #tpu.memory_space<vmem>>
        %dma_wait3A_289 = arith.constant 0 : i32
        %dma_wait3A_290 = arith.constant 0 : i32
        %dma_wait3A_291 = tpu.memref_slice %arg10[%dma_wait3A_289, %dma_wait3A_290] : memref<10240x128xf32, #tpu.memory_space<vmem_shared>> -> memref<10240x128xf32, #tpu.memory_space<vmem_shared>>
        tpu.wait_indirect_dma semaphore(%run_scoped3A_279 : memref<!tpu.dma_semaphore, #tpu.memory_space<semaphore_mem>>) src(%arg8 : memref<128x128xf32, #tpu.memory_space<vmem>>) dst(%dma_wait3A_291 : memref<10240x128xf32, #tpu.memory_space<vmem_shared>>)
        tpu.yield
      }) : () -> ()
      %add3A_244 = arith.constant 2 : i32
      %add3A_245 = arith.addi %add3A_231, %add3A_244 : i32
      %lt3A_246 = arith.constant 80 : i32
      %lt3A_247 = arith.cmpi slt, %add3A_245, %lt3A_246 : i32
      %convert_element_type3A_248 = arith.extui %lt3A_247 : i1 to i32
      %cond3A_249 = arith.constant 0 : i32
      %cond3A_250 = arith.cmpi ne, %convert_element_type3A_248, %cond3A_249 : i32
      scf.if %cond3A_250 {
        %add3A_279 = arith.constant 2 : i32
        %add3A_280 = arith.addi %add3A_231, %add3A_279 : i32
        %mul3A_281 = arith.constant 32 : i32
        %mul3A_282 = arith.muli %add3A_280, %mul3A_281 : i32
        %add3A_283 = arith.addi %add3A, %mul3A_282 : i32
        %mul3A_284 = arith.constant 128 : i32
        %mul3A_285 = arith.muli %add3A_283, %mul3A_284 : i32
        %multiple_of3A_286 = tpu.assume_multiple %mul3A_285, 8 : i32
        %dma_start3A_287 = arith.constant 0 : i32
        %dma_start3A_288 = arith.constant 0 : i32
        %dma_start3A_289 = tpu.memref_slice %arg6[%dma_start3A_287, %dma_start3A_288] : memref<2x128xi32, #tpu.memory_space<vmem>> -> memref<1x128xi32, #tpu.memory_space<vmem>>
        %dma_start3A_290 = tpu.memref_squeeze %dma_start3A_289 : memref<1x128xi32, #tpu.memory_space<vmem>> -> memref<128xi32, #tpu.memory_space<vmem>>
        %dma_start3A_291 = tpu.memref_slice %arg3[%multiple_of3A_286] : memref<327680xi32, #tpu.memory_space<hbm>> -> memref<128xi32, #tpu.memory_space<hbm>>
        %dma_start3A_292 = arith.constant 0 : i32
        %dma_start3A_293 = tpu.memref_slice %arg6[%dma_start3A_287, %dma_start3A_292] : memref<2x128xi32, #tpu.memory_space<vmem>> -> memref<1x128xi32, #tpu.memory_space<vmem>>
        %dma_start3A_294 = tpu.memref_squeeze %dma_start3A_293 : memref<1x128xi32, #tpu.memory_space<vmem>> -> memref<128xi32, #tpu.memory_space<vmem>>
        %dma_start3A_295 = tpu.memref_slice %arg3[%multiple_of3A_286] : memref<327680xi32, #tpu.memory_space<hbm>> -> memref<128xi32, #tpu.memory_space<hbm>>
        tpu.enqueue_dma source(%dma_start3A_295 : memref<128xi32, #tpu.memory_space<hbm>>) target(%dma_start3A_294 : memref<128xi32, #tpu.memory_space<vmem>>) target_semaphore(%arg11 : memref<!tpu.dma_semaphore, #tpu.memory_space<semaphore_mem>>)
        %dma_start3A_296 = arith.constant 0 : i32
        %dma_start3A_297 = arith.constant 0 : i32
        %dma_start3A_298 = tpu.memref_slice %arg7[%dma_start3A_296, %dma_start3A_297] : memref<2x128xi32, #tpu.memory_space<vmem>> -> memref<1x128xi32, #tpu.memory_space<vmem>>
        %dma_start3A_299 = tpu.memref_squeeze %dma_start3A_298 : memref<1x128xi32, #tpu.memory_space<vmem>> -> memref<128xi32, #tpu.memory_space<vmem>>
        %dma_start3A_300 = tpu.memref_slice %arg4[%multiple_of3A_286] : memref<327680xi32, #tpu.memory_space<hbm>> -> memref<128xi32, #tpu.memory_space<hbm>>
        %dma_start3A_301 = arith.constant 0 : i32
        %dma_start3A_302 = tpu.memref_slice %arg7[%dma_start3A_296, %dma_start3A_301] : memref<2x128xi32, #tpu.memory_space<vmem>> -> memref<1x128xi32, #tpu.memory_space<vmem>>
        %dma_start3A_303 = tpu.memref_squeeze %dma_start3A_302 : memref<1x128xi32, #tpu.memory_space<vmem>> -> memref<128xi32, #tpu.memory_space<vmem>>
        %dma_start3A_304 = tpu.memref_slice %arg4[%multiple_of3A_286] : memref<327680xi32, #tpu.memory_space<hbm>> -> memref<128xi32, #tpu.memory_space<hbm>>
        tpu.enqueue_dma source(%dma_start3A_304 : memref<128xi32, #tpu.memory_space<hbm>>) target(%dma_start3A_303 : memref<128xi32, #tpu.memory_space<vmem>>) target_semaphore(%arg11 : memref<!tpu.dma_semaphore, #tpu.memory_space<semaphore_mem>>)
      } else {
      }
      %mul3A_251 = arith.constant 2 : i32
      %mul3A_252 = arith.muli %scan3A_227, %mul3A_251 : i32
      %add3A_253 = arith.constant 1 : i32
      %add3A_254 = arith.addi %mul3A_252, %add3A_253 : i32
      %add3A_255 = arith.constant 2 : i32
      %add3A_256 = arith.addi %add3A_254, %add3A_255 : i32
      %sub3A_257 = arith.constant 1 : i32
      %sub3A_258 = arith.subi %add3A_256, %sub3A_257 : i32
      %lt3A_259 = arith.constant 80 : i32
      %lt3A_260 = arith.cmpi slt, %sub3A_258, %lt3A_259 : i32
      %convert_element_type3A_261 = arith.extui %lt3A_260 : i1 to i32
      %cond3A_262 = arith.constant 0 : i32
      %cond3A_263 = arith.cmpi ne, %convert_element_type3A_261, %cond3A_262 : i32
      scf.if %cond3A_263 {
        %dma_wait3A_279 = arith.constant 0 : i32
        %dma_wait3A_280 = arith.constant 0 : i32
        %dma_wait3A_281 = tpu.memref_slice %arg6[%dma_wait3A_279, %dma_wait3A_280] : memref<2x128xi32, #tpu.memory_space<vmem>> -> memref<1x128xi32, #tpu.memory_space<vmem>>
        %dma_wait3A_282 = tpu.memref_squeeze %dma_wait3A_281 : memref<1x128xi32, #tpu.memory_space<vmem>> -> memref<128xi32, #tpu.memory_space<vmem>>
        %dma_wait3A_283 = arith.constant 0 : i32
        %dma_wait3A_284 = tpu.memref_slice %arg3[%dma_wait3A_283] : memref<327680xi32, #tpu.memory_space<hbm>> -> memref<128xi32, #tpu.memory_space<hbm>>
        %dma_wait3A_285 = arith.constant 0 : i32
        %dma_wait3A_286 = tpu.memref_slice %arg6[%dma_wait3A_279, %dma_wait3A_285] : memref<2x128xi32, #tpu.memory_space<vmem>> -> memref<1x128xi32, #tpu.memory_space<vmem>>
        %dma_wait3A_287 = tpu.memref_squeeze %dma_wait3A_286 : memref<1x128xi32, #tpu.memory_space<vmem>> -> memref<128xi32, #tpu.memory_space<vmem>>
        %dma_wait3A_288 = arith.constant 0 : i32
        %dma_wait3A_289 = tpu.memref_slice %arg3[%dma_wait3A_288] : memref<327680xi32, #tpu.memory_space<hbm>> -> memref<128xi32, #tpu.memory_space<hbm>>
        tpu.wait_dma2 semaphore(%arg11 : memref<!tpu.dma_semaphore, #tpu.memory_space<semaphore_mem>>) src(%dma_wait3A_289 : memref<128xi32, #tpu.memory_space<hbm>>) dst(%dma_wait3A_287 : memref<128xi32, #tpu.memory_space<vmem>>)
        %dma_wait3A_290 = arith.constant 0 : i32
        %dma_wait3A_291 = arith.constant 0 : i32
        %dma_wait3A_292 = tpu.memref_slice %arg7[%dma_wait3A_290, %dma_wait3A_291] : memref<2x128xi32, #tpu.memory_space<vmem>> -> memref<1x128xi32, #tpu.memory_space<vmem>>
        %dma_wait3A_293 = tpu.memref_squeeze %dma_wait3A_292 : memref<1x128xi32, #tpu.memory_space<vmem>> -> memref<128xi32, #tpu.memory_space<vmem>>
        %dma_wait3A_294 = arith.constant 0 : i32
        %dma_wait3A_295 = tpu.memref_slice %arg4[%dma_wait3A_294] : memref<327680xi32, #tpu.memory_space<hbm>> -> memref<128xi32, #tpu.memory_space<hbm>>
        %dma_wait3A_296 = arith.constant 0 : i32
        %dma_wait3A_297 = tpu.memref_slice %arg7[%dma_wait3A_290, %dma_wait3A_296] : memref<2x128xi32, #tpu.memory_space<vmem>> -> memref<1x128xi32, #tpu.memory_space<vmem>>
        %dma_wait3A_298 = tpu.memref_squeeze %dma_wait3A_297 : memref<1x128xi32, #tpu.memory_space<vmem>> -> memref<128xi32, #tpu.memory_space<vmem>>
        %dma_wait3A_299 = arith.constant 0 : i32
        %dma_wait3A_300 = tpu.memref_slice %arg4[%dma_wait3A_299] : memref<327680xi32, #tpu.memory_space<hbm>> -> memref<128xi32, #tpu.memory_space<hbm>>
        tpu.wait_dma2 semaphore(%arg11 : memref<!tpu.dma_semaphore, #tpu.memory_space<semaphore_mem>>) src(%dma_wait3A_300 : memref<128xi32, #tpu.memory_space<hbm>>) dst(%dma_wait3A_298 : memref<128xi32, #tpu.memory_space<vmem>>)
        %dma_start3A_301 = arith.constant 0 : i32
        %dma_start3A_302 = arith.constant 0 : i32
        %dma_start3A_303 = tpu.memref_slice %arg6[%dma_start3A_301, %dma_start3A_302] : memref<2x128xi32, #tpu.memory_space<vmem>> -> memref<1x128xi32, #tpu.memory_space<vmem>>
        %dma_start3A_304 = tpu.memref_squeeze %dma_start3A_303 : memref<1x128xi32, #tpu.memory_space<vmem>> -> memref<128xi32, #tpu.memory_space<vmem>>
        %dma_start3A_305 = arith.constant 0 : i32
        %dma_start3A_306 = arith.constant 0 : i32
        %dma_start3A_307 = tpu.memref_slice %arg2[%dma_start3A_305, %dma_start3A_306] : memref<10008x128xf32, #tpu.memory_space<hbm>> -> memref<10008x128xf32, #tpu.memory_space<hbm>>
        tpu.enqueue_indirect_dma source(%dma_start3A_307 : memref<10008x128xf32, #tpu.memory_space<hbm>>) target(%arg8 : memref<128x128xf32, #tpu.memory_space<vmem>>) offsets(%dma_start3A_304 : memref<128xi32, #tpu.memory_space<vmem>>) semaphore(%arg13 : memref<!tpu.dma_semaphore, #tpu.memory_space<semaphore_mem>>)
      } else {
      }
      %dma_wait3A_264 = arith.constant 1 : i32
      %dma_wait3A_265 = arith.constant 0 : i32
      %dma_wait3A_266 = tpu.memref_slice %arg6[%dma_wait3A_264, %dma_wait3A_265] : memref<2x128xi32, #tpu.memory_space<vmem>> -> memref<1x128xi32, #tpu.memory_space<vmem>>
      %dma_wait3A_267 = tpu.memref_squeeze %dma_wait3A_266 : memref<1x128xi32, #tpu.memory_space<vmem>> -> memref<128xi32, #tpu.memory_space<vmem>>
      %dma_wait3A_268 = arith.constant 0 : i32
      %dma_wait3A_269 = arith.constant 0 : i32
      %dma_wait3A_270 = tpu.memref_slice %arg2[%dma_wait3A_268, %dma_wait3A_269] : memref<10008x128xf32, #tpu.memory_space<hbm>> -> memref<10008x128xf32, #tpu.memory_space<hbm>>
      tpu.wait_indirect_dma semaphore(%arg14 : memref<!tpu.dma_semaphore, #tpu.memory_space<semaphore_mem>>) src(%dma_wait3A_270 : memref<10008x128xf32, #tpu.memory_space<hbm>>) dst(%arg9 : memref<128x128xf32, #tpu.memory_space<vmem>>)
      %run_scoped3A_271 = arith.constant 1 : i32
      "tpu.region"() ({
        %run_scoped3A_279 = tpu.sem_alloc : memref<!tpu.dma_semaphore, #tpu.memory_space<semaphore_mem>>
        %dma_start3A_280 = arith.constant 0 : i32
        %dma_start3A_281 = tpu.memref_slice %arg7[%run_scoped3A_271, %dma_start3A_280] : memref<2x128xi32, #tpu.memory_space<vmem>> -> memref<1x128xi32, #tpu.memory_space<vmem>>
        %dma_start3A_282 = tpu.memref_squeeze %dma_start3A_281 : memref<1x128xi32, #tpu.memory_space<vmem>> -> memref<128xi32, #tpu.memory_space<vmem>>
        %dma_start3A_283 = arith.constant 0 : i32
        %dma_start3A_284 = arith.constant 0 : i32
        %dma_start3A_285 = tpu.memref_slice %arg10[%dma_start3A_283, %dma_start3A_284] : memref<10240x128xf32, #tpu.memory_space<vmem_shared>> -> memref<10240x128xf32, #tpu.memory_space<vmem_shared>>
        tpu.enqueue_indirect_dma source(%arg9 : memref<128x128xf32, #tpu.memory_space<vmem>>) target(%dma_start3A_285 : memref<10240x128xf32, #tpu.memory_space<vmem_shared>>) offsets(%dma_start3A_282 : memref<128xi32, #tpu.memory_space<vmem>>) semaphore(%run_scoped3A_279 : memref<!tpu.dma_semaphore, #tpu.memory_space<semaphore_mem>>) {add = true}
        %dma_wait3A_286 = arith.constant 0 : i32
        %dma_wait3A_287 = tpu.memref_slice %arg7[%run_scoped3A_271, %dma_wait3A_286] : memref<2x128xi32, #tpu.memory_space<vmem>> -> memref<1x128xi32, #tpu.memory_space<vmem>>
        %dma_wait3A_288 = tpu.memref_squeeze %dma_wait3A_287 : memref<1x128xi32, #tpu.memory_space<vmem>> -> memref<128xi32, #tpu.memory_space<vmem>>
        %dma_wait3A_289 = arith.constant 0 : i32
        %dma_wait3A_290 = arith.constant 0 : i32
        %dma_wait3A_291 = tpu.memref_slice %arg10[%dma_wait3A_289, %dma_wait3A_290] : memref<10240x128xf32, #tpu.memory_space<vmem_shared>> -> memref<10240x128xf32, #tpu.memory_space<vmem_shared>>
        tpu.wait_indirect_dma semaphore(%run_scoped3A_279 : memref<!tpu.dma_semaphore, #tpu.memory_space<semaphore_mem>>) src(%arg9 : memref<128x128xf32, #tpu.memory_space<vmem>>) dst(%dma_wait3A_291 : memref<10240x128xf32, #tpu.memory_space<vmem_shared>>)
        tpu.yield
      }) : () -> ()
      %add3A_272 = arith.constant 2 : i32
      %add3A_273 = arith.addi %add3A_254, %add3A_272 : i32
      %lt3A_274 = arith.constant 80 : i32
      %lt3A_275 = arith.cmpi slt, %add3A_273, %lt3A_274 : i32
      %convert_element_type3A_276 = arith.extui %lt3A_275 : i1 to i32
      %cond3A_277 = arith.constant 0 : i32
      %cond3A_278 = arith.cmpi ne, %convert_element_type3A_276, %cond3A_277 : i32
      scf.if %cond3A_278 {
        %add3A_279 = arith.constant 2 : i32
        %add3A_280 = arith.addi %add3A_254, %add3A_279 : i32
        %mul3A_281 = arith.constant 32 : i32
        %mul3A_282 = arith.muli %add3A_280, %mul3A_281 : i32
        %add3A_283 = arith.addi %add3A, %mul3A_282 : i32
        %mul3A_284 = arith.constant 128 : i32
        %mul3A_285 = arith.muli %add3A_283, %mul3A_284 : i32
        %multiple_of3A_286 = tpu.assume_multiple %mul3A_285, 8 : i32
        %dma_start3A_287 = arith.constant 1 : i32
        %dma_start3A_288 = arith.constant 0 : i32
        %dma_start3A_289 = tpu.memref_slice %arg6[%dma_start3A_287, %dma_start3A_288] : memref<2x128xi32, #tpu.memory_space<vmem>> -> memref<1x128xi32, #tpu.memory_space<vmem>>
        %dma_start3A_290 = tpu.memref_squeeze %dma_start3A_289 : memref<1x128xi32, #tpu.memory_space<vmem>> -> memref<128xi32, #tpu.memory_space<vmem>>
        %dma_start3A_291 = tpu.memref_slice %arg3[%multiple_of3A_286] : memref<327680xi32, #tpu.memory_space<hbm>> -> memref<128xi32, #tpu.memory_space<hbm>>
        %dma_start3A_292 = arith.constant 0 : i32
        %dma_start3A_293 = tpu.memref_slice %arg6[%dma_start3A_287, %dma_start3A_292] : memref<2x128xi32, #tpu.memory_space<vmem>> -> memref<1x128xi32, #tpu.memory_space<vmem>>
        %dma_start3A_294 = tpu.memref_squeeze %dma_start3A_293 : memref<1x128xi32, #tpu.memory_space<vmem>> -> memref<128xi32, #tpu.memory_space<vmem>>
        %dma_start3A_295 = tpu.memref_slice %arg3[%multiple_of3A_286] : memref<327680xi32, #tpu.memory_space<hbm>> -> memref<128xi32, #tpu.memory_space<hbm>>
        tpu.enqueue_dma source(%dma_start3A_295 : memref<128xi32, #tpu.memory_space<hbm>>) target(%dma_start3A_294 : memref<128xi32, #tpu.memory_space<vmem>>) target_semaphore(%arg12 : memref<!tpu.dma_semaphore, #tpu.memory_space<semaphore_mem>>)
        %dma_start3A_296 = arith.constant 1 : i32
        %dma_start3A_297 = arith.constant 0 : i32
        %dma_start3A_298 = tpu.memref_slice %arg7[%dma_start3A_296, %dma_start3A_297] : memref<2x128xi32, #tpu.memory_space<vmem>> -> memref<1x128xi32, #tpu.memory_space<vmem>>
        %dma_start3A_299 = tpu.memref_squeeze %dma_start3A_298 : memref<1x128xi32, #tpu.memory_space<vmem>> -> memref<128xi32, #tpu.memory_space<vmem>>
        %dma_start3A_300 = tpu.memref_slice %arg4[%multiple_of3A_286] : memref<327680xi32, #tpu.memory_space<hbm>> -> memref<128xi32, #tpu.memory_space<hbm>>
        %dma_start3A_301 = arith.constant 0 : i32
        %dma_start3A_302 = tpu.memref_slice %arg7[%dma_start3A_296, %dma_start3A_301] : memref<2x128xi32, #tpu.memory_space<vmem>> -> memref<1x128xi32, #tpu.memory_space<vmem>>
        %dma_start3A_303 = tpu.memref_squeeze %dma_start3A_302 : memref<1x128xi32, #tpu.memory_space<vmem>> -> memref<128xi32, #tpu.memory_space<vmem>>
        %dma_start3A_304 = tpu.memref_slice %arg4[%multiple_of3A_286] : memref<327680xi32, #tpu.memory_space<hbm>> -> memref<128xi32, #tpu.memory_space<hbm>>
        tpu.enqueue_dma source(%dma_start3A_304 : memref<128xi32, #tpu.memory_space<hbm>>) target(%dma_start3A_303 : memref<128xi32, #tpu.memory_space<vmem>>) target_semaphore(%arg12 : memref<!tpu.dma_semaphore, #tpu.memory_space<semaphore_mem>>)
      } else {
      }
    }
    %scan3A_95 = arith.constant 40 : i32
    %barrier3A_96 = arith.constant 0 : index
    tpu.barrier barrier_id(%barrier3A_96)
    %add3A_97 = arith.constant 0 : i32
    %add3A_98 = arith.addi %mul3A_51, %add3A_97 : i32
    "tpu.region"() ({
      %run_scoped3A = tpu.sem_alloc : memref<!tpu.dma_semaphore, #tpu.memory_space<semaphore_mem>>
      %dma_start3A_227 = arith.constant 0 : i32
      %dma_start3A_228 = arith.constant 0 : i32
      %dma_start3A_229 = tpu.memref_slice %arg8[%dma_start3A_227, %dma_start3A_228] : memref<128x128xf32, #tpu.memory_space<vmem>> -> memref<128x128xf32, #tpu.memory_space<vmem>>
      %dma_start3A_230 = arith.constant 0 : i32
      %dma_start3A_231 = tpu.memref_slice %arg10[%add3A_98, %dma_start3A_230] : memref<10240x128xf32, #tpu.memory_space<vmem_shared>> -> memref<128x128xf32, #tpu.memory_space<vmem_shared>>
      %dma_start3A_232 = arith.constant 0 : i32
      %dma_start3A_233 = arith.constant 0 : i32
      %dma_start3A_234 = tpu.memref_slice %arg8[%dma_start3A_232, %dma_start3A_233] : memref<128x128xf32, #tpu.memory_space<vmem>> -> memref<128x128xf32, #tpu.memory_space<vmem>>
      %dma_start3A_235 = arith.constant 0 : i32
      %dma_start3A_236 = tpu.memref_slice %arg10[%add3A_98, %dma_start3A_235] : memref<10240x128xf32, #tpu.memory_space<vmem_shared>> -> memref<128x128xf32, #tpu.memory_space<vmem_shared>>
      tpu.enqueue_dma source(%dma_start3A_236 : memref<128x128xf32, #tpu.memory_space<vmem_shared>>) target(%dma_start3A_234 : memref<128x128xf32, #tpu.memory_space<vmem>>) target_semaphore(%run_scoped3A : memref<!tpu.dma_semaphore, #tpu.memory_space<semaphore_mem>>)
      %dma_wait3A_237 = arith.constant 0 : i32
      %dma_wait3A_238 = arith.constant 0 : i32
      %dma_wait3A_239 = tpu.memref_slice %arg8[%dma_wait3A_237, %dma_wait3A_238] : memref<128x128xf32, #tpu.memory_space<vmem>> -> memref<128x128xf32, #tpu.memory_space<vmem>>
      %dma_wait3A_240 = arith.constant 0 : i32
      %dma_wait3A_241 = tpu.memref_slice %arg10[%add3A_98, %dma_wait3A_240] : memref<10240x128xf32, #tpu.memory_space<vmem_shared>> -> memref<128x128xf32, #tpu.memory_space<vmem_shared>>
      %dma_wait3A_242 = arith.constant 0 : i32
      %dma_wait3A_243 = arith.constant 0 : i32
      %dma_wait3A_244 = tpu.memref_slice %arg8[%dma_wait3A_242, %dma_wait3A_243] : memref<128x128xf32, #tpu.memory_space<vmem>> -> memref<128x128xf32, #tpu.memory_space<vmem>>
      %dma_wait3A_245 = arith.constant 0 : i32
      %dma_wait3A_246 = tpu.memref_slice %arg10[%add3A_98, %dma_wait3A_245] : memref<10240x128xf32, #tpu.memory_space<vmem_shared>> -> memref<128x128xf32, #tpu.memory_space<vmem_shared>>
      tpu.wait_dma2 semaphore(%run_scoped3A : memref<!tpu.dma_semaphore, #tpu.memory_space<semaphore_mem>>) src(%dma_wait3A_246 : memref<128x128xf32, #tpu.memory_space<vmem_shared>>) dst(%dma_wait3A_244 : memref<128x128xf32, #tpu.memory_space<vmem>>)
      tpu.yield
    }) : () -> ()
    %dma_start3A_99 = arith.constant 0 : i32
    %dma_start3A_100 = arith.constant 0 : i32
    %dma_start3A_101 = tpu.memref_slice %arg8[%dma_start3A_99, %dma_start3A_100] : memref<128x128xf32, #tpu.memory_space<vmem>> -> memref<128x128xf32, #tpu.memory_space<vmem>>
    %dma_start3A_102 = arith.constant 0 : i32
    %dma_start3A_103 = tpu.memref_slice %arg5[%arg0, %add3A_98, %dma_start3A_102] : memref<2x10240x128xf32, #tpu.memory_space<hbm>> -> memref<1x128x128xf32, #tpu.memory_space<hbm>>
    %dma_start3A_104 = tpu.memref_squeeze %dma_start3A_103 : memref<1x128x128xf32, #tpu.memory_space<hbm>> -> memref<128x128xf32, #tpu.memory_space<hbm>>
    %dma_start3A_105 = arith.constant 0 : i32
    %dma_start3A_106 = tpu.memref_slice %arg5[%arg0, %add3A_98, %dma_start3A_105] : memref<2x10240x128xf32, #tpu.memory_space<hbm>> -> memref<1x128x128xf32, #tpu.memory_space<hbm>>
    %dma_start3A_107 = tpu.memref_squeeze %dma_start3A_106 : memref<1x128x128xf32, #tpu.memory_space<hbm>> -> memref<128x128xf32, #tpu.memory_space<hbm>>
    %dma_start3A_108 = arith.constant 0 : i32
    %dma_start3A_109 = arith.constant 0 : i32
    %dma_start3A_110 = tpu.memref_slice %arg8[%dma_start3A_108, %dma_start3A_109] : memref<128x128xf32, #tpu.memory_space<vmem>> -> memref<128x128xf32, #tpu.memory_space<vmem>>
    tpu.enqueue_dma source(%dma_start3A_110 : memref<128x128xf32, #tpu.memory_space<vmem>>) target(%dma_start3A_107 : memref<128x128xf32, #tpu.memory_space<hbm>>) target_semaphore(%arg13 : memref<!tpu.dma_semaphore, #tpu.memory_space<semaphore_mem>>)
    %add3A_111 = arith.constant 128 : i32
    %add3A_112 = arith.addi %mul3A_51, %add3A_111 : i32
    "tpu.region"() ({
      %run_scoped3A = tpu.sem_alloc : memref<!tpu.dma_semaphore, #tpu.memory_space<semaphore_mem>>
      %dma_start3A_227 = arith.constant 0 : i32
      %dma_start3A_228 = arith.constant 0 : i32
      %dma_start3A_229 = tpu.memref_slice %arg9[%dma_start3A_227, %dma_start3A_228] : memref<128x128xf32, #tpu.memory_space<vmem>> -> memref<128x128xf32, #tpu.memory_space<vmem>>
      %dma_start3A_230 = arith.constant 0 : i32
      %dma_start3A_231 = tpu.memref_slice %arg10[%add3A_112, %dma_start3A_230] : memref<10240x128xf32, #tpu.memory_space<vmem_shared>> -> memref<128x128xf32, #tpu.memory_space<vmem_shared>>
      %dma_start3A_232 = arith.constant 0 : i32
      %dma_start3A_233 = arith.constant 0 : i32
      %dma_start3A_234 = tpu.memref_slice %arg9[%dma_start3A_232, %dma_start3A_233] : memref<128x128xf32, #tpu.memory_space<vmem>> -> memref<128x128xf32, #tpu.memory_space<vmem>>
      %dma_start3A_235 = arith.constant 0 : i32
      %dma_start3A_236 = tpu.memref_slice %arg10[%add3A_112, %dma_start3A_235] : memref<10240x128xf32, #tpu.memory_space<vmem_shared>> -> memref<128x128xf32, #tpu.memory_space<vmem_shared>>
      tpu.enqueue_dma source(%dma_start3A_236 : memref<128x128xf32, #tpu.memory_space<vmem_shared>>) target(%dma_start3A_234 : memref<128x128xf32, #tpu.memory_space<vmem>>) target_semaphore(%run_scoped3A : memref<!tpu.dma_semaphore, #tpu.memory_space<semaphore_mem>>)
      %dma_wait3A_237 = arith.constant 0 : i32
      %dma_wait3A_238 = arith.constant 0 : i32
      %dma_wait3A_239 = tpu.memref_slice %arg9[%dma_wait3A_237, %dma_wait3A_238] : memref<128x128xf32, #tpu.memory_space<vmem>> -> memref<128x128xf32, #tpu.memory_space<vmem>>
      %dma_wait3A_240 = arith.constant 0 : i32
      %dma_wait3A_241 = tpu.memref_slice %arg10[%add3A_112, %dma_wait3A_240] : memref<10240x128xf32, #tpu.memory_space<vmem_shared>> -> memref<128x128xf32, #tpu.memory_space<vmem_shared>>
      %dma_wait3A_242 = arith.constant 0 : i32
      %dma_wait3A_243 = arith.constant 0 : i32
      %dma_wait3A_244 = tpu.memref_slice %arg9[%dma_wait3A_242, %dma_wait3A_243] : memref<128x128xf32, #tpu.memory_space<vmem>> -> memref<128x128xf32, #tpu.memory_space<vmem>>
      %dma_wait3A_245 = arith.constant 0 : i32
      %dma_wait3A_246 = tpu.memref_slice %arg10[%add3A_112, %dma_wait3A_245] : memref<10240x128xf32, #tpu.memory_space<vmem_shared>> -> memref<128x128xf32, #tpu.memory_space<vmem_shared>>
      tpu.wait_dma2 semaphore(%run_scoped3A : memref<!tpu.dma_semaphore, #tpu.memory_space<semaphore_mem>>) src(%dma_wait3A_246 : memref<128x128xf32, #tpu.memory_space<vmem_shared>>) dst(%dma_wait3A_244 : memref<128x128xf32, #tpu.memory_space<vmem>>)
      tpu.yield
    }) : () -> ()
    %dma_start3A_113 = arith.constant 0 : i32
    %dma_start3A_114 = arith.constant 0 : i32
    %dma_start3A_115 = tpu.memref_slice %arg9[%dma_start3A_113, %dma_start3A_114] : memref<128x128xf32, #tpu.memory_space<vmem>> -> memref<128x128xf32, #tpu.memory_space<vmem>>
    %dma_start3A_116 = arith.constant 0 : i32
    %dma_start3A_117 = tpu.memref_slice %arg5[%arg0, %add3A_112, %dma_start3A_116] : memref<2x10240x128xf32, #tpu.memory_space<hbm>> -> memref<1x128x128xf32, #tpu.memory_space<hbm>>
    %dma_start3A_118 = tpu.memref_squeeze %dma_start3A_117 : memref<1x128x128xf32, #tpu.memory_space<hbm>> -> memref<128x128xf32, #tpu.memory_space<hbm>>
    %dma_start3A_119 = arith.constant 0 : i32
    %dma_start3A_120 = tpu.memref_slice %arg5[%arg0, %add3A_112, %dma_start3A_119] : memref<2x10240x128xf32, #tpu.memory_space<hbm>> -> memref<1x128x128xf32, #tpu.memory_space<hbm>>
    %dma_start3A_121 = tpu.memref_squeeze %dma_start3A_120 : memref<1x128x128xf32, #tpu.memory_space<hbm>> -> memref<128x128xf32, #tpu.memory_space<hbm>>
    %dma_start3A_122 = arith.constant 0 : i32
    %dma_start3A_123 = arith.constant 0 : i32
    %dma_start3A_124 = tpu.memref_slice %arg9[%dma_start3A_122, %dma_start3A_123] : memref<128x128xf32, #tpu.memory_space<vmem>> -> memref<128x128xf32, #tpu.memory_space<vmem>>
    tpu.enqueue_dma source(%dma_start3A_124 : memref<128x128xf32, #tpu.memory_space<vmem>>) target(%dma_start3A_121 : memref<128x128xf32, #tpu.memory_space<hbm>>) target_semaphore(%arg14 : memref<!tpu.dma_semaphore, #tpu.memory_space<semaphore_mem>>)
    %dma_wait3A_125 = arith.constant 0 : i32
    %dma_wait3A_126 = arith.constant 0 : i32
    %dma_wait3A_127 = tpu.memref_slice %arg8[%dma_wait3A_125, %dma_wait3A_126] : memref<128x128xf32, #tpu.memory_space<vmem>> -> memref<128x128xf32, #tpu.memory_space<vmem>>
    %dma_wait3A_128 = arith.constant 0 : i32
    %dma_wait3A_129 = arith.constant 0 : i32
    %dma_wait3A_130 = tpu.memref_slice %arg2[%dma_wait3A_128, %dma_wait3A_129] : memref<10008x128xf32, #tpu.memory_space<hbm>> -> memref<128x128xf32, #tpu.memory_space<hbm>>
    %dma_wait3A_131 = arith.constant 0 : i32
    %dma_wait3A_132 = arith.constant 0 : i32
    %dma_wait3A_133 = tpu.memref_slice %arg8[%dma_wait3A_131, %dma_wait3A_132] : memref<128x128xf32, #tpu.memory_space<vmem>> -> memref<128x128xf32, #tpu.memory_space<vmem>>
    %dma_wait3A_134 = arith.constant 0 : i32
    %dma_wait3A_135 = arith.constant 0 : i32
    %dma_wait3A_136 = tpu.memref_slice %arg2[%dma_wait3A_134, %dma_wait3A_135] : memref<10008x128xf32, #tpu.memory_space<hbm>> -> memref<128x128xf32, #tpu.memory_space<hbm>>
    tpu.wait_dma2 semaphore(%arg13 : memref<!tpu.dma_semaphore, #tpu.memory_space<semaphore_mem>>) src(%dma_wait3A_136 : memref<128x128xf32, #tpu.memory_space<hbm>>) dst(%dma_wait3A_133 : memref<128x128xf32, #tpu.memory_space<vmem>>)
    %add3A_137 = arith.constant 256 : i32
    %add3A_138 = arith.addi %mul3A_51, %add3A_137 : i32
    "tpu.region"() ({
      %run_scoped3A = tpu.sem_alloc : memref<!tpu.dma_semaphore, #tpu.memory_space<semaphore_mem>>
      %dma_start3A_227 = arith.constant 0 : i32
      %dma_start3A_228 = arith.constant 0 : i32
      %dma_start3A_229 = tpu.memref_slice %arg8[%dma_start3A_227, %dma_start3A_228] : memref<128x128xf32, #tpu.memory_space<vmem>> -> memref<128x128xf32, #tpu.memory_space<vmem>>
      %dma_start3A_230 = arith.constant 0 : i32
      %dma_start3A_231 = tpu.memref_slice %arg10[%add3A_138, %dma_start3A_230] : memref<10240x128xf32, #tpu.memory_space<vmem_shared>> -> memref<128x128xf32, #tpu.memory_space<vmem_shared>>
      %dma_start3A_232 = arith.constant 0 : i32
      %dma_start3A_233 = arith.constant 0 : i32
      %dma_start3A_234 = tpu.memref_slice %arg8[%dma_start3A_232, %dma_start3A_233] : memref<128x128xf32, #tpu.memory_space<vmem>> -> memref<128x128xf32, #tpu.memory_space<vmem>>
      %dma_start3A_235 = arith.constant 0 : i32
      %dma_start3A_236 = tpu.memref_slice %arg10[%add3A_138, %dma_start3A_235] : memref<10240x128xf32, #tpu.memory_space<vmem_shared>> -> memref<128x128xf32, #tpu.memory_space<vmem_shared>>
      tpu.enqueue_dma source(%dma_start3A_236 : memref<128x128xf32, #tpu.memory_space<vmem_shared>>) target(%dma_start3A_234 : memref<128x128xf32, #tpu.memory_space<vmem>>) target_semaphore(%run_scoped3A : memref<!tpu.dma_semaphore, #tpu.memory_space<semaphore_mem>>)
      %dma_wait3A_237 = arith.constant 0 : i32
      %dma_wait3A_238 = arith.constant 0 : i32
      %dma_wait3A_239 = tpu.memref_slice %arg8[%dma_wait3A_237, %dma_wait3A_238] : memref<128x128xf32, #tpu.memory_space<vmem>> -> memref<128x128xf32, #tpu.memory_space<vmem>>
      %dma_wait3A_240 = arith.constant 0 : i32
      %dma_wait3A_241 = tpu.memref_slice %arg10[%add3A_138, %dma_wait3A_240] : memref<10240x128xf32, #tpu.memory_space<vmem_shared>> -> memref<128x128xf32, #tpu.memory_space<vmem_shared>>
      %dma_wait3A_242 = arith.constant 0 : i32
      %dma_wait3A_243 = arith.constant 0 : i32
      %dma_wait3A_244 = tpu.memref_slice %arg8[%dma_wait3A_242, %dma_wait3A_243] : memref<128x128xf32, #tpu.memory_space<vmem>> -> memref<128x128xf32, #tpu.memory_space<vmem>>
      %dma_wait3A_245 = arith.constant 0 : i32
      %dma_wait3A_246 = tpu.memref_slice %arg10[%add3A_138, %dma_wait3A_245] : memref<10240x128xf32, #tpu.memory_space<vmem_shared>> -> memref<128x128xf32, #tpu.memory_space<vmem_shared>>
      tpu.wait_dma2 semaphore(%run_scoped3A : memref<!tpu.dma_semaphore, #tpu.memory_space<semaphore_mem>>) src(%dma_wait3A_246 : memref<128x128xf32, #tpu.memory_space<vmem_shared>>) dst(%dma_wait3A_244 : memref<128x128xf32, #tpu.memory_space<vmem>>)
      tpu.yield
    }) : () -> ()
    %dma_start3A_139 = arith.constant 0 : i32
    %dma_start3A_140 = arith.constant 0 : i32
    %dma_start3A_141 = tpu.memref_slice %arg8[%dma_start3A_139, %dma_start3A_140] : memref<128x128xf32, #tpu.memory_space<vmem>> -> memref<128x128xf32, #tpu.memory_space<vmem>>
    %dma_start3A_142 = arith.constant 0 : i32
    %dma_start3A_143 = tpu.memref_slice %arg5[%arg0, %add3A_138, %dma_start3A_142] : memref<2x10240x128xf32, #tpu.memory_space<hbm>> -> memref<1x128x128xf32, #tpu.memory_space<hbm>>
    %dma_start3A_144 = tpu.memref_squeeze %dma_start3A_143 : memref<1x128x128xf32, #tpu.memory_space<hbm>> -> memref<128x128xf32, #tpu.memory_space<hbm>>
    %dma_start3A_145 = arith.constant 0 : i32
    %dma_start3A_146 = tpu.memref_slice %arg5[%arg0, %add3A_138, %dma_start3A_145] : memref<2x10240x128xf32, #tpu.memory_space<hbm>> -> memref<1x128x128xf32, #tpu.memory_space<hbm>>
    %dma_start3A_147 = tpu.memref_squeeze %dma_start3A_146 : memref<1x128x128xf32, #tpu.memory_space<hbm>> -> memref<128x128xf32, #tpu.memory_space<hbm>>
    %dma_start3A_148 = arith.constant 0 : i32
    %dma_start3A_149 = arith.constant 0 : i32
    %dma_start3A_150 = tpu.memref_slice %arg8[%dma_start3A_148, %dma_start3A_149] : memref<128x128xf32, #tpu.memory_space<vmem>> -> memref<128x128xf32, #tpu.memory_space<vmem>>
    tpu.enqueue_dma source(%dma_start3A_150 : memref<128x128xf32, #tpu.memory_space<vmem>>) target(%dma_start3A_147 : memref<128x128xf32, #tpu.memory_space<hbm>>) target_semaphore(%arg13 : memref<!tpu.dma_semaphore, #tpu.memory_space<semaphore_mem>>)
    %dma_wait3A_151 = arith.constant 0 : i32
    %dma_wait3A_152 = arith.constant 0 : i32
    %dma_wait3A_153 = tpu.memref_slice %arg9[%dma_wait3A_151, %dma_wait3A_152] : memref<128x128xf32, #tpu.memory_space<vmem>> -> memref<128x128xf32, #tpu.memory_space<vmem>>
    %dma_wait3A_154 = arith.constant 0 : i32
    %dma_wait3A_155 = arith.constant 0 : i32
    %dma_wait3A_156 = tpu.memref_slice %arg2[%dma_wait3A_154, %dma_wait3A_155] : memref<10008x128xf32, #tpu.memory_space<hbm>> -> memref<128x128xf32, #tpu.memory_space<hbm>>
    %dma_wait3A_157 = arith.constant 0 : i32
    %dma_wait3A_158 = arith.constant 0 : i32
    %dma_wait3A_159 = tpu.memref_slice %arg9[%dma_wait3A_157, %dma_wait3A_158] : memref<128x128xf32, #tpu.memory_space<vmem>> -> memref<128x128xf32, #tpu.memory_space<vmem>>
    %dma_wait3A_160 = arith.constant 0 : i32
    %dma_wait3A_161 = arith.constant 0 : i32
    %dma_wait3A_162 = tpu.memref_slice %arg2[%dma_wait3A_160, %dma_wait3A_161] : memref<10008x128xf32, #tpu.memory_space<hbm>> -> memref<128x128xf32, #tpu.memory_space<hbm>>
    tpu.wait_dma2 semaphore(%arg14 : memref<!tpu.dma_semaphore, #tpu.memory_space<semaphore_mem>>) src(%dma_wait3A_162 : memref<128x128xf32, #tpu.memory_space<hbm>>) dst(%dma_wait3A_159 : memref<128x128xf32, #tpu.memory_space<vmem>>)
    %add3A_163 = arith.constant 384 : i32
    %add3A_164 = arith.addi %mul3A_51, %add3A_163 : i32
    "tpu.region"() ({
      %run_scoped3A = tpu.sem_alloc : memref<!tpu.dma_semaphore, #tpu.memory_space<semaphore_mem>>
      %dma_start3A_227 = arith.constant 0 : i32
      %dma_start3A_228 = arith.constant 0 : i32
      %dma_start3A_229 = tpu.memref_slice %arg9[%dma_start3A_227, %dma_start3A_228] : memref<128x128xf32, #tpu.memory_space<vmem>> -> memref<128x128xf32, #tpu.memory_space<vmem>>
      %dma_start3A_230 = arith.constant 0 : i32
      %dma_start3A_231 = tpu.memref_slice %arg10[%add3A_164, %dma_start3A_230] : memref<10240x128xf32, #tpu.memory_space<vmem_shared>> -> memref<128x128xf32, #tpu.memory_space<vmem_shared>>
      %dma_start3A_232 = arith.constant 0 : i32
      %dma_start3A_233 = arith.constant 0 : i32
      %dma_start3A_234 = tpu.memref_slice %arg9[%dma_start3A_232, %dma_start3A_233] : memref<128x128xf32, #tpu.memory_space<vmem>> -> memref<128x128xf32, #tpu.memory_space<vmem>>
      %dma_start3A_235 = arith.constant 0 : i32
      %dma_start3A_236 = tpu.memref_slice %arg10[%add3A_164, %dma_start3A_235] : memref<10240x128xf32, #tpu.memory_space<vmem_shared>> -> memref<128x128xf32, #tpu.memory_space<vmem_shared>>
      tpu.enqueue_dma source(%dma_start3A_236 : memref<128x128xf32, #tpu.memory_space<vmem_shared>>) target(%dma_start3A_234 : memref<128x128xf32, #tpu.memory_space<vmem>>) target_semaphore(%run_scoped3A : memref<!tpu.dma_semaphore, #tpu.memory_space<semaphore_mem>>)
      %dma_wait3A_237 = arith.constant 0 : i32
      %dma_wait3A_238 = arith.constant 0 : i32
      %dma_wait3A_239 = tpu.memref_slice %arg9[%dma_wait3A_237, %dma_wait3A_238] : memref<128x128xf32, #tpu.memory_space<vmem>> -> memref<128x128xf32, #tpu.memory_space<vmem>>
      %dma_wait3A_240 = arith.constant 0 : i32
      %dma_wait3A_241 = tpu.memref_slice %arg10[%add3A_164, %dma_wait3A_240] : memref<10240x128xf32, #tpu.memory_space<vmem_shared>> -> memref<128x128xf32, #tpu.memory_space<vmem_shared>>
      %dma_wait3A_242 = arith.constant 0 : i32
      %dma_wait3A_243 = arith.constant 0 : i32
      %dma_wait3A_244 = tpu.memref_slice %arg9[%dma_wait3A_242, %dma_wait3A_243] : memref<128x128xf32, #tpu.memory_space<vmem>> -> memref<128x128xf32, #tpu.memory_space<vmem>>
      %dma_wait3A_245 = arith.constant 0 : i32
      %dma_wait3A_246 = tpu.memref_slice %arg10[%add3A_164, %dma_wait3A_245] : memref<10240x128xf32, #tpu.memory_space<vmem_shared>> -> memref<128x128xf32, #tpu.memory_space<vmem_shared>>
      tpu.wait_dma2 semaphore(%run_scoped3A : memref<!tpu.dma_semaphore, #tpu.memory_space<semaphore_mem>>) src(%dma_wait3A_246 : memref<128x128xf32, #tpu.memory_space<vmem_shared>>) dst(%dma_wait3A_244 : memref<128x128xf32, #tpu.memory_space<vmem>>)
      tpu.yield
    }) : () -> ()
    %dma_start3A_165 = arith.constant 0 : i32
    %dma_start3A_166 = arith.constant 0 : i32
    %dma_start3A_167 = tpu.memref_slice %arg9[%dma_start3A_165, %dma_start3A_166] : memref<128x128xf32, #tpu.memory_space<vmem>> -> memref<128x128xf32, #tpu.memory_space<vmem>>
    %dma_start3A_168 = arith.constant 0 : i32
    %dma_start3A_169 = tpu.memref_slice %arg5[%arg0, %add3A_164, %dma_start3A_168] : memref<2x10240x128xf32, #tpu.memory_space<hbm>> -> memref<1x128x128xf32, #tpu.memory_space<hbm>>
    %dma_start3A_170 = tpu.memref_squeeze %dma_start3A_169 : memref<1x128x128xf32, #tpu.memory_space<hbm>> -> memref<128x128xf32, #tpu.memory_space<hbm>>
    %dma_start3A_171 = arith.constant 0 : i32
    %dma_start3A_172 = tpu.memref_slice %arg5[%arg0, %add3A_164, %dma_start3A_171] : memref<2x10240x128xf32, #tpu.memory_space<hbm>> -> memref<1x128x128xf32, #tpu.memory_space<hbm>>
    %dma_start3A_173 = tpu.memref_squeeze %dma_start3A_172 : memref<1x128x128xf32, #tpu.memory_space<hbm>> -> memref<128x128xf32, #tpu.memory_space<hbm>>
    %dma_start3A_174 = arith.constant 0 : i32
    %dma_start3A_175 = arith.constant 0 : i32
    %dma_start3A_176 = tpu.memref_slice %arg9[%dma_start3A_174, %dma_start3A_175] : memref<128x128xf32, #tpu.memory_space<vmem>> -> memref<128x128xf32, #tpu.memory_space<vmem>>
    tpu.enqueue_dma source(%dma_start3A_176 : memref<128x128xf32, #tpu.memory_space<vmem>>) target(%dma_start3A_173 : memref<128x128xf32, #tpu.memory_space<hbm>>) target_semaphore(%arg14 : memref<!tpu.dma_semaphore, #tpu.memory_space<semaphore_mem>>)
    %dma_wait3A_177 = arith.constant 0 : i32
    %dma_wait3A_178 = arith.constant 0 : i32
    %dma_wait3A_179 = tpu.memref_slice %arg8[%dma_wait3A_177, %dma_wait3A_178] : memref<128x128xf32, #tpu.memory_space<vmem>> -> memref<128x128xf32, #tpu.memory_space<vmem>>
    %dma_wait3A_180 = arith.constant 0 : i32
    %dma_wait3A_181 = arith.constant 0 : i32
    %dma_wait3A_182 = tpu.memref_slice %arg2[%dma_wait3A_180, %dma_wait3A_181] : memref<10008x128xf32, #tpu.memory_space<hbm>> -> memref<128x128xf32, #tpu.memory_space<hbm>>
    %dma_wait3A_183 = arith.constant 0 : i32
    %dma_wait3A_184 = arith.constant 0 : i32
    %dma_wait3A_185 = tpu.memref_slice %arg8[%dma_wait3A_183, %dma_wait3A_184] : memref<128x128xf32, #tpu.memory_space<vmem>> -> memref<128x128xf32, #tpu.memory_space<vmem>>
    %dma_wait3A_186 = arith.constant 0 : i32
    %dma_wait3A_187 = arith.constant 0 : i32
    %dma_wait3A_188 = tpu.memref_slice %arg2[%dma_wait3A_186, %dma_wait3A_187] : memref<10008x128xf32, #tpu.memory_space<hbm>> -> memref<128x128xf32, #tpu.memory_space<hbm>>
    tpu.wait_dma2 semaphore(%arg13 : memref<!tpu.dma_semaphore, #tpu.memory_space<semaphore_mem>>) src(%dma_wait3A_188 : memref<128x128xf32, #tpu.memory_space<hbm>>) dst(%dma_wait3A_185 : memref<128x128xf32, #tpu.memory_space<vmem>>)
    %add3A_189 = arith.constant 512 : i32
    %add3A_190 = arith.addi %mul3A_51, %add3A_189 : i32
    "tpu.region"() ({
      %run_scoped3A = tpu.sem_alloc : memref<!tpu.dma_semaphore, #tpu.memory_space<semaphore_mem>>
      %dma_start3A_227 = arith.constant 0 : i32
      %dma_start3A_228 = arith.constant 0 : i32
      %dma_start3A_229 = tpu.memref_slice %arg8[%dma_start3A_227, %dma_start3A_228] : memref<128x128xf32, #tpu.memory_space<vmem>> -> memref<128x128xf32, #tpu.memory_space<vmem>>
      %dma_start3A_230 = arith.constant 0 : i32
      %dma_start3A_231 = tpu.memref_slice %arg10[%add3A_190, %dma_start3A_230] : memref<10240x128xf32, #tpu.memory_space<vmem_shared>> -> memref<128x128xf32, #tpu.memory_space<vmem_shared>>
      %dma_start3A_232 = arith.constant 0 : i32
      %dma_start3A_233 = arith.constant 0 : i32
      %dma_start3A_234 = tpu.memref_slice %arg8[%dma_start3A_232, %dma_start3A_233] : memref<128x128xf32, #tpu.memory_space<vmem>> -> memref<128x128xf32, #tpu.memory_space<vmem>>
      %dma_start3A_235 = arith.constant 0 : i32
      %dma_start3A_236 = tpu.memref_slice %arg10[%add3A_190, %dma_start3A_235] : memref<10240x128xf32, #tpu.memory_space<vmem_shared>> -> memref<128x128xf32, #tpu.memory_space<vmem_shared>>
      tpu.enqueue_dma source(%dma_start3A_236 : memref<128x128xf32, #tpu.memory_space<vmem_shared>>) target(%dma_start3A_234 : memref<128x128xf32, #tpu.memory_space<vmem>>) target_semaphore(%run_scoped3A : memref<!tpu.dma_semaphore, #tpu.memory_space<semaphore_mem>>)
      %dma_wait3A_237 = arith.constant 0 : i32
      %dma_wait3A_238 = arith.constant 0 : i32
      %dma_wait3A_239 = tpu.memref_slice %arg8[%dma_wait3A_237, %dma_wait3A_238] : memref<128x128xf32, #tpu.memory_space<vmem>> -> memref<128x128xf32, #tpu.memory_space<vmem>>
      %dma_wait3A_240 = arith.constant 0 : i32
      %dma_wait3A_241 = tpu.memref_slice %arg10[%add3A_190, %dma_wait3A_240] : memref<10240x128xf32, #tpu.memory_space<vmem_shared>> -> memref<128x128xf32, #tpu.memory_space<vmem_shared>>
      %dma_wait3A_242 = arith.constant 0 : i32
      %dma_wait3A_243 = arith.constant 0 : i32
      %dma_wait3A_244 = tpu.memref_slice %arg8[%dma_wait3A_242, %dma_wait3A_243] : memref<128x128xf32, #tpu.memory_space<vmem>> -> memref<128x128xf32, #tpu.memory_space<vmem>>
      %dma_wait3A_245 = arith.constant 0 : i32
      %dma_wait3A_246 = tpu.memref_slice %arg10[%add3A_190, %dma_wait3A_245] : memref<10240x128xf32, #tpu.memory_space<vmem_shared>> -> memref<128x128xf32, #tpu.memory_space<vmem_shared>>
      tpu.wait_dma2 semaphore(%run_scoped3A : memref<!tpu.dma_semaphore, #tpu.memory_space<semaphore_mem>>) src(%dma_wait3A_246 : memref<128x128xf32, #tpu.memory_space<vmem_shared>>) dst(%dma_wait3A_244 : memref<128x128xf32, #tpu.memory_space<vmem>>)
      tpu.yield
    }) : () -> ()
    %dma_start3A_191 = arith.constant 0 : i32
    %dma_start3A_192 = arith.constant 0 : i32
    %dma_start3A_193 = tpu.memref_slice %arg8[%dma_start3A_191, %dma_start3A_192] : memref<128x128xf32, #tpu.memory_space<vmem>> -> memref<128x128xf32, #tpu.memory_space<vmem>>
    %dma_start3A_194 = arith.constant 0 : i32
    %dma_start3A_195 = tpu.memref_slice %arg5[%arg0, %add3A_190, %dma_start3A_194] : memref<2x10240x128xf32, #tpu.memory_space<hbm>> -> memref<1x128x128xf32, #tpu.memory_space<hbm>>
    %dma_start3A_196 = tpu.memref_squeeze %dma_start3A_195 : memref<1x128x128xf32, #tpu.memory_space<hbm>> -> memref<128x128xf32, #tpu.memory_space<hbm>>
    %dma_start3A_197 = arith.constant 0 : i32
    %dma_start3A_198 = tpu.memref_slice %arg5[%arg0, %add3A_190, %dma_start3A_197] : memref<2x10240x128xf32, #tpu.memory_space<hbm>> -> memref<1x128x128xf32, #tpu.memory_space<hbm>>
    %dma_start3A_199 = tpu.memref_squeeze %dma_start3A_198 : memref<1x128x128xf32, #tpu.memory_space<hbm>> -> memref<128x128xf32, #tpu.memory_space<hbm>>
    %dma_start3A_200 = arith.constant 0 : i32
    %dma_start3A_201 = arith.constant 0 : i32
    %dma_start3A_202 = tpu.memref_slice %arg8[%dma_start3A_200, %dma_start3A_201] : memref<128x128xf32, #tpu.memory_space<vmem>> -> memref<128x128xf32, #tpu.memory_space<vmem>>
    tpu.enqueue_dma source(%dma_start3A_202 : memref<128x128xf32, #tpu.memory_space<vmem>>) target(%dma_start3A_199 : memref<128x128xf32, #tpu.memory_space<hbm>>) target_semaphore(%arg13 : memref<!tpu.dma_semaphore, #tpu.memory_space<semaphore_mem>>)
    %dma_wait3A_203 = arith.constant 0 : i32
    %dma_wait3A_204 = arith.constant 0 : i32
    %dma_wait3A_205 = tpu.memref_slice %arg9[%dma_wait3A_203, %dma_wait3A_204] : memref<128x128xf32, #tpu.memory_space<vmem>> -> memref<128x128xf32, #tpu.memory_space<vmem>>
    %dma_wait3A_206 = arith.constant 0 : i32
    %dma_wait3A_207 = arith.constant 0 : i32
    %dma_wait3A_208 = tpu.memref_slice %arg2[%dma_wait3A_206, %dma_wait3A_207] : memref<10008x128xf32, #tpu.memory_space<hbm>> -> memref<128x128xf32, #tpu.memory_space<hbm>>
    %dma_wait3A_209 = arith.constant 0 : i32
    %dma_wait3A_210 = arith.constant 0 : i32
    %dma_wait3A_211 = tpu.memref_slice %arg9[%dma_wait3A_209, %dma_wait3A_210] : memref<128x128xf32, #tpu.memory_space<vmem>> -> memref<128x128xf32, #tpu.memory_space<vmem>>
    %dma_wait3A_212 = arith.constant 0 : i32
    %dma_wait3A_213 = arith.constant 0 : i32
    %dma_wait3A_214 = tpu.memref_slice %arg2[%dma_wait3A_212, %dma_wait3A_213] : memref<10008x128xf32, #tpu.memory_space<hbm>> -> memref<128x128xf32, #tpu.memory_space<hbm>>
    tpu.wait_dma2 semaphore(%arg14 : memref<!tpu.dma_semaphore, #tpu.memory_space<semaphore_mem>>) src(%dma_wait3A_214 : memref<128x128xf32, #tpu.memory_space<hbm>>) dst(%dma_wait3A_211 : memref<128x128xf32, #tpu.memory_space<vmem>>)
    %dma_wait3A_215 = arith.constant 0 : i32
    %dma_wait3A_216 = arith.constant 0 : i32
    %dma_wait3A_217 = tpu.memref_slice %arg8[%dma_wait3A_215, %dma_wait3A_216] : memref<128x128xf32, #tpu.memory_space<vmem>> -> memref<128x128xf32, #tpu.memory_space<vmem>>
    %dma_wait3A_218 = arith.constant 0 : i32
    %dma_wait3A_219 = arith.constant 0 : i32
    %dma_wait3A_220 = tpu.memref_slice %arg2[%dma_wait3A_218, %dma_wait3A_219] : memref<10008x128xf32, #tpu.memory_space<hbm>> -> memref<128x128xf32, #tpu.memory_space<hbm>>
    %dma_wait3A_221 = arith.constant 0 : i32
    %dma_wait3A_222 = arith.constant 0 : i32
    %dma_wait3A_223 = tpu.memref_slice %arg8[%dma_wait3A_221, %dma_wait3A_222] : memref<128x128xf32, #tpu.memory_space<vmem>> -> memref<128x128xf32, #tpu.memory_space<vmem>>
    %dma_wait3A_224 = arith.constant 0 : i32
    %dma_wait3A_225 = arith.constant 0 : i32
    %dma_wait3A_226 = tpu.memref_slice %arg2[%dma_wait3A_224, %dma_wait3A_225] : memref<10008x128xf32, #tpu.memory_space<hbm>> -> memref<128x128xf32, #tpu.memory_space<hbm>>
    tpu.wait_dma2 semaphore(%arg13 : memref<!tpu.dma_semaphore, #tpu.memory_space<semaphore_mem>>) src(%dma_wait3A_226 : memref<128x128xf32, #tpu.memory_space<hbm>>) dst(%dma_wait3A_223 : memref<128x128xf32, #tpu.memory_space<vmem>>)
    return
  }
}

#map = affine_map<(d0, d1) -> (0, 0)>
#map1 = affine_map<(d0, d1) -> (0)>
#map2 = affine_map<(d0, d1) -> (0, 0, 0)>
module attributes {stable_mosaic.version = 14 : i64} {
  func.func @_spmm_body(%arg0: i32, %arg1: i32, %arg2: memref<10008x128xf32, #tpu.memory_space<hbm>>, %arg3: memref<327680xi32, #tpu.memory_space<hbm>>, %arg4: memref<327680xi32, #tpu.memory_space<hbm>>, %arg5: memref<2x10240x128xf32, #tpu.memory_space<hbm>>, %arg6: memref<2x128xi32, #tpu.memory_space<vmem>>, %arg7: memref<2x128xi32, #tpu.memory_space<vmem>>, %arg8: memref<128x128xf32, #tpu.memory_space<vmem>>, %arg9: memref<128x128xf32, #tpu.memory_space<vmem>>, %arg10: memref<10240x128xf32, #tpu.memory_space<vmem_shared>>, %arg11: memref<!tpu.dma_semaphore, #tpu.memory_space<semaphore_mem>>, %arg12: memref<!tpu.dma_semaphore, #tpu.memory_space<semaphore_mem>>, %arg13: memref<!tpu.dma_semaphore, #tpu.memory_space<semaphore_mem>>, %arg14: memref<!tpu.dma_semaphore, #tpu.memory_space<semaphore_mem>>) attributes {dimension_semantics = [#tpu.dimension_semantics<core_parallel>, #tpu.dimension_semantics<subcore_parallel>], iteration_bounds = array<i64: 2, 16>, scalar_prefetch = 0 : i64, scratch_operands = 9 : i64, tpu.core_type = #tpu.core_type<sc_vector_subcore>, window_params = [{transform_indices = #map}, {transform_indices = #map1}, {transform_indices = #map1}, {transform_indices = #map2}]} {
    %mul3A = arith.constant 2 : i32
    %mul3A_0 = arith.muli %arg1, %mul3A : i32
    %add3A = arith.addi %mul3A_0, %arg0 : i32
    %add3A_1 = arith.constant 0 : i32
    %add3A_2 = arith.addi %add3A, %add3A_1 : i32
    %mul3A_3 = arith.constant 128 : i32
    %mul3A_4 = arith.muli %add3A_2, %mul3A_3 : i32
    %multiple_of3A = tpu.assume_multiple %mul3A_4, 8 : i32
    %dma_start3A = arith.constant 0 : i32
    %dma_start3A_5 = arith.constant 0 : i32
    %dma_start3A_6 = tpu.memref_slice %arg6[%dma_start3A, %dma_start3A_5] : memref<2x128xi32, #tpu.memory_space<vmem>> -> memref<1x128xi32, #tpu.memory_space<vmem>>
    %dma_start3A_7 = tpu.memref_squeeze %dma_start3A_6 : memref<1x128xi32, #tpu.memory_space<vmem>> -> memref<128xi32, #tpu.memory_space<vmem>>
    %dma_start3A_8 = tpu.memref_slice %arg3[%multiple_of3A] : memref<327680xi32, #tpu.memory_space<hbm>> -> memref<128xi32, #tpu.memory_space<hbm>>
    %dma_start3A_9 = arith.constant 0 : i32
    %dma_start3A_10 = tpu.memref_slice %arg6[%dma_start3A, %dma_start3A_9] : memref<2x128xi32, #tpu.memory_space<vmem>> -> memref<1x128xi32, #tpu.memory_space<vmem>>
    %dma_start3A_11 = tpu.memref_squeeze %dma_start3A_10 : memref<1x128xi32, #tpu.memory_space<vmem>> -> memref<128xi32, #tpu.memory_space<vmem>>
    %dma_start3A_12 = tpu.memref_slice %arg3[%multiple_of3A] : memref<327680xi32, #tpu.memory_space<hbm>> -> memref<128xi32, #tpu.memory_space<hbm>>
    tpu.enqueue_dma source(%dma_start3A_12 : memref<128xi32, #tpu.memory_space<hbm>>) target(%dma_start3A_11 : memref<128xi32, #tpu.memory_space<vmem>>) target_semaphore(%arg11 : memref<!tpu.dma_semaphore, #tpu.memory_space<semaphore_mem>>)
    %dma_start3A_13 = arith.constant 0 : i32
    %dma_start3A_14 = arith.constant 0 : i32
    %dma_start3A_15 = tpu.memref_slice %arg7[%dma_start3A_13, %dma_start3A_14] : memref<2x128xi32, #tpu.memory_space<vmem>> -> memref<1x128xi32, #tpu.memory_space<vmem>>
    %dma_start3A_16 = tpu.memref_squeeze %dma_start3A_15 : memref<1x128xi32, #tpu.memory_space<vmem>> -> memref<128xi32, #tpu.memory_space<vmem>>
    %dma_start3A_17 = tpu.memref_slice %arg4[%multiple_of3A] : memref<327680xi32, #tpu.memory_space<hbm>> -> memref<128xi32, #tpu.memory_space<hbm>>
    %dma_start3A_18 = arith.constant 0 : i32
    %dma_start3A_19 = tpu.memref_slice %arg7[%dma_start3A_13, %dma_start3A_18] : memref<2x128xi32, #tpu.memory_space<vmem>> -> memref<1x128xi32, #tpu.memory_space<vmem>>
    %dma_start3A_20 = tpu.memref_squeeze %dma_start3A_19 : memref<1x128xi32, #tpu.memory_space<vmem>> -> memref<128xi32, #tpu.memory_space<vmem>>
    %dma_start3A_21 = tpu.memref_slice %arg4[%multiple_of3A] : memref<327680xi32, #tpu.memory_space<hbm>> -> memref<128xi32, #tpu.memory_space<hbm>>
    tpu.enqueue_dma source(%dma_start3A_21 : memref<128xi32, #tpu.memory_space<hbm>>) target(%dma_start3A_20 : memref<128xi32, #tpu.memory_space<vmem>>) target_semaphore(%arg11 : memref<!tpu.dma_semaphore, #tpu.memory_space<semaphore_mem>>)
    %add3A_22 = arith.constant 32 : i32
    %add3A_23 = arith.addi %add3A, %add3A_22 : i32
    %mul3A_24 = arith.constant 128 : i32
    %mul3A_25 = arith.muli %add3A_23, %mul3A_24 : i32
    %multiple_of3A_26 = tpu.assume_multiple %mul3A_25, 8 : i32
    %dma_start3A_27 = arith.constant 1 : i32
    %dma_start3A_28 = arith.constant 0 : i32
    %dma_start3A_29 = tpu.memref_slice %arg6[%dma_start3A_27, %dma_start3A_28] : memref<2x128xi32, #tpu.memory_space<vmem>> -> memref<1x128xi32, #tpu.memory_space<vmem>>
    %dma_start3A_30 = tpu.memref_squeeze %dma_start3A_29 : memref<1x128xi32, #tpu.memory_space<vmem>> -> memref<128xi32, #tpu.memory_space<vmem>>
    %dma_start3A_31 = tpu.memref_slice %arg3[%multiple_of3A_26] : memref<327680xi32, #tpu.memory_space<hbm>> -> memref<128xi32, #tpu.memory_space<hbm>>
    %dma_start3A_32 = arith.constant 0 : i32
    %dma_start3A_33 = tpu.memref_slice %arg6[%dma_start3A_27, %dma_start3A_32] : memref<2x128xi32, #tpu.memory_space<vmem>> -> memref<1x128xi32, #tpu.memory_space<vmem>>
    %dma_start3A_34 = tpu.memref_squeeze %dma_start3A_33 : memref<1x128xi32, #tpu.memory_space<vmem>> -> memref<128xi32, #tpu.memory_space<vmem>>
    %dma_start3A_35 = tpu.memref_slice %arg3[%multiple_of3A_26] : memref<327680xi32, #tpu.memory_space<hbm>> -> memref<128xi32, #tpu.memory_space<hbm>>
    tpu.enqueue_dma source(%dma_start3A_35 : memref<128xi32, #tpu.memory_space<hbm>>) target(%dma_start3A_34 : memref<128xi32, #tpu.memory_space<vmem>>) target_semaphore(%arg12 : memref<!tpu.dma_semaphore, #tpu.memory_space<semaphore_mem>>)
    %dma_start3A_36 = arith.constant 1 : i32
    %dma_start3A_37 = arith.constant 0 : i32
    %dma_start3A_38 = tpu.memref_slice %arg7[%dma_start3A_36, %dma_start3A_37] : memref<2x128xi32, #tpu.memory_space<vmem>> -> memref<1x128xi32, #tpu.memory_space<vmem>>
    %dma_start3A_39 = tpu.memref_squeeze %dma_start3A_38 : memref<1x128xi32, #tpu.memory_space<vmem>> -> memref<128xi32, #tpu.memory_space<vmem>>
    %dma_start3A_40 = tpu.memref_slice %arg4[%multiple_of3A_26] : memref<327680xi32, #tpu.memory_space<hbm>> -> memref<128xi32, #tpu.memory_space<hbm>>
    %dma_start3A_41 = arith.constant 0 : i32
    %dma_start3A_42 = tpu.memref_slice %arg7[%dma_start3A_36, %dma_start3A_41] : memref<2x128xi32, #tpu.memory_space<vmem>> -> memref<1x128xi32, #tpu.memory_space<vmem>>
    %dma_start3A_43 = tpu.memref_squeeze %dma_start3A_42 : memref<1x128xi32, #tpu.memory_space<vmem>> -> memref<128xi32, #tpu.memory_space<vmem>>
    %dma_start3A_44 = tpu.memref_slice %arg4[%multiple_of3A_26] : memref<327680xi32, #tpu.memory_space<hbm>> -> memref<128xi32, #tpu.memory_space<hbm>>
    tpu.enqueue_dma source(%dma_start3A_44 : memref<128xi32, #tpu.memory_space<hbm>>) target(%dma_start3A_43 : memref<128xi32, #tpu.memory_space<vmem>>) target_semaphore(%arg12 : memref<!tpu.dma_semaphore, #tpu.memory_space<semaphore_mem>>)
    %scan3A = arith.constant 0 : i32
    %scan3A_45 = arith.constant 0 : i32
    %scan3A_46 = arith.constant 128 : i32
    %scan3A_47 = arith.addi %scan3A_45, %scan3A_46 : i32
    %scan3A_48 = arith.constant 1 : i32
    scf.for %scan3A_227 = %scan3A_45 to %scan3A_47 step %scan3A_48  : i32 {
      %broadcast_in_dim3A = arith.constant 0.000000e+00 : f32
      %broadcast_in_dim3A_228 = vector.broadcast %broadcast_in_dim3A : f32 to vector<16xf32>
      %swap3A = arith.index_cast %scan3A_227 : i32 to index
      %swap3A_229 = arith.constant 0 : index
      %swap3A_230 = tpu.vector_load %arg8[%swap3A, %swap3A_229] {strides = array<i32>} : memref<128x128xf32, #tpu.memory_space<vmem>>, vector<1x16xf32>,
      %swap3A_231 = vector.shape_cast %swap3A_230 : vector<1x16xf32> to vector<16xf32>
      %swap3A_232 = vector.shape_cast %broadcast_in_dim3A_228 : vector<16xf32> to vector<1x16xf32>
      tpu.vector_store %arg8[%swap3A, %swap3A_229], %swap3A_232 {strides = array<i32>} : memref<128x128xf32, #tpu.memory_space<vmem>>, vector<1x16xf32>,
      %broadcast_in_dim3A_233 = arith.constant 0.000000e+00 : f32
      %broadcast_in_dim3A_234 = vector.broadcast %broadcast_in_dim3A_233 : f32 to vector<16xf32>
      %swap3A_235 = arith.index_cast %scan3A_227 : i32 to index
      %swap3A_236 = arith.constant 16 : index
      %swap3A_237 = tpu.vector_load %arg8[%swap3A_235, %swap3A_236] {strides = array<i32>} : memref<128x128xf32, #tpu.memory_space<vmem>>, vector<1x16xf32>,
      %swap3A_238 = vector.shape_cast %swap3A_237 : vector<1x16xf32> to vector<16xf32>
      %swap3A_239 = vector.shape_cast %broadcast_in_dim3A_234 : vector<16xf32> to vector<1x16xf32>
      tpu.vector_store %arg8[%swap3A_235, %swap3A_236], %swap3A_239 {strides = array<i32>} : memref<128x128xf32, #tpu.memory_space<vmem>>, vector<1x16xf32>,
      %broadcast_in_dim3A_240 = arith.constant 0.000000e+00 : f32
      %broadcast_in_dim3A_241 = vector.broadcast %broadcast_in_dim3A_240 : f32 to vector<16xf32>
      %swap3A_242 = arith.index_cast %scan3A_227 : i32 to index
      %swap3A_243 = arith.constant 32 : index
      %swap3A_244 = tpu.vector_load %arg8[%swap3A_242, %swap3A_243] {strides = array<i32>} : memref<128x128xf32, #tpu.memory_space<vmem>>, vector<1x16xf32>,
      %swap3A_245 = vector.shape_cast %swap3A_244 : vector<1x16xf32> to vector<16xf32>
      %swap3A_246 = vector.shape_cast %broadcast_in_dim3A_241 : vector<16xf32> to vector<1x16xf32>
      tpu.vector_store %arg8[%swap3A_242, %swap3A_243], %swap3A_246 {strides = array<i32>} : memref<128x128xf32, #tpu.memory_space<vmem>>, vector<1x16xf32>,
      %broadcast_in_dim3A_247 = arith.constant 0.000000e+00 : f32
      %broadcast_in_dim3A_248 = vector.broadcast %broadcast_in_dim3A_247 : f32 to vector<16xf32>
      %swap3A_249 = arith.index_cast %scan3A_227 : i32 to index
      %swap3A_250 = arith.constant 48 : index
      %swap3A_251 = tpu.vector_load %arg8[%swap3A_249, %swap3A_250] {strides = array<i32>} : memref<128x128xf32, #tpu.memory_space<vmem>>, vector<1x16xf32>,
      %swap3A_252 = vector.shape_cast %swap3A_251 : vector<1x16xf32> to vector<16xf32>
      %swap3A_253 = vector.shape_cast %broadcast_in_dim3A_248 : vector<16xf32> to vector<1x16xf32>
      tpu.vector_store %arg8[%swap3A_249, %swap3A_250], %swap3A_253 {strides = array<i32>} : memref<128x128xf32, #tpu.memory_space<vmem>>, vector<1x16xf32>,
      %broadcast_in_dim3A_254 = arith.constant 0.000000e+00 : f32
      %broadcast_in_dim3A_255 = vector.broadcast %broadcast_in_dim3A_254 : f32 to vector<16xf32>
      %swap3A_256 = arith.index_cast %scan3A_227 : i32 to index
      %swap3A_257 = arith.constant 64 : index
      %swap3A_258 = tpu.vector_load %arg8[%swap3A_256, %swap3A_257] {strides = array<i32>} : memref<128x128xf32, #tpu.memory_space<vmem>>, vector<1x16xf32>,
      %swap3A_259 = vector.shape_cast %swap3A_258 : vector<1x16xf32> to vector<16xf32>
      %swap3A_260 = vector.shape_cast %broadcast_in_dim3A_255 : vector<16xf32> to vector<1x16xf32>
      tpu.vector_store %arg8[%swap3A_256, %swap3A_257], %swap3A_260 {strides = array<i32>} : memref<128x128xf32, #tpu.memory_space<vmem>>, vector<1x16xf32>,
      %broadcast_in_dim3A_261 = arith.constant 0.000000e+00 : f32
      %broadcast_in_dim3A_262 = vector.broadcast %broadcast_in_dim3A_261 : f32 to vector<16xf32>
      %swap3A_263 = arith.index_cast %scan3A_227 : i32 to index
      %swap3A_264 = arith.constant 80 : index
      %swap3A_265 = tpu.vector_load %arg8[%swap3A_263, %swap3A_264] {strides = array<i32>} : memref<128x128xf32, #tpu.memory_space<vmem>>, vector<1x16xf32>,
      %swap3A_266 = vector.shape_cast %swap3A_265 : vector<1x16xf32> to vector<16xf32>
      %swap3A_267 = vector.shape_cast %broadcast_in_dim3A_262 : vector<16xf32> to vector<1x16xf32>
      tpu.vector_store %arg8[%swap3A_263, %swap3A_264], %swap3A_267 {strides = array<i32>} : memref<128x128xf32, #tpu.memory_space<vmem>>, vector<1x16xf32>,
      %broadcast_in_dim3A_268 = arith.constant 0.000000e+00 : f32
      %broadcast_in_dim3A_269 = vector.broadcast %broadcast_in_dim3A_268 : f32 to vector<16xf32>
      %swap3A_270 = arith.index_cast %scan3A_227 : i32 to index
      %swap3A_271 = arith.constant 96 : index
      %swap3A_272 = tpu.vector_load %arg8[%swap3A_270, %swap3A_271] {strides = array<i32>} : memref<128x128xf32, #tpu.memory_space<vmem>>, vector<1x16xf32>,
      %swap3A_273 = vector.shape_cast %swap3A_272 : vector<1x16xf32> to vector<16xf32>
      %swap3A_274 = vector.shape_cast %broadcast_in_dim3A_269 : vector<16xf32> to vector<1x16xf32>
      tpu.vector_store %arg8[%swap3A_270, %swap3A_271], %swap3A_274 {strides = array<i32>} : memref<128x128xf32, #tpu.memory_space<vmem>>, vector<1x16xf32>,
      %broadcast_in_dim3A_275 = arith.constant 0.000000e+00 : f32
      %broadcast_in_dim3A_276 = vector.broadcast %broadcast_in_dim3A_275 : f32 to vector<16xf32>
      %swap3A_277 = arith.index_cast %scan3A_227 : i32 to index
      %swap3A_278 = arith.constant 112 : index
      %swap3A_279 = tpu.vector_load %arg8[%swap3A_277, %swap3A_278] {strides = array<i32>} : memref<128x128xf32, #tpu.memory_space<vmem>>, vector<1x16xf32>,
      %swap3A_280 = vector.shape_cast %swap3A_279 : vector<1x16xf32> to vector<16xf32>
      %swap3A_281 = vector.shape_cast %broadcast_in_dim3A_276 : vector<16xf32> to vector<1x16xf32>
      tpu.vector_store %arg8[%swap3A_277, %swap3A_278], %swap3A_281 {strides = array<i32>} : memref<128x128xf32, #tpu.memory_space<vmem>>, vector<1x16xf32>,
    }
    %scan3A_49 = arith.constant 128 : i32
    %mul3A_50 = arith.constant 640 : i32
    %mul3A_51 = arith.muli %arg1, %mul3A_50 : i32
    %add3A_52 = arith.constant 0 : i32
    %add3A_53 = arith.addi %mul3A_51, %add3A_52 : i32
    "tpu.region"() ({
      %run_scoped3A = tpu.sem_alloc : memref<!tpu.dma_semaphore, #tpu.memory_space<semaphore_mem>>
      %dma_start3A_227 = arith.constant 0 : i32
      %dma_start3A_228 = arith.constant 0 : i32
      %dma_start3A_229 = tpu.memref_slice %arg8[%dma_start3A_227, %dma_start3A_228] : memref<128x128xf32, #tpu.memory_space<vmem>> -> memref<128x128xf32, #tpu.memory_space<vmem>>
      %dma_start3A_230 = arith.constant 0 : i32
      %dma_start3A_231 = tpu.memref_slice %arg10[%add3A_53, %dma_start3A_230] : memref<10240x128xf32, #tpu.memory_space<vmem_shared>> -> memref<128x128xf32, #tpu.memory_space<vmem_shared>>
      %dma_start3A_232 = arith.constant 0 : i32
      %dma_start3A_233 = tpu.memref_slice %arg10[%add3A_53, %dma_start3A_232] : memref<10240x128xf32, #tpu.memory_space<vmem_shared>> -> memref<128x128xf32, #tpu.memory_space<vmem_shared>>
      %dma_start3A_234 = arith.constant 0 : i32
      %dma_start3A_235 = arith.constant 0 : i32
      %dma_start3A_236 = tpu.memref_slice %arg8[%dma_start3A_234, %dma_start3A_235] : memref<128x128xf32, #tpu.memory_space<vmem>> -> memref<128x128xf32, #tpu.memory_space<vmem>>
      tpu.enqueue_dma source(%dma_start3A_236 : memref<128x128xf32, #tpu.memory_space<vmem>>) target(%dma_start3A_233 : memref<128x128xf32, #tpu.memory_space<vmem_shared>>) target_semaphore(%run_scoped3A : memref<!tpu.dma_semaphore, #tpu.memory_space<semaphore_mem>>)
      %dma_wait3A_237 = arith.constant 0 : i32
      %dma_wait3A_238 = arith.constant 0 : i32
      %dma_wait3A_239 = tpu.memref_slice %arg8[%dma_wait3A_237, %dma_wait3A_238] : memref<128x128xf32, #tpu.memory_space<vmem>> -> memref<128x128xf32, #tpu.memory_space<vmem>>
      %dma_wait3A_240 = arith.constant 0 : i32
      %dma_wait3A_241 = tpu.memref_slice %arg10[%add3A_53, %dma_wait3A_240] : memref<10240x128xf32, #tpu.memory_space<vmem_shared>> -> memref<128x128xf32, #tpu.memory_space<vmem_shared>>
      %dma_wait3A_242 = arith.constant 0 : i32
      %dma_wait3A_243 = tpu.memref_slice %arg10[%add3A_53, %dma_wait3A_242] : memref<10240x128xf32, #tpu.memory_space<vmem_shared>> -> memref<128x128xf32, #tpu.memory_space<vmem_shared>>
      %dma_wait3A_244 = arith.constant 0 : i32
      %dma_wait3A_245 = arith.constant 0 : i32
      %dma_wait3A_246 = tpu.memref_slice %arg8[%dma_wait3A_244, %dma_wait3A_245] : memref<128x128xf32, #tpu.memory_space<vmem>> -> memref<128x128xf32, #tpu.memory_space<vmem>>
      tpu.wait_dma2 semaphore(%run_scoped3A : memref<!tpu.dma_semaphore, #tpu.memory_space<semaphore_mem>>) src(%dma_wait3A_246 : memref<128x128xf32, #tpu.memory_space<vmem>>) dst(%dma_wait3A_243 : memref<128x128xf32, #tpu.memory_space<vmem_shared>>)
      tpu.yield
    }) : () -> ()
    %add3A_54 = arith.constant 128 : i32
    %add3A_55 = arith.addi %mul3A_51, %add3A_54 : i32
    "tpu.region"() ({
      %run_scoped3A = tpu.sem_alloc : memref<!tpu.dma_semaphore, #tpu.memory_space<semaphore_mem>>
      %dma_start3A_227 = arith.constant 0 : i32
      %dma_start3A_228 = arith.constant 0 : i32
      %dma_start3A_229 = tpu.memref_slice %arg8[%dma_start3A_227, %dma_start3A_228] : memref<128x128xf32, #tpu.memory_space<vmem>> -> memref<128x128xf32, #tpu.memory_space<vmem>>
      %dma_start3A_230 = arith.constant 0 : i32
      %dma_start3A_231 = tpu.memref_slice %arg10[%add3A_55, %dma_start3A_230] : memref<10240x128xf32, #tpu.memory_space<vmem_shared>> -> memref<128x128xf32, #tpu.memory_space<vmem_shared>>
      %dma_start3A_232 = arith.constant 0 : i32
      %dma_start3A_233 = tpu.memref_slice %arg10[%add3A_55, %dma_start3A_232] : memref<10240x128xf32, #tpu.memory_space<vmem_shared>> -> memref<128x128xf32, #tpu.memory_space<vmem_shared>>
      %dma_start3A_234 = arith.constant 0 : i32
      %dma_start3A_235 = arith.constant 0 : i32
      %dma_start3A_236 = tpu.memref_slice %arg8[%dma_start3A_234, %dma_start3A_235] : memref<128x128xf32, #tpu.memory_space<vmem>> -> memref<128x128xf32, #tpu.memory_space<vmem>>
      tpu.enqueue_dma source(%dma_start3A_236 : memref<128x128xf32, #tpu.memory_space<vmem>>) target(%dma_start3A_233 : memref<128x128xf32, #tpu.memory_space<vmem_shared>>) target_semaphore(%run_scoped3A : memref<!tpu.dma_semaphore, #tpu.memory_space<semaphore_mem>>)
      %dma_wait3A_237 = arith.constant 0 : i32
      %dma_wait3A_238 = arith.constant 0 : i32
      %dma_wait3A_239 = tpu.memref_slice %arg8[%dma_wait3A_237, %dma_wait3A_238] : memref<128x128xf32, #tpu.memory_space<vmem>> -> memref<128x128xf32, #tpu.memory_space<vmem>>
      %dma_wait3A_240 = arith.constant 0 : i32
      %dma_wait3A_241 = tpu.memref_slice %arg10[%add3A_55, %dma_wait3A_240] : memref<10240x128xf32, #tpu.memory_space<vmem_shared>> -> memref<128x128xf32, #tpu.memory_space<vmem_shared>>
      %dma_wait3A_242 = arith.constant 0 : i32
      %dma_wait3A_243 = tpu.memref_slice %arg10[%add3A_55, %dma_wait3A_242] : memref<10240x128xf32, #tpu.memory_space<vmem_shared>> -> memref<128x128xf32, #tpu.memory_space<vmem_shared>>
      %dma_wait3A_244 = arith.constant 0 : i32
      %dma_wait3A_245 = arith.constant 0 : i32
      %dma_wait3A_246 = tpu.memref_slice %arg8[%dma_wait3A_244, %dma_wait3A_245] : memref<128x128xf32, #tpu.memory_space<vmem>> -> memref<128x128xf32, #tpu.memory_space<vmem>>
      tpu.wait_dma2 semaphore(%run_scoped3A : memref<!tpu.dma_semaphore, #tpu.memory_space<semaphore_mem>>) src(%dma_wait3A_246 : memref<128x128xf32, #tpu.memory_space<vmem>>) dst(%dma_wait3A_243 : memref<128x128xf32, #tpu.memory_space<vmem_shared>>)
      tpu.yield
    }) : () -> ()
    %add3A_56 = arith.constant 256 : i32
    %add3A_57 = arith.addi %mul3A_51, %add3A_56 : i32
    "tpu.region"() ({
      %run_scoped3A = tpu.sem_alloc : memref<!tpu.dma_semaphore, #tpu.memory_space<semaphore_mem>>
      %dma_start3A_227 = arith.constant 0 : i32
      %dma_start3A_228 = arith.constant 0 : i32
      %dma_start3A_229 = tpu.memref_slice %arg8[%dma_start3A_227, %dma_start3A_228] : memref<128x128xf32, #tpu.memory_space<vmem>> -> memref<128x128xf32, #tpu.memory_space<vmem>>
      %dma_start3A_230 = arith.constant 0 : i32
      %dma_start3A_231 = tpu.memref_slice %arg10[%add3A_57, %dma_start3A_230] : memref<10240x128xf32, #tpu.memory_space<vmem_shared>> -> memref<128x128xf32, #tpu.memory_space<vmem_shared>>
      %dma_start3A_232 = arith.constant 0 : i32
      %dma_start3A_233 = tpu.memref_slice %arg10[%add3A_57, %dma_start3A_232] : memref<10240x128xf32, #tpu.memory_space<vmem_shared>> -> memref<128x128xf32, #tpu.memory_space<vmem_shared>>
      %dma_start3A_234 = arith.constant 0 : i32
      %dma_start3A_235 = arith.constant 0 : i32
      %dma_start3A_236 = tpu.memref_slice %arg8[%dma_start3A_234, %dma_start3A_235] : memref<128x128xf32, #tpu.memory_space<vmem>> -> memref<128x128xf32, #tpu.memory_space<vmem>>
      tpu.enqueue_dma source(%dma_start3A_236 : memref<128x128xf32, #tpu.memory_space<vmem>>) target(%dma_start3A_233 : memref<128x128xf32, #tpu.memory_space<vmem_shared>>) target_semaphore(%run_scoped3A : memref<!tpu.dma_semaphore, #tpu.memory_space<semaphore_mem>>)
      %dma_wait3A_237 = arith.constant 0 : i32
      %dma_wait3A_238 = arith.constant 0 : i32
      %dma_wait3A_239 = tpu.memref_slice %arg8[%dma_wait3A_237, %dma_wait3A_238] : memref<128x128xf32, #tpu.memory_space<vmem>> -> memref<128x128xf32, #tpu.memory_space<vmem>>
      %dma_wait3A_240 = arith.constant 0 : i32
      %dma_wait3A_241 = tpu.memref_slice %arg10[%add3A_57, %dma_wait3A_240] : memref<10240x128xf32, #tpu.memory_space<vmem_shared>> -> memref<128x128xf32, #tpu.memory_space<vmem_shared>>
      %dma_wait3A_242 = arith.constant 0 : i32
      %dma_wait3A_243 = tpu.memref_slice %arg10[%add3A_57, %dma_wait3A_242] : memref<10240x128xf32, #tpu.memory_space<vmem_shared>> -> memref<128x128xf32, #tpu.memory_space<vmem_shared>>
      %dma_wait3A_244 = arith.constant 0 : i32
      %dma_wait3A_245 = arith.constant 0 : i32
      %dma_wait3A_246 = tpu.memref_slice %arg8[%dma_wait3A_244, %dma_wait3A_245] : memref<128x128xf32, #tpu.memory_space<vmem>> -> memref<128x128xf32, #tpu.memory_space<vmem>>
      tpu.wait_dma2 semaphore(%run_scoped3A : memref<!tpu.dma_semaphore, #tpu.memory_space<semaphore_mem>>) src(%dma_wait3A_246 : memref<128x128xf32, #tpu.memory_space<vmem>>) dst(%dma_wait3A_243 : memref<128x128xf32, #tpu.memory_space<vmem_shared>>)
      tpu.yield
    }) : () -> ()
    %add3A_58 = arith.constant 384 : i32
    %add3A_59 = arith.addi %mul3A_51, %add3A_58 : i32
    "tpu.region"() ({
      %run_scoped3A = tpu.sem_alloc : memref<!tpu.dma_semaphore, #tpu.memory_space<semaphore_mem>>
      %dma_start3A_227 = arith.constant 0 : i32
      %dma_start3A_228 = arith.constant 0 : i32
      %dma_start3A_229 = tpu.memref_slice %arg8[%dma_start3A_227, %dma_start3A_228] : memref<128x128xf32, #tpu.memory_space<vmem>> -> memref<128x128xf32, #tpu.memory_space<vmem>>
      %dma_start3A_230 = arith.constant 0 : i32
      %dma_start3A_231 = tpu.memref_slice %arg10[%add3A_59, %dma_start3A_230] : memref<10240x128xf32, #tpu.memory_space<vmem_shared>> -> memref<128x128xf32, #tpu.memory_space<vmem_shared>>
      %dma_start3A_232 = arith.constant 0 : i32
      %dma_start3A_233 = tpu.memref_slice %arg10[%add3A_59, %dma_start3A_232] : memref<10240x128xf32, #tpu.memory_space<vmem_shared>> -> memref<128x128xf32, #tpu.memory_space<vmem_shared>>
      %dma_start3A_234 = arith.constant 0 : i32
      %dma_start3A_235 = arith.constant 0 : i32
      %dma_start3A_236 = tpu.memref_slice %arg8[%dma_start3A_234, %dma_start3A_235] : memref<128x128xf32, #tpu.memory_space<vmem>> -> memref<128x128xf32, #tpu.memory_space<vmem>>
      tpu.enqueue_dma source(%dma_start3A_236 : memref<128x128xf32, #tpu.memory_space<vmem>>) target(%dma_start3A_233 : memref<128x128xf32, #tpu.memory_space<vmem_shared>>) target_semaphore(%run_scoped3A : memref<!tpu.dma_semaphore, #tpu.memory_space<semaphore_mem>>)
      %dma_wait3A_237 = arith.constant 0 : i32
      %dma_wait3A_238 = arith.constant 0 : i32
      %dma_wait3A_239 = tpu.memref_slice %arg8[%dma_wait3A_237, %dma_wait3A_238] : memref<128x128xf32, #tpu.memory_space<vmem>> -> memref<128x128xf32, #tpu.memory_space<vmem>>
      %dma_wait3A_240 = arith.constant 0 : i32
      %dma_wait3A_241 = tpu.memref_slice %arg10[%add3A_59, %dma_wait3A_240] : memref<10240x128xf32, #tpu.memory_space<vmem_shared>> -> memref<128x128xf32, #tpu.memory_space<vmem_shared>>
      %dma_wait3A_242 = arith.constant 0 : i32
      %dma_wait3A_243 = tpu.memref_slice %arg10[%add3A_59, %dma_wait3A_242] : memref<10240x128xf32, #tpu.memory_space<vmem_shared>> -> memref<128x128xf32, #tpu.memory_space<vmem_shared>>
      %dma_wait3A_244 = arith.constant 0 : i32
      %dma_wait3A_245 = arith.constant 0 : i32
      %dma_wait3A_246 = tpu.memref_slice %arg8[%dma_wait3A_244, %dma_wait3A_245] : memref<128x128xf32, #tpu.memory_space<vmem>> -> memref<128x128xf32, #tpu.memory_space<vmem>>
      tpu.wait_dma2 semaphore(%run_scoped3A : memref<!tpu.dma_semaphore, #tpu.memory_space<semaphore_mem>>) src(%dma_wait3A_246 : memref<128x128xf32, #tpu.memory_space<vmem>>) dst(%dma_wait3A_243 : memref<128x128xf32, #tpu.memory_space<vmem_shared>>)
      tpu.yield
    }) : () -> ()
    %add3A_60 = arith.constant 512 : i32
    %add3A_61 = arith.addi %mul3A_51, %add3A_60 : i32
    "tpu.region"() ({
      %run_scoped3A = tpu.sem_alloc : memref<!tpu.dma_semaphore, #tpu.memory_space<semaphore_mem>>
      %dma_start3A_227 = arith.constant 0 : i32
      %dma_start3A_228 = arith.constant 0 : i32
      %dma_start3A_229 = tpu.memref_slice %arg8[%dma_start3A_227, %dma_start3A_228] : memref<128x128xf32, #tpu.memory_space<vmem>> -> memref<128x128xf32, #tpu.memory_space<vmem>>
      %dma_start3A_230 = arith.constant 0 : i32
      %dma_start3A_231 = tpu.memref_slice %arg10[%add3A_61, %dma_start3A_230] : memref<10240x128xf32, #tpu.memory_space<vmem_shared>> -> memref<128x128xf32, #tpu.memory_space<vmem_shared>>
      %dma_start3A_232 = arith.constant 0 : i32
      %dma_start3A_233 = tpu.memref_slice %arg10[%add3A_61, %dma_start3A_232] : memref<10240x128xf32, #tpu.memory_space<vmem_shared>> -> memref<128x128xf32, #tpu.memory_space<vmem_shared>>
      %dma_start3A_234 = arith.constant 0 : i32
      %dma_start3A_235 = arith.constant 0 : i32
      %dma_start3A_236 = tpu.memref_slice %arg8[%dma_start3A_234, %dma_start3A_235] : memref<128x128xf32, #tpu.memory_space<vmem>> -> memref<128x128xf32, #tpu.memory_space<vmem>>
      tpu.enqueue_dma source(%dma_start3A_236 : memref<128x128xf32, #tpu.memory_space<vmem>>) target(%dma_start3A_233 : memref<128x128xf32, #tpu.memory_space<vmem_shared>>) target_semaphore(%run_scoped3A : memref<!tpu.dma_semaphore, #tpu.memory_space<semaphore_mem>>)
      %dma_wait3A_237 = arith.constant 0 : i32
      %dma_wait3A_238 = arith.constant 0 : i32
      %dma_wait3A_239 = tpu.memref_slice %arg8[%dma_wait3A_237, %dma_wait3A_238] : memref<128x128xf32, #tpu.memory_space<vmem>> -> memref<128x128xf32, #tpu.memory_space<vmem>>
      %dma_wait3A_240 = arith.constant 0 : i32
      %dma_wait3A_241 = tpu.memref_slice %arg10[%add3A_61, %dma_wait3A_240] : memref<10240x128xf32, #tpu.memory_space<vmem_shared>> -> memref<128x128xf32, #tpu.memory_space<vmem_shared>>
      %dma_wait3A_242 = arith.constant 0 : i32
      %dma_wait3A_243 = tpu.memref_slice %arg10[%add3A_61, %dma_wait3A_242] : memref<10240x128xf32, #tpu.memory_space<vmem_shared>> -> memref<128x128xf32, #tpu.memory_space<vmem_shared>>
      %dma_wait3A_244 = arith.constant 0 : i32
      %dma_wait3A_245 = arith.constant 0 : i32
      %dma_wait3A_246 = tpu.memref_slice %arg8[%dma_wait3A_244, %dma_wait3A_245] : memref<128x128xf32, #tpu.memory_space<vmem>> -> memref<128x128xf32, #tpu.memory_space<vmem>>
      tpu.wait_dma2 semaphore(%run_scoped3A : memref<!tpu.dma_semaphore, #tpu.memory_space<semaphore_mem>>) src(%dma_wait3A_246 : memref<128x128xf32, #tpu.memory_space<vmem>>) dst(%dma_wait3A_243 : memref<128x128xf32, #tpu.memory_space<vmem_shared>>)
      tpu.yield
    }) : () -> ()
    %barrier3A = arith.constant 0 : index
    tpu.barrier barrier_id(%barrier3A)
    %dma_wait3A = arith.constant 0 : i32
    %dma_wait3A_62 = arith.constant 0 : i32
    %dma_wait3A_63 = tpu.memref_slice %arg6[%dma_wait3A, %dma_wait3A_62] : memref<2x128xi32, #tpu.memory_space<vmem>> -> memref<1x128xi32, #tpu.memory_space<vmem>>
    %dma_wait3A_64 = tpu.memref_squeeze %dma_wait3A_63 : memref<1x128xi32, #tpu.memory_space<vmem>> -> memref<128xi32, #tpu.memory_space<vmem>>
    %dma_wait3A_65 = arith.constant 0 : i32
    %dma_wait3A_66 = tpu.memref_slice %arg3[%dma_wait3A_65] : memref<327680xi32, #tpu.memory_space<hbm>> -> memref<128xi32, #tpu.memory_space<hbm>>
    %dma_wait3A_67 = arith.constant 0 : i32
    %dma_wait3A_68 = tpu.memref_slice %arg6[%dma_wait3A, %dma_wait3A_67] : memref<2x128xi32, #tpu.memory_space<vmem>> -> memref<1x128xi32, #tpu.memory_space<vmem>>
    %dma_wait3A_69 = tpu.memref_squeeze %dma_wait3A_68 : memref<1x128xi32, #tpu.memory_space<vmem>> -> memref<128xi32, #tpu.memory_space<vmem>>
    %dma_wait3A_70 = arith.constant 0 : i32
    %dma_wait3A_71 = tpu.memref_slice %arg3[%dma_wait3A_70] : memref<327680xi32, #tpu.memory_space<hbm>> -> memref<128xi32, #tpu.memory_space<hbm>>
    tpu.wait_dma2 semaphore(%arg11 : memref<!tpu.dma_semaphore, #tpu.memory_space<semaphore_mem>>) src(%dma_wait3A_71 : memref<128xi32, #tpu.memory_space<hbm>>) dst(%dma_wait3A_69 : memref<128xi32, #tpu.memory_space<vmem>>)
    %dma_wait3A_72 = arith.constant 0 : i32
    %dma_wait3A_73 = arith.constant 0 : i32
    %dma_wait3A_74 = tpu.memref_slice %arg7[%dma_wait3A_72, %dma_wait3A_73] : memref<2x128xi32, #tpu.memory_space<vmem>> -> memref<1x128xi32, #tpu.memory_space<vmem>>
    %dma_wait3A_75 = tpu.memref_squeeze %dma_wait3A_74 : memref<1x128xi32, #tpu.memory_space<vmem>> -> memref<128xi32, #tpu.memory_space<vmem>>
    %dma_wait3A_76 = arith.constant 0 : i32
    %dma_wait3A_77 = tpu.memref_slice %arg4[%dma_wait3A_76] : memref<327680xi32, #tpu.memory_space<hbm>> -> memref<128xi32, #tpu.memory_space<hbm>>
    %dma_wait3A_78 = arith.constant 0 : i32
    %dma_wait3A_79 = tpu.memref_slice %arg7[%dma_wait3A_72, %dma_wait3A_78] : memref<2x128xi32, #tpu.memory_space<vmem>> -> memref<1x128xi32, #tpu.memory_space<vmem>>
    %dma_wait3A_80 = tpu.memref_squeeze %dma_wait3A_79 : memref<1x128xi32, #tpu.memory_space<vmem>> -> memref<128xi32, #tpu.memory_space<vmem>>
    %dma_wait3A_81 = arith.constant 0 : i32
    %dma_wait3A_82 = tpu.memref_slice %arg4[%dma_wait3A_81] : memref<327680xi32, #tpu.memory_space<hbm>> -> memref<128xi32, #tpu.memory_space<hbm>>
    tpu.wait_dma2 semaphore(%arg11 : memref<!tpu.dma_semaphore, #tpu.memory_space<semaphore_mem>>) src(%dma_wait3A_82 : memref<128xi32, #tpu.memory_space<hbm>>) dst(%dma_wait3A_80 : memref<128xi32, #tpu.memory_space<vmem>>)
    %dma_start3A_83 = arith.constant 0 : i32
    %dma_start3A_84 = arith.constant 0 : i32
    %dma_start3A_85 = tpu.memref_slice %arg6[%dma_start3A_83, %dma_start3A_84] : memref<2x128xi32, #tpu.memory_space<vmem>> -> memref<1x128xi32, #tpu.memory_space<vmem>>
    %dma_start3A_86 = tpu.memref_squeeze %dma_start3A_85 : memref<1x128xi32, #tpu.memory_space<vmem>> -> memref<128xi32, #tpu.memory_space<vmem>>
    %dma_start3A_87 = arith.constant 0 : i32
    %dma_start3A_88 = arith.constant 0 : i32
    %dma_start3A_89 = tpu.memref_slice %arg2[%dma_start3A_87, %dma_start3A_88] : memref<10008x128xf32, #tpu.memory_space<hbm>> -> memref<10008x128xf32, #tpu.memory_space<hbm>>
    tpu.enqueue_indirect_dma source(%dma_start3A_89 : memref<10008x128xf32, #tpu.memory_space<hbm>>) target(%arg8 : memref<128x128xf32, #tpu.memory_space<vmem>>) offsets(%dma_start3A_86 : memref<128xi32, #tpu.memory_space<vmem>>) semaphore(%arg13 : memref<!tpu.dma_semaphore, #tpu.memory_space<semaphore_mem>>)
    %scan3A_90 = arith.constant 0 : i32
    %scan3A_91 = arith.constant 0 : i32
    %scan3A_92 = arith.constant 40 : i32
    %scan3A_93 = arith.addi %scan3A_91, %scan3A_92 : i32
    %scan3A_94 = arith.constant 1 : i32
    scf.for %scan3A_227 = %scan3A_91 to %scan3A_93 step %scan3A_94  : i32 {
      %mul3A_228 = arith.constant 2 : i32
      %mul3A_229 = arith.muli %scan3A_227, %mul3A_228 : i32
      %add3A_230 = arith.constant 0 : i32
      %add3A_231 = arith.addi %mul3A_229, %add3A_230 : i32
      %add3A_232 = arith.constant 2 : i32
      %add3A_233 = arith.addi %add3A_231, %add3A_232 : i32
      %sub3A = arith.constant 1 : i32
      %sub3A_234 = arith.subi %add3A_233, %sub3A : i32
      %lt3A = arith.constant 80 : i32
      %lt3A_235 = arith.cmpi slt, %sub3A_234, %lt3A : i32
      %convert_element_type3A = arith.extui %lt3A_235 : i1 to i32
      %cond3A = arith.constant 0 : i32
      %cond3A_236 = arith.cmpi ne, %convert_element_type3A, %cond3A : i32
      scf.if %cond3A_236 {
        %dma_wait3A_279 = arith.constant 1 : i32
        %dma_wait3A_280 = arith.constant 0 : i32
        %dma_wait3A_281 = tpu.memref_slice %arg6[%dma_wait3A_279, %dma_wait3A_280] : memref<2x128xi32, #tpu.memory_space<vmem>> -> memref<1x128xi32, #tpu.memory_space<vmem>>
        %dma_wait3A_282 = tpu.memref_squeeze %dma_wait3A_281 : memref<1x128xi32, #tpu.memory_space<vmem>> -> memref<128xi32, #tpu.memory_space<vmem>>
        %dma_wait3A_283 = arith.constant 0 : i32
        %dma_wait3A_284 = tpu.memref_slice %arg3[%dma_wait3A_283] : memref<327680xi32, #tpu.memory_space<hbm>> -> memref<128xi32, #tpu.memory_space<hbm>>
        %dma_wait3A_285 = arith.constant 0 : i32
        %dma_wait3A_286 = tpu.memref_slice %arg6[%dma_wait3A_279, %dma_wait3A_285] : memref<2x128xi32, #tpu.memory_space<vmem>> -> memref<1x128xi32, #tpu.memory_space<vmem>>
        %dma_wait3A_287 = tpu.memref_squeeze %dma_wait3A_286 : memref<1x128xi32, #tpu.memory_space<vmem>> -> memref<128xi32, #tpu.memory_space<vmem>>
        %dma_wait3A_288 = arith.constant 0 : i32
        %dma_wait3A_289 = tpu.memref_slice %arg3[%dma_wait3A_288] : memref<327680xi32, #tpu.memory_space<hbm>> -> memref<128xi32, #tpu.memory_space<hbm>>
        tpu.wait_dma2 semaphore(%arg12 : memref<!tpu.dma_semaphore, #tpu.memory_space<semaphore_mem>>) src(%dma_wait3A_289 : memref<128xi32, #tpu.memory_space<hbm>>) dst(%dma_wait3A_287 : memref<128xi32, #tpu.memory_space<vmem>>)
        %dma_wait3A_290 = arith.constant 1 : i32
        %dma_wait3A_291 = arith.constant 0 : i32
        %dma_wait3A_292 = tpu.memref_slice %arg7[%dma_wait3A_290, %dma_wait3A_291] : memref<2x128xi32, #tpu.memory_space<vmem>> -> memref<1x128xi32, #tpu.memory_space<vmem>>
        %dma_wait3A_293 = tpu.memref_squeeze %dma_wait3A_292 : memref<1x128xi32, #tpu.memory_space<vmem>> -> memref<128xi32, #tpu.memory_space<vmem>>
        %dma_wait3A_294 = arith.constant 0 : i32
        %dma_wait3A_295 = tpu.memref_slice %arg4[%dma_wait3A_294] : memref<327680xi32, #tpu.memory_space<hbm>> -> memref<128xi32, #tpu.memory_space<hbm>>
        %dma_wait3A_296 = arith.constant 0 : i32
        %dma_wait3A_297 = tpu.memref_slice %arg7[%dma_wait3A_290, %dma_wait3A_296] : memref<2x128xi32, #tpu.memory_space<vmem>> -> memref<1x128xi32, #tpu.memory_space<vmem>>
        %dma_wait3A_298 = tpu.memref_squeeze %dma_wait3A_297 : memref<1x128xi32, #tpu.memory_space<vmem>> -> memref<128xi32, #tpu.memory_space<vmem>>
        %dma_wait3A_299 = arith.constant 0 : i32
        %dma_wait3A_300 = tpu.memref_slice %arg4[%dma_wait3A_299] : memref<327680xi32, #tpu.memory_space<hbm>> -> memref<128xi32, #tpu.memory_space<hbm>>
        tpu.wait_dma2 semaphore(%arg12 : memref<!tpu.dma_semaphore, #tpu.memory_space<semaphore_mem>>) src(%dma_wait3A_300 : memref<128xi32, #tpu.memory_space<hbm>>) dst(%dma_wait3A_298 : memref<128xi32, #tpu.memory_space<vmem>>)
        %dma_start3A_301 = arith.constant 1 : i32
        %dma_start3A_302 = arith.constant 0 : i32
        %dma_start3A_303 = tpu.memref_slice %arg6[%dma_start3A_301, %dma_start3A_302] : memref<2x128xi32, #tpu.memory_space<vmem>> -> memref<1x128xi32, #tpu.memory_space<vmem>>
        %dma_start3A_304 = tpu.memref_squeeze %dma_start3A_303 : memref<1x128xi32, #tpu.memory_space<vmem>> -> memref<128xi32, #tpu.memory_space<vmem>>
        %dma_start3A_305 = arith.constant 0 : i32
        %dma_start3A_306 = arith.constant 0 : i32
        %dma_start3A_307 = tpu.memref_slice %arg2[%dma_start3A_305, %dma_start3A_306] : memref<10008x128xf32, #tpu.memory_space<hbm>> -> memref<10008x128xf32, #tpu.memory_space<hbm>>
        tpu.enqueue_indirect_dma source(%dma_start3A_307 : memref<10008x128xf32, #tpu.memory_space<hbm>>) target(%arg9 : memref<128x128xf32, #tpu.memory_space<vmem>>) offsets(%dma_start3A_304 : memref<128xi32, #tpu.memory_space<vmem>>) semaphore(%arg14 : memref<!tpu.dma_semaphore, #tpu.memory_space<semaphore_mem>>)
      } else {
      }
      %dma_wait3A_237 = arith.constant 0 : i32
      %dma_wait3A_238 = arith.constant 0 : i32
      %dma_wait3A_239 = tpu.memref_slice %arg6[%dma_wait3A_237, %dma_wait3A_238] : memref<2x128xi32, #tpu.memory_space<vmem>> -> memref<1x128xi32, #tpu.memory_space<vmem>>
      %dma_wait3A_240 = tpu.memref_squeeze %dma_wait3A_239 : memref<1x128xi32, #tpu.memory_space<vmem>> -> memref<128xi32, #tpu.memory_space<vmem>>
      %dma_wait3A_241 = arith.constant 0 : i32
      %dma_wait3A_242 = arith.constant 0 : i32
      %dma_wait3A_243 = tpu.memref_slice %arg2[%dma_wait3A_241, %dma_wait3A_242] : memref<10008x128xf32, #tpu.memory_space<hbm>> -> memref<10008x128xf32, #tpu.memory_space<hbm>>
      tpu.wait_indirect_dma semaphore(%arg13 : memref<!tpu.dma_semaphore, #tpu.memory_space<semaphore_mem>>) src(%dma_wait3A_243 : memref<10008x128xf32, #tpu.memory_space<hbm>>) dst(%arg8 : memref<128x128xf32, #tpu.memory_space<vmem>>)
      %run_scoped3A = arith.constant 0 : i32
      "tpu.region"() ({
        %run_scoped3A_279 = tpu.sem_alloc : memref<!tpu.dma_semaphore, #tpu.memory_space<semaphore_mem>>
        %dma_start3A_280 = arith.constant 0 : i32
        %dma_start3A_281 = tpu.memref_slice %arg7[%run_scoped3A, %dma_start3A_280] : memref<2x128xi32, #tpu.memory_space<vmem>> -> memref<1x128xi32, #tpu.memory_space<vmem>>
        %dma_start3A_282 = tpu.memref_squeeze %dma_start3A_281 : memref<1x128xi32, #tpu.memory_space<vmem>> -> memref<128xi32, #tpu.memory_space<vmem>>
        %dma_start3A_283 = arith.constant 0 : i32
        %dma_start3A_284 = arith.constant 0 : i32
        %dma_start3A_285 = tpu.memref_slice %arg10[%dma_start3A_283, %dma_start3A_284] : memref<10240x128xf32, #tpu.memory_space<vmem_shared>> -> memref<10240x128xf32, #tpu.memory_space<vmem_shared>>
        tpu.enqueue_indirect_dma source(%arg8 : memref<128x128xf32, #tpu.memory_space<vmem>>) target(%dma_start3A_285 : memref<10240x128xf32, #tpu.memory_space<vmem_shared>>) offsets(%dma_start3A_282 : memref<128xi32, #tpu.memory_space<vmem>>) semaphore(%run_scoped3A_279 : memref<!tpu.dma_semaphore, #tpu.memory_space<semaphore_mem>>) {add = true}
        %dma_wait3A_286 = arith.constant 0 : i32
        %dma_wait3A_287 = tpu.memref_slice %arg7[%run_scoped3A, %dma_wait3A_286] : memref<2x128xi32, #tpu.memory_space<vmem>> -> memref<1x128xi32, #tpu.memory_space<vmem>>
        %dma_wait3A_288 = tpu.memref_squeeze %dma_wait3A_287 : memref<1x128xi32, #tpu.memory_space<vmem>> -> memref<128xi32, #tpu.memory_space<vmem>>
        %dma_wait3A_289 = arith.constant 0 : i32
        %dma_wait3A_290 = arith.constant 0 : i32
        %dma_wait3A_291 = tpu.memref_slice %arg10[%dma_wait3A_289, %dma_wait3A_290] : memref<10240x128xf32, #tpu.memory_space<vmem_shared>> -> memref<10240x128xf32, #tpu.memory_space<vmem_shared>>
        tpu.wait_indirect_dma semaphore(%run_scoped3A_279 : memref<!tpu.dma_semaphore, #tpu.memory_space<semaphore_mem>>) src(%arg8 : memref<128x128xf32, #tpu.memory_space<vmem>>) dst(%dma_wait3A_291 : memref<10240x128xf32, #tpu.memory_space<vmem_shared>>)
        tpu.yield
      }) : () -> ()
      %add3A_244 = arith.constant 2 : i32
      %add3A_245 = arith.addi %add3A_231, %add3A_244 : i32
      %lt3A_246 = arith.constant 80 : i32
      %lt3A_247 = arith.cmpi slt, %add3A_245, %lt3A_246 : i32
      %convert_element_type3A_248 = arith.extui %lt3A_247 : i1 to i32
      %cond3A_249 = arith.constant 0 : i32
      %cond3A_250 = arith.cmpi ne, %convert_element_type3A_248, %cond3A_249 : i32
      scf.if %cond3A_250 {
        %add3A_279 = arith.constant 2 : i32
        %add3A_280 = arith.addi %add3A_231, %add3A_279 : i32
        %mul3A_281 = arith.constant 32 : i32
        %mul3A_282 = arith.muli %add3A_280, %mul3A_281 : i32
        %add3A_283 = arith.addi %add3A, %mul3A_282 : i32
        %mul3A_284 = arith.constant 128 : i32
        %mul3A_285 = arith.muli %add3A_283, %mul3A_284 : i32
        %multiple_of3A_286 = tpu.assume_multiple %mul3A_285, 8 : i32
        %dma_start3A_287 = arith.constant 0 : i32
        %dma_start3A_288 = arith.constant 0 : i32
        %dma_start3A_289 = tpu.memref_slice %arg6[%dma_start3A_287, %dma_start3A_288] : memref<2x128xi32, #tpu.memory_space<vmem>> -> memref<1x128xi32, #tpu.memory_space<vmem>>
        %dma_start3A_290 = tpu.memref_squeeze %dma_start3A_289 : memref<1x128xi32, #tpu.memory_space<vmem>> -> memref<128xi32, #tpu.memory_space<vmem>>
        %dma_start3A_291 = tpu.memref_slice %arg3[%multiple_of3A_286] : memref<327680xi32, #tpu.memory_space<hbm>> -> memref<128xi32, #tpu.memory_space<hbm>>
        %dma_start3A_292 = arith.constant 0 : i32
        %dma_start3A_293 = tpu.memref_slice %arg6[%dma_start3A_287, %dma_start3A_292] : memref<2x128xi32, #tpu.memory_space<vmem>> -> memref<1x128xi32, #tpu.memory_space<vmem>>
        %dma_start3A_294 = tpu.memref_squeeze %dma_start3A_293 : memref<1x128xi32, #tpu.memory_space<vmem>> -> memref<128xi32, #tpu.memory_space<vmem>>
        %dma_start3A_295 = tpu.memref_slice %arg3[%multiple_of3A_286] : memref<327680xi32, #tpu.memory_space<hbm>> -> memref<128xi32, #tpu.memory_space<hbm>>
        tpu.enqueue_dma source(%dma_start3A_295 : memref<128xi32, #tpu.memory_space<hbm>>) target(%dma_start3A_294 : memref<128xi32, #tpu.memory_space<vmem>>) target_semaphore(%arg11 : memref<!tpu.dma_semaphore, #tpu.memory_space<semaphore_mem>>)
        %dma_start3A_296 = arith.constant 0 : i32
        %dma_start3A_297 = arith.constant 0 : i32
        %dma_start3A_298 = tpu.memref_slice %arg7[%dma_start3A_296, %dma_start3A_297] : memref<2x128xi32, #tpu.memory_space<vmem>> -> memref<1x128xi32, #tpu.memory_space<vmem>>
        %dma_start3A_299 = tpu.memref_squeeze %dma_start3A_298 : memref<1x128xi32, #tpu.memory_space<vmem>> -> memref<128xi32, #tpu.memory_space<vmem>>
        %dma_start3A_300 = tpu.memref_slice %arg4[%multiple_of3A_286] : memref<327680xi32, #tpu.memory_space<hbm>> -> memref<128xi32, #tpu.memory_space<hbm>>
        %dma_start3A_301 = arith.constant 0 : i32
        %dma_start3A_302 = tpu.memref_slice %arg7[%dma_start3A_296, %dma_start3A_301] : memref<2x128xi32, #tpu.memory_space<vmem>> -> memref<1x128xi32, #tpu.memory_space<vmem>>
        %dma_start3A_303 = tpu.memref_squeeze %dma_start3A_302 : memref<1x128xi32, #tpu.memory_space<vmem>> -> memref<128xi32, #tpu.memory_space<vmem>>
        %dma_start3A_304 = tpu.memref_slice %arg4[%multiple_of3A_286] : memref<327680xi32, #tpu.memory_space<hbm>> -> memref<128xi32, #tpu.memory_space<hbm>>
        tpu.enqueue_dma source(%dma_start3A_304 : memref<128xi32, #tpu.memory_space<hbm>>) target(%dma_start3A_303 : memref<128xi32, #tpu.memory_space<vmem>>) target_semaphore(%arg11 : memref<!tpu.dma_semaphore, #tpu.memory_space<semaphore_mem>>)
      } else {
      }
      %mul3A_251 = arith.constant 2 : i32
      %mul3A_252 = arith.muli %scan3A_227, %mul3A_251 : i32
      %add3A_253 = arith.constant 1 : i32
      %add3A_254 = arith.addi %mul3A_252, %add3A_253 : i32
      %add3A_255 = arith.constant 2 : i32
      %add3A_256 = arith.addi %add3A_254, %add3A_255 : i32
      %sub3A_257 = arith.constant 1 : i32
      %sub3A_258 = arith.subi %add3A_256, %sub3A_257 : i32
      %lt3A_259 = arith.constant 80 : i32
      %lt3A_260 = arith.cmpi slt, %sub3A_258, %lt3A_259 : i32
      %convert_element_type3A_261 = arith.extui %lt3A_260 : i1 to i32
      %cond3A_262 = arith.constant 0 : i32
      %cond3A_263 = arith.cmpi ne, %convert_element_type3A_261, %cond3A_262 : i32
      scf.if %cond3A_263 {
        %dma_wait3A_279 = arith.constant 0 : i32
        %dma_wait3A_280 = arith.constant 0 : i32
        %dma_wait3A_281 = tpu.memref_slice %arg6[%dma_wait3A_279, %dma_wait3A_280] : memref<2x128xi32, #tpu.memory_space<vmem>> -> memref<1x128xi32, #tpu.memory_space<vmem>>
        %dma_wait3A_282 = tpu.memref_squeeze %dma_wait3A_281 : memref<1x128xi32, #tpu.memory_space<vmem>> -> memref<128xi32, #tpu.memory_space<vmem>>
        %dma_wait3A_283 = arith.constant 0 : i32
        %dma_wait3A_284 = tpu.memref_slice %arg3[%dma_wait3A_283] : memref<327680xi32, #tpu.memory_space<hbm>> -> memref<128xi32, #tpu.memory_space<hbm>>
        %dma_wait3A_285 = arith.constant 0 : i32
        %dma_wait3A_286 = tpu.memref_slice %arg6[%dma_wait3A_279, %dma_wait3A_285] : memref<2x128xi32, #tpu.memory_space<vmem>> -> memref<1x128xi32, #tpu.memory_space<vmem>>
        %dma_wait3A_287 = tpu.memref_squeeze %dma_wait3A_286 : memref<1x128xi32, #tpu.memory_space<vmem>> -> memref<128xi32, #tpu.memory_space<vmem>>
        %dma_wait3A_288 = arith.constant 0 : i32
        %dma_wait3A_289 = tpu.memref_slice %arg3[%dma_wait3A_288] : memref<327680xi32, #tpu.memory_space<hbm>> -> memref<128xi32, #tpu.memory_space<hbm>>
        tpu.wait_dma2 semaphore(%arg11 : memref<!tpu.dma_semaphore, #tpu.memory_space<semaphore_mem>>) src(%dma_wait3A_289 : memref<128xi32, #tpu.memory_space<hbm>>) dst(%dma_wait3A_287 : memref<128xi32, #tpu.memory_space<vmem>>)
        %dma_wait3A_290 = arith.constant 0 : i32
        %dma_wait3A_291 = arith.constant 0 : i32
        %dma_wait3A_292 = tpu.memref_slice %arg7[%dma_wait3A_290, %dma_wait3A_291] : memref<2x128xi32, #tpu.memory_space<vmem>> -> memref<1x128xi32, #tpu.memory_space<vmem>>
        %dma_wait3A_293 = tpu.memref_squeeze %dma_wait3A_292 : memref<1x128xi32, #tpu.memory_space<vmem>> -> memref<128xi32, #tpu.memory_space<vmem>>
        %dma_wait3A_294 = arith.constant 0 : i32
        %dma_wait3A_295 = tpu.memref_slice %arg4[%dma_wait3A_294] : memref<327680xi32, #tpu.memory_space<hbm>> -> memref<128xi32, #tpu.memory_space<hbm>>
        %dma_wait3A_296 = arith.constant 0 : i32
        %dma_wait3A_297 = tpu.memref_slice %arg7[%dma_wait3A_290, %dma_wait3A_296] : memref<2x128xi32, #tpu.memory_space<vmem>> -> memref<1x128xi32, #tpu.memory_space<vmem>>
        %dma_wait3A_298 = tpu.memref_squeeze %dma_wait3A_297 : memref<1x128xi32, #tpu.memory_space<vmem>> -> memref<128xi32, #tpu.memory_space<vmem>>
        %dma_wait3A_299 = arith.constant 0 : i32
        %dma_wait3A_300 = tpu.memref_slice %arg4[%dma_wait3A_299] : memref<327680xi32, #tpu.memory_space<hbm>> -> memref<128xi32, #tpu.memory_space<hbm>>
        tpu.wait_dma2 semaphore(%arg11 : memref<!tpu.dma_semaphore, #tpu.memory_space<semaphore_mem>>) src(%dma_wait3A_300 : memref<128xi32, #tpu.memory_space<hbm>>) dst(%dma_wait3A_298 : memref<128xi32, #tpu.memory_space<vmem>>)
        %dma_start3A_301 = arith.constant 0 : i32
        %dma_start3A_302 = arith.constant 0 : i32
        %dma_start3A_303 = tpu.memref_slice %arg6[%dma_start3A_301, %dma_start3A_302] : memref<2x128xi32, #tpu.memory_space<vmem>> -> memref<1x128xi32, #tpu.memory_space<vmem>>
        %dma_start3A_304 = tpu.memref_squeeze %dma_start3A_303 : memref<1x128xi32, #tpu.memory_space<vmem>> -> memref<128xi32, #tpu.memory_space<vmem>>
        %dma_start3A_305 = arith.constant 0 : i32
        %dma_start3A_306 = arith.constant 0 : i32
        %dma_start3A_307 = tpu.memref_slice %arg2[%dma_start3A_305, %dma_start3A_306] : memref<10008x128xf32, #tpu.memory_space<hbm>> -> memref<10008x128xf32, #tpu.memory_space<hbm>>
        tpu.enqueue_indirect_dma source(%dma_start3A_307 : memref<10008x128xf32, #tpu.memory_space<hbm>>) target(%arg8 : memref<128x128xf32, #tpu.memory_space<vmem>>) offsets(%dma_start3A_304 : memref<128xi32, #tpu.memory_space<vmem>>) semaphore(%arg13 : memref<!tpu.dma_semaphore, #tpu.memory_space<semaphore_mem>>)
      } else {
      }
      %dma_wait3A_264 = arith.constant 1 : i32
      %dma_wait3A_265 = arith.constant 0 : i32
      %dma_wait3A_266 = tpu.memref_slice %arg6[%dma_wait3A_264, %dma_wait3A_265] : memref<2x128xi32, #tpu.memory_space<vmem>> -> memref<1x128xi32, #tpu.memory_space<vmem>>
      %dma_wait3A_267 = tpu.memref_squeeze %dma_wait3A_266 : memref<1x128xi32, #tpu.memory_space<vmem>> -> memref<128xi32, #tpu.memory_space<vmem>>
      %dma_wait3A_268 = arith.constant 0 : i32
      %dma_wait3A_269 = arith.constant 0 : i32
      %dma_wait3A_270 = tpu.memref_slice %arg2[%dma_wait3A_268, %dma_wait3A_269] : memref<10008x128xf32, #tpu.memory_space<hbm>> -> memref<10008x128xf32, #tpu.memory_space<hbm>>
      tpu.wait_indirect_dma semaphore(%arg14 : memref<!tpu.dma_semaphore, #tpu.memory_space<semaphore_mem>>) src(%dma_wait3A_270 : memref<10008x128xf32, #tpu.memory_space<hbm>>) dst(%arg9 : memref<128x128xf32, #tpu.memory_space<vmem>>)
      %run_scoped3A_271 = arith.constant 1 : i32
      "tpu.region"() ({
        %run_scoped3A_279 = tpu.sem_alloc : memref<!tpu.dma_semaphore, #tpu.memory_space<semaphore_mem>>
        %dma_start3A_280 = arith.constant 0 : i32
        %dma_start3A_281 = tpu.memref_slice %arg7[%run_scoped3A_271, %dma_start3A_280] : memref<2x128xi32, #tpu.memory_space<vmem>> -> memref<1x128xi32, #tpu.memory_space<vmem>>
        %dma_start3A_282 = tpu.memref_squeeze %dma_start3A_281 : memref<1x128xi32, #tpu.memory_space<vmem>> -> memref<128xi32, #tpu.memory_space<vmem>>
        %dma_start3A_283 = arith.constant 0 : i32
        %dma_start3A_284 = arith.constant 0 : i32
        %dma_start3A_285 = tpu.memref_slice %arg10[%dma_start3A_283, %dma_start3A_284] : memref<10240x128xf32, #tpu.memory_space<vmem_shared>> -> memref<10240x128xf32, #tpu.memory_space<vmem_shared>>
        tpu.enqueue_indirect_dma source(%arg9 : memref<128x128xf32, #tpu.memory_space<vmem>>) target(%dma_start3A_285 : memref<10240x128xf32, #tpu.memory_space<vmem_shared>>) offsets(%dma_start3A_282 : memref<128xi32, #tpu.memory_space<vmem>>) semaphore(%run_scoped3A_279 : memref<!tpu.dma_semaphore, #tpu.memory_space<semaphore_mem>>) {add = true}
        %dma_wait3A_286 = arith.constant 0 : i32
        %dma_wait3A_287 = tpu.memref_slice %arg7[%run_scoped3A_271, %dma_wait3A_286] : memref<2x128xi32, #tpu.memory_space<vmem>> -> memref<1x128xi32, #tpu.memory_space<vmem>>
        %dma_wait3A_288 = tpu.memref_squeeze %dma_wait3A_287 : memref<1x128xi32, #tpu.memory_space<vmem>> -> memref<128xi32, #tpu.memory_space<vmem>>
        %dma_wait3A_289 = arith.constant 0 : i32
        %dma_wait3A_290 = arith.constant 0 : i32
        %dma_wait3A_291 = tpu.memref_slice %arg10[%dma_wait3A_289, %dma_wait3A_290] : memref<10240x128xf32, #tpu.memory_space<vmem_shared>> -> memref<10240x128xf32, #tpu.memory_space<vmem_shared>>
        tpu.wait_indirect_dma semaphore(%run_scoped3A_279 : memref<!tpu.dma_semaphore, #tpu.memory_space<semaphore_mem>>) src(%arg9 : memref<128x128xf32, #tpu.memory_space<vmem>>) dst(%dma_wait3A_291 : memref<10240x128xf32, #tpu.memory_space<vmem_shared>>)
        tpu.yield
      }) : () -> ()
      %add3A_272 = arith.constant 2 : i32
      %add3A_273 = arith.addi %add3A_254, %add3A_272 : i32
      %lt3A_274 = arith.constant 80 : i32
      %lt3A_275 = arith.cmpi slt, %add3A_273, %lt3A_274 : i32
      %convert_element_type3A_276 = arith.extui %lt3A_275 : i1 to i32
      %cond3A_277 = arith.constant 0 : i32
      %cond3A_278 = arith.cmpi ne, %convert_element_type3A_276, %cond3A_277 : i32
      scf.if %cond3A_278 {
        %add3A_279 = arith.constant 2 : i32
        %add3A_280 = arith.addi %add3A_254, %add3A_279 : i32
        %mul3A_281 = arith.constant 32 : i32
        %mul3A_282 = arith.muli %add3A_280, %mul3A_281 : i32
        %add3A_283 = arith.addi %add3A, %mul3A_282 : i32
        %mul3A_284 = arith.constant 128 : i32
        %mul3A_285 = arith.muli %add3A_283, %mul3A_284 : i32
        %multiple_of3A_286 = tpu.assume_multiple %mul3A_285, 8 : i32
        %dma_start3A_287 = arith.constant 1 : i32
        %dma_start3A_288 = arith.constant 0 : i32
        %dma_start3A_289 = tpu.memref_slice %arg6[%dma_start3A_287, %dma_start3A_288] : memref<2x128xi32, #tpu.memory_space<vmem>> -> memref<1x128xi32, #tpu.memory_space<vmem>>
        %dma_start3A_290 = tpu.memref_squeeze %dma_start3A_289 : memref<1x128xi32, #tpu.memory_space<vmem>> -> memref<128xi32, #tpu.memory_space<vmem>>
        %dma_start3A_291 = tpu.memref_slice %arg3[%multiple_of3A_286] : memref<327680xi32, #tpu.memory_space<hbm>> -> memref<128xi32, #tpu.memory_space<hbm>>
        %dma_start3A_292 = arith.constant 0 : i32
        %dma_start3A_293 = tpu.memref_slice %arg6[%dma_start3A_287, %dma_start3A_292] : memref<2x128xi32, #tpu.memory_space<vmem>> -> memref<1x128xi32, #tpu.memory_space<vmem>>
        %dma_start3A_294 = tpu.memref_squeeze %dma_start3A_293 : memref<1x128xi32, #tpu.memory_space<vmem>> -> memref<128xi32, #tpu.memory_space<vmem>>
        %dma_start3A_295 = tpu.memref_slice %arg3[%multiple_of3A_286] : memref<327680xi32, #tpu.memory_space<hbm>> -> memref<128xi32, #tpu.memory_space<hbm>>
        tpu.enqueue_dma source(%dma_start3A_295 : memref<128xi32, #tpu.memory_space<hbm>>) target(%dma_start3A_294 : memref<128xi32, #tpu.memory_space<vmem>>) target_semaphore(%arg12 : memref<!tpu.dma_semaphore, #tpu.memory_space<semaphore_mem>>)
        %dma_start3A_296 = arith.constant 1 : i32
        %dma_start3A_297 = arith.constant 0 : i32
        %dma_start3A_298 = tpu.memref_slice %arg7[%dma_start3A_296, %dma_start3A_297] : memref<2x128xi32, #tpu.memory_space<vmem>> -> memref<1x128xi32, #tpu.memory_space<vmem>>
        %dma_start3A_299 = tpu.memref_squeeze %dma_start3A_298 : memref<1x128xi32, #tpu.memory_space<vmem>> -> memref<128xi32, #tpu.memory_space<vmem>>
        %dma_start3A_300 = tpu.memref_slice %arg4[%multiple_of3A_286] : memref<327680xi32, #tpu.memory_space<hbm>> -> memref<128xi32, #tpu.memory_space<hbm>>
        %dma_start3A_301 = arith.constant 0 : i32
        %dma_start3A_302 = tpu.memref_slice %arg7[%dma_start3A_296, %dma_start3A_301] : memref<2x128xi32, #tpu.memory_space<vmem>> -> memref<1x128xi32, #tpu.memory_space<vmem>>
        %dma_start3A_303 = tpu.memref_squeeze %dma_start3A_302 : memref<1x128xi32, #tpu.memory_space<vmem>> -> memref<128xi32, #tpu.memory_space<vmem>>
        %dma_start3A_304 = tpu.memref_slice %arg4[%multiple_of3A_286] : memref<327680xi32, #tpu.memory_space<hbm>> -> memref<128xi32, #tpu.memory_space<hbm>>
        tpu.enqueue_dma source(%dma_start3A_304 : memref<128xi32, #tpu.memory_space<hbm>>) target(%dma_start3A_303 : memref<128xi32, #tpu.memory_space<vmem>>) target_semaphore(%arg12 : memref<!tpu.dma_semaphore, #tpu.memory_space<semaphore_mem>>)
      } else {
      }
    }
    %scan3A_95 = arith.constant 40 : i32
    %barrier3A_96 = arith.constant 0 : index
    tpu.barrier barrier_id(%barrier3A_96)
    %add3A_97 = arith.constant 0 : i32
    %add3A_98 = arith.addi %mul3A_51, %add3A_97 : i32
    "tpu.region"() ({
      %run_scoped3A = tpu.sem_alloc : memref<!tpu.dma_semaphore, #tpu.memory_space<semaphore_mem>>
      %dma_start3A_227 = arith.constant 0 : i32
      %dma_start3A_228 = arith.constant 0 : i32
      %dma_start3A_229 = tpu.memref_slice %arg8[%dma_start3A_227, %dma_start3A_228] : memref<128x128xf32, #tpu.memory_space<vmem>> -> memref<128x128xf32, #tpu.memory_space<vmem>>
      %dma_start3A_230 = arith.constant 0 : i32
      %dma_start3A_231 = tpu.memref_slice %arg10[%add3A_98, %dma_start3A_230] : memref<10240x128xf32, #tpu.memory_space<vmem_shared>> -> memref<128x128xf32, #tpu.memory_space<vmem_shared>>
      %dma_start3A_232 = arith.constant 0 : i32
      %dma_start3A_233 = arith.constant 0 : i32
      %dma_start3A_234 = tpu.memref_slice %arg8[%dma_start3A_232, %dma_start3A_233] : memref<128x128xf32, #tpu.memory_space<vmem>> -> memref<128x128xf32, #tpu.memory_space<vmem>>
      %dma_start3A_235 = arith.constant 0 : i32
      %dma_start3A_236 = tpu.memref_slice %arg10[%add3A_98, %dma_start3A_235] : memref<10240x128xf32, #tpu.memory_space<vmem_shared>> -> memref<128x128xf32, #tpu.memory_space<vmem_shared>>
      tpu.enqueue_dma source(%dma_start3A_236 : memref<128x128xf32, #tpu.memory_space<vmem_shared>>) target(%dma_start3A_234 : memref<128x128xf32, #tpu.memory_space<vmem>>) target_semaphore(%run_scoped3A : memref<!tpu.dma_semaphore, #tpu.memory_space<semaphore_mem>>)
      %dma_wait3A_237 = arith.constant 0 : i32
      %dma_wait3A_238 = arith.constant 0 : i32
      %dma_wait3A_239 = tpu.memref_slice %arg8[%dma_wait3A_237, %dma_wait3A_238] : memref<128x128xf32, #tpu.memory_space<vmem>> -> memref<128x128xf32, #tpu.memory_space<vmem>>
      %dma_wait3A_240 = arith.constant 0 : i32
      %dma_wait3A_241 = tpu.memref_slice %arg10[%add3A_98, %dma_wait3A_240] : memref<10240x128xf32, #tpu.memory_space<vmem_shared>> -> memref<128x128xf32, #tpu.memory_space<vmem_shared>>
      %dma_wait3A_242 = arith.constant 0 : i32
      %dma_wait3A_243 = arith.constant 0 : i32
      %dma_wait3A_244 = tpu.memref_slice %arg8[%dma_wait3A_242, %dma_wait3A_243] : memref<128x128xf32, #tpu.memory_space<vmem>> -> memref<128x128xf32, #tpu.memory_space<vmem>>
      %dma_wait3A_245 = arith.constant 0 : i32
      %dma_wait3A_246 = tpu.memref_slice %arg10[%add3A_98, %dma_wait3A_245] : memref<10240x128xf32, #tpu.memory_space<vmem_shared>> -> memref<128x128xf32, #tpu.memory_space<vmem_shared>>
      tpu.wait_dma2 semaphore(%run_scoped3A : memref<!tpu.dma_semaphore, #tpu.memory_space<semaphore_mem>>) src(%dma_wait3A_246 : memref<128x128xf32, #tpu.memory_space<vmem_shared>>) dst(%dma_wait3A_244 : memref<128x128xf32, #tpu.memory_space<vmem>>)
      tpu.yield
    }) : () -> ()
    %dma_start3A_99 = arith.constant 0 : i32
    %dma_start3A_100 = arith.constant 0 : i32
    %dma_start3A_101 = tpu.memref_slice %arg8[%dma_start3A_99, %dma_start3A_100] : memref<128x128xf32, #tpu.memory_space<vmem>> -> memref<128x128xf32, #tpu.memory_space<vmem>>
    %dma_start3A_102 = arith.constant 0 : i32
    %dma_start3A_103 = tpu.memref_slice %arg5[%arg0, %add3A_98, %dma_start3A_102] : memref<2x10240x128xf32, #tpu.memory_space<hbm>> -> memref<1x128x128xf32, #tpu.memory_space<hbm>>
    %dma_start3A_104 = tpu.memref_squeeze %dma_start3A_103 : memref<1x128x128xf32, #tpu.memory_space<hbm>> -> memref<128x128xf32, #tpu.memory_space<hbm>>
    %dma_start3A_105 = arith.constant 0 : i32
    %dma_start3A_106 = tpu.memref_slice %arg5[%arg0, %add3A_98, %dma_start3A_105] : memref<2x10240x128xf32, #tpu.memory_space<hbm>> -> memref<1x128x128xf32, #tpu.memory_space<hbm>>
    %dma_start3A_107 = tpu.memref_squeeze %dma_start3A_106 : memref<1x128x128xf32, #tpu.memory_space<hbm>> -> memref<128x128xf32, #tpu.memory_space<hbm>>
    %dma_start3A_108 = arith.constant 0 : i32
    %dma_start3A_109 = arith.constant 0 : i32
    %dma_start3A_110 = tpu.memref_slice %arg8[%dma_start3A_108, %dma_start3A_109] : memref<128x128xf32, #tpu.memory_space<vmem>> -> memref<128x128xf32, #tpu.memory_space<vmem>>
    tpu.enqueue_dma source(%dma_start3A_110 : memref<128x128xf32, #tpu.memory_space<vmem>>) target(%dma_start3A_107 : memref<128x128xf32, #tpu.memory_space<hbm>>) target_semaphore(%arg13 : memref<!tpu.dma_semaphore, #tpu.memory_space<semaphore_mem>>)
    %add3A_111 = arith.constant 128 : i32
    %add3A_112 = arith.addi %mul3A_51, %add3A_111 : i32
    "tpu.region"() ({
      %run_scoped3A = tpu.sem_alloc : memref<!tpu.dma_semaphore, #tpu.memory_space<semaphore_mem>>
      %dma_start3A_227 = arith.constant 0 : i32
      %dma_start3A_228 = arith.constant 0 : i32
      %dma_start3A_229 = tpu.memref_slice %arg9[%dma_start3A_227, %dma_start3A_228] : memref<128x128xf32, #tpu.memory_space<vmem>> -> memref<128x128xf32, #tpu.memory_space<vmem>>
      %dma_start3A_230 = arith.constant 0 : i32
      %dma_start3A_231 = tpu.memref_slice %arg10[%add3A_112, %dma_start3A_230] : memref<10240x128xf32, #tpu.memory_space<vmem_shared>> -> memref<128x128xf32, #tpu.memory_space<vmem_shared>>
      %dma_start3A_232 = arith.constant 0 : i32
      %dma_start3A_233 = arith.constant 0 : i32
      %dma_start3A_234 = tpu.memref_slice %arg9[%dma_start3A_232, %dma_start3A_233] : memref<128x128xf32, #tpu.memory_space<vmem>> -> memref<128x128xf32, #tpu.memory_space<vmem>>
      %dma_start3A_235 = arith.constant 0 : i32
      %dma_start3A_236 = tpu.memref_slice %arg10[%add3A_112, %dma_start3A_235] : memref<10240x128xf32, #tpu.memory_space<vmem_shared>> -> memref<128x128xf32, #tpu.memory_space<vmem_shared>>
      tpu.enqueue_dma source(%dma_start3A_236 : memref<128x128xf32, #tpu.memory_space<vmem_shared>>) target(%dma_start3A_234 : memref<128x128xf32, #tpu.memory_space<vmem>>) target_semaphore(%run_scoped3A : memref<!tpu.dma_semaphore, #tpu.memory_space<semaphore_mem>>)
      %dma_wait3A_237 = arith.constant 0 : i32
      %dma_wait3A_238 = arith.constant 0 : i32
      %dma_wait3A_239 = tpu.memref_slice %arg9[%dma_wait3A_237, %dma_wait3A_238] : memref<128x128xf32, #tpu.memory_space<vmem>> -> memref<128x128xf32, #tpu.memory_space<vmem>>
      %dma_wait3A_240 = arith.constant 0 : i32
      %dma_wait3A_241 = tpu.memref_slice %arg10[%add3A_112, %dma_wait3A_240] : memref<10240x128xf32, #tpu.memory_space<vmem_shared>> -> memref<128x128xf32, #tpu.memory_space<vmem_shared>>
      %dma_wait3A_242 = arith.constant 0 : i32
      %dma_wait3A_243 = arith.constant 0 : i32
      %dma_wait3A_244 = tpu.memref_slice %arg9[%dma_wait3A_242, %dma_wait3A_243] : memref<128x128xf32, #tpu.memory_space<vmem>> -> memref<128x128xf32, #tpu.memory_space<vmem>>
      %dma_wait3A_245 = arith.constant 0 : i32
      %dma_wait3A_246 = tpu.memref_slice %arg10[%add3A_112, %dma_wait3A_245] : memref<10240x128xf32, #tpu.memory_space<vmem_shared>> -> memref<128x128xf32, #tpu.memory_space<vmem_shared>>
      tpu.wait_dma2 semaphore(%run_scoped3A : memref<!tpu.dma_semaphore, #tpu.memory_space<semaphore_mem>>) src(%dma_wait3A_246 : memref<128x128xf32, #tpu.memory_space<vmem_shared>>) dst(%dma_wait3A_244 : memref<128x128xf32, #tpu.memory_space<vmem>>)
      tpu.yield
    }) : () -> ()
    %dma_start3A_113 = arith.constant 0 : i32
    %dma_start3A_114 = arith.constant 0 : i32
    %dma_start3A_115 = tpu.memref_slice %arg9[%dma_start3A_113, %dma_start3A_114] : memref<128x128xf32, #tpu.memory_space<vmem>> -> memref<128x128xf32, #tpu.memory_space<vmem>>
    %dma_start3A_116 = arith.constant 0 : i32
    %dma_start3A_117 = tpu.memref_slice %arg5[%arg0, %add3A_112, %dma_start3A_116] : memref<2x10240x128xf32, #tpu.memory_space<hbm>> -> memref<1x128x128xf32, #tpu.memory_space<hbm>>
    %dma_start3A_118 = tpu.memref_squeeze %dma_start3A_117 : memref<1x128x128xf32, #tpu.memory_space<hbm>> -> memref<128x128xf32, #tpu.memory_space<hbm>>
    %dma_start3A_119 = arith.constant 0 : i32
    %dma_start3A_120 = tpu.memref_slice %arg5[%arg0, %add3A_112, %dma_start3A_119] : memref<2x10240x128xf32, #tpu.memory_space<hbm>> -> memref<1x128x128xf32, #tpu.memory_space<hbm>>
    %dma_start3A_121 = tpu.memref_squeeze %dma_start3A_120 : memref<1x128x128xf32, #tpu.memory_space<hbm>> -> memref<128x128xf32, #tpu.memory_space<hbm>>
    %dma_start3A_122 = arith.constant 0 : i32
    %dma_start3A_123 = arith.constant 0 : i32
    %dma_start3A_124 = tpu.memref_slice %arg9[%dma_start3A_122, %dma_start3A_123] : memref<128x128xf32, #tpu.memory_space<vmem>> -> memref<128x128xf32, #tpu.memory_space<vmem>>
    tpu.enqueue_dma source(%dma_start3A_124 : memref<128x128xf32, #tpu.memory_space<vmem>>) target(%dma_start3A_121 : memref<128x128xf32, #tpu.memory_space<hbm>>) target_semaphore(%arg14 : memref<!tpu.dma_semaphore, #tpu.memory_space<semaphore_mem>>)
    %dma_wait3A_125 = arith.constant 0 : i32
    %dma_wait3A_126 = arith.constant 0 : i32
    %dma_wait3A_127 = tpu.memref_slice %arg8[%dma_wait3A_125, %dma_wait3A_126] : memref<128x128xf32, #tpu.memory_space<vmem>> -> memref<128x128xf32, #tpu.memory_space<vmem>>
    %dma_wait3A_128 = arith.constant 0 : i32
    %dma_wait3A_129 = arith.constant 0 : i32
    %dma_wait3A_130 = tpu.memref_slice %arg2[%dma_wait3A_128, %dma_wait3A_129] : memref<10008x128xf32, #tpu.memory_space<hbm>> -> memref<128x128xf32, #tpu.memory_space<hbm>>
    %dma_wait3A_131 = arith.constant 0 : i32
    %dma_wait3A_132 = arith.constant 0 : i32
    %dma_wait3A_133 = tpu.memref_slice %arg8[%dma_wait3A_131, %dma_wait3A_132] : memref<128x128xf32, #tpu.memory_space<vmem>> -> memref<128x128xf32, #tpu.memory_space<vmem>>
    %dma_wait3A_134 = arith.constant 0 : i32
    %dma_wait3A_135 = arith.constant 0 : i32
    %dma_wait3A_136 = tpu.memref_slice %arg2[%dma_wait3A_134, %dma_wait3A_135] : memref<10008x128xf32, #tpu.memory_space<hbm>> -> memref<128x128xf32, #tpu.memory_space<hbm>>
    tpu.wait_dma2 semaphore(%arg13 : memref<!tpu.dma_semaphore, #tpu.memory_space<semaphore_mem>>) src(%dma_wait3A_136 : memref<128x128xf32, #tpu.memory_space<hbm>>) dst(%dma_wait3A_133 : memref<128x128xf32, #tpu.memory_space<vmem>>)
    %add3A_137 = arith.constant 256 : i32
    %add3A_138 = arith.addi %mul3A_51, %add3A_137 : i32
    "tpu.region"() ({
      %run_scoped3A = tpu.sem_alloc : memref<!tpu.dma_semaphore, #tpu.memory_space<semaphore_mem>>
      %dma_start3A_227 = arith.constant 0 : i32
      %dma_start3A_228 = arith.constant 0 : i32
      %dma_start3A_229 = tpu.memref_slice %arg8[%dma_start3A_227, %dma_start3A_228] : memref<128x128xf32, #tpu.memory_space<vmem>> -> memref<128x128xf32, #tpu.memory_space<vmem>>
      %dma_start3A_230 = arith.constant 0 : i32
      %dma_start3A_231 = tpu.memref_slice %arg10[%add3A_138, %dma_start3A_230] : memref<10240x128xf32, #tpu.memory_space<vmem_shared>> -> memref<128x128xf32, #tpu.memory_space<vmem_shared>>
      %dma_start3A_232 = arith.constant 0 : i32
      %dma_start3A_233 = arith.constant 0 : i32
      %dma_start3A_234 = tpu.memref_slice %arg8[%dma_start3A_232, %dma_start3A_233] : memref<128x128xf32, #tpu.memory_space<vmem>> -> memref<128x128xf32, #tpu.memory_space<vmem>>
      %dma_start3A_235 = arith.constant 0 : i32
      %dma_start3A_236 = tpu.memref_slice %arg10[%add3A_138, %dma_start3A_235] : memref<10240x128xf32, #tpu.memory_space<vmem_shared>> -> memref<128x128xf32, #tpu.memory_space<vmem_shared>>
      tpu.enqueue_dma source(%dma_start3A_236 : memref<128x128xf32, #tpu.memory_space<vmem_shared>>) target(%dma_start3A_234 : memref<128x128xf32, #tpu.memory_space<vmem>>) target_semaphore(%run_scoped3A : memref<!tpu.dma_semaphore, #tpu.memory_space<semaphore_mem>>)
      %dma_wait3A_237 = arith.constant 0 : i32
      %dma_wait3A_238 = arith.constant 0 : i32
      %dma_wait3A_239 = tpu.memref_slice %arg8[%dma_wait3A_237, %dma_wait3A_238] : memref<128x128xf32, #tpu.memory_space<vmem>> -> memref<128x128xf32, #tpu.memory_space<vmem>>
      %dma_wait3A_240 = arith.constant 0 : i32
      %dma_wait3A_241 = tpu.memref_slice %arg10[%add3A_138, %dma_wait3A_240] : memref<10240x128xf32, #tpu.memory_space<vmem_shared>> -> memref<128x128xf32, #tpu.memory_space<vmem_shared>>
      %dma_wait3A_242 = arith.constant 0 : i32
      %dma_wait3A_243 = arith.constant 0 : i32
      %dma_wait3A_244 = tpu.memref_slice %arg8[%dma_wait3A_242, %dma_wait3A_243] : memref<128x128xf32, #tpu.memory_space<vmem>> -> memref<128x128xf32, #tpu.memory_space<vmem>>
      %dma_wait3A_245 = arith.constant 0 : i32
      %dma_wait3A_246 = tpu.memref_slice %arg10[%add3A_138, %dma_wait3A_245] : memref<10240x128xf32, #tpu.memory_space<vmem_shared>> -> memref<128x128xf32, #tpu.memory_space<vmem_shared>>
      tpu.wait_dma2 semaphore(%run_scoped3A : memref<!tpu.dma_semaphore, #tpu.memory_space<semaphore_mem>>) src(%dma_wait3A_246 : memref<128x128xf32, #tpu.memory_space<vmem_shared>>) dst(%dma_wait3A_244 : memref<128x128xf32, #tpu.memory_space<vmem>>)
      tpu.yield
    }) : () -> ()
    %dma_start3A_139 = arith.constant 0 : i32
    %dma_start3A_140 = arith.constant 0 : i32
    %dma_start3A_141 = tpu.memref_slice %arg8[%dma_start3A_139, %dma_start3A_140] : memref<128x128xf32, #tpu.memory_space<vmem>> -> memref<128x128xf32, #tpu.memory_space<vmem>>
    %dma_start3A_142 = arith.constant 0 : i32
    %dma_start3A_143 = tpu.memref_slice %arg5[%arg0, %add3A_138, %dma_start3A_142] : memref<2x10240x128xf32, #tpu.memory_space<hbm>> -> memref<1x128x128xf32, #tpu.memory_space<hbm>>
    %dma_start3A_144 = tpu.memref_squeeze %dma_start3A_143 : memref<1x128x128xf32, #tpu.memory_space<hbm>> -> memref<128x128xf32, #tpu.memory_space<hbm>>
    %dma_start3A_145 = arith.constant 0 : i32
    %dma_start3A_146 = tpu.memref_slice %arg5[%arg0, %add3A_138, %dma_start3A_145] : memref<2x10240x128xf32, #tpu.memory_space<hbm>> -> memref<1x128x128xf32, #tpu.memory_space<hbm>>
    %dma_start3A_147 = tpu.memref_squeeze %dma_start3A_146 : memref<1x128x128xf32, #tpu.memory_space<hbm>> -> memref<128x128xf32, #tpu.memory_space<hbm>>
    %dma_start3A_148 = arith.constant 0 : i32
    %dma_start3A_149 = arith.constant 0 : i32
    %dma_start3A_150 = tpu.memref_slice %arg8[%dma_start3A_148, %dma_start3A_149] : memref<128x128xf32, #tpu.memory_space<vmem>> -> memref<128x128xf32, #tpu.memory_space<vmem>>
    tpu.enqueue_dma source(%dma_start3A_150 : memref<128x128xf32, #tpu.memory_space<vmem>>) target(%dma_start3A_147 : memref<128x128xf32, #tpu.memory_space<hbm>>) target_semaphore(%arg13 : memref<!tpu.dma_semaphore, #tpu.memory_space<semaphore_mem>>)
    %dma_wait3A_151 = arith.constant 0 : i32
    %dma_wait3A_152 = arith.constant 0 : i32
    %dma_wait3A_153 = tpu.memref_slice %arg9[%dma_wait3A_151, %dma_wait3A_152] : memref<128x128xf32, #tpu.memory_space<vmem>> -> memref<128x128xf32, #tpu.memory_space<vmem>>
    %dma_wait3A_154 = arith.constant 0 : i32
    %dma_wait3A_155 = arith.constant 0 : i32
    %dma_wait3A_156 = tpu.memref_slice %arg2[%dma_wait3A_154, %dma_wait3A_155] : memref<10008x128xf32, #tpu.memory_space<hbm>> -> memref<128x128xf32, #tpu.memory_space<hbm>>
    %dma_wait3A_157 = arith.constant 0 : i32
    %dma_wait3A_158 = arith.constant 0 : i32
    %dma_wait3A_159 = tpu.memref_slice %arg9[%dma_wait3A_157, %dma_wait3A_158] : memref<128x128xf32, #tpu.memory_space<vmem>> -> memref<128x128xf32, #tpu.memory_space<vmem>>
    %dma_wait3A_160 = arith.constant 0 : i32
    %dma_wait3A_161 = arith.constant 0 : i32
    %dma_wait3A_162 = tpu.memref_slice %arg2[%dma_wait3A_160, %dma_wait3A_161] : memref<10008x128xf32, #tpu.memory_space<hbm>> -> memref<128x128xf32, #tpu.memory_space<hbm>>
    tpu.wait_dma2 semaphore(%arg14 : memref<!tpu.dma_semaphore, #tpu.memory_space<semaphore_mem>>) src(%dma_wait3A_162 : memref<128x128xf32, #tpu.memory_space<hbm>>) dst(%dma_wait3A_159 : memref<128x128xf32, #tpu.memory_space<vmem>>)
    %add3A_163 = arith.constant 384 : i32
    %add3A_164 = arith.addi %mul3A_51, %add3A_163 : i32
    "tpu.region"() ({
      %run_scoped3A = tpu.sem_alloc : memref<!tpu.dma_semaphore, #tpu.memory_space<semaphore_mem>>
      %dma_start3A_227 = arith.constant 0 : i32
      %dma_start3A_228 = arith.constant 0 : i32
      %dma_start3A_229 = tpu.memref_slice %arg9[%dma_start3A_227, %dma_start3A_228] : memref<128x128xf32, #tpu.memory_space<vmem>> -> memref<128x128xf32, #tpu.memory_space<vmem>>
      %dma_start3A_230 = arith.constant 0 : i32
      %dma_start3A_231 = tpu.memref_slice %arg10[%add3A_164, %dma_start3A_230] : memref<10240x128xf32, #tpu.memory_space<vmem_shared>> -> memref<128x128xf32, #tpu.memory_space<vmem_shared>>
      %dma_start3A_232 = arith.constant 0 : i32
      %dma_start3A_233 = arith.constant 0 : i32
      %dma_start3A_234 = tpu.memref_slice %arg9[%dma_start3A_232, %dma_start3A_233] : memref<128x128xf32, #tpu.memory_space<vmem>> -> memref<128x128xf32, #tpu.memory_space<vmem>>
      %dma_start3A_235 = arith.constant 0 : i32
      %dma_start3A_236 = tpu.memref_slice %arg10[%add3A_164, %dma_start3A_235] : memref<10240x128xf32, #tpu.memory_space<vmem_shared>> -> memref<128x128xf32, #tpu.memory_space<vmem_shared>>
      tpu.enqueue_dma source(%dma_start3A_236 : memref<128x128xf32, #tpu.memory_space<vmem_shared>>) target(%dma_start3A_234 : memref<128x128xf32, #tpu.memory_space<vmem>>) target_semaphore(%run_scoped3A : memref<!tpu.dma_semaphore, #tpu.memory_space<semaphore_mem>>)
      %dma_wait3A_237 = arith.constant 0 : i32
      %dma_wait3A_238 = arith.constant 0 : i32
      %dma_wait3A_239 = tpu.memref_slice %arg9[%dma_wait3A_237, %dma_wait3A_238] : memref<128x128xf32, #tpu.memory_space<vmem>> -> memref<128x128xf32, #tpu.memory_space<vmem>>
      %dma_wait3A_240 = arith.constant 0 : i32
      %dma_wait3A_241 = tpu.memref_slice %arg10[%add3A_164, %dma_wait3A_240] : memref<10240x128xf32, #tpu.memory_space<vmem_shared>> -> memref<128x128xf32, #tpu.memory_space<vmem_shared>>
      %dma_wait3A_242 = arith.constant 0 : i32
      %dma_wait3A_243 = arith.constant 0 : i32
      %dma_wait3A_244 = tpu.memref_slice %arg9[%dma_wait3A_242, %dma_wait3A_243] : memref<128x128xf32, #tpu.memory_space<vmem>> -> memref<128x128xf32, #tpu.memory_space<vmem>>
      %dma_wait3A_245 = arith.constant 0 : i32
      %dma_wait3A_246 = tpu.memref_slice %arg10[%add3A_164, %dma_wait3A_245] : memref<10240x128xf32, #tpu.memory_space<vmem_shared>> -> memref<128x128xf32, #tpu.memory_space<vmem_shared>>
      tpu.wait_dma2 semaphore(%run_scoped3A : memref<!tpu.dma_semaphore, #tpu.memory_space<semaphore_mem>>) src(%dma_wait3A_246 : memref<128x128xf32, #tpu.memory_space<vmem_shared>>) dst(%dma_wait3A_244 : memref<128x128xf32, #tpu.memory_space<vmem>>)
      tpu.yield
    }) : () -> ()
    %dma_start3A_165 = arith.constant 0 : i32
    %dma_start3A_166 = arith.constant 0 : i32
    %dma_start3A_167 = tpu.memref_slice %arg9[%dma_start3A_165, %dma_start3A_166] : memref<128x128xf32, #tpu.memory_space<vmem>> -> memref<128x128xf32, #tpu.memory_space<vmem>>
    %dma_start3A_168 = arith.constant 0 : i32
    %dma_start3A_169 = tpu.memref_slice %arg5[%arg0, %add3A_164, %dma_start3A_168] : memref<2x10240x128xf32, #tpu.memory_space<hbm>> -> memref<1x128x128xf32, #tpu.memory_space<hbm>>
    %dma_start3A_170 = tpu.memref_squeeze %dma_start3A_169 : memref<1x128x128xf32, #tpu.memory_space<hbm>> -> memref<128x128xf32, #tpu.memory_space<hbm>>
    %dma_start3A_171 = arith.constant 0 : i32
    %dma_start3A_172 = tpu.memref_slice %arg5[%arg0, %add3A_164, %dma_start3A_171] : memref<2x10240x128xf32, #tpu.memory_space<hbm>> -> memref<1x128x128xf32, #tpu.memory_space<hbm>>
    %dma_start3A_173 = tpu.memref_squeeze %dma_start3A_172 : memref<1x128x128xf32, #tpu.memory_space<hbm>> -> memref<128x128xf32, #tpu.memory_space<hbm>>
    %dma_start3A_174 = arith.constant 0 : i32
    %dma_start3A_175 = arith.constant 0 : i32
    %dma_start3A_176 = tpu.memref_slice %arg9[%dma_start3A_174, %dma_start3A_175] : memref<128x128xf32, #tpu.memory_space<vmem>> -> memref<128x128xf32, #tpu.memory_space<vmem>>
    tpu.enqueue_dma source(%dma_start3A_176 : memref<128x128xf32, #tpu.memory_space<vmem>>) target(%dma_start3A_173 : memref<128x128xf32, #tpu.memory_space<hbm>>) target_semaphore(%arg14 : memref<!tpu.dma_semaphore, #tpu.memory_space<semaphore_mem>>)
    %dma_wait3A_177 = arith.constant 0 : i32
    %dma_wait3A_178 = arith.constant 0 : i32
    %dma_wait3A_179 = tpu.memref_slice %arg8[%dma_wait3A_177, %dma_wait3A_178] : memref<128x128xf32, #tpu.memory_space<vmem>> -> memref<128x128xf32, #tpu.memory_space<vmem>>
    %dma_wait3A_180 = arith.constant 0 : i32
    %dma_wait3A_181 = arith.constant 0 : i32
    %dma_wait3A_182 = tpu.memref_slice %arg2[%dma_wait3A_180, %dma_wait3A_181] : memref<10008x128xf32, #tpu.memory_space<hbm>> -> memref<128x128xf32, #tpu.memory_space<hbm>>
    %dma_wait3A_183 = arith.constant 0 : i32
    %dma_wait3A_184 = arith.constant 0 : i32
    %dma_wait3A_185 = tpu.memref_slice %arg8[%dma_wait3A_183, %dma_wait3A_184] : memref<128x128xf32, #tpu.memory_space<vmem>> -> memref<128x128xf32, #tpu.memory_space<vmem>>
    %dma_wait3A_186 = arith.constant 0 : i32
    %dma_wait3A_187 = arith.constant 0 : i32
    %dma_wait3A_188 = tpu.memref_slice %arg2[%dma_wait3A_186, %dma_wait3A_187] : memref<10008x128xf32, #tpu.memory_space<hbm>> -> memref<128x128xf32, #tpu.memory_space<hbm>>
    tpu.wait_dma2 semaphore(%arg13 : memref<!tpu.dma_semaphore, #tpu.memory_space<semaphore_mem>>) src(%dma_wait3A_188 : memref<128x128xf32, #tpu.memory_space<hbm>>) dst(%dma_wait3A_185 : memref<128x128xf32, #tpu.memory_space<vmem>>)
    %add3A_189 = arith.constant 512 : i32
    %add3A_190 = arith.addi %mul3A_51, %add3A_189 : i32
    "tpu.region"() ({
      %run_scoped3A = tpu.sem_alloc : memref<!tpu.dma_semaphore, #tpu.memory_space<semaphore_mem>>
      %dma_start3A_227 = arith.constant 0 : i32
      %dma_start3A_228 = arith.constant 0 : i32
      %dma_start3A_229 = tpu.memref_slice %arg8[%dma_start3A_227, %dma_start3A_228] : memref<128x128xf32, #tpu.memory_space<vmem>> -> memref<128x128xf32, #tpu.memory_space<vmem>>
      %dma_start3A_230 = arith.constant 0 : i32
      %dma_start3A_231 = tpu.memref_slice %arg10[%add3A_190, %dma_start3A_230] : memref<10240x128xf32, #tpu.memory_space<vmem_shared>> -> memref<128x128xf32, #tpu.memory_space<vmem_shared>>
      %dma_start3A_232 = arith.constant 0 : i32
      %dma_start3A_233 = arith.constant 0 : i32
      %dma_start3A_234 = tpu.memref_slice %arg8[%dma_start3A_232, %dma_start3A_233] : memref<128x128xf32, #tpu.memory_space<vmem>> -> memref<128x128xf32, #tpu.memory_space<vmem>>
      %dma_start3A_235 = arith.constant 0 : i32
      %dma_start3A_236 = tpu.memref_slice %arg10[%add3A_190, %dma_start3A_235] : memref<10240x128xf32, #tpu.memory_space<vmem_shared>> -> memref<128x128xf32, #tpu.memory_space<vmem_shared>>
      tpu.enqueue_dma source(%dma_start3A_236 : memref<128x128xf32, #tpu.memory_space<vmem_shared>>) target(%dma_start3A_234 : memref<128x128xf32, #tpu.memory_space<vmem>>) target_semaphore(%run_scoped3A : memref<!tpu.dma_semaphore, #tpu.memory_space<semaphore_mem>>)
      %dma_wait3A_237 = arith.constant 0 : i32
      %dma_wait3A_238 = arith.constant 0 : i32
      %dma_wait3A_239 = tpu.memref_slice %arg8[%dma_wait3A_237, %dma_wait3A_238] : memref<128x128xf32, #tpu.memory_space<vmem>> -> memref<128x128xf32, #tpu.memory_space<vmem>>
      %dma_wait3A_240 = arith.constant 0 : i32
      %dma_wait3A_241 = tpu.memref_slice %arg10[%add3A_190, %dma_wait3A_240] : memref<10240x128xf32, #tpu.memory_space<vmem_shared>> -> memref<128x128xf32, #tpu.memory_space<vmem_shared>>
      %dma_wait3A_242 = arith.constant 0 : i32
      %dma_wait3A_243 = arith.constant 0 : i32
      %dma_wait3A_244 = tpu.memref_slice %arg8[%dma_wait3A_242, %dma_wait3A_243] : memref<128x128xf32, #tpu.memory_space<vmem>> -> memref<128x128xf32, #tpu.memory_space<vmem>>
      %dma_wait3A_245 = arith.constant 0 : i32
      %dma_wait3A_246 = tpu.memref_slice %arg10[%add3A_190, %dma_wait3A_245] : memref<10240x128xf32, #tpu.memory_space<vmem_shared>> -> memref<128x128xf32, #tpu.memory_space<vmem_shared>>
      tpu.wait_dma2 semaphore(%run_scoped3A : memref<!tpu.dma_semaphore, #tpu.memory_space<semaphore_mem>>) src(%dma_wait3A_246 : memref<128x128xf32, #tpu.memory_space<vmem_shared>>) dst(%dma_wait3A_244 : memref<128x128xf32, #tpu.memory_space<vmem>>)
      tpu.yield
    }) : () -> ()
    %dma_start3A_191 = arith.constant 0 : i32
    %dma_start3A_192 = arith.constant 0 : i32
    %dma_start3A_193 = tpu.memref_slice %arg8[%dma_start3A_191, %dma_start3A_192] : memref<128x128xf32, #tpu.memory_space<vmem>> -> memref<128x128xf32, #tpu.memory_space<vmem>>
    %dma_start3A_194 = arith.constant 0 : i32
    %dma_start3A_195 = tpu.memref_slice %arg5[%arg0, %add3A_190, %dma_start3A_194] : memref<2x10240x128xf32, #tpu.memory_space<hbm>> -> memref<1x128x128xf32, #tpu.memory_space<hbm>>
    %dma_start3A_196 = tpu.memref_squeeze %dma_start3A_195 : memref<1x128x128xf32, #tpu.memory_space<hbm>> -> memref<128x128xf32, #tpu.memory_space<hbm>>
    %dma_start3A_197 = arith.constant 0 : i32
    %dma_start3A_198 = tpu.memref_slice %arg5[%arg0, %add3A_190, %dma_start3A_197] : memref<2x10240x128xf32, #tpu.memory_space<hbm>> -> memref<1x128x128xf32, #tpu.memory_space<hbm>>
    %dma_start3A_199 = tpu.memref_squeeze %dma_start3A_198 : memref<1x128x128xf32, #tpu.memory_space<hbm>> -> memref<128x128xf32, #tpu.memory_space<hbm>>
    %dma_start3A_200 = arith.constant 0 : i32
    %dma_start3A_201 = arith.constant 0 : i32
    %dma_start3A_202 = tpu.memref_slice %arg8[%dma_start3A_200, %dma_start3A_201] : memref<128x128xf32, #tpu.memory_space<vmem>> -> memref<128x128xf32, #tpu.memory_space<vmem>>
    tpu.enqueue_dma source(%dma_start3A_202 : memref<128x128xf32, #tpu.memory_space<vmem>>) target(%dma_start3A_199 : memref<128x128xf32, #tpu.memory_space<hbm>>) target_semaphore(%arg13 : memref<!tpu.dma_semaphore, #tpu.memory_space<semaphore_mem>>)
    %dma_wait3A_203 = arith.constant 0 : i32
    %dma_wait3A_204 = arith.constant 0 : i32
    %dma_wait3A_205 = tpu.memref_slice %arg9[%dma_wait3A_203, %dma_wait3A_204] : memref<128x128xf32, #tpu.memory_space<vmem>> -> memref<128x128xf32, #tpu.memory_space<vmem>>
    %dma_wait3A_206 = arith.constant 0 : i32
    %dma_wait3A_207 = arith.constant 0 : i32
    %dma_wait3A_208 = tpu.memref_slice %arg2[%dma_wait3A_206, %dma_wait3A_207] : memref<10008x128xf32, #tpu.memory_space<hbm>> -> memref<128x128xf32, #tpu.memory_space<hbm>>
    %dma_wait3A_209 = arith.constant 0 : i32
    %dma_wait3A_210 = arith.constant 0 : i32
    %dma_wait3A_211 = tpu.memref_slice %arg9[%dma_wait3A_209, %dma_wait3A_210] : memref<128x128xf32, #tpu.memory_space<vmem>> -> memref<128x128xf32, #tpu.memory_space<vmem>>
    %dma_wait3A_212 = arith.constant 0 : i32
    %dma_wait3A_213 = arith.constant 0 : i32
    %dma_wait3A_214 = tpu.memref_slice %arg2[%dma_wait3A_212, %dma_wait3A_213] : memref<10008x128xf32, #tpu.memory_space<hbm>> -> memref<128x128xf32, #tpu.memory_space<hbm>>
    tpu.wait_dma2 semaphore(%arg14 : memref<!tpu.dma_semaphore, #tpu.memory_space<semaphore_mem>>) src(%dma_wait3A_214 : memref<128x128xf32, #tpu.memory_space<hbm>>) dst(%dma_wait3A_211 : memref<128x128xf32, #tpu.memory_space<vmem>>)
    %dma_wait3A_215 = arith.constant 0 : i32
    %dma_wait3A_216 = arith.constant 0 : i32
    %dma_wait3A_217 = tpu.memref_slice %arg8[%dma_wait3A_215, %dma_wait3A_216] : memref<128x128xf32, #tpu.memory_space<vmem>> -> memref<128x128xf32, #tpu.memory_space<vmem>>
    %dma_wait3A_218 = arith.constant 0 : i32
    %dma_wait3A_219 = arith.constant 0 : i32
    %dma_wait3A_220 = tpu.memref_slice %arg2[%dma_wait3A_218, %dma_wait3A_219] : memref<10008x128xf32, #tpu.memory_space<hbm>> -> memref<128x128xf32, #tpu.memory_space<hbm>>
    %dma_wait3A_221 = arith.constant 0 : i32
    %dma_wait3A_222 = arith.constant 0 : i32
    %dma_wait3A_223 = tpu.memref_slice %arg8[%dma_wait3A_221, %dma_wait3A_222] : memref<128x128xf32, #tpu.memory_space<vmem>> -> memref<128x128xf32, #tpu.memory_space<vmem>>
    %dma_wait3A_224 = arith.constant 0 : i32
    %dma_wait3A_225 = arith.constant 0 : i32
    %dma_wait3A_226 = tpu.memref_slice %arg2[%dma_wait3A_224, %dma_wait3A_225] : memref<10008x128xf32, #tpu.memory_space<hbm>> -> memref<128x128xf32, #tpu.memory_space<hbm>>
    tpu.wait_dma2 semaphore(%arg13 : memref<!tpu.dma_semaphore, #tpu.memory_space<semaphore_mem>>) src(%dma_wait3A_226 : memref<128x128xf32, #tpu.memory_space<hbm>>) dst(%dma_wait3A_223 : memref<128x128xf32, #tpu.memory_space<vmem>>)
    return
  }
}

module attributes {stable_mosaic.version = 14 : i64} {
  func.func @_tc_in_body(%arg0: memref<10000x128xf32, #tpu.memory_space<vmem>>, %arg1: memref<128x128xf32, #tpu.memory_space<vmem>>, %arg2: memref<1x128xf32, #tpu.memory_space<vmem>>, %arg3: memref<128x128xf32, #tpu.memory_space<vmem>>, %arg4: memref<1x128xf32, #tpu.memory_space<vmem>>, %arg5: memref<10000x128xf32, #tpu.memory_space<vmem>>, %arg6: memref<10008x128xf32, #tpu.memory_space<vmem>>) attributes {dimension_semantics = [], scalar_prefetch = 0 : i64, scratch_operands = 0 : i64, tpu.core_type = #tpu.core_type<tc>} {
    %get3A = arith.constant 0 : index
    %get3A_0 = arith.constant 0 : index
    %get3A_1 = vector.load %arg0[%get3A, %get3A_0] : memref<10000x128xf32, #tpu.memory_space<vmem>>, vector<10000x128xf32>
    %get3A_2 = arith.constant 0 : index
    %get3A_3 = arith.constant 0 : index
    %get3A_4 = vector.load %arg1[%get3A_2, %get3A_3] : memref<128x128xf32, #tpu.memory_space<vmem>>, vector<128x128xf32>
    %dot_general3A = arith.constant dense<0.000000e+00> : vector<10000x128xf32>
    %dot_general3A_5 = tpu.matmul %get3A_1, %get3A_4, %dot_general3A {dimension_numbers = #tpu.dot_dimension_numbers<[1], [1], [0], [0], [0, 0, 1, 0], [], []>, transpose_lhs_hint = false} : vector<10000x128xf32>, vector<128x128xf32>, vector<10000x128xf32> -> vector<10000x128xf32>
    %get3A_6 = arith.constant 0 : index
    %get3A_7 = arith.constant 0 : index
    %get3A_8 = vector.load %arg2[%get3A_6, %get3A_7] : memref<1x128xf32, #tpu.memory_space<vmem>>, vector<1x128xf32>
    %add3A = vector.broadcast %get3A_8 : vector<1x128xf32> to vector<10000x128xf32>
    %add3A_9 = arith.addf %dot_general3A_5, %add3A : vector<10000x128xf32>
    %max3A = arith.constant 0.000000e+00 : f32
    %max3A_10 = vector.broadcast %max3A : f32 to vector<10000x128xf32>
    %max3A_11 = arith.maximumf %add3A_9, %max3A_10 : vector<10000x128xf32>
    %swap3A = arith.constant 0 : index
    %swap3A_12 = arith.constant 0 : index
    %swap3A_13 = vector.load %arg5[%swap3A, %swap3A_12] : memref<10000x128xf32, #tpu.memory_space<vmem>>, vector<10000x128xf32>
    tpu.vector_store %arg5[%swap3A, %swap3A_12], %max3A_11 {strides = array<i32>} : memref<10000x128xf32, #tpu.memory_space<vmem>>, vector<10000x128xf32>,
    %get3A_14 = arith.constant 0 : index
    %get3A_15 = arith.constant 0 : index
    %get3A_16 = vector.load %arg3[%get3A_14, %get3A_15] : memref<128x128xf32, #tpu.memory_space<vmem>>, vector<128x128xf32>
    %dot_general3A_17 = arith.constant dense<0.000000e+00> : vector<10000x128xf32>
    %dot_general3A_18 = tpu.matmul %max3A_11, %get3A_16, %dot_general3A_17 {dimension_numbers = #tpu.dot_dimension_numbers<[1], [1], [0], [0], [0, 0, 1, 0], [], []>, transpose_lhs_hint = false} : vector<10000x128xf32>, vector<128x128xf32>, vector<10000x128xf32> -> vector<10000x128xf32>
    %get3A_19 = arith.constant 0 : index
    %get3A_20 = arith.constant 0 : index
    %get3A_21 = vector.load %arg4[%get3A_19, %get3A_20] : memref<1x128xf32, #tpu.memory_space<vmem>>, vector<1x128xf32>
    %add3A_22 = vector.broadcast %get3A_21 : vector<1x128xf32> to vector<10000x128xf32>
    %add3A_23 = arith.addf %dot_general3A_18, %add3A_22 : vector<10000x128xf32>
    %swap3A_24 = arith.constant 0 : index
    %swap3A_25 = arith.constant 0 : index
    %swap3A_26 = vector.load %arg6[%swap3A_24, %swap3A_25] : memref<10008x128xf32, #tpu.memory_space<vmem>>, vector<10000x128xf32>
    tpu.vector_store %arg6[%swap3A_24, %swap3A_25], %add3A_23 {strides = array<i32>} : memref<10008x128xf32, #tpu.memory_space<vmem>>, vector<10000x128xf32>,
    %broadcast_in_dim3A = arith.constant 0.000000e+00 : f32
    %broadcast_in_dim3A_27 = vector.broadcast %broadcast_in_dim3A : f32 to vector<8x128xf32>
    %swap3A_28 = arith.constant 10000 : index
    %swap3A_29 = arith.constant 0 : index
    %swap3A_30 = vector.load %arg6[%swap3A_28, %swap3A_29] : memref<10008x128xf32, #tpu.memory_space<vmem>>, vector<8x128xf32>
    tpu.vector_store %arg6[%swap3A_28, %swap3A_29], %broadcast_in_dim3A_27 {strides = array<i32>} : memref<10008x128xf32, #tpu.memory_space<vmem>>, vector<8x128xf32>,
    return
  }
}

module attributes {stable_mosaic.version = 14 : i64} {
  func.func @_tc_mid_body(%arg0: memref<10000x128xf32, #tpu.memory_space<vmem>>, %arg1: memref<2x10240x128xf32, #tpu.memory_space<vmem>>, %arg2: memref<1x128xf32, #tpu.memory_space<vmem>>, %arg3: memref<1x128xf32, #tpu.memory_space<vmem>>, %arg4: memref<128x128xf32, #tpu.memory_space<vmem>>, %arg5: memref<1x128xf32, #tpu.memory_space<vmem>>, %arg6: memref<10000x128xf32, #tpu.memory_space<vmem>>, %arg7: memref<10008x128xf32, #tpu.memory_space<vmem>>) attributes {dimension_semantics = [], scalar_prefetch = 0 : i64, scratch_operands = 0 : i64, tpu.core_type = #tpu.core_type<tc>} {
    %get3A = arith.constant 0 : index
    %get3A_0 = arith.constant 0 : index
    %get3A_1 = vector.load %arg0[%get3A, %get3A_0] : memref<10000x128xf32, #tpu.memory_space<vmem>>, vector<10000x128xf32>
    %get3A_2 = arith.constant 0 : index
    %get3A_3 = arith.constant 0 : index
    %get3A_4 = arith.constant 0 : index
    %get3A_5 = vector.load %arg1[%get3A_2, %get3A_3, %get3A_4] : memref<2x10240x128xf32, #tpu.memory_space<vmem>>, vector<2x10240x128xf32>
    %get3A_6 = arith.constant 0 : index
    %get3A_7 = arith.constant 0 : index
    %get3A_8 = vector.load %arg2[%get3A_6, %get3A_7] : memref<1x128xf32, #tpu.memory_space<vmem>>, vector<1x128xf32>
    %get3A_9 = arith.constant 0 : index
    %get3A_10 = arith.constant 0 : index
    %get3A_11 = vector.load %arg3[%get3A_9, %get3A_10] : memref<1x128xf32, #tpu.memory_space<vmem>>, vector<1x128xf32>
    %slice3A = vector.extract_strided_slice %get3A_5 {offsets = [0, 0, 0], sizes = [1, 10000, 128], strides = [1, 1, 1]} : vector<2x10240x128xf32> to vector<1x10000x128xf32>
    %squeeze3A = vector.shape_cast %slice3A : vector<1x10000x128xf32> to vector<10000x128xf32>
    %slice3A_12 = vector.extract_strided_slice %get3A_5 {offsets = [1, 0, 0], sizes = [1, 10000, 128], strides = [1, 1, 1]} : vector<2x10240x128xf32> to vector<1x10000x128xf32>
    %squeeze3A_13 = vector.shape_cast %slice3A_12 : vector<1x10000x128xf32> to vector<10000x128xf32>
    %add3A = arith.addf %squeeze3A, %squeeze3A_13 : vector<10000x128xf32>
    %reduce_sum3A = arith.constant dense<0.000000e+00> : vector<128xf32>
    %reduce_sum3A_14 = vector.multi_reduction <add>, %add3A, %reduce_sum3A [0] : vector<10000x128xf32> to vector<128xf32>
    %broadcast_in_dim3A = vector.shape_cast %reduce_sum3A_14 : vector<128xf32> to vector<1x128xf32>
    %div3A = arith.constant 1.000000e+04 : f32
    %div3A_15 = vector.broadcast %div3A : f32 to vector<1x128xf32>
    %div3A_16 = arith.divf %broadcast_in_dim3A, %div3A_15 : vector<1x128xf32>
    %sub3A = vector.broadcast %div3A_16 : vector<1x128xf32> to vector<10000x128xf32>
    %sub3A_17 = arith.subf %add3A, %sub3A : vector<10000x128xf32>
    %mul3A = arith.mulf %sub3A_17, %sub3A_17 : vector<10000x128xf32>
    %reduce_sum3A_18 = arith.constant dense<0.000000e+00> : vector<128xf32>
    %reduce_sum3A_19 = vector.multi_reduction <add>, %mul3A, %reduce_sum3A_18 [0] : vector<10000x128xf32> to vector<128xf32>
    %broadcast_in_dim3A_20 = vector.shape_cast %reduce_sum3A_19 : vector<128xf32> to vector<1x128xf32>
    %div3A_21 = arith.constant 1.000000e+04 : f32
    %div3A_22 = vector.broadcast %div3A_21 : f32 to vector<1x128xf32>
    %div3A_23 = arith.divf %broadcast_in_dim3A_20, %div3A_22 : vector<1x128xf32>
    %add3A_24 = arith.constant 9.99999974E-6 : f32
    %add3A_25 = vector.broadcast %add3A_24 : f32 to vector<1x128xf32>
    %add3A_26 = arith.addf %div3A_23, %add3A_25 : vector<1x128xf32>
    %rsqrt3A = math.rsqrt %add3A_26 : vector<1x128xf32>
    %mul3A_27 = vector.broadcast %rsqrt3A : vector<1x128xf32> to vector<10000x128xf32>
    %mul3A_28 = arith.mulf %sub3A_17, %mul3A_27 : vector<10000x128xf32>
    %mul3A_29 = vector.broadcast %get3A_8 : vector<1x128xf32> to vector<10000x128xf32>
    %mul3A_30 = arith.mulf %mul3A_28, %mul3A_29 : vector<10000x128xf32>
    %add3A_31 = vector.broadcast %get3A_11 : vector<1x128xf32> to vector<10000x128xf32>
    %add3A_32 = arith.addf %mul3A_30, %add3A_31 : vector<10000x128xf32>
    %max3A = arith.constant 0.000000e+00 : f32
    %max3A_33 = vector.broadcast %max3A : f32 to vector<10000x128xf32>
    %max3A_34 = arith.maximumf %add3A_32, %max3A_33 : vector<10000x128xf32>
    %add3A_35 = arith.addf %get3A_1, %max3A_34 : vector<10000x128xf32>
    %swap3A = arith.constant 0 : index
    %swap3A_36 = arith.constant 0 : index
    %swap3A_37 = vector.load %arg6[%swap3A, %swap3A_36] : memref<10000x128xf32, #tpu.memory_space<vmem>>, vector<10000x128xf32>
    tpu.vector_store %arg6[%swap3A, %swap3A_36], %add3A_35 {strides = array<i32>} : memref<10000x128xf32, #tpu.memory_space<vmem>>, vector<10000x128xf32>,
    %get3A_38 = arith.constant 0 : index
    %get3A_39 = arith.constant 0 : index
    %get3A_40 = vector.load %arg4[%get3A_38, %get3A_39] : memref<128x128xf32, #tpu.memory_space<vmem>>, vector<128x128xf32>
    %dot_general3A = arith.constant dense<0.000000e+00> : vector<10000x128xf32>
    %dot_general3A_41 = tpu.matmul %add3A_35, %get3A_40, %dot_general3A {dimension_numbers = #tpu.dot_dimension_numbers<[1], [1], [0], [0], [0, 0, 1, 0], [], []>, transpose_lhs_hint = false} : vector<10000x128xf32>, vector<128x128xf32>, vector<10000x128xf32> -> vector<10000x128xf32>
    %get3A_42 = arith.constant 0 : index
    %get3A_43 = arith.constant 0 : index
    %get3A_44 = vector.load %arg5[%get3A_42, %get3A_43] : memref<1x128xf32, #tpu.memory_space<vmem>>, vector<1x128xf32>
    %add3A_45 = vector.broadcast %get3A_44 : vector<1x128xf32> to vector<10000x128xf32>
    %add3A_46 = arith.addf %dot_general3A_41, %add3A_45 : vector<10000x128xf32>
    %swap3A_47 = arith.constant 0 : index
    %swap3A_48 = arith.constant 0 : index
    %swap3A_49 = vector.load %arg7[%swap3A_47, %swap3A_48] : memref<10008x128xf32, #tpu.memory_space<vmem>>, vector<10000x128xf32>
    tpu.vector_store %arg7[%swap3A_47, %swap3A_48], %add3A_46 {strides = array<i32>} : memref<10008x128xf32, #tpu.memory_space<vmem>>, vector<10000x128xf32>,
    %broadcast_in_dim3A_50 = arith.constant 0.000000e+00 : f32
    %broadcast_in_dim3A_51 = vector.broadcast %broadcast_in_dim3A_50 : f32 to vector<8x128xf32>
    %swap3A_52 = arith.constant 10000 : index
    %swap3A_53 = arith.constant 0 : index
    %swap3A_54 = vector.load %arg7[%swap3A_52, %swap3A_53] : memref<10008x128xf32, #tpu.memory_space<vmem>>, vector<8x128xf32>
    tpu.vector_store %arg7[%swap3A_52, %swap3A_53], %broadcast_in_dim3A_51 {strides = array<i32>} : memref<10008x128xf32, #tpu.memory_space<vmem>>, vector<8x128xf32>,
    return
  }
}

module attributes {stable_mosaic.version = 14 : i64} {
  func.func @_tc_out_body(%arg0: memref<10000x128xf32, #tpu.memory_space<vmem>>, %arg1: memref<2x10240x128xf32, #tpu.memory_space<vmem>>, %arg2: memref<1x128xf32, #tpu.memory_space<vmem>>, %arg3: memref<1x128xf32, #tpu.memory_space<vmem>>, %arg4: memref<10000x1xi32, #tpu.memory_space<vmem>>, %arg5: memref<1x128xf32, #tpu.memory_space<vmem>>, %arg6: memref<1x1xf32, #tpu.memory_space<vmem>>, %arg7: memref<128x128xf32, #tpu.memory_space<vmem>>, %arg8: memref<1x128xf32, #tpu.memory_space<vmem>>, %arg9: memref<16x128xf32, #tpu.memory_space<vmem>>, %arg10: memref<1x16xf32, #tpu.memory_space<vmem>>, %arg11: memref<64x16xf32, #tpu.memory_space<vmem>>) attributes {dimension_semantics = [], scalar_prefetch = 0 : i64, scratch_operands = 0 : i64, tpu.core_type = #tpu.core_type<tc>} {
    %get3A = arith.constant 0 : index
    %get3A_0 = arith.constant 0 : index
    %get3A_1 = vector.load %arg0[%get3A, %get3A_0] : memref<10000x128xf32, #tpu.memory_space<vmem>>, vector<10000x128xf32>
    %get3A_2 = arith.constant 0 : index
    %get3A_3 = arith.constant 0 : index
    %get3A_4 = arith.constant 0 : index
    %get3A_5 = vector.load %arg1[%get3A_2, %get3A_3, %get3A_4] : memref<2x10240x128xf32, #tpu.memory_space<vmem>>, vector<2x10240x128xf32>
    %get3A_6 = arith.constant 0 : index
    %get3A_7 = arith.constant 0 : index
    %get3A_8 = vector.load %arg2[%get3A_6, %get3A_7] : memref<1x128xf32, #tpu.memory_space<vmem>>, vector<1x128xf32>
    %get3A_9 = arith.constant 0 : index
    %get3A_10 = arith.constant 0 : index
    %get3A_11 = vector.load %arg3[%get3A_9, %get3A_10] : memref<1x128xf32, #tpu.memory_space<vmem>>, vector<1x128xf32>
    %slice3A = vector.extract_strided_slice %get3A_5 {offsets = [0, 0, 0], sizes = [1, 10000, 128], strides = [1, 1, 1]} : vector<2x10240x128xf32> to vector<1x10000x128xf32>
    %squeeze3A = vector.shape_cast %slice3A : vector<1x10000x128xf32> to vector<10000x128xf32>
    %slice3A_12 = vector.extract_strided_slice %get3A_5 {offsets = [1, 0, 0], sizes = [1, 10000, 128], strides = [1, 1, 1]} : vector<2x10240x128xf32> to vector<1x10000x128xf32>
    %squeeze3A_13 = vector.shape_cast %slice3A_12 : vector<1x10000x128xf32> to vector<10000x128xf32>
    %add3A = arith.addf %squeeze3A, %squeeze3A_13 : vector<10000x128xf32>
    %reduce_sum3A = arith.constant dense<0.000000e+00> : vector<128xf32>
    %reduce_sum3A_14 = vector.multi_reduction <add>, %add3A, %reduce_sum3A [0] : vector<10000x128xf32> to vector<128xf32>
    %broadcast_in_dim3A = vector.shape_cast %reduce_sum3A_14 : vector<128xf32> to vector<1x128xf32>
    %div3A = arith.constant 1.000000e+04 : f32
    %div3A_15 = vector.broadcast %div3A : f32 to vector<1x128xf32>
    %div3A_16 = arith.divf %broadcast_in_dim3A, %div3A_15 : vector<1x128xf32>
    %sub3A = vector.broadcast %div3A_16 : vector<1x128xf32> to vector<10000x128xf32>
    %sub3A_17 = arith.subf %add3A, %sub3A : vector<10000x128xf32>
    %mul3A = arith.mulf %sub3A_17, %sub3A_17 : vector<10000x128xf32>
    %reduce_sum3A_18 = arith.constant dense<0.000000e+00> : vector<128xf32>
    %reduce_sum3A_19 = vector.multi_reduction <add>, %mul3A, %reduce_sum3A_18 [0] : vector<10000x128xf32> to vector<128xf32>
    %broadcast_in_dim3A_20 = vector.shape_cast %reduce_sum3A_19 : vector<128xf32> to vector<1x128xf32>
    %div3A_21 = arith.constant 1.000000e+04 : f32
    %div3A_22 = vector.broadcast %div3A_21 : f32 to vector<1x128xf32>
    %div3A_23 = arith.divf %broadcast_in_dim3A_20, %div3A_22 : vector<1x128xf32>
    %add3A_24 = arith.constant 9.99999974E-6 : f32
    %add3A_25 = vector.broadcast %add3A_24 : f32 to vector<1x128xf32>
    %add3A_26 = arith.addf %div3A_23, %add3A_25 : vector<1x128xf32>
    %rsqrt3A = math.rsqrt %add3A_26 : vector<1x128xf32>
    %mul3A_27 = vector.broadcast %rsqrt3A : vector<1x128xf32> to vector<10000x128xf32>
    %mul3A_28 = arith.mulf %sub3A_17, %mul3A_27 : vector<10000x128xf32>
    %mul3A_29 = vector.broadcast %get3A_8 : vector<1x128xf32> to vector<10000x128xf32>
    %mul3A_30 = arith.mulf %mul3A_28, %mul3A_29 : vector<10000x128xf32>
    %add3A_31 = vector.broadcast %get3A_11 : vector<1x128xf32> to vector<10000x128xf32>
    %add3A_32 = arith.addf %mul3A_30, %add3A_31 : vector<10000x128xf32>
    %max3A = arith.constant 0.000000e+00 : f32
    %max3A_33 = vector.broadcast %max3A : f32 to vector<10000x128xf32>
    %max3A_34 = arith.maximumf %add3A_32, %max3A_33 : vector<10000x128xf32>
    %add3A_35 = arith.addf %get3A_1, %max3A_34 : vector<10000x128xf32>
    %get3A_36 = arith.constant 0 : index
    %get3A_37 = arith.constant 0 : index
    %get3A_38 = vector.load %arg5[%get3A_36, %get3A_37] : memref<1x128xf32, #tpu.memory_space<vmem>>, vector<1x128xf32>
    %mul3A_39 = vector.broadcast %get3A_38 : vector<1x128xf32> to vector<10000x128xf32>
    %mul3A_40 = arith.mulf %add3A_35, %mul3A_39 : vector<10000x128xf32>
    %reduce_sum3A_41 = arith.constant dense<0.000000e+00> : vector<10000xf32>
    %reduce_sum3A_42 = vector.multi_reduction <add>, %mul3A_40, %reduce_sum3A_41 [1] : vector<10000x128xf32> to vector<10000xf32>
    %broadcast_in_dim3A_43 = vector.shape_cast %reduce_sum3A_42 : vector<10000xf32> to vector<10000x1xf32>
    %get3A_44 = arith.constant 0 : index
    %get3A_45 = arith.constant 0 : index
    %get3A_46 = vector.load %arg6[%get3A_44, %get3A_45] : memref<1x1xf32, #tpu.memory_space<vmem>>, vector<1x1xf32>
    %add3A_47 = vector.broadcast %get3A_46 : vector<1x1xf32> to vector<10000x1xf32>
    %add3A_48 = arith.addf %broadcast_in_dim3A_43, %add3A_47 : vector<10000x1xf32>
    %get3A_49 = arith.constant 0 : index
    %get3A_50 = arith.constant 0 : index
    %get3A_51 = vector.load %arg4[%get3A_49, %get3A_50] : memref<10000x1xi32, #tpu.memory_space<vmem>>, vector<10000x1xi32>
    %iota3A = tpu.iota {dimensions = array<i32: 1>} : vector<10000x64xi32>
    %eq3A = vector.broadcast %get3A_51 : vector<10000x1xi32> to vector<10000x64xi32>
    %eq3A_52 = arith.cmpi eq, %eq3A, %iota3A : vector<10000x64xi32>
    %jit3A = arith.constant -1.000000e+30 : f32
    %broadcast_in_dim3A_53 = vector.shape_cast %add3A_48 : vector<10000x1xf32> to vector<10000x1xf32>
    %broadcast_in_dim3A_54 = vector.broadcast %broadcast_in_dim3A_53 : vector<10000x1xf32> to vector<10000x64xf32>
    %broadcast_in_dim3A_55 = vector.broadcast %jit3A : f32 to vector<10000x64xf32>
    %select_n3A = arith.select %eq3A_52, %broadcast_in_dim3A_54, %broadcast_in_dim3A_55 : vector<10000x64xi1>, vector<10000x64xf32>
    %reduce_max3A = arith.constant dense<0xFF800000> : vector<64xf32>
    %reduce_max3A_56 = vector.multi_reduction <maximumf>, %select_n3A, %reduce_max3A [0] : vector<10000x64xf32> to vector<64xf32>
    %broadcast_in_dim3A_57 = vector.shape_cast %reduce_max3A_56 : vector<64xf32> to vector<1x64xf32>
    %jit3A_58 = arith.constant -1.000000e+30 : f32
    %broadcast_in_dim3A_59 = vector.shape_cast %broadcast_in_dim3A_57 : vector<1x64xf32> to vector<1x64xf32>
    %broadcast_in_dim3A_60 = vector.broadcast %broadcast_in_dim3A_59 : vector<1x64xf32> to vector<10000x64xf32>
    %broadcast_in_dim3A_61 = vector.broadcast %jit3A_58 : f32 to vector<10000x64xf32>
    %select_n3A_62 = arith.select %eq3A_52, %broadcast_in_dim3A_60, %broadcast_in_dim3A_61 : vector<10000x64xi1>, vector<10000x64xf32>
    %reduce_max3A_63 = arith.constant dense<0xFF800000> : vector<10000xf32>
    %reduce_max3A_64 = vector.multi_reduction <maximumf>, %select_n3A_62, %reduce_max3A_63 [1] : vector<10000x64xf32> to vector<10000xf32>
    %broadcast_in_dim3A_65 = vector.shape_cast %reduce_max3A_64 : vector<10000xf32> to vector<10000x1xf32>
    %sub3A_66 = arith.subf %add3A_48, %broadcast_in_dim3A_65 : vector<10000x1xf32>
    %exp3A = math.exp %sub3A_66 : vector<10000x1xf32>
    %convert_element_type3A = arith.extui %eq3A_52 : vector<10000x64xi1> to vector<10000x64xi32>
    %convert_element_type3A_67 = arith.sitofp %convert_element_type3A : vector<10000x64xi32> to vector<10000x64xf32>
    %mul3A_68 = vector.broadcast %exp3A : vector<10000x1xf32> to vector<10000x64xf32>
    %mul3A_69 = arith.mulf %convert_element_type3A_67, %mul3A_68 : vector<10000x64xf32>
    %reduce_sum3A_70 = arith.constant dense<0.000000e+00> : vector<64xf32>
    %reduce_sum3A_71 = vector.multi_reduction <add>, %mul3A_69, %reduce_sum3A_70 [0] : vector<10000x64xf32> to vector<64xf32>
    %broadcast_in_dim3A_72 = vector.shape_cast %reduce_sum3A_71 : vector<64xf32> to vector<1x64xf32>
    %mul3A_73 = vector.broadcast %broadcast_in_dim3A_72 : vector<1x64xf32> to vector<10000x64xf32>
    %mul3A_74 = arith.mulf %convert_element_type3A_67, %mul3A_73 : vector<10000x64xf32>
    %reduce_sum3A_75 = arith.constant dense<0.000000e+00> : vector<10000xf32>
    %reduce_sum3A_76 = vector.multi_reduction <add>, %mul3A_74, %reduce_sum3A_75 [1] : vector<10000x64xf32> to vector<10000xf32>
    %broadcast_in_dim3A_77 = vector.shape_cast %reduce_sum3A_76 : vector<10000xf32> to vector<10000x1xf32>
    %add3A_78 = arith.constant 1.000000e-10 : f32
    %add3A_79 = vector.broadcast %add3A_78 : f32 to vector<10000x1xf32>
    %add3A_80 = arith.addf %broadcast_in_dim3A_77, %add3A_79 : vector<10000x1xf32>
    %div3A_81 = arith.divf %exp3A, %add3A_80 : vector<10000x1xf32>
    %mul3A_82 = vector.broadcast %div3A_81 : vector<10000x1xf32> to vector<10000x128xf32>
    %mul3A_83 = arith.mulf %add3A_35, %mul3A_82 : vector<10000x128xf32>
    %dot_general3A = arith.constant dense<0.000000e+00> : vector<64x128xf32>
    %dot_general3A_84 = tpu.matmul %convert_element_type3A_67, %mul3A_83, %dot_general3A {dimension_numbers = #tpu.dot_dimension_numbers<[0], [0], [1], [1], [0, 1, 1, 1], [], []>, transpose_lhs_hint = false} : vector<10000x64xf32>, vector<10000x128xf32>, vector<64x128xf32> -> vector<64x128xf32>
    %get3A_85 = arith.constant 0 : index
    %get3A_86 = arith.constant 0 : index
    %get3A_87 = vector.load %arg7[%get3A_85, %get3A_86] : memref<128x128xf32, #tpu.memory_space<vmem>>, vector<128x128xf32>
    %dot_general3A_88 = arith.constant dense<0.000000e+00> : vector<64x128xf32>
    %dot_general3A_89 = tpu.matmul %dot_general3A_84, %get3A_87, %dot_general3A_88 {dimension_numbers = #tpu.dot_dimension_numbers<[1], [1], [0], [0], [0, 0, 1, 0], [], []>, transpose_lhs_hint = false} : vector<64x128xf32>, vector<128x128xf32>, vector<64x128xf32> -> vector<64x128xf32>
    %get3A_90 = arith.constant 0 : index
    %get3A_91 = arith.constant 0 : index
    %get3A_92 = vector.load %arg8[%get3A_90, %get3A_91] : memref<1x128xf32, #tpu.memory_space<vmem>>, vector<1x128xf32>
    %add3A_93 = vector.broadcast %get3A_92 : vector<1x128xf32> to vector<64x128xf32>
    %add3A_94 = arith.addf %dot_general3A_89, %add3A_93 : vector<64x128xf32>
    %max3A_95 = arith.constant 0.000000e+00 : f32
    %max3A_96 = vector.broadcast %max3A_95 : f32 to vector<64x128xf32>
    %max3A_97 = arith.maximumf %add3A_94, %max3A_96 : vector<64x128xf32>
    %get3A_98 = arith.constant 0 : index
    %get3A_99 = arith.constant 0 : index
    %get3A_100 = vector.load %arg9[%get3A_98, %get3A_99] : memref<16x128xf32, #tpu.memory_space<vmem>>, vector<16x128xf32>
    %dot_general3A_101 = arith.constant dense<0.000000e+00> : vector<64x16xf32>
    %dot_general3A_102 = tpu.matmul %max3A_97, %get3A_100, %dot_general3A_101 {dimension_numbers = #tpu.dot_dimension_numbers<[1], [1], [0], [0], [0, 0, 1, 0], [], []>, transpose_lhs_hint = false} : vector<64x128xf32>, vector<16x128xf32>, vector<64x16xf32> -> vector<64x16xf32>
    %get3A_103 = arith.constant 0 : index
    %get3A_104 = arith.constant 0 : index
    %get3A_105 = vector.load %arg10[%get3A_103, %get3A_104] : memref<1x16xf32, #tpu.memory_space<vmem>>, vector<1x16xf32>
    %add3A_106 = vector.broadcast %get3A_105 : vector<1x16xf32> to vector<64x16xf32>
    %add3A_107 = arith.addf %dot_general3A_102, %add3A_106 : vector<64x16xf32>
    %swap3A = arith.constant 0 : index
    %swap3A_108 = arith.constant 0 : index
    %swap3A_109 = vector.load %arg11[%swap3A, %swap3A_108] : memref<64x16xf32, #tpu.memory_space<vmem>>, vector<64x16xf32>
    tpu.vector_store %arg11[%swap3A, %swap3A_108], %add3A_107 {strides = array<i32>} : memref<64x16xf32, #tpu.memory_space<vmem>>, vector<64x16xf32>,
    return
  }
}

</mosaic_0001>

<sc_bundles>
// kernel: kernel.12.cloned.1.call-start
scs
__scs_entry_jumppad:
0x0: {  	(pc) =	sbr.rel $0x88, $3  }
0x1: {  	(tag) =	ssettag $0x0;
	lr =	simm.s32 $0x1  }
0x2: {  	[smem:$0x3F8A] =	sst lr;
	_ =	strace $0xD0000000  }
0x3: {  	_ = 	snop  }
0x4: {  	_ = 	snop  }
0x5: {  	_ = 	snop  }
0x6: {  	_ = 	snop  }
0x7: {  	_ = 	snop  }
__scs_overlays_trampoline_lowered:
0x8: {  	[smem:$0x3F99] =	sst s0  }
0x9: {  	[smem:$0x3F9A] =	sst s1  }
0xa: {  	[smem:$0x3F9B] =	sst s2  }
0xb: {  	[smem:$0x3F9C] =	sst s3  }
0xc: {  	[smem:$0x3F9D] =	sst s4  }
0xd: {  	[smem:$0x3F9E] =	sst s5  }
0xe: {  	[smem:$0x3F9F] =	sst s6  }
0xf: {  	[smem:$0x3FA0] =	sst s7  }
0x10: {  	[smem:$0x3FA1] =	sst s8  }
0x11: {  	[smem:$0x3FA2] =	sst s9;
	s0 =	simm.s32 @!p0 $0x0  }
0x12: {  	s1 =	sld [smem:$0x3F88];
	s0 =	simm.s32 @p0 $0x1  }
0x13: {  	[smem:$0x3FA3] =	sst s0;
	s0 =	simm.s32 @!p1 $0x0  }
0x14: {  	s2 =	sld [smem:$0x3F87];
	s0 =	simm.s32 @p1 $0x1  }
0x15: {  	[smem:$0x3FA4] =	sst s0;
	s0 =	simm.s32 @!p2 $0x0  }
0x16: {  	s3 =	sld [smem:$0x3FDB];
	s0 =	simm.s32 @p2 $0x1  }
0x17: {  	s4 =	simm.s32 $0x1BF5;
	[smem:$0x3FA6] =	sst s0  }
0x18: {  	s0 =	sld [smem:$0x3F89];
	_ =	swait.ge [sflag:s4], $0x0  }
0x19: {  	s7 =	sld [smem:$0x3F8A]  }
0x1a: {  	s8 =	sadd.s32 $0xFFFFE003, lr  }
0x1b: {  	s9 =	sadd.s32 $0xFFFFFEF7, lr;
	s5 =	simm.s32 $0xFFFFFFFF;
	p2 =	slt.u32 s8, $0xFFFFF086  }
0x1c: {  	p1 =	slt.u32 s9, $0xF7A;
	s5 =	simm.s32 @!p2 $0x0  }
0x1d: {  	s5 =	simm.s32 @p1 $0x1;
	p0 =	seq.s32 s7, s2  }
0x1e: {  	s7 =	smul.u32 @!p0 $0xF7A, s2;
	p2 =	seq.s32 @!p0 s5, $0x0  }
0x1f: {  	s9 =	smul.u32 $0xF7A, s1;
	s8 =	simm.s32 @!p0 $0x1BF5;
	p2 =	por !p2, p0  }
0x20: {  	[sflag:s8] =	ssyncset.s32 @!p0 $0xFFFFF086;
	s6 =	sadd.s32 @!p0 s3, s7;
	s7 =	simm.s32 @!p0 $0x108  }
0x21: {  	s3 =	sadd.s32 s3, s9;
	s6 =	sadd.s32 @!p0 $0x88, s6;
	s7 =	simm.s32 @p2 $0x1082  }
0x22: {  	[simem:s7], [sflag:s8] =	dma.local @!p0 [hbm:s6], $0xF7A  }
0x23: {  	s9 =	sor.u32 $0xD0000000, s2;
	s6 =	simm.s32 $0x108;
	_ =	swait.ge @!p0 [sflag:s8], $0x0  }
0x24: {  	s3 =	sadd.s32 $0x88, s3;
	s6 =	simm.s32 @!p1 $0x1082;
	[sflag:s4] =	ssyncset.s32 $0xFFFFF086  }
0x25: {  	[simem:s6], [sflag:s4] =	dma.local [hbm:s3], $0xF7A  }
0x26: {  	[smem:$0x3F8A] =	sst s1;
	(tag) =	ssettag s2;
	_ =	strace s9  }
0x27: {  	s1 =	sld [smem:$0x3F9A]  }
0x28: {  	s2 =	sld [smem:$0x3F9B]  }
0x29: {  	s4 =	sld [smem:$0x3F9D]  }
0x2a: {  	p0 =	seq.s32 s5, $0x0;
	s5 =	sld [smem:$0x3F9E]  }
0x2b: {  	s6 =	sld [smem:$0x3F9F]  }
0x2c: {  	s7 =	sld [smem:$0x3FA0]  }
0x2d: {  	s3 =	simm.s32 $0x108;
	s8 =	sld [smem:$0x3FA1]  }
0x2e: {  	s3 =	simm.s32 @!p0 $0x1082;
	s9 =	sld [smem:$0x3FA2]  }
0x2f: {  	lr =	sadd.s32 s0, s3;
	s0 =	sld [smem:$0x3F99]  }
0x30: {  	s3 =	sld [smem:$0x3F9C]  }
0x31: {  	[smem:$0x3FA5] =	sst s10  }
0x32: {  	s10 =	sld [smem:$0x3FA3];
	_ =	sdelay $0x3  }
0x33: {  	p0 =	seq.s32 s10, $0x1;
	s10 =	sld [smem:$0x3FA5];
	_ =	sdelay $0x3  }
0x34: {  	[smem:$0x3FA5] =	sst s10  }
0x35: {  	s10 =	sld [smem:$0x3FA4];
	_ =	sdelay $0x3  }
0x36: {  	p1 =	seq.s32 s10, $0x1;
	s10 =	sld [smem:$0x3FA5];
	_ =	sdelay $0x3  }
0x37: {  	[smem:$0x3FA5] =	sst s10  }
0x38: {  	s10 =	sld [smem:$0x3FA6]  }
0x39: {  	_ = 	snop;
	(pc) =	sbr.ind lr, $3  }
0x3a: {  	_ = 	snop  }
0x3b: {  	_ = 	snop  }
0x3c: {  	p2 =	seq.s32 s10, $0x1;
	s10 =	sld [smem:$0x3FA5]  }
0x3d: {  	_ =	shalt  }
0x3e: {  	_ =	shalt  }
0x3f: {  	_ =	shalt  }
0x40: {  	_ =	shalt  }
0x41: {  	_ =	shalt  }
0x42: {  	_ =	shalt  }
0x43: {  	_ =	shalt  }
0x44: {  	_ =	shalt  }
0x45: {  	_ =	shalt  }
0x46: {  	_ =	shalt  }
0x47: {  	_ =	shalt  }
0x48: {  	_ =	shalt  }
0x49: {  	_ =	shalt  }
0x4a: {  	_ =	shalt  }
0x4b: {  	_ =	shalt  }
0x4c: {  	_ =	shalt  }
0x4d: {  	_ =	shalt  }
0x4e: {  	_ =	shalt  }
0x4f: {  	_ =	shalt  }
0x50: {  	_ =	shalt  }
0x51: {  	_ =	shalt  }
0x52: {  	_ =	shalt  }
0x53: {  	_ =	shalt  }
0x54: {  	_ =	shalt  }
0x55: {  	_ =	shalt  }
0x56: {  	_ =	shalt  }
0x57: {  	_ =	shalt  }
0x58: {  	_ =	shalt  }
0x59: {  	_ =	shalt  }
0x5a: {  	_ =	shalt  }
0x5b: {  	_ =	shalt  }
0x5c: {  	_ =	shalt  }
0x5d: {  	_ =	shalt  }
0x5e: {  	_ =	shalt  }
0x5f: {  	_ =	shalt  }
0x60: {  	_ =	shalt  }
0x61: {  	_ =	shalt  }
0x62: {  	_ =	shalt  }
0x63: {  	_ =	shalt  }
0x64: {  	_ =	shalt  }
0x65: {  	_ =	shalt  }
0x66: {  	_ =	shalt  }
0x67: {  	_ =	shalt  }
0x68: {  	_ =	shalt  }
0x69: {  	_ =	shalt  }
0x6a: {  	_ =	shalt  }
0x6b: {  	_ =	shalt  }
0x6c: {  	_ =	shalt  }
0x6d: {  	_ =	shalt  }
0x6e: {  	_ =	shalt  }
0x6f: {  	_ =	shalt  }
0x70: {  	_ =	shalt  }
0x71: {  	_ =	shalt  }
0x72: {  	_ =	shalt  }
0x73: {  	_ =	shalt  }
0x74: {  	_ =	shalt  }
0x75: {  	_ =	shalt  }
0x76: {  	_ =	shalt  }
0x77: {  	_ =	shalt  }
0x78: {  	_ =	shalt  }
0x79: {  	_ =	shalt  }
0x7a: {  	_ =	shalt  }
0x7b: {  	_ =	shalt  }
0x7c: {  	_ =	shalt  }
0x7d: {  	_ =	shalt  }
0x7e: {  	_ =	shalt  }
0x7f: {  	_ =	shalt  }
0x80: {  	_ =	shalt  }
0x81: {  	_ =	shalt  }
0x82: {  	_ =	shalt  }
0x83: {  	_ =	shalt  }
0x84: {  	_ =	shalt  }
0x85: {  	_ =	shalt  }
0x86: {  	_ =	shalt  }
0x87: {  	_ =	shalt  }
.Lfunc_end0:
.L_simem_size_0:
called_computation.1_lowered:
.L_overlay_start_0:
0x88: {  	s2 =	sld [smem:$0x3FD9]  }
0x89: {  	s3 =	sld [smem:$0x3FFE];
	_ =	sdelay $0x1  }
0x8a: {  	s1 =	srdreg.scid  }
0x8b: {  	s0 =	sand.u32 $0x1, s1  }
0x8c: {  	s16 =	sshll.u32 s0, $0xA;
	s2 =	sadd.s32 s3, s2  }
0x8d: {  	s2 =	sadd.s32 s2, s16  }
0x8e: {  	[smem:$0x3FB1] =	sst s2  }
0x8f: {  	_ = 	snop  }
0x90: {  	(tm) =	ssettm $0x1  }
0x91: {  	s17 =	sld [smem:$0x3FFB];
	_ =	sdelay $0x3  }
0x92: {  	_ =	strace s17  }
0x93: {  	s2 =	sld [smem:$0x3FFC];
	_ =	sdelay $0x3  }
0x94: {  	_ =	strace s2  }
0x95: {  	s2 =	sld [smem:$0x3FFD];
	_ =	sdelay $0x3  }
0x96: {  	_ =	strace s2  }
0x97: {  	_ =	strace $0x8FFFFFFF  }
0x98: {  	s18 =	sld [smem:$0x3FDB];
	_ =	sdelay $0x1  }
0x99: {  	s19 =	simm.s32 $_scs_section_size  }
0x9a: {  	s4 =	simm.s32 $_size__tile_overlayer_lowered;
	s5 =	simm.s32 $_tile_overlayer_lowered  }
0x9b: {  	s22 =	simm.s32 $0x1BFF;
	s21 =	sshll.u32 s5, $0x1;
	s2 =	sadd.s32 s19, s18  }
0x9c: {  	s6 =	simm.s32 $0x0;
	s20 =	sshll.u32 s4, $0x1;
	s4 =	sadd.s32 s21, s2  }
0x9d: {  	[timem:s6], [sflag:s22] =	dma.local [hbm:s4], s20  }
0x9e: {  	_ =	swait.ge [sflag:s22], s20  }
0x9f: {  	s3 =	ssub.s32 $0x0, s20;
	[sflag:s22] =	ssyncset.done $0x0  }
0xa0: {  	[sflag:s22] =	ssyncadd.s32 s3;
	_ =	sdelay $0x1  }
0xa1: {  	s23 =	simm.s32 $0x1B8B  }
0xa2: {  	_ =	swait.ge [sflag:s23], $0x1  }
0xa3: {  	[sflag:s23] =	ssyncset.done $0x0  }
0xa4: {  	s25 =	simm.s32 $0x1B8E;
	s24 =	sld [smem:$0x3FFE];
	[sflag:s23] =	ssyncadd.s32 $0xFFFFFFFF  }
0xa5: {  	s26 =	simm.s32 $execute0_lowered;
	[smem:$0x3FD2] =	sst s25  }
0xa6: {  	s4 =	sshll.u32 s26, $0x1;
	_ =	strace $0x80000049;
	[dreg:$0x1] =	wrdreg $0xFFFFFFFF  }
0xa7: {  	s28 =	simm.s32 $_size_execute0_lowered;
	s2 =	sadd.s32 s2, s4;
	[dreg:$0x0] =	wrdreg $0x0  }
0xa8: {  	s4 =	sshll.u32 s28, $0x1;
	[dreg:$0x2] =	wrdreg s2  }
0xa9: {  	[dreg:$0x3] =	wrdreg s4  }
0xaa: {  	[dreg:$0x4] =	wrdreg $0xC0  }
0xab: {  	_ =	task [dreg:s6], $0x5FFFF  }
0xac: {  	[dreg:$0x1] =	wrdreg $0xFFFFFFFF  }
0xad: {  	[dreg:$0x0] =	wrdreg $0x60  }
0xae: {  	[dreg:$0x2] =	wrdreg s24  }
0xaf: {  	[dreg:$0x3] =	wrdreg $0x82000  }
0xb0: {  	[dreg:$0x4] =	wrdreg $0x9  }
0xb1: {  	_ =	task.clear_ibuf [dreg:s6], $0x5FFFF;
	_ =	strace $0x90000049  }
0xb2: {  	s29 =	simm.s32 $0x9;
	_ =	strace $0x8000004B  }
0xb3: {  	_ =	swait.ge [sflag:s29], $0x1  }
0xb4: {  	[sflag:s29] =	ssyncadd.s32 $0xFFFFFFFF  }
0xb5: {  	_ =	strace $0x9000004B  }
0xb6: {  	_ =	sfence  }
0xb7: {  	s30 =	sld [smem:$0x0];
	_ =	sdelay $0x2  }
0xb8: {  	s31 =	sshll.u32 s1, $0xD;
	s1 =	sshrl.u32 s1, $0x2  }
0xb9: {  	s3 =	sand.u32 $0x4000, s31;
	s1 =	sadd.s32 s1, s30  }
0xba: {  	s0 =	sor.u32 s3, s0;
	s1 =	sshll.u32 s1, $0x11  }
0xbb: {  	s0 =	sor.u32 s1, s0  }
0xbc: {  	s0 =	sadd.s32 $0x8F2B, s0  }
0xbd: {  	[sflag:s0] =	ssyncadd.remote.s32 $0x1  }
0xbe: {  	_ =	sfence.sel $0xFFFF  }
0xbf: {  	[dreg:$0x0] =	wrdreg $0xFFFFFFFF;
	(pc) =	sbr.abs _section_cstart, $3  }
0xc0: {  	[dreg:$0x1] =	wrdreg $0xFFFFFFFF  }
0xc1: {  	_ =	task.clear_ibuf [dreg:s6], $0x2FFFF;
	_ =	strace $0x9FFFFFFF  }
0xc2: {  	(tm) =	ssettm $0x7FFFFFFF  }
0xc3: {  	_ =	shalt  }
tec
execute0_lowered:
.L_overlay_start_1:
0x0: {  	(tag) =	ssettag $0x1  }
0x1: {  	s0 =	rddreg [dreg:$0x0]  }
0x2: {  	s1 =	rddreg [dreg:$0x1]  }
0x3: {  	s2 =	simm.s32 $0x0;
	s4 =	srdreg.scid;
	s10 =	stileid.u32  }
0x4: {  	s28 =	simm.s32 $0x1;
	s29 =	simm.s32 $0x2;
	s30 =	simm.s32 $0x4200  }
0x5: {  	s31 =	simm.s32 $0x3;
	[smem:$0x7FF] =	sst s2;
	s3 =	sadd.s32 $0x17E00, s0  }
0x6: {  	s5 =	sadd.s32 $0x3E00, s0;
	s6 =	sadd.s32 $0xDE00, s0;
	s4 =	sand.u32 $0x1, s4  }
0x7: {  	s0 =	sadd.s32 $0x3F000, s0;
	s21 =	sshll.u32 s10, $0x5;
	s17 =	smul.u32 $0x50000, s10  }
0x8: {  	s13 =	smul.u32 $0x14000, s10;
	_ =	strace $0x8000004A;
	s7 =	ssub.s32 $0x2, s4  }
0x9: {  	s22 =	sshll.u32 s4, $0x4;
	s4 =	smul.u32 $0x140000, s4;
	s25 =	sadd.s32 s21, s5  }
0xa: {  	s26 =	sadd.s32 s21, s6;
	s8 =	sshrl.u32 s7, $0x1;
	s16 =	sor.u32 s22, s21  }
0xb: {  	s23 =	sshrl.u32 s17, $0x2;
	s14 =	sadd.s32 $0x4000, s13;
	s17 =	sadd.s32 $0xC000, s13  }
0xc: {  	s21 =	sadd.s32 s22, s26;
	s26 =	simm.s32 $0x5;
	s19 =	ssub.s32 s7, s8  }
0xd: {  	s9 =	sadd.s32 s5, s16;
	s18 =	sor.u32 $0x200, s16;
	s7 =	sadd.s32 s6, s16  }
0xe: {  	s16 =	sadd.s32 $0x8000, s13;
	s10 =	sadd.s32 s14, s1;
	s12 =	sadd.s32 s17, s1  }
0xf: {  	s15 =	sadd.s32 s13, s4;
	s14 =	sadd.s32 s4, s14;
	[dreg:$0x3] =	wrdreg s9  }
0x10: {  	s17 =	sadd.s32 s4, s17;
	[dreg:$0x4] =	wrdreg s7;
	s20 =	sadd.s32 s5, s18  }
0x11: {  	s24 =	sadd.s32 s6, s18;
	s9 =	sadd.s32 s23, s1;
	s11 =	sadd.s32 s16, s1  }
0x12: {  	s18 =	sadd.s32 $0x10000, s13;
	s15 =	sshrl.u32 s15, $0x3;
	s16 =	sadd.s32 s4, s16  }
0x13: {  	s17 =	sshrl.u32 s17, $0x3;
	s19 =	smax.u32 s19, $0x1;
	[dreg:$0x5] =	wrdreg s20  }
0x14: {  	s23 =	simm.s32 $0x80;
	[dreg:$0x6] =	wrdreg s24;
	s13 =	sadd.s32 s18, s1  }
0x15: {  	s20 =	sshrl.u32 s14, $0x3;
	s14 =	sadd.s32 s0, s15;
	s16 =	sshrl.u32 s16, $0x3  }
0x16: {  	s4 =	sadd.s32 s4, s18;
	s17 =	sadd.s32 s0, s17;
	s24 =	simm.s32 $0x180  }
0x17: {  	s15 =	sadd.s32 s0, s20;
	s16 =	sadd.s32 s0, s16;
	s4 =	sshrl.u32 s4, $0x3  }
0x18: {  	s20 =	sadd.s32 s22, s25;
	s22 =	simm.s32 $0x100;
	s25 =	simm.s32 $0x200  }
0x19: {  	v0 =	vimm.f32 $0.0e+00;
	s18 =	sadd.s32 s0, s4;
	s0 =	simm.s32 $0x4;
	s4 =	simm.s32 $0x0  }
.LBB2_1:
0x1a: {  	s5 =	rddreg [dreg:$0x3]  }
0x1b: {  	[tilespmem:s2], [sflag:$0x1] =	stream.linear.gather [hbm4b:s5+s2], $0x80, $0x38;
	[tilespmem:$0x1C200] =	vst v63  }
0x1c: {  	s6 =	rddreg [dreg:$0x4]  }
0x1d: {  	[tilespmem:s22], [sflag:$0x1] =	stream.linear.gather [hbm4b:s6+s2], $0x80, $0x38;
	[tilespmem:$0x1C200] =	vst v63  }
0x1e: {  	s7 =	rddreg [dreg:$0x5]  }
0x1f: {  	[tilespmem:s23], [sflag:$0x2] =	stream.linear.gather [hbm4b:s7+s2], $0x80, $0x38;
	[tilespmem:$0x1C200] =	vst v63  }
0x20: {  	s8 =	rddreg [dreg:$0x6];
	s5 =	simm.s32 $0x0;
	s6 =	simm.s32 $0x200  }
0x21: {  	[tilespmem:s24], [sflag:$0x2] =	stream.linear.gather [hbm4b:s8+s2], $0x80, $0x38;
	[tilespmem:$0x1C200] =	vst v63  }
.LBB2_2:
0x22: {  	p0 =	sne.s32 s6, $0xFE00;
	[tilespmem:s5+$0x270] =	vst v0  }
0x23: {  	[tilespmem:s5+$0x200] =	vst v0  }
0x24: {  	[tilespmem:s5+$0x210] =	vst v0  }
.Ltmp0:
0x25: {  	[tilespmem:s5+$0x220] =	vst v0;
	(pc) =	sbr.rel @p0 .LBB2_2-.Ltmp0, $4  }
0x26: {  	[tilespmem:s5+$0x230] =	vst v0  }
0x27: {  	[tilespmem:s5+$0x240] =	vst v0  }
0x28: {  	[tilespmem:s5+$0x250] =	vst v0  }
0x29: {  	[tilespmem:s5+$0x260] =	vst v0;
	s5 =	sshra.s32 s6, $0x2;
	s6 =	sadd.s32 $0x200, s6  }
0x2a: {  	[tilespmem:s5+$0x270] =	vst v0  }
0x2b: {  	[tilespmem:s5+$0x200] =	vst v0  }
0x2c: {  	[tilespmem:s5+$0x210] =	vst v0  }
0x2d: {  	[tilespmem:s5+$0x220] =	vst v0  }
0x2e: {  	[tilespmem:s5+$0x230] =	vst v0  }
0x2f: {  	[tilespmem:s5+$0x240] =	vst v0  }
0x30: {  	[tilespmem:s5+$0x250] =	vst v0  }
0x31: {  	[tilespmem:s5+$0x260] =	vst v0  }
0x32: {  	[spmem:s9] =	stream.linear.scatter [tilespmem:s25], [sflag:$0x5], $0x4000, $0x38;
	[tilespmem:$0x1C200] =	vst v63  }
0x33: {  	_ =	swait.ge [sflag:s26], $0x4000  }
0x34: {  	[sflag:s26] =	ssyncset.done $0x0  }
0x35: {  	[sflag:s26] =	ssyncadd.s32 $0xFFFFC000  }
0x36: {  	[spmem:s10] =	stream.linear.scatter [tilespmem:s25], [sflag:$0x5], $0x4000, $0x38;
	[tilespmem:$0x1C200] =	vst v63  }
0x37: {  	_ =	swait.ge [sflag:s26], $0x4000  }
0x38: {  	[sflag:s26] =	ssyncset.done $0x0  }
0x39: {  	[sflag:s26] =	ssyncadd.s32 $0xFFFFC000  }
0x3a: {  	[spmem:s11] =	stream.linear.scatter [tilespmem:s25], [sflag:$0x5], $0x4000, $0x38;
	[tilespmem:$0x1C200] =	vst v63  }
0x3b: {  	_ =	swait.ge [sflag:s26], $0x4000  }
0x3c: {  	[sflag:s26] =	ssyncset.done $0x0  }
0x3d: {  	[sflag:s26] =	ssyncadd.s32 $0xFFFFC000  }
0x3e: {  	[spmem:s12] =	stream.linear.scatter [tilespmem:s25], [sflag:$0x5], $0x4000, $0x38;
	[tilespmem:$0x1C200] =	vst v63  }
0x3f: {  	_ =	swait.ge [sflag:s26], $0x4000  }
0x40: {  	[sflag:s26] =	ssyncset.done $0x0  }
0x41: {  	[sflag:s26] =	ssyncadd.s32 $0xFFFFC000  }
0x42: {  	[spmem:s13] =	stream.linear.scatter [tilespmem:s25], [sflag:$0x5], $0x4000, $0x38;
	[tilespmem:$0x1C200] =	vst v63  }
0x43: {  	_ =	swait.ge [sflag:s26], $0x4000  }
0x44: {  	[sflag:s26] =	ssyncset.done $0x0  }
0x45: {  	[sflag:s26] =	ssyncadd.s32 $0xFFFFC000  }
0x46: {  	[bflag:$0x0] =	sbarrier.arrive $0xFFFF  }
0x47: {  	_ =	swait.ge [sflag:s28], $0x80  }
0x48: {  	[sflag:s28] =	ssyncset.done $0x0  }
0x49: {  	[sflag:s28] =	ssyncadd.s32 $0xFFFFFF80  }
0x4a: {  	_ =	swait.ge [sflag:s28], $0x80  }
0x4b: {  	[sflag:s28] =	ssyncset.done $0x0  }
0x4c: {  	s7 =	simm.s32 $0x0;
	[sflag:s28] =	ssyncadd.s32 $0xFFFFFF80  }
0x4d: {  	[tilespmem:s25], [sflag:$0x3] =	stream.indirect.gather [hbm4b:s3+s23], $0x80, s7, s23, $0xb8;
	[tilespmem:$0x1C200] =	vst v63  }
0x4e: {  	_ =	swait.ge [sflag:s29], $0x80  }
0x4f: {  	[sflag:s29] =	ssyncset.done $0x0  }
0x50: {  	[sflag:s29] =	ssyncadd.s32 $0xFFFFFF80  }
0x51: {  	_ =	swait.ge [sflag:s29], $0x80  }
0x52: {  	[sflag:s29] =	ssyncset.done $0x0  }
0x53: {  	[sflag:s29] =	ssyncadd.s32 $0xFFFFFF80  }
0x54: {  	[tilespmem:s30], [sflag:$0x4] =	stream.indirect.gather [hbm4b:s3+s23], $0x80, s23, s23, $0xb8;
	[tilespmem:$0x1C200] =	vst v63  }
0x55: {  	_ =	swait.ge [sflag:s31], $0x4000  }
0x56: {  	[sflag:s31] =	ssyncset.done $0x0  }
0x57: {  	[sflag:s31] =	ssyncadd.s32 $0xFFFFC000  }
0x58: {  	[spmem:s1] =	stream.indirect.scatter.add.f32 [tilespmem:s25], [sflag:$0x5], $0x80, s22, s23, $0xb8;
	[tilespmem:$0x1C200] =	vst v63  }
0x59: {  	_ =	swait.ge [sflag:s26], $0x4000  }
0x5a: {  	s5 =	sadd.s32 $0x0, s20;
	[sflag:s26] =	ssyncset.done $0x0  }
0x5b: {  	s6 =	sadd.s32 $0x400, s5;
	s7 =	sadd.s32 $0x0, s21;
	[sflag:s26] =	ssyncadd.s32 $0xFFFFC000  }
0x5c: {  	[tilespmem:s2], [sflag:$0x1] =	stream.linear.gather [hbm4b:s6+s2], $0x80, $0x38;
	[tilespmem:$0x1C200] =	vst v63  }
0x5d: {  	s8 =	sadd.s32 $0x400, s7  }
0x5e: {  	[tilespmem:s22], [sflag:$0x1] =	stream.linear.gather [hbm4b:s8+s2], $0x80, $0x38;
	[tilespmem:$0x1C200] =	vst v63  }
0x5f: {  	_ =	swait.ge [sflag:s28], $0x80  }
0x60: {  	[sflag:s28] =	ssyncset.done $0x0  }
0x61: {  	[sflag:s28] =	ssyncadd.s32 $0xFFFFFF80  }
0x62: {  	_ =	swait.ge [sflag:s28], $0x80  }
0x63: {  	[sflag:s28] =	ssyncset.done $0x0  }
0x64: {  	[sflag:s28] =	ssyncadd.s32 $0xFFFFFF80  }
0x65: {  	[tilespmem:s25], [sflag:$0x3] =	stream.indirect.gather [hbm4b:s3+s23], $0x80, s2, s23, $0xb8;
	[tilespmem:$0x1C200] =	vst v63  }
0x66: {  	_ =	swait.ge [sflag:s0], $0x4000  }
0x67: {  	[sflag:s0] =	ssyncset.done $0x0  }
0x68: {  	[sflag:s0] =	ssyncadd.s32 $0xFFFFC000  }
0x69: {  	[spmem:s1] =	stream.indirect.scatter.add.f32 [tilespmem:s30], [sflag:$0x5], $0x80, s24, s23, $0xb8;
	[tilespmem:$0x1C200] =	vst v63  }
0x6a: {  	_ =	swait.ge [sflag:s26], $0x4000  }
0x6b: {  	[sflag:s26] =	ssyncset.done $0x0  }
0x6c: {  	s5 =	sadd.s32 $0x600, s5;
	[sflag:s26] =	ssyncadd.s32 $0xFFFFC000  }
0x6d: {  	[tilespmem:s23], [sflag:$0x2] =	stream.linear.gather [hbm4b:s5+s2], $0x80, $0x38;
	[tilespmem:$0x1C200] =	vst v63  }
0x6e: {  	s6 =	sadd.s32 $0x600, s7;
	s5 =	simm.s32 $0x400  }
.LBB2_4:
0x6f: {  	[tilespmem:s24], [sflag:$0x2] =	stream.linear.gather [hbm4b:s6+s2], $0x80, $0x38;
	[tilespmem:$0x1C200] =	vst v63  }
0x70: {  	s6 =	smov.u32 s5  }
0x71: {  	p0 =	sne.s32 s5, $0x9800;
	s5 =	sadd.s32 $0x400, s5;
	_ =	swait.ge [sflag:s29], $0x80  }
0x72: {  	[sflag:s29] =	ssyncset.done $0x0  }
0x73: {  	[sflag:s29] =	ssyncadd.s32 $0xFFFFFF80  }
0x74: {  	_ =	swait.ge [sflag:s29], $0x80  }
0x75: {  	[sflag:s29] =	ssyncset.done $0x0  }
0x76: {  	[sflag:s29] =	ssyncadd.s32 $0xFFFFFF80  }
0x77: {  	[tilespmem:s30], [sflag:$0x4] =	stream.indirect.gather [hbm4b:s3+s23], $0x80, s23, s23, $0xb8;
	[tilespmem:$0x1C200] =	vst v63  }
0x78: {  	_ =	swait.ge [sflag:s31], $0x4000  }
0x79: {  	[sflag:s31] =	ssyncset.done $0x0  }
0x7a: {  	[sflag:s31] =	ssyncadd.s32 $0xFFFFC000  }
0x7b: {  	[spmem:s1] =	stream.indirect.scatter.add.f32 [tilespmem:s25], [sflag:$0x5], $0x80, s22, s23, $0xb8;
	[tilespmem:$0x1C200] =	vst v63  }
0x7c: {  	_ =	swait.ge [sflag:s26], $0x4000  }
0x7d: {  	s7 =	sadd.s32 s6, s20;
	[sflag:s26] =	ssyncset.done $0x0  }
0x7e: {  	s6 =	sadd.s32 s6, s21;
	s8 =	sadd.s32 $0x400, s7;
	[sflag:s26] =	ssyncadd.s32 $0xFFFFC000  }
0x7f: {  	[tilespmem:s2], [sflag:$0x1] =	stream.linear.gather [hbm4b:s8+s2], $0x80, $0x38;
	[tilespmem:$0x1C200] =	vst v63  }
0x80: {  	s8 =	sadd.s32 $0x400, s6  }
0x81: {  	[tilespmem:s22], [sflag:$0x1] =	stream.linear.gather [hbm4b:s8+s2], $0x80, $0x38;
	[tilespmem:$0x1C200] =	vst v63  }
0x82: {  	_ =	swait.ge [sflag:s28], $0x80  }
0x83: {  	[sflag:s28] =	ssyncset.done $0x0  }
0x84: {  	[sflag:s28] =	ssyncadd.s32 $0xFFFFFF80  }
0x85: {  	_ =	swait.ge [sflag:s28], $0x80  }
0x86: {  	[sflag:s28] =	ssyncset.done $0x0  }
0x87: {  	[sflag:s28] =	ssyncadd.s32 $0xFFFFFF80  }
0x88: {  	[tilespmem:s25], [sflag:$0x3] =	stream.indirect.gather [hbm4b:s3+s23], $0x80, s2, s23, $0xb8;
	[tilespmem:$0x1C200] =	vst v63  }
0x89: {  	_ =	swait.ge [sflag:s0], $0x4000  }
0x8a: {  	[sflag:s0] =	ssyncset.done $0x0  }
0x8b: {  	[sflag:s0] =	ssyncadd.s32 $0xFFFFC000  }
0x8c: {  	[spmem:s1] =	stream.indirect.scatter.add.f32 [tilespmem:s30], [sflag:$0x5], $0x80, s24, s23, $0xb8;
	[tilespmem:$0x1C200] =	vst v63  }
.Ltmp1:
0x8d: {  	_ =	swait.ge [sflag:s26], $0x4000;
	(pc) =	sbr.rel @p0 .LBB2_4-.Ltmp1, $4  }
0x8e: {  	[sflag:s26] =	ssyncset.done $0x0  }
0x8f: {  	s7 =	sadd.s32 $0x600, s7;
	[sflag:s26] =	ssyncadd.s32 $0xFFFFC000  }
0x90: {  	[tilespmem:s23], [sflag:$0x2] =	stream.linear.gather [hbm4b:s7+s2], $0x80, $0x38;
	[tilespmem:$0x1C200] =	vst v63  }
0x91: {  	s6 =	sadd.s32 $0x600, s6  }
0x92: {  	[tilespmem:s24], [sflag:$0x2] =	stream.linear.gather [hbm4b:s6+s2], $0x80, $0x38;
	[tilespmem:$0x1C200] =	vst v63  }
0x93: {  	_ =	swait.ge [sflag:s29], $0x80  }
0x94: {  	[sflag:s29] =	ssyncset.done $0x0  }
0x95: {  	[sflag:s29] =	ssyncadd.s32 $0xFFFFFF80  }
0x96: {  	_ =	swait.ge [sflag:s29], $0x80  }
0x97: {  	[sflag:s29] =	ssyncset.done $0x0  }
0x98: {  	[sflag:s29] =	ssyncadd.s32 $0xFFFFFF80  }
0x99: {  	[tilespmem:s30], [sflag:$0x4] =	stream.indirect.gather [hbm4b:s3+s23], $0x80, s23, s23, $0xb8;
	[tilespmem:$0x1C200] =	vst v63  }
0x9a: {  	_ =	swait.ge [sflag:s31], $0x4000  }
0x9b: {  	[sflag:s31] =	ssyncset.done $0x0  }
0x9c: {  	[sflag:s31] =	ssyncadd.s32 $0xFFFFC000  }
0x9d: {  	[spmem:s1] =	stream.indirect.scatter.add.f32 [tilespmem:s25], [sflag:$0x5], $0x80, s22, s23, $0xb8;
	[tilespmem:$0x1C200] =	vst v63  }
0x9e: {  	_ =	swait.ge [sflag:s26], $0x4000  }
0x9f: {  	[sflag:s26] =	ssyncset.done $0x0  }
0xa0: {  	[sflag:s26] =	ssyncadd.s32 $0xFFFFC000  }
0xa1: {  	_ =	swait.ge [sflag:s0], $0x4000  }
0xa2: {  	[sflag:s0] =	ssyncset.done $0x0  }
0xa3: {  	[sflag:s0] =	ssyncadd.s32 $0xFFFFC000  }
0xa4: {  	[spmem:s1] =	stream.indirect.scatter.add.f32 [tilespmem:s30], [sflag:$0x5], $0x80, s24, s23, $0xb8;
	[tilespmem:$0x1C200] =	vst v63  }
0xa5: {  	_ =	swait.ge [sflag:s26], $0x4000  }
0xa6: {  	[sflag:s26] =	ssyncset.done $0x0  }
0xa7: {  	[sflag:s26] =	ssyncadd.s32 $0xFFFFC000  }
0xa8: {  	[bflag:$0x0] =	sbarrier.arrive $0xFFFF  }
0xa9: {  	[tilespmem:s25], [sflag:$0x5] =	stream.linear.gather [spmem:s9], $0x4000, $0x38;
	[tilespmem:$0x1C200] =	vst v63  }
0xaa: {  	_ =	swait.ge [sflag:s26], $0x4000  }
0xab: {  	[sflag:s26] =	ssyncset.done $0x0  }
0xac: {  	[sflag:s26] =	ssyncadd.s32 $0xFFFFC000  }
0xad: {  	[hbm4b:s14+s2] =	stream.linear.scatter [tilespmem:s25], [sflag:$0x3], $0x4000, $0x38;
	[tilespmem:$0x1C200] =	vst v63  }
0xae: {  	_ = 	snop  }
0xaf: {  	[tilespmem:s30], [sflag:$0x5] =	stream.linear.gather [spmem:s10], $0x4000, $0x38;
	[tilespmem:$0x1C200] =	vst v63  }
0xb0: {  	_ =	swait.ge [sflag:s26], $0x4000  }
0xb1: {  	[sflag:s26] =	ssyncset.done $0x0  }
0xb2: {  	[sflag:s26] =	ssyncadd.s32 $0xFFFFC000  }
0xb3: {  	[hbm4b:s15+s2] =	stream.linear.scatter [tilespmem:s30], [sflag:$0x4], $0x4000, $0x38;
	[tilespmem:$0x1C200] =	vst v63  }
0xb4: {  	_ =	swait.ge [sflag:s31], $0x4000  }
0xb5: {  	[sflag:s31] =	ssyncset.done $0x0  }
0xb6: {  	[sflag:s31] =	ssyncadd.s32 $0xFFFFC000  }
0xb7: {  	[tilespmem:s25], [sflag:$0x5] =	stream.linear.gather [spmem:s11], $0x4000, $0x38;
	[tilespmem:$0x1C200] =	vst v63  }
0xb8: {  	_ =	swait.ge [sflag:s26], $0x4000  }
0xb9: {  	[sflag:s26] =	ssyncset.done $0x0  }
0xba: {  	[sflag:s26] =	ssyncadd.s32 $0xFFFFC000  }
0xbb: {  	[hbm4b:s16+s2] =	stream.linear.scatter [tilespmem:s25], [sflag:$0x3], $0x4000, $0x38;
	[tilespmem:$0x1C200] =	vst v63  }
0xbc: {  	_ =	swait.ge [sflag:s0], $0x4000  }
0xbd: {  	[sflag:s0] =	ssyncset.done $0x0  }
0xbe: {  	[sflag:s0] =	ssyncadd.s32 $0xFFFFC000  }
0xbf: {  	[tilespmem:s30], [sflag:$0x5] =	stream.linear.gather [spmem:s12], $0x4000, $0x38;
	[tilespmem:$0x1C200] =	vst v63  }
0xc0: {  	_ =	swait.ge [sflag:s26], $0x4000  }
0xc1: {  	[sflag:s26] =	ssyncset.done $0x0  }
0xc2: {  	[sflag:s26] =	ssyncadd.s32 $0xFFFFC000  }
0xc3: {  	[hbm4b:s17+s2] =	stream.linear.scatter [tilespmem:s30], [sflag:$0x4], $0x4000, $0x38;
	[tilespmem:$0x1C200] =	vst v63  }
0xc4: {  	_ =	swait.ge [sflag:s31], $0x4000  }
0xc5: {  	[sflag:s31] =	ssyncset.done $0x0  }
0xc6: {  	[sflag:s31] =	ssyncadd.s32 $0xFFFFC000  }
0xc7: {  	[tilespmem:s25], [sflag:$0x5] =	stream.linear.gather [spmem:s13], $0x4000, $0x38;
	[tilespmem:$0x1C200] =	vst v63  }
0xc8: {  	_ =	swait.ge [sflag:s26], $0x4000  }
0xc9: {  	[sflag:s26] =	ssyncset.done $0x0  }
0xca: {  	s4 =	sadd.s32 $0x1, s4;
	[sflag:s26] =	ssyncadd.s32 $0xFFFFC000  }
0xcb: {  	[hbm4b:s18+s2] =	stream.linear.scatter [tilespmem:s25], [sflag:$0x3], $0x4000, $0x38;
	[tilespmem:$0x1C200] =	vst v63  }
0xcc: {  	p0 =	sne.s32 s4, s19;
	_ =	swait.ge [sflag:s0], $0x4000  }
.Ltmp2:
0xcd: {  	[sflag:s0] =	ssyncset.done $0x0;
	(pc) =	sbr.rel @p0 .LBB2_1-.Ltmp2, $4  }
0xce: {  	[sflag:s0] =	ssyncadd.s32 $0xFFFFC000  }
0xcf: {  	_ =	swait.ge [sflag:s31], $0x4000  }
0xd0: {  	[sflag:s31] =	ssyncset.done $0x0  }
0xd1: {  	[sflag:s31] =	ssyncadd.s32 $0xFFFFC000  }
0xd2: {  	_ =	sfence.sel $0x180000  }
0xd3: {  	[bflag:$0x0] =	sbarrier.arrive $0xFFFF  }
0xd4: {  	_ =	strace $0x9000004A  }
0xd5: {  	s0 =	stileid.u32;
	[bflag:$0x2] =	sbarrier.arrive $0xFFFF  }
0xd6: {  	p0 =	sne.s32 s0, $0x0;
	s0 =	rddreg [dreg:$0x2]  }
0xd7: {  	s0 =	sadd.s32 @!p0 $0x100000, s0  }
0xd8: {  	[sflag:s0] =	ssyncadd.tile.s32 @!p0 $0x1;
	_ =	shalt  }
.Lfunc_end2:
_tile_overlayer_lowered:
.L_overlay_start_2:
0xd9: {  	(tag) =	ssettag $0x2  }
0xda: {  	s0 =	rddreg [dreg:$0x0];
	s2 =	stileid.u32  }
0xdb: {  	s1 =	rddreg [dreg:$0x1];
	p0 =	sne.s32 s2, $0x0  }
0xdc: {  	s3 =	rddreg [dreg:$0x2];
	[bflag:$0x3] =	sbarrier.arrive $0xFFFF;
	s2 =	simm.s32 @!p0 $0x1C05  }
0xdd: {  	[timem:s3], [sflag:s2] =	dma.local @!p0 [hbm:s0], s1  }
0xde: {  	s0 =	simm.s32 @!p0 $0x5  }
0xdf: {  	_ =	swait.ge @!p0 [sflag:s0], s1  }
0xe0: {  	s1 =	ssub.s32 @!p0 $0x0, s1;
	[sflag:s0] =	ssyncset.done @!p0 $0x0  }
0xe1: {  	[sflag:s0] =	ssyncadd.s32 @!p0 s1  }
0xe2: {  	[bflag:$0x3] =	sbarrier.arrive $0xFFFF  }
0xe3: {  	_ =	shalt  }

// kernel: kernel.15.cloned.1.call-start
scs
__scs_entry_jumppad:
0x0: {  	(pc) =	sbr.rel $0x88, $3  }
0x1: {  	(tag) =	ssettag $0x0;
	lr =	simm.s32 $0x1  }
0x2: {  	[smem:$0x3F8A] =	sst lr;
	_ =	strace $0xD0000000  }
0x3: {  	_ = 	snop  }
0x4: {  	_ = 	snop  }
0x5: {  	_ = 	snop  }
0x6: {  	_ = 	snop  }
0x7: {  	_ = 	snop  }
__scs_overlays_trampoline_lowered:
0x8: {  	[smem:$0x3F99] =	sst s0  }
0x9: {  	[smem:$0x3F9A] =	sst s1  }
0xa: {  	[smem:$0x3F9B] =	sst s2  }
0xb: {  	[smem:$0x3F9C] =	sst s3  }
0xc: {  	[smem:$0x3F9D] =	sst s4  }
0xd: {  	[smem:$0x3F9E] =	sst s5  }
0xe: {  	[smem:$0x3F9F] =	sst s6  }
0xf: {  	[smem:$0x3FA0] =	sst s7  }
0x10: {  	[smem:$0x3FA1] =	sst s8  }
0x11: {  	[smem:$0x3FA2] =	sst s9;
	s0 =	simm.s32 @!p0 $0x0  }
0x12: {  	s1 =	sld [smem:$0x3F88];
	s0 =	simm.s32 @p0 $0x1  }
0x13: {  	[smem:$0x3FA3] =	sst s0;
	s0 =	simm.s32 @!p1 $0x0  }
0x14: {  	s2 =	sld [smem:$0x3F87];
	s0 =	simm.s32 @p1 $0x1  }
0x15: {  	[smem:$0x3FA4] =	sst s0;
	s0 =	simm.s32 @!p2 $0x0  }
0x16: {  	s3 =	sld [smem:$0x3FDB];
	s0 =	simm.s32 @p2 $0x1  }
0x17: {  	s4 =	simm.s32 $0x1BF5;
	[smem:$0x3FA6] =	sst s0  }
0x18: {  	s0 =	sld [smem:$0x3F89];
	_ =	swait.ge [sflag:s4], $0x0  }
0x19: {  	s7 =	sld [smem:$0x3F8A]  }
0x1a: {  	s8 =	sadd.s32 $0xFFFFE003, lr  }
0x1b: {  	s9 =	sadd.s32 $0xFFFFFEF7, lr;
	s5 =	simm.s32 $0xFFFFFFFF;
	p2 =	slt.u32 s8, $0xFFFFF086  }
0x1c: {  	p1 =	slt.u32 s9, $0xF7A;
	s5 =	simm.s32 @!p2 $0x0  }
0x1d: {  	s5 =	simm.s32 @p1 $0x1;
	p0 =	seq.s32 s7, s2  }
0x1e: {  	s7 =	smul.u32 @!p0 $0xF7A, s2;
	p2 =	seq.s32 @!p0 s5, $0x0  }
0x1f: {  	s9 =	smul.u32 $0xF7A, s1;
	s8 =	simm.s32 @!p0 $0x1BF5;
	p2 =	por !p2, p0  }
0x20: {  	[sflag:s8] =	ssyncset.s32 @!p0 $0xFFFFF086;
	s6 =	sadd.s32 @!p0 s3, s7;
	s7 =	simm.s32 @!p0 $0x108  }
0x21: {  	s3 =	sadd.s32 s3, s9;
	s6 =	sadd.s32 @!p0 $0x88, s6;
	s7 =	simm.s32 @p2 $0x1082  }
0x22: {  	[simem:s7], [sflag:s8] =	dma.local @!p0 [hbm:s6], $0xF7A  }
0x23: {  	s9 =	sor.u32 $0xD0000000, s2;
	s6 =	simm.s32 $0x108;
	_ =	swait.ge @!p0 [sflag:s8], $0x0  }
0x24: {  	s3 =	sadd.s32 $0x88, s3;
	s6 =	simm.s32 @!p1 $0x1082;
	[sflag:s4] =	ssyncset.s32 $0xFFFFF086  }
0x25: {  	[simem:s6], [sflag:s4] =	dma.local [hbm:s3], $0xF7A  }
0x26: {  	[smem:$0x3F8A] =	sst s1;
	(tag) =	ssettag s2;
	_ =	strace s9  }
0x27: {  	s1 =	sld [smem:$0x3F9A]  }
0x28: {  	s2 =	sld [smem:$0x3F9B]  }
0x29: {  	s4 =	sld [smem:$0x3F9D]  }
0x2a: {  	p0 =	seq.s32 s5, $0x0;
	s5 =	sld [smem:$0x3F9E]  }
0x2b: {  	s6 =	sld [smem:$0x3F9F]  }
0x2c: {  	s7 =	sld [smem:$0x3FA0]  }
0x2d: {  	s3 =	simm.s32 $0x108;
	s8 =	sld [smem:$0x3FA1]  }
0x2e: {  	s3 =	simm.s32 @!p0 $0x1082;
	s9 =	sld [smem:$0x3FA2]  }
0x2f: {  	lr =	sadd.s32 s0, s3;
	s0 =	sld [smem:$0x3F99]  }
0x30: {  	s3 =	sld [smem:$0x3F9C]  }
0x31: {  	[smem:$0x3FA5] =	sst s10  }
0x32: {  	s10 =	sld [smem:$0x3FA3];
	_ =	sdelay $0x3  }
0x33: {  	p0 =	seq.s32 s10, $0x1;
	s10 =	sld [smem:$0x3FA5];
	_ =	sdelay $0x3  }
0x34: {  	[smem:$0x3FA5] =	sst s10  }
0x35: {  	s10 =	sld [smem:$0x3FA4];
	_ =	sdelay $0x3  }
0x36: {  	p1 =	seq.s32 s10, $0x1;
	s10 =	sld [smem:$0x3FA5];
	_ =	sdelay $0x3  }
0x37: {  	[smem:$0x3FA5] =	sst s10  }
0x38: {  	s10 =	sld [smem:$0x3FA6]  }
0x39: {  	_ = 	snop;
	(pc) =	sbr.ind lr, $3  }
0x3a: {  	_ = 	snop  }
0x3b: {  	_ = 	snop  }
0x3c: {  	p2 =	seq.s32 s10, $0x1;
	s10 =	sld [smem:$0x3FA5]  }
0x3d: {  	_ =	shalt  }
0x3e: {  	_ =	shalt  }
0x3f: {  	_ =	shalt  }
0x40: {  	_ =	shalt  }
0x41: {  	_ =	shalt  }
0x42: {  	_ =	shalt  }
0x43: {  	_ =	shalt  }
0x44: {  	_ =	shalt  }
0x45: {  	_ =	shalt  }
0x46: {  	_ =	shalt  }
0x47: {  	_ =	shalt  }
0x48: {  	_ =	shalt  }
0x49: {  	_ =	shalt  }
0x4a: {  	_ =	shalt  }
0x4b: {  	_ =	shalt  }
0x4c: {  	_ =	shalt  }
0x4d: {  	_ =	shalt  }
0x4e: {  	_ =	shalt  }
0x4f: {  	_ =	shalt  }
0x50: {  	_ =	shalt  }
0x51: {  	_ =	shalt  }
0x52: {  	_ =	shalt  }
0x53: {  	_ =	shalt  }
0x54: {  	_ =	shalt  }
0x55: {  	_ =	shalt  }
0x56: {  	_ =	shalt  }
0x57: {  	_ =	shalt  }
0x58: {  	_ =	shalt  }
0x59: {  	_ =	shalt  }
0x5a: {  	_ =	shalt  }
0x5b: {  	_ =	shalt  }
0x5c: {  	_ =	shalt  }
0x5d: {  	_ =	shalt  }
0x5e: {  	_ =	shalt  }
0x5f: {  	_ =	shalt  }
0x60: {  	_ =	shalt  }
0x61: {  	_ =	shalt  }
0x62: {  	_ =	shalt  }
0x63: {  	_ =	shalt  }
0x64: {  	_ =	shalt  }
0x65: {  	_ =	shalt  }
0x66: {  	_ =	shalt  }
0x67: {  	_ =	shalt  }
0x68: {  	_ =	shalt  }
0x69: {  	_ =	shalt  }
0x6a: {  	_ =	shalt  }
0x6b: {  	_ =	shalt  }
0x6c: {  	_ =	shalt  }
0x6d: {  	_ =	shalt  }
0x6e: {  	_ =	shalt  }
0x6f: {  	_ =	shalt  }
0x70: {  	_ =	shalt  }
0x71: {  	_ =	shalt  }
0x72: {  	_ =	shalt  }
0x73: {  	_ =	shalt  }
0x74: {  	_ =	shalt  }
0x75: {  	_ =	shalt  }
0x76: {  	_ =	shalt  }
0x77: {  	_ =	shalt  }
0x78: {  	_ =	shalt  }
0x79: {  	_ =	shalt  }
0x7a: {  	_ =	shalt  }
0x7b: {  	_ =	shalt  }
0x7c: {  	_ =	shalt  }
0x7d: {  	_ =	shalt  }
0x7e: {  	_ =	shalt  }
0x7f: {  	_ =	shalt  }
0x80: {  	_ =	shalt  }
0x81: {  	_ =	shalt  }
0x82: {  	_ =	shalt  }
0x83: {  	_ =	shalt  }
0x84: {  	_ =	shalt  }
0x85: {  	_ =	shalt  }
0x86: {  	_ =	shalt  }
0x87: {  	_ =	shalt  }
.Lfunc_end0:
.L_simem_size_0:
called_computation.2_lowered:
.L_overlay_start_0:
0x88: {  	s2 =	sld [smem:$0x3FD9]  }
0x89: {  	s3 =	sld [smem:$0x3FFE];
	_ =	sdelay $0x1  }
0x8a: {  	s1 =	srdreg.scid  }
0x8b: {  	s0 =	sand.u32 $0x1, s1  }
0x8c: {  	s16 =	sshll.u32 s0, $0xA;
	s2 =	sadd.s32 s3, s2  }
0x8d: {  	s2 =	sadd.s32 s2, s16  }
0x8e: {  	[smem:$0x3FB1] =	sst s2  }
0x8f: {  	_ = 	snop  }
0x90: {  	(tm) =	ssettm $0x1  }
0x91: {  	s17 =	sld [smem:$0x3FFB];
	_ =	sdelay $0x3  }
0x92: {  	_ =	strace s17  }
0x93: {  	s2 =	sld [smem:$0x3FFC];
	_ =	sdelay $0x3  }
0x94: {  	_ =	strace s2  }
0x95: {  	s2 =	sld [smem:$0x3FFD];
	_ =	sdelay $0x3  }
0x96: {  	_ =	strace s2  }
0x97: {  	_ =	strace $0x8FFFFFFF  }
0x98: {  	s18 =	sld [smem:$0x3FDB];
	_ =	sdelay $0x1  }
0x99: {  	s19 =	simm.s32 $_scs_section_size  }
0x9a: {  	s4 =	simm.s32 $_size__tile_overlayer_lowered;
	s5 =	simm.s32 $_tile_overlayer_lowered  }
0x9b: {  	s22 =	simm.s32 $0x1BFF;
	s21 =	sshll.u32 s5, $0x1;
	s2 =	sadd.s32 s19, s18  }
0x9c: {  	s6 =	simm.s32 $0x0;
	s20 =	sshll.u32 s4, $0x1;
	s4 =	sadd.s32 s21, s2  }
0x9d: {  	[timem:s6], [sflag:s22] =	dma.local [hbm:s4], s20  }
0x9e: {  	_ =	swait.ge [sflag:s22], s20  }
0x9f: {  	s3 =	ssub.s32 $0x0, s20;
	[sflag:s22] =	ssyncset.done $0x0  }
0xa0: {  	[sflag:s22] =	ssyncadd.s32 s3;
	_ =	sdelay $0x1  }
0xa1: {  	s23 =	simm.s32 $0x1B8B  }
0xa2: {  	_ =	swait.ge [sflag:s23], $0x1  }
0xa3: {  	[sflag:s23] =	ssyncset.done $0x0  }
0xa4: {  	s25 =	simm.s32 $0x1B8E;
	s24 =	sld [smem:$0x3FFE];
	[sflag:s23] =	ssyncadd.s32 $0xFFFFFFFF  }
0xa5: {  	s26 =	simm.s32 $execute0_lowered;
	[smem:$0x3FD2] =	sst s25  }
0xa6: {  	s4 =	sshll.u32 s26, $0x1;
	_ =	strace $0x8000004C;
	[dreg:$0x1] =	wrdreg $0xFFFFFFFF  }
0xa7: {  	s28 =	simm.s32 $_size_execute0_lowered;
	s2 =	sadd.s32 s2, s4;
	[dreg:$0x0] =	wrdreg $0x0  }
0xa8: {  	s4 =	sshll.u32 s28, $0x1;
	[dreg:$0x2] =	wrdreg s2  }
0xa9: {  	[dreg:$0x3] =	wrdreg s4  }
0xaa: {  	[dreg:$0x4] =	wrdreg $0xC0  }
0xab: {  	_ =	task [dreg:s6], $0x5FFFF  }
0xac: {  	[dreg:$0x1] =	wrdreg $0xFFFFFFFF  }
0xad: {  	[dreg:$0x0] =	wrdreg $0x60  }
0xae: {  	[dreg:$0x2] =	wrdreg s24  }
0xaf: {  	[dreg:$0x3] =	wrdreg $0x82000  }
0xb0: {  	[dreg:$0x4] =	wrdreg $0x9  }
0xb1: {  	_ =	task.clear_ibuf [dreg:s6], $0x5FFFF;
	_ =	strace $0x9000004C  }
0xb2: {  	s29 =	simm.s32 $0x9;
	_ =	strace $0x8000004E  }
0xb3: {  	_ =	swait.ge [sflag:s29], $0x1  }
0xb4: {  	[sflag:s29] =	ssyncadd.s32 $0xFFFFFFFF  }
0xb5: {  	_ =	strace $0x9000004E  }
0xb6: {  	_ =	sfence  }
0xb7: {  	s30 =	sld [smem:$0x0];
	_ =	sdelay $0x2  }
0xb8: {  	s31 =	sshll.u32 s1, $0xD;
	s1 =	sshrl.u32 s1, $0x2  }
0xb9: {  	s3 =	sand.u32 $0x4000, s31;
	s1 =	sadd.s32 s1, s30  }
0xba: {  	s0 =	sor.u32 s3, s0;
	s1 =	sshll.u32 s1, $0x11  }
0xbb: {  	s0 =	sor.u32 s1, s0  }
0xbc: {  	s0 =	sadd.s32 $0x8F2B, s0  }
0xbd: {  	[sflag:s0] =	ssyncadd.remote.s32 $0x1  }
0xbe: {  	_ =	sfence.sel $0xFFFF  }
0xbf: {  	[dreg:$0x0] =	wrdreg $0xFFFFFFFF;
	(pc) =	sbr.abs _section_cstart, $3  }
0xc0: {  	[dreg:$0x1] =	wrdreg $0xFFFFFFFF  }
0xc1: {  	_ =	task.clear_ibuf [dreg:s6], $0x2FFFF;
	_ =	strace $0x9FFFFFFF  }
0xc2: {  	(tm) =	ssettm $0x7FFFFFFF  }
0xc3: {  	_ =	shalt  }
tec
execute0_lowered:
.L_overlay_start_1:
0x0: {  	(tag) =	ssettag $0x1  }
0x1: {  	s0 =	rddreg [dreg:$0x0]  }
0x2: {  	s1 =	rddreg [dreg:$0x1]  }
0x3: {  	s2 =	simm.s32 $0x0;
	s4 =	srdreg.scid;
	s10 =	stileid.u32  }
0x4: {  	s28 =	simm.s32 $0x1;
	s29 =	simm.s32 $0x2;
	s30 =	simm.s32 $0x4200  }
0x5: {  	s31 =	simm.s32 $0x3;
	[smem:$0x7FF] =	sst s2;
	s3 =	sadd.s32 $0x17E00, s0  }
0x6: {  	s5 =	sadd.s32 $0x3E00, s0;
	s6 =	sadd.s32 $0xDE00, s0;
	s4 =	sand.u32 $0x1, s4  }
0x7: {  	s0 =	sadd.s32 $0x3F000, s0;
	s21 =	sshll.u32 s10, $0x5;
	s17 =	smul.u32 $0x50000, s10  }
0x8: {  	s13 =	smul.u32 $0x14000, s10;
	_ =	strace $0x8000004D;
	s7 =	ssub.s32 $0x2, s4  }
0x9: {  	s22 =	sshll.u32 s4, $0x4;
	s4 =	smul.u32 $0x140000, s4;
	s25 =	sadd.s32 s21, s5  }
0xa: {  	s26 =	sadd.s32 s21, s6;
	s8 =	sshrl.u32 s7, $0x1;
	s16 =	sor.u32 s22, s21  }
0xb: {  	s23 =	sshrl.u32 s17, $0x2;
	s14 =	sadd.s32 $0x4000, s13;
	s17 =	sadd.s32 $0xC000, s13  }
0xc: {  	s21 =	sadd.s32 s22, s26;
	s26 =	simm.s32 $0x5;
	s19 =	ssub.s32 s7, s8  }
0xd: {  	s9 =	sadd.s32 s5, s16;
	s18 =	sor.u32 $0x200, s16;
	s7 =	sadd.s32 s6, s16  }
0xe: {  	s16 =	sadd.s32 $0x8000, s13;
	s10 =	sadd.s32 s14, s1;
	s12 =	sadd.s32 s17, s1  }
0xf: {  	s15 =	sadd.s32 s13, s4;
	s14 =	sadd.s32 s4, s14;
	[dreg:$0x3] =	wrdreg s9  }
0x10: {  	s17 =	sadd.s32 s4, s17;
	[dreg:$0x4] =	wrdreg s7;
	s20 =	sadd.s32 s5, s18  }
0x11: {  	s24 =	sadd.s32 s6, s18;
	s9 =	sadd.s32 s23, s1;
	s11 =	sadd.s32 s16, s1  }
0x12: {  	s18 =	sadd.s32 $0x10000, s13;
	s15 =	sshrl.u32 s15, $0x3;
	s16 =	sadd.s32 s4, s16  }
0x13: {  	s17 =	sshrl.u32 s17, $0x3;
	s19 =	smax.u32 s19, $0x1;
	[dreg:$0x5] =	wrdreg s20  }
0x14: {  	s23 =	simm.s32 $0x80;
	[dreg:$0x6] =	wrdreg s24;
	s13 =	sadd.s32 s18, s1  }
0x15: {  	s20 =	sshrl.u32 s14, $0x3;
	s14 =	sadd.s32 s0, s15;
	s16 =	sshrl.u32 s16, $0x3  }
0x16: {  	s4 =	sadd.s32 s4, s18;
	s17 =	sadd.s32 s0, s17;
	s24 =	simm.s32 $0x180  }
0x17: {  	s15 =	sadd.s32 s0, s20;
	s16 =	sadd.s32 s0, s16;
	s4 =	sshrl.u32 s4, $0x3  }
0x18: {  	s20 =	sadd.s32 s22, s25;
	s22 =	simm.s32 $0x100;
	s25 =	simm.s32 $0x200  }
0x19: {  	v0 =	vimm.f32 $0.0e+00;
	s18 =	sadd.s32 s0, s4;
	s0 =	simm.s32 $0x4;
	s4 =	simm.s32 $0x0  }
.LBB2_1:
0x1a: {  	s5 =	rddreg [dreg:$0x3]  }
0x1b: {  	[tilespmem:s2], [sflag:$0x1] =	stream.linear.gather [hbm4b:s5+s2], $0x80, $0x38;
	[tilespmem:$0x1C200] =	vst v63  }
0x1c: {  	s6 =	rddreg [dreg:$0x4]  }
0x1d: {  	[tilespmem:s22], [sflag:$0x1] =	stream.linear.gather [hbm4b:s6+s2], $0x80, $0x38;
	[tilespmem:$0x1C200] =	vst v63  }
0x1e: {  	s7 =	rddreg [dreg:$0x5]  }
0x1f: {  	[tilespmem:s23], [sflag:$0x2] =	stream.linear.gather [hbm4b:s7+s2], $0x80, $0x38;
	[tilespmem:$0x1C200] =	vst v63  }
0x20: {  	s8 =	rddreg [dreg:$0x6];
	s5 =	simm.s32 $0x0;
	s6 =	simm.s32 $0x200  }
0x21: {  	[tilespmem:s24], [sflag:$0x2] =	stream.linear.gather [hbm4b:s8+s2], $0x80, $0x38;
	[tilespmem:$0x1C200] =	vst v63  }
.LBB2_2:
0x22: {  	p0 =	sne.s32 s6, $0xFE00;
	[tilespmem:s5+$0x270] =	vst v0  }
0x23: {  	[tilespmem:s5+$0x200] =	vst v0  }
0x24: {  	[tilespmem:s5+$0x210] =	vst v0  }
.Ltmp0:
0x25: {  	[tilespmem:s5+$0x220] =	vst v0;
	(pc) =	sbr.rel @p0 .LBB2_2-.Ltmp0, $4  }
0x26: {  	[tilespmem:s5+$0x230] =	vst v0  }
0x27: {  	[tilespmem:s5+$0x240] =	vst v0  }
0x28: {  	[tilespmem:s5+$0x250] =	vst v0  }
0x29: {  	[tilespmem:s5+$0x260] =	vst v0;
	s5 =	sshra.s32 s6, $0x2;
	s6 =	sadd.s32 $0x200, s6  }
0x2a: {  	[tilespmem:s5+$0x270] =	vst v0  }
0x2b: {  	[tilespmem:s5+$0x200] =	vst v0  }
0x2c: {  	[tilespmem:s5+$0x210] =	vst v0  }
0x2d: {  	[tilespmem:s5+$0x220] =	vst v0  }
0x2e: {  	[tilespmem:s5+$0x230] =	vst v0  }
0x2f: {  	[tilespmem:s5+$0x240] =	vst v0  }
0x30: {  	[tilespmem:s5+$0x250] =	vst v0  }
0x31: {  	[tilespmem:s5+$0x260] =	vst v0  }
0x32: {  	[spmem:s9] =	stream.linear.scatter [tilespmem:s25], [sflag:$0x5], $0x4000, $0x38;
	[tilespmem:$0x1C200] =	vst v63  }
0x33: {  	_ =	swait.ge [sflag:s26], $0x4000  }
0x34: {  	[sflag:s26] =	ssyncset.done $0x0  }
0x35: {  	[sflag:s26] =	ssyncadd.s32 $0xFFFFC000  }
0x36: {  	[spmem:s10] =	stream.linear.scatter [tilespmem:s25], [sflag:$0x5], $0x4000, $0x38;
	[tilespmem:$0x1C200] =	vst v63  }
0x37: {  	_ =	swait.ge [sflag:s26], $0x4000  }
0x38: {  	[sflag:s26] =	ssyncset.done $0x0  }
0x39: {  	[sflag:s26] =	ssyncadd.s32 $0xFFFFC000  }
0x3a: {  	[spmem:s11] =	stream.linear.scatter [tilespmem:s25], [sflag:$0x5], $0x4000, $0x38;
	[tilespmem:$0x1C200] =	vst v63  }
0x3b: {  	_ =	swait.ge [sflag:s26], $0x4000  }
0x3c: {  	[sflag:s26] =	ssyncset.done $0x0  }
0x3d: {  	[sflag:s26] =	ssyncadd.s32 $0xFFFFC000  }
0x3e: {  	[spmem:s12] =	stream.linear.scatter [tilespmem:s25], [sflag:$0x5], $0x4000, $0x38;
	[tilespmem:$0x1C200] =	vst v63  }
0x3f: {  	_ =	swait.ge [sflag:s26], $0x4000  }
0x40: {  	[sflag:s26] =	ssyncset.done $0x0  }
0x41: {  	[sflag:s26] =	ssyncadd.s32 $0xFFFFC000  }
0x42: {  	[spmem:s13] =	stream.linear.scatter [tilespmem:s25], [sflag:$0x5], $0x4000, $0x38;
	[tilespmem:$0x1C200] =	vst v63  }
0x43: {  	_ =	swait.ge [sflag:s26], $0x4000  }
0x44: {  	[sflag:s26] =	ssyncset.done $0x0  }
0x45: {  	[sflag:s26] =	ssyncadd.s32 $0xFFFFC000  }
0x46: {  	[bflag:$0x0] =	sbarrier.arrive $0xFFFF  }
0x47: {  	_ =	swait.ge [sflag:s28], $0x80  }
0x48: {  	[sflag:s28] =	ssyncset.done $0x0  }
0x49: {  	[sflag:s28] =	ssyncadd.s32 $0xFFFFFF80  }
0x4a: {  	_ =	swait.ge [sflag:s28], $0x80  }
0x4b: {  	[sflag:s28] =	ssyncset.done $0x0  }
0x4c: {  	s7 =	simm.s32 $0x0;
	[sflag:s28] =	ssyncadd.s32 $0xFFFFFF80  }
0x4d: {  	[tilespmem:s25], [sflag:$0x3] =	stream.indirect.gather [hbm4b:s3+s23], $0x80, s7, s23, $0xb8;
	[tilespmem:$0x1C200] =	vst v63  }
0x4e: {  	_ =	swait.ge [sflag:s29], $0x80  }
0x4f: {  	[sflag:s29] =	ssyncset.done $0x0  }
0x50: {  	[sflag:s29] =	ssyncadd.s32 $0xFFFFFF80  }
0x51: {  	_ =	swait.ge [sflag:s29], $0x80  }
0x52: {  	[sflag:s29] =	ssyncset.done $0x0  }
0x53: {  	[sflag:s29] =	ssyncadd.s32 $0xFFFFFF80  }
0x54: {  	[tilespmem:s30], [sflag:$0x4] =	stream.indirect.gather [hbm4b:s3+s23], $0x80, s23, s23, $0xb8;
	[tilespmem:$0x1C200] =	vst v63  }
0x55: {  	_ =	swait.ge [sflag:s31], $0x4000  }
0x56: {  	[sflag:s31] =	ssyncset.done $0x0  }
0x57: {  	[sflag:s31] =	ssyncadd.s32 $0xFFFFC000  }
0x58: {  	[spmem:s1] =	stream.indirect.scatter.add.f32 [tilespmem:s25], [sflag:$0x5], $0x80, s22, s23, $0xb8;
	[tilespmem:$0x1C200] =	vst v63  }
0x59: {  	_ =	swait.ge [sflag:s26], $0x4000  }
0x5a: {  	s5 =	sadd.s32 $0x0, s20;
	[sflag:s26] =	ssyncset.done $0x0  }
0x5b: {  	s6 =	sadd.s32 $0x400, s5;
	s7 =	sadd.s32 $0x0, s21;
	[sflag:s26] =	ssyncadd.s32 $0xFFFFC000  }
0x5c: {  	[tilespmem:s2], [sflag:$0x1] =	stream.linear.gather [hbm4b:s6+s2], $0x80, $0x38;
	[tilespmem:$0x1C200] =	vst v63  }
0x5d: {  	s8 =	sadd.s32 $0x400, s7  }
0x5e: {  	[tilespmem:s22], [sflag:$0x1] =	stream.linear.gather [hbm4b:s8+s2], $0x80, $0x38;
	[tilespmem:$0x1C200] =	vst v63  }
0x5f: {  	_ =	swait.ge [sflag:s28], $0x80  }
0x60: {  	[sflag:s28] =	ssyncset.done $0x0  }
0x61: {  	[sflag:s28] =	ssyncadd.s32 $0xFFFFFF80  }
0x62: {  	_ =	swait.ge [sflag:s28], $0x80  }
0x63: {  	[sflag:s28] =	ssyncset.done $0x0  }
0x64: {  	[sflag:s28] =	ssyncadd.s32 $0xFFFFFF80  }
0x65: {  	[tilespmem:s25], [sflag:$0x3] =	stream.indirect.gather [hbm4b:s3+s23], $0x80, s2, s23, $0xb8;
	[tilespmem:$0x1C200] =	vst v63  }
0x66: {  	_ =	swait.ge [sflag:s0], $0x4000  }
0x67: {  	[sflag:s0] =	ssyncset.done $0x0  }
0x68: {  	[sflag:s0] =	ssyncadd.s32 $0xFFFFC000  }
0x69: {  	[spmem:s1] =	stream.indirect.scatter.add.f32 [tilespmem:s30], [sflag:$0x5], $0x80, s24, s23, $0xb8;
	[tilespmem:$0x1C200] =	vst v63  }
0x6a: {  	_ =	swait.ge [sflag:s26], $0x4000  }
0x6b: {  	[sflag:s26] =	ssyncset.done $0x0  }
0x6c: {  	s5 =	sadd.s32 $0x600, s5;
	[sflag:s26] =	ssyncadd.s32 $0xFFFFC000  }
0x6d: {  	[tilespmem:s23], [sflag:$0x2] =	stream.linear.gather [hbm4b:s5+s2], $0x80, $0x38;
	[tilespmem:$0x1C200] =	vst v63  }
0x6e: {  	s6 =	sadd.s32 $0x600, s7;
	s5 =	simm.s32 $0x400  }
.LBB2_4:
0x6f: {  	[tilespmem:s24], [sflag:$0x2] =	stream.linear.gather [hbm4b:s6+s2], $0x80, $0x38;
	[tilespmem:$0x1C200] =	vst v63  }
0x70: {  	s6 =	smov.u32 s5  }
0x71: {  	p0 =	sne.s32 s5, $0x9800;
	s5 =	sadd.s32 $0x400, s5;
	_ =	swait.ge [sflag:s29], $0x80  }
0x72: {  	[sflag:s29] =	ssyncset.done $0x0  }
0x73: {  	[sflag:s29] =	ssyncadd.s32 $0xFFFFFF80  }
0x74: {  	_ =	swait.ge [sflag:s29], $0x80  }
0x75: {  	[sflag:s29] =	ssyncset.done $0x0  }
0x76: {  	[sflag:s29] =	ssyncadd.s32 $0xFFFFFF80  }
0x77: {  	[tilespmem:s30], [sflag:$0x4] =	stream.indirect.gather [hbm4b:s3+s23], $0x80, s23, s23, $0xb8;
	[tilespmem:$0x1C200] =	vst v63  }
0x78: {  	_ =	swait.ge [sflag:s31], $0x4000  }
0x79: {  	[sflag:s31] =	ssyncset.done $0x0  }
0x7a: {  	[sflag:s31] =	ssyncadd.s32 $0xFFFFC000  }
0x7b: {  	[spmem:s1] =	stream.indirect.scatter.add.f32 [tilespmem:s25], [sflag:$0x5], $0x80, s22, s23, $0xb8;
	[tilespmem:$0x1C200] =	vst v63  }
0x7c: {  	_ =	swait.ge [sflag:s26], $0x4000  }
0x7d: {  	s7 =	sadd.s32 s6, s20;
	[sflag:s26] =	ssyncset.done $0x0  }
0x7e: {  	s6 =	sadd.s32 s6, s21;
	s8 =	sadd.s32 $0x400, s7;
	[sflag:s26] =	ssyncadd.s32 $0xFFFFC000  }
0x7f: {  	[tilespmem:s2], [sflag:$0x1] =	stream.linear.gather [hbm4b:s8+s2], $0x80, $0x38;
	[tilespmem:$0x1C200] =	vst v63  }
0x80: {  	s8 =	sadd.s32 $0x400, s6  }
0x81: {  	[tilespmem:s22], [sflag:$0x1] =	stream.linear.gather [hbm4b:s8+s2], $0x80, $0x38;
	[tilespmem:$0x1C200] =	vst v63  }
0x82: {  	_ =	swait.ge [sflag:s28], $0x80  }
0x83: {  	[sflag:s28] =	ssyncset.done $0x0  }
0x84: {  	[sflag:s28] =	ssyncadd.s32 $0xFFFFFF80  }
0x85: {  	_ =	swait.ge [sflag:s28], $0x80  }
0x86: {  	[sflag:s28] =	ssyncset.done $0x0  }
0x87: {  	[sflag:s28] =	ssyncadd.s32 $0xFFFFFF80  }
0x88: {  	[tilespmem:s25], [sflag:$0x3] =	stream.indirect.gather [hbm4b:s3+s23], $0x80, s2, s23, $0xb8;
	[tilespmem:$0x1C200] =	vst v63  }
0x89: {  	_ =	swait.ge [sflag:s0], $0x4000  }
0x8a: {  	[sflag:s0] =	ssyncset.done $0x0  }
0x8b: {  	[sflag:s0] =	ssyncadd.s32 $0xFFFFC000  }
0x8c: {  	[spmem:s1] =	stream.indirect.scatter.add.f32 [tilespmem:s30], [sflag:$0x5], $0x80, s24, s23, $0xb8;
	[tilespmem:$0x1C200] =	vst v63  }
.Ltmp1:
0x8d: {  	_ =	swait.ge [sflag:s26], $0x4000;
	(pc) =	sbr.rel @p0 .LBB2_4-.Ltmp1, $4  }
0x8e: {  	[sflag:s26] =	ssyncset.done $0x0  }
0x8f: {  	s7 =	sadd.s32 $0x600, s7;
	[sflag:s26] =	ssyncadd.s32 $0xFFFFC000  }
0x90: {  	[tilespmem:s23], [sflag:$0x2] =	stream.linear.gather [hbm4b:s7+s2], $0x80, $0x38;
	[tilespmem:$0x1C200] =	vst v63  }
0x91: {  	s6 =	sadd.s32 $0x600, s6  }
0x92: {  	[tilespmem:s24], [sflag:$0x2] =	stream.linear.gather [hbm4b:s6+s2], $0x80, $0x38;
	[tilespmem:$0x1C200] =	vst v63  }
0x93: {  	_ =	swait.ge [sflag:s29], $0x80  }
0x94: {  	[sflag:s29] =	ssyncset.done $0x0  }
0x95: {  	[sflag:s29] =	ssyncadd.s32 $0xFFFFFF80  }
0x96: {  	_ =	swait.ge [sflag:s29], $0x80  }
0x97: {  	[sflag:s29] =	ssyncset.done $0x0  }
0x98: {  	[sflag:s29] =	ssyncadd.s32 $0xFFFFFF80  }
0x99: {  	[tilespmem:s30], [sflag:$0x4] =	stream.indirect.gather [hbm4b:s3+s23], $0x80, s23, s23, $0xb8;
	[tilespmem:$0x1C200] =	vst v63  }
0x9a: {  	_ =	swait.ge [sflag:s31], $0x4000  }
0x9b: {  	[sflag:s31] =	ssyncset.done $0x0  }
0x9c: {  	[sflag:s31] =	ssyncadd.s32 $0xFFFFC000  }
0x9d: {  	[spmem:s1] =	stream.indirect.scatter.add.f32 [tilespmem:s25], [sflag:$0x5], $0x80, s22, s23, $0xb8;
	[tilespmem:$0x1C200] =	vst v63  }
0x9e: {  	_ =	swait.ge [sflag:s26], $0x4000  }
0x9f: {  	[sflag:s26] =	ssyncset.done $0x0  }
0xa0: {  	[sflag:s26] =	ssyncadd.s32 $0xFFFFC000  }
0xa1: {  	_ =	swait.ge [sflag:s0], $0x4000  }
0xa2: {  	[sflag:s0] =	ssyncset.done $0x0  }
0xa3: {  	[sflag:s0] =	ssyncadd.s32 $0xFFFFC000  }
0xa4: {  	[spmem:s1] =	stream.indirect.scatter.add.f32 [tilespmem:s30], [sflag:$0x5], $0x80, s24, s23, $0xb8;
	[tilespmem:$0x1C200] =	vst v63  }
0xa5: {  	_ =	swait.ge [sflag:s26], $0x4000  }
0xa6: {  	[sflag:s26] =	ssyncset.done $0x0  }
0xa7: {  	[sflag:s26] =	ssyncadd.s32 $0xFFFFC000  }
0xa8: {  	[bflag:$0x0] =	sbarrier.arrive $0xFFFF  }
0xa9: {  	[tilespmem:s25], [sflag:$0x5] =	stream.linear.gather [spmem:s9], $0x4000, $0x38;
	[tilespmem:$0x1C200] =	vst v63  }
0xaa: {  	_ =	swait.ge [sflag:s26], $0x4000  }
0xab: {  	[sflag:s26] =	ssyncset.done $0x0  }
0xac: {  	[sflag:s26] =	ssyncadd.s32 $0xFFFFC000  }
0xad: {  	[hbm4b:s14+s2] =	stream.linear.scatter [tilespmem:s25], [sflag:$0x3], $0x4000, $0x38;
	[tilespmem:$0x1C200] =	vst v63  }
0xae: {  	_ = 	snop  }
0xaf: {  	[tilespmem:s30], [sflag:$0x5] =	stream.linear.gather [spmem:s10], $0x4000, $0x38;
	[tilespmem:$0x1C200] =	vst v63  }
0xb0: {  	_ =	swait.ge [sflag:s26], $0x4000  }
0xb1: {  	[sflag:s26] =	ssyncset.done $0x0  }
0xb2: {  	[sflag:s26] =	ssyncadd.s32 $0xFFFFC000  }
0xb3: {  	[hbm4b:s15+s2] =	stream.linear.scatter [tilespmem:s30], [sflag:$0x4], $0x4000, $0x38;
	[tilespmem:$0x1C200] =	vst v63  }
0xb4: {  	_ =	swait.ge [sflag:s31], $0x4000  }
0xb5: {  	[sflag:s31] =	ssyncset.done $0x0  }
0xb6: {  	[sflag:s31] =	ssyncadd.s32 $0xFFFFC000  }
0xb7: {  	[tilespmem:s25], [sflag:$0x5] =	stream.linear.gather [spmem:s11], $0x4000, $0x38;
	[tilespmem:$0x1C200] =	vst v63  }
0xb8: {  	_ =	swait.ge [sflag:s26], $0x4000  }
0xb9: {  	[sflag:s26] =	ssyncset.done $0x0  }
0xba: {  	[sflag:s26] =	ssyncadd.s32 $0xFFFFC000  }
0xbb: {  	[hbm4b:s16+s2] =	stream.linear.scatter [tilespmem:s25], [sflag:$0x3], $0x4000, $0x38;
	[tilespmem:$0x1C200] =	vst v63  }
0xbc: {  	_ =	swait.ge [sflag:s0], $0x4000  }
0xbd: {  	[sflag:s0] =	ssyncset.done $0x0  }
0xbe: {  	[sflag:s0] =	ssyncadd.s32 $0xFFFFC000  }
0xbf: {  	[tilespmem:s30], [sflag:$0x5] =	stream.linear.gather [spmem:s12], $0x4000, $0x38;
	[tilespmem:$0x1C200] =	vst v63  }
0xc0: {  	_ =	swait.ge [sflag:s26], $0x4000  }
0xc1: {  	[sflag:s26] =	ssyncset.done $0x0  }
0xc2: {  	[sflag:s26] =	ssyncadd.s32 $0xFFFFC000  }
0xc3: {  	[hbm4b:s17+s2] =	stream.linear.scatter [tilespmem:s30], [sflag:$0x4], $0x4000, $0x38;
	[tilespmem:$0x1C200] =	vst v63  }
0xc4: {  	_ =	swait.ge [sflag:s31], $0x4000  }
0xc5: {  	[sflag:s31] =	ssyncset.done $0x0  }
0xc6: {  	[sflag:s31] =	ssyncadd.s32 $0xFFFFC000  }
0xc7: {  	[tilespmem:s25], [sflag:$0x5] =	stream.linear.gather [spmem:s13], $0x4000, $0x38;
	[tilespmem:$0x1C200] =	vst v63  }
0xc8: {  	_ =	swait.ge [sflag:s26], $0x4000  }
0xc9: {  	[sflag:s26] =	ssyncset.done $0x0  }
0xca: {  	s4 =	sadd.s32 $0x1, s4;
	[sflag:s26] =	ssyncadd.s32 $0xFFFFC000  }
0xcb: {  	[hbm4b:s18+s2] =	stream.linear.scatter [tilespmem:s25], [sflag:$0x3], $0x4000, $0x38;
	[tilespmem:$0x1C200] =	vst v63  }
0xcc: {  	p0 =	sne.s32 s4, s19;
	_ =	swait.ge [sflag:s0], $0x4000  }
.Ltmp2:
0xcd: {  	[sflag:s0] =	ssyncset.done $0x0;
	(pc) =	sbr.rel @p0 .LBB2_1-.Ltmp2, $4  }
0xce: {  	[sflag:s0] =	ssyncadd.s32 $0xFFFFC000  }
0xcf: {  	_ =	swait.ge [sflag:s31], $0x4000  }
0xd0: {  	[sflag:s31] =	ssyncset.done $0x0  }
0xd1: {  	[sflag:s31] =	ssyncadd.s32 $0xFFFFC000  }
0xd2: {  	_ =	sfence.sel $0x180000  }
0xd3: {  	[bflag:$0x0] =	sbarrier.arrive $0xFFFF  }
0xd4: {  	_ =	strace $0x9000004D  }
0xd5: {  	s0 =	stileid.u32;
	[bflag:$0x2] =	sbarrier.arrive $0xFFFF  }
0xd6: {  	p0 =	sne.s32 s0, $0x0;
	s0 =	rddreg [dreg:$0x2]  }
0xd7: {  	s0 =	sadd.s32 @!p0 $0x100000, s0  }
0xd8: {  	[sflag:s0] =	ssyncadd.tile.s32 @!p0 $0x1;
	_ =	shalt  }
.Lfunc_end2:
_tile_overlayer_lowered:
.L_overlay_start_2:
0xd9: {  	(tag) =	ssettag $0x2  }
0xda: {  	s0 =	rddreg [dreg:$0x0];
	s2 =	stileid.u32  }
0xdb: {  	s1 =	rddreg [dreg:$0x1];
	p0 =	sne.s32 s2, $0x0  }
0xdc: {  	s3 =	rddreg [dreg:$0x2];
	[bflag:$0x3] =	sbarrier.arrive $0xFFFF;
	s2 =	simm.s32 @!p0 $0x1C05  }
0xdd: {  	[timem:s3], [sflag:s2] =	dma.local @!p0 [hbm:s0], s1  }
0xde: {  	s0 =	simm.s32 @!p0 $0x5  }
0xdf: {  	_ =	swait.ge @!p0 [sflag:s0], s1  }
0xe0: {  	s1 =	ssub.s32 @!p0 $0x0, s1;
	[sflag:s0] =	ssyncset.done @!p0 $0x0  }
0xe1: {  	[sflag:s0] =	ssyncadd.s32 @!p0 s1  }
0xe2: {  	[bflag:$0x3] =	sbarrier.arrive $0xFFFF  }
0xe3: {  	_ =	shalt  }

// kernel: kernel.9.cloned.1.call-start
scs
__scs_entry_jumppad:
0x0: {  	(pc) =	sbr.rel $0x88, $3  }
0x1: {  	(tag) =	ssettag $0x0;
	lr =	simm.s32 $0x1  }
0x2: {  	[smem:$0x3F8A] =	sst lr;
	_ =	strace $0xD0000000  }
0x3: {  	_ = 	snop  }
0x4: {  	_ = 	snop  }
0x5: {  	_ = 	snop  }
0x6: {  	_ = 	snop  }
0x7: {  	_ = 	snop  }
__scs_overlays_trampoline_lowered:
0x8: {  	[smem:$0x3F99] =	sst s0  }
0x9: {  	[smem:$0x3F9A] =	sst s1  }
0xa: {  	[smem:$0x3F9B] =	sst s2  }
0xb: {  	[smem:$0x3F9C] =	sst s3  }
0xc: {  	[smem:$0x3F9D] =	sst s4  }
0xd: {  	[smem:$0x3F9E] =	sst s5  }
0xe: {  	[smem:$0x3F9F] =	sst s6  }
0xf: {  	[smem:$0x3FA0] =	sst s7  }
0x10: {  	[smem:$0x3FA1] =	sst s8  }
0x11: {  	[smem:$0x3FA2] =	sst s9;
	s0 =	simm.s32 @!p0 $0x0  }
0x12: {  	s1 =	sld [smem:$0x3F88];
	s0 =	simm.s32 @p0 $0x1  }
0x13: {  	[smem:$0x3FA3] =	sst s0;
	s0 =	simm.s32 @!p1 $0x0  }
0x14: {  	s2 =	sld [smem:$0x3F87];
	s0 =	simm.s32 @p1 $0x1  }
0x15: {  	[smem:$0x3FA4] =	sst s0;
	s0 =	simm.s32 @!p2 $0x0  }
0x16: {  	s3 =	sld [smem:$0x3FDB];
	s0 =	simm.s32 @p2 $0x1  }
0x17: {  	s4 =	simm.s32 $0x1BF5;
	[smem:$0x3FA6] =	sst s0  }
0x18: {  	s0 =	sld [smem:$0x3F89];
	_ =	swait.ge [sflag:s4], $0x0  }
0x19: {  	s7 =	sld [smem:$0x3F8A]  }
0x1a: {  	s8 =	sadd.s32 $0xFFFFE003, lr  }
0x1b: {  	s9 =	sadd.s32 $0xFFFFFEF7, lr;
	s5 =	simm.s32 $0xFFFFFFFF;
	p2 =	slt.u32 s8, $0xFFFFF086  }
0x1c: {  	p1 =	slt.u32 s9, $0xF7A;
	s5 =	simm.s32 @!p2 $0x0  }
0x1d: {  	s5 =	simm.s32 @p1 $0x1;
	p0 =	seq.s32 s7, s2  }
0x1e: {  	s7 =	smul.u32 @!p0 $0xF7A, s2;
	p2 =	seq.s32 @!p0 s5, $0x0  }
0x1f: {  	s9 =	smul.u32 $0xF7A, s1;
	s8 =	simm.s32 @!p0 $0x1BF5;
	p2 =	por !p2, p0  }
0x20: {  	[sflag:s8] =	ssyncset.s32 @!p0 $0xFFFFF086;
	s6 =	sadd.s32 @!p0 s3, s7;
	s7 =	simm.s32 @!p0 $0x108  }
0x21: {  	s3 =	sadd.s32 s3, s9;
	s6 =	sadd.s32 @!p0 $0x88, s6;
	s7 =	simm.s32 @p2 $0x1082  }
0x22: {  	[simem:s7], [sflag:s8] =	dma.local @!p0 [hbm:s6], $0xF7A  }
0x23: {  	s9 =	sor.u32 $0xD0000000, s2;
	s6 =	simm.s32 $0x108;
	_ =	swait.ge @!p0 [sflag:s8], $0x0  }
0x24: {  	s3 =	sadd.s32 $0x88, s3;
	s6 =	simm.s32 @!p1 $0x1082;
	[sflag:s4] =	ssyncset.s32 $0xFFFFF086  }
0x25: {  	[simem:s6], [sflag:s4] =	dma.local [hbm:s3], $0xF7A  }
0x26: {  	[smem:$0x3F8A] =	sst s1;
	(tag) =	ssettag s2;
	_ =	strace s9  }
0x27: {  	s1 =	sld [smem:$0x3F9A]  }
0x28: {  	s2 =	sld [smem:$0x3F9B]  }
0x29: {  	s4 =	sld [smem:$0x3F9D]  }
0x2a: {  	p0 =	seq.s32 s5, $0x0;
	s5 =	sld [smem:$0x3F9E]  }
0x2b: {  	s6 =	sld [smem:$0x3F9F]  }
0x2c: {  	s7 =	sld [smem:$0x3FA0]  }
0x2d: {  	s3 =	simm.s32 $0x108;
	s8 =	sld [smem:$0x3FA1]  }
0x2e: {  	s3 =	simm.s32 @!p0 $0x1082;
	s9 =	sld [smem:$0x3FA2]  }
0x2f: {  	lr =	sadd.s32 s0, s3;
	s0 =	sld [smem:$0x3F99]  }
0x30: {  	s3 =	sld [smem:$0x3F9C]  }
0x31: {  	[smem:$0x3FA5] =	sst s10  }
0x32: {  	s10 =	sld [smem:$0x3FA3];
	_ =	sdelay $0x3  }
0x33: {  	p0 =	seq.s32 s10, $0x1;
	s10 =	sld [smem:$0x3FA5];
	_ =	sdelay $0x3  }
0x34: {  	[smem:$0x3FA5] =	sst s10  }
0x35: {  	s10 =	sld [smem:$0x3FA4];
	_ =	sdelay $0x3  }
0x36: {  	p1 =	seq.s32 s10, $0x1;
	s10 =	sld [smem:$0x3FA5];
	_ =	sdelay $0x3  }
0x37: {  	[smem:$0x3FA5] =	sst s10  }
0x38: {  	s10 =	sld [smem:$0x3FA6]  }
0x39: {  	_ = 	snop;
	(pc) =	sbr.ind lr, $3  }
0x3a: {  	_ = 	snop  }
0x3b: {  	_ = 	snop  }
0x3c: {  	p2 =	seq.s32 s10, $0x1;
	s10 =	sld [smem:$0x3FA5]  }
0x3d: {  	_ =	shalt  }
0x3e: {  	_ =	shalt  }
0x3f: {  	_ =	shalt  }
0x40: {  	_ =	shalt  }
0x41: {  	_ =	shalt  }
0x42: {  	_ =	shalt  }
0x43: {  	_ =	shalt  }
0x44: {  	_ =	shalt  }
0x45: {  	_ =	shalt  }
0x46: {  	_ =	shalt  }
0x47: {  	_ =	shalt  }
0x48: {  	_ =	shalt  }
0x49: {  	_ =	shalt  }
0x4a: {  	_ =	shalt  }
0x4b: {  	_ =	shalt  }
0x4c: {  	_ =	shalt  }
0x4d: {  	_ =	shalt  }
0x4e: {  	_ =	shalt  }
0x4f: {  	_ =	shalt  }
0x50: {  	_ =	shalt  }
0x51: {  	_ =	shalt  }
0x52: {  	_ =	shalt  }
0x53: {  	_ =	shalt  }
0x54: {  	_ =	shalt  }
0x55: {  	_ =	shalt  }
0x56: {  	_ =	shalt  }
0x57: {  	_ =	shalt  }
0x58: {  	_ =	shalt  }
0x59: {  	_ =	shalt  }
0x5a: {  	_ =	shalt  }
0x5b: {  	_ =	shalt  }
0x5c: {  	_ =	shalt  }
0x5d: {  	_ =	shalt  }
0x5e: {  	_ =	shalt  }
0x5f: {  	_ =	shalt  }
0x60: {  	_ =	shalt  }
0x61: {  	_ =	shalt  }
0x62: {  	_ =	shalt  }
0x63: {  	_ =	shalt  }
0x64: {  	_ =	shalt  }
0x65: {  	_ =	shalt  }
0x66: {  	_ =	shalt  }
0x67: {  	_ =	shalt  }
0x68: {  	_ =	shalt  }
0x69: {  	_ =	shalt  }
0x6a: {  	_ =	shalt  }
0x6b: {  	_ =	shalt  }
0x6c: {  	_ =	shalt  }
0x6d: {  	_ =	shalt  }
0x6e: {  	_ =	shalt  }
0x6f: {  	_ =	shalt  }
0x70: {  	_ =	shalt  }
0x71: {  	_ =	shalt  }
0x72: {  	_ =	shalt  }
0x73: {  	_ =	shalt  }
0x74: {  	_ =	shalt  }
0x75: {  	_ =	shalt  }
0x76: {  	_ =	shalt  }
0x77: {  	_ =	shalt  }
0x78: {  	_ =	shalt  }
0x79: {  	_ =	shalt  }
0x7a: {  	_ =	shalt  }
0x7b: {  	_ =	shalt  }
0x7c: {  	_ =	shalt  }
0x7d: {  	_ =	shalt  }
0x7e: {  	_ =	shalt  }
0x7f: {  	_ =	shalt  }
0x80: {  	_ =	shalt  }
0x81: {  	_ =	shalt  }
0x82: {  	_ =	shalt  }
0x83: {  	_ =	shalt  }
0x84: {  	_ =	shalt  }
0x85: {  	_ =	shalt  }
0x86: {  	_ =	shalt  }
0x87: {  	_ =	shalt  }
.Lfunc_end0:
.L_simem_size_0:
called_computation_lowered:
.L_overlay_start_0:
0x88: {  	s2 =	sld [smem:$0x3FD9]  }
0x89: {  	s3 =	sld [smem:$0x3FFE];
	_ =	sdelay $0x1  }
0x8a: {  	s1 =	srdreg.scid  }
0x8b: {  	s0 =	sand.u32 $0x1, s1  }
0x8c: {  	s16 =	sshll.u32 s0, $0xA;
	s2 =	sadd.s32 s3, s2  }
0x8d: {  	s2 =	sadd.s32 s2, s16  }
0x8e: {  	[smem:$0x3FB1] =	sst s2  }
0x8f: {  	_ = 	snop  }
0x90: {  	(tm) =	ssettm $0x1  }
0x91: {  	s17 =	sld [smem:$0x3FFB];
	_ =	sdelay $0x3  }
0x92: {  	_ =	strace s17  }
0x93: {  	s2 =	sld [smem:$0x3FFC];
	_ =	sdelay $0x3  }
0x94: {  	_ =	strace s2  }
0x95: {  	s2 =	sld [smem:$0x3FFD];
	_ =	sdelay $0x3  }
0x96: {  	_ =	strace s2  }
0x97: {  	_ =	strace $0x8FFFFFFF  }
0x98: {  	s18 =	sld [smem:$0x3FDB];
	_ =	sdelay $0x1  }
0x99: {  	s19 =	simm.s32 $_scs_section_size  }
0x9a: {  	s4 =	simm.s32 $_size__tile_overlayer_lowered;
	s5 =	simm.s32 $_tile_overlayer_lowered  }
0x9b: {  	s22 =	simm.s32 $0x1BFF;
	s21 =	sshll.u32 s5, $0x1;
	s2 =	sadd.s32 s19, s18  }
0x9c: {  	s6 =	simm.s32 $0x0;
	s20 =	sshll.u32 s4, $0x1;
	s4 =	sadd.s32 s21, s2  }
0x9d: {  	[timem:s6], [sflag:s22] =	dma.local [hbm:s4], s20  }
0x9e: {  	_ =	swait.ge [sflag:s22], s20  }
0x9f: {  	s3 =	ssub.s32 $0x0, s20;
	[sflag:s22] =	ssyncset.done $0x0  }
0xa0: {  	[sflag:s22] =	ssyncadd.s32 s3;
	_ =	sdelay $0x1  }
0xa1: {  	s23 =	simm.s32 $0x1B8B  }
0xa2: {  	_ =	swait.ge [sflag:s23], $0x1  }
0xa3: {  	[sflag:s23] =	ssyncset.done $0x0  }
0xa4: {  	s25 =	simm.s32 $0x1B8E;
	s24 =	sld [smem:$0x3FFE];
	[sflag:s23] =	ssyncadd.s32 $0xFFFFFFFF  }
0xa5: {  	s26 =	simm.s32 $execute0_lowered;
	[smem:$0x3FD2] =	sst s25  }
0xa6: {  	s4 =	sshll.u32 s26, $0x1;
	_ =	strace $0x80000046;
	[dreg:$0x1] =	wrdreg $0xFFFFFFFF  }
0xa7: {  	s28 =	simm.s32 $_size_execute0_lowered;
	s2 =	sadd.s32 s2, s4;
	[dreg:$0x0] =	wrdreg $0x0  }
0xa8: {  	s4 =	sshll.u32 s28, $0x1;
	[dreg:$0x2] =	wrdreg s2  }
0xa9: {  	[dreg:$0x3] =	wrdreg s4  }
0xaa: {  	[dreg:$0x4] =	wrdreg $0xC0  }
0xab: {  	_ =	task [dreg:s6], $0x5FFFF  }
0xac: {  	[dreg:$0x1] =	wrdreg $0xFFFFFFFF  }
0xad: {  	[dreg:$0x0] =	wrdreg $0x60  }
0xae: {  	[dreg:$0x2] =	wrdreg s24  }
0xaf: {  	[dreg:$0x3] =	wrdreg $0x82000  }
0xb0: {  	[dreg:$0x4] =	wrdreg $0x9  }
0xb1: {  	_ =	task.clear_ibuf [dreg:s6], $0x5FFFF;
	_ =	strace $0x90000046  }
0xb2: {  	s29 =	simm.s32 $0x9;
	_ =	strace $0x80000048  }
0xb3: {  	_ =	swait.ge [sflag:s29], $0x1  }
0xb4: {  	[sflag:s29] =	ssyncadd.s32 $0xFFFFFFFF  }
0xb5: {  	_ =	strace $0x90000048  }
0xb6: {  	_ =	sfence  }
0xb7: {  	s30 =	sld [smem:$0x0];
	_ =	sdelay $0x2  }
0xb8: {  	s31 =	sshll.u32 s1, $0xD;
	s1 =	sshrl.u32 s1, $0x2  }
0xb9: {  	s3 =	sand.u32 $0x4000, s31;
	s1 =	sadd.s32 s1, s30  }
0xba: {  	s0 =	sor.u32 s3, s0;
	s1 =	sshll.u32 s1, $0x11  }
0xbb: {  	s0 =	sor.u32 s1, s0  }
0xbc: {  	s0 =	sadd.s32 $0x8F2B, s0  }
0xbd: {  	[sflag:s0] =	ssyncadd.remote.s32 $0x1  }
0xbe: {  	_ =	sfence.sel $0xFFFF  }
0xbf: {  	[dreg:$0x0] =	wrdreg $0xFFFFFFFF;
	(pc) =	sbr.abs _section_cstart, $3  }
0xc0: {  	[dreg:$0x1] =	wrdreg $0xFFFFFFFF  }
0xc1: {  	_ =	task.clear_ibuf [dreg:s6], $0x2FFFF;
	_ =	strace $0x9FFFFFFF  }
0xc2: {  	(tm) =	ssettm $0x7FFFFFFF  }
0xc3: {  	_ =	shalt  }
tec
execute0_lowered:
.L_overlay_start_1:
0x0: {  	(tag) =	ssettag $0x1  }
0x1: {  	s0 =	rddreg [dreg:$0x0]  }
0x2: {  	s1 =	rddreg [dreg:$0x1]  }
0x3: {  	s2 =	simm.s32 $0x0;
	s4 =	srdreg.scid;
	s10 =	stileid.u32  }
0x4: {  	s28 =	simm.s32 $0x1;
	s29 =	simm.s32 $0x2;
	s30 =	simm.s32 $0x4200  }
0x5: {  	s31 =	simm.s32 $0x3;
	[smem:$0x7FF] =	sst s2;
	s3 =	sadd.s32 $0x17E00, s0  }
0x6: {  	s5 =	sadd.s32 $0x3E00, s0;
	s6 =	sadd.s32 $0xDE00, s0;
	s4 =	sand.u32 $0x1, s4  }
0x7: {  	s0 =	sadd.s32 $0x3F000, s0;
	s21 =	sshll.u32 s10, $0x5;
	s17 =	smul.u32 $0x50000, s10  }
0x8: {  	s13 =	smul.u32 $0x14000, s10;
	_ =	strace $0x80000047;
	s7 =	ssub.s32 $0x2, s4  }
0x9: {  	s22 =	sshll.u32 s4, $0x4;
	s4 =	smul.u32 $0x140000, s4;
	s25 =	sadd.s32 s21, s5  }
0xa: {  	s26 =	sadd.s32 s21, s6;
	s8 =	sshrl.u32 s7, $0x1;
	s16 =	sor.u32 s22, s21  }
0xb: {  	s23 =	sshrl.u32 s17, $0x2;
	s14 =	sadd.s32 $0x4000, s13;
	s17 =	sadd.s32 $0xC000, s13  }
0xc: {  	s21 =	sadd.s32 s22, s26;
	s26 =	simm.s32 $0x5;
	s19 =	ssub.s32 s7, s8  }
0xd: {  	s9 =	sadd.s32 s5, s16;
	s18 =	sor.u32 $0x200, s16;
	s7 =	sadd.s32 s6, s16  }
0xe: {  	s16 =	sadd.s32 $0x8000, s13;
	s10 =	sadd.s32 s14, s1;
	s12 =	sadd.s32 s17, s1  }
0xf: {  	s15 =	sadd.s32 s13, s4;
	s14 =	sadd.s32 s4, s14;
	[dreg:$0x3] =	wrdreg s9  }
0x10: {  	s17 =	sadd.s32 s4, s17;
	[dreg:$0x4] =	wrdreg s7;
	s20 =	sadd.s32 s5, s18  }
0x11: {  	s24 =	sadd.s32 s6, s18;
	s9 =	sadd.s32 s23, s1;
	s11 =	sadd.s32 s16, s1  }
0x12: {  	s18 =	sadd.s32 $0x10000, s13;
	s15 =	sshrl.u32 s15, $0x3;
	s16 =	sadd.s32 s4, s16  }
0x13: {  	s17 =	sshrl.u32 s17, $0x3;
	s19 =	smax.u32 s19, $0x1;
	[dreg:$0x5] =	wrdreg s20  }
0x14: {  	s23 =	simm.s32 $0x80;
	[dreg:$0x6] =	wrdreg s24;
	s13 =	sadd.s32 s18, s1  }
0x15: {  	s20 =	sshrl.u32 s14, $0x3;
	s14 =	sadd.s32 s0, s15;
	s16 =	sshrl.u32 s16, $0x3  }
0x16: {  	s4 =	sadd.s32 s4, s18;
	s17 =	sadd.s32 s0, s17;
	s24 =	simm.s32 $0x180  }
0x17: {  	s15 =	sadd.s32 s0, s20;
	s16 =	sadd.s32 s0, s16;
	s4 =	sshrl.u32 s4, $0x3  }
0x18: {  	s20 =	sadd.s32 s22, s25;
	s22 =	simm.s32 $0x100;
	s25 =	simm.s32 $0x200  }
0x19: {  	v0 =	vimm.f32 $0.0e+00;
	s18 =	sadd.s32 s0, s4;
	s0 =	simm.s32 $0x4;
	s4 =	simm.s32 $0x0  }
.LBB2_1:
0x1a: {  	s5 =	rddreg [dreg:$0x3]  }
0x1b: {  	[tilespmem:s2], [sflag:$0x1] =	stream.linear.gather [hbm4b:s5+s2], $0x80, $0x38;
	[tilespmem:$0x1C200] =	vst v63  }
0x1c: {  	s6 =	rddreg [dreg:$0x4]  }
0x1d: {  	[tilespmem:s22], [sflag:$0x1] =	stream.linear.gather [hbm4b:s6+s2], $0x80, $0x38;
	[tilespmem:$0x1C200] =	vst v63  }
0x1e: {  	s7 =	rddreg [dreg:$0x5]  }
0x1f: {  	[tilespmem:s23], [sflag:$0x2] =	stream.linear.gather [hbm4b:s7+s2], $0x80, $0x38;
	[tilespmem:$0x1C200] =	vst v63  }
0x20: {  	s8 =	rddreg [dreg:$0x6];
	s5 =	simm.s32 $0x0;
	s6 =	simm.s32 $0x200  }
0x21: {  	[tilespmem:s24], [sflag:$0x2] =	stream.linear.gather [hbm4b:s8+s2], $0x80, $0x38;
	[tilespmem:$0x1C200] =	vst v63  }
.LBB2_2:
0x22: {  	p0 =	sne.s32 s6, $0xFE00;
	[tilespmem:s5+$0x270] =	vst v0  }
0x23: {  	[tilespmem:s5+$0x200] =	vst v0  }
0x24: {  	[tilespmem:s5+$0x210] =	vst v0  }
.Ltmp0:
0x25: {  	[tilespmem:s5+$0x220] =	vst v0;
	(pc) =	sbr.rel @p0 .LBB2_2-.Ltmp0, $4  }
0x26: {  	[tilespmem:s5+$0x230] =	vst v0  }
0x27: {  	[tilespmem:s5+$0x240] =	vst v0  }
0x28: {  	[tilespmem:s5+$0x250] =	vst v0  }
0x29: {  	[tilespmem:s5+$0x260] =	vst v0;
	s5 =	sshra.s32 s6, $0x2;
	s6 =	sadd.s32 $0x200, s6  }
0x2a: {  	[tilespmem:s5+$0x270] =	vst v0  }
0x2b: {  	[tilespmem:s5+$0x200] =	vst v0  }
0x2c: {  	[tilespmem:s5+$0x210] =	vst v0  }
0x2d: {  	[tilespmem:s5+$0x220] =	vst v0  }
0x2e: {  	[tilespmem:s5+$0x230] =	vst v0  }
0x2f: {  	[tilespmem:s5+$0x240] =	vst v0  }
0x30: {  	[tilespmem:s5+$0x250] =	vst v0  }
0x31: {  	[tilespmem:s5+$0x260] =	vst v0  }
0x32: {  	[spmem:s9] =	stream.linear.scatter [tilespmem:s25], [sflag:$0x5], $0x4000, $0x38;
	[tilespmem:$0x1C200] =	vst v63  }
0x33: {  	_ =	swait.ge [sflag:s26], $0x4000  }
0x34: {  	[sflag:s26] =	ssyncset.done $0x0  }
0x35: {  	[sflag:s26] =	ssyncadd.s32 $0xFFFFC000  }
0x36: {  	[spmem:s10] =	stream.linear.scatter [tilespmem:s25], [sflag:$0x5], $0x4000, $0x38;
	[tilespmem:$0x1C200] =	vst v63  }
0x37: {  	_ =	swait.ge [sflag:s26], $0x4000  }
0x38: {  	[sflag:s26] =	ssyncset.done $0x0  }
0x39: {  	[sflag:s26] =	ssyncadd.s32 $0xFFFFC000  }
0x3a: {  	[spmem:s11] =	stream.linear.scatter [tilespmem:s25], [sflag:$0x5], $0x4000, $0x38;
	[tilespmem:$0x1C200] =	vst v63  }
0x3b: {  	_ =	swait.ge [sflag:s26], $0x4000  }
0x3c: {  	[sflag:s26] =	ssyncset.done $0x0  }
0x3d: {  	[sflag:s26] =	ssyncadd.s32 $0xFFFFC000  }
0x3e: {  	[spmem:s12] =	stream.linear.scatter [tilespmem:s25], [sflag:$0x5], $0x4000, $0x38;
	[tilespmem:$0x1C200] =	vst v63  }
0x3f: {  	_ =	swait.ge [sflag:s26], $0x4000  }
0x40: {  	[sflag:s26] =	ssyncset.done $0x0  }
0x41: {  	[sflag:s26] =	ssyncadd.s32 $0xFFFFC000  }
0x42: {  	[spmem:s13] =	stream.linear.scatter [tilespmem:s25], [sflag:$0x5], $0x4000, $0x38;
	[tilespmem:$0x1C200] =	vst v63  }
0x43: {  	_ =	swait.ge [sflag:s26], $0x4000  }
0x44: {  	[sflag:s26] =	ssyncset.done $0x0  }
0x45: {  	[sflag:s26] =	ssyncadd.s32 $0xFFFFC000  }
0x46: {  	[bflag:$0x0] =	sbarrier.arrive $0xFFFF  }
0x47: {  	_ =	swait.ge [sflag:s28], $0x80  }
0x48: {  	[sflag:s28] =	ssyncset.done $0x0  }
0x49: {  	[sflag:s28] =	ssyncadd.s32 $0xFFFFFF80  }
0x4a: {  	_ =	swait.ge [sflag:s28], $0x80  }
0x4b: {  	[sflag:s28] =	ssyncset.done $0x0  }
0x4c: {  	s7 =	simm.s32 $0x0;
	[sflag:s28] =	ssyncadd.s32 $0xFFFFFF80  }
0x4d: {  	[tilespmem:s25], [sflag:$0x3] =	stream.indirect.gather [hbm4b:s3+s23], $0x80, s7, s23, $0xb8;
	[tilespmem:$0x1C200] =	vst v63  }
0x4e: {  	_ =	swait.ge [sflag:s29], $0x80  }
0x4f: {  	[sflag:s29] =	ssyncset.done $0x0  }
0x50: {  	[sflag:s29] =	ssyncadd.s32 $0xFFFFFF80  }
0x51: {  	_ =	swait.ge [sflag:s29], $0x80  }
0x52: {  	[sflag:s29] =	ssyncset.done $0x0  }
0x53: {  	[sflag:s29] =	ssyncadd.s32 $0xFFFFFF80  }
0x54: {  	[tilespmem:s30], [sflag:$0x4] =	stream.indirect.gather [hbm4b:s3+s23], $0x80, s23, s23, $0xb8;
	[tilespmem:$0x1C200] =	vst v63  }
0x55: {  	_ =	swait.ge [sflag:s31], $0x4000  }
0x56: {  	[sflag:s31] =	ssyncset.done $0x0  }
0x57: {  	[sflag:s31] =	ssyncadd.s32 $0xFFFFC000  }
0x58: {  	[spmem:s1] =	stream.indirect.scatter.add.f32 [tilespmem:s25], [sflag:$0x5], $0x80, s22, s23, $0xb8;
	[tilespmem:$0x1C200] =	vst v63  }
0x59: {  	_ =	swait.ge [sflag:s26], $0x4000  }
0x5a: {  	s5 =	sadd.s32 $0x0, s20;
	[sflag:s26] =	ssyncset.done $0x0  }
0x5b: {  	s6 =	sadd.s32 $0x400, s5;
	s7 =	sadd.s32 $0x0, s21;
	[sflag:s26] =	ssyncadd.s32 $0xFFFFC000  }
0x5c: {  	[tilespmem:s2], [sflag:$0x1] =	stream.linear.gather [hbm4b:s6+s2], $0x80, $0x38;
	[tilespmem:$0x1C200] =	vst v63  }
0x5d: {  	s8 =	sadd.s32 $0x400, s7  }
0x5e: {  	[tilespmem:s22], [sflag:$0x1] =	stream.linear.gather [hbm4b:s8+s2], $0x80, $0x38;
	[tilespmem:$0x1C200] =	vst v63  }
0x5f: {  	_ =	swait.ge [sflag:s28], $0x80  }
0x60: {  	[sflag:s28] =	ssyncset.done $0x0  }
0x61: {  	[sflag:s28] =	ssyncadd.s32 $0xFFFFFF80  }
0x62: {  	_ =	swait.ge [sflag:s28], $0x80  }
0x63: {  	[sflag:s28] =	ssyncset.done $0x0  }
0x64: {  	[sflag:s28] =	ssyncadd.s32 $0xFFFFFF80  }
0x65: {  	[tilespmem:s25], [sflag:$0x3] =	stream.indirect.gather [hbm4b:s3+s23], $0x80, s2, s23, $0xb8;
	[tilespmem:$0x1C200] =	vst v63  }
0x66: {  	_ =	swait.ge [sflag:s0], $0x4000  }
0x67: {  	[sflag:s0] =	ssyncset.done $0x0  }
0x68: {  	[sflag:s0] =	ssyncadd.s32 $0xFFFFC000  }
0x69: {  	[spmem:s1] =	stream.indirect.scatter.add.f32 [tilespmem:s30], [sflag:$0x5], $0x80, s24, s23, $0xb8;
	[tilespmem:$0x1C200] =	vst v63  }
0x6a: {  	_ =	swait.ge [sflag:s26], $0x4000  }
0x6b: {  	[sflag:s26] =	ssyncset.done $0x0  }
0x6c: {  	s5 =	sadd.s32 $0x600, s5;
	[sflag:s26] =	ssyncadd.s32 $0xFFFFC000  }
0x6d: {  	[tilespmem:s23], [sflag:$0x2] =	stream.linear.gather [hbm4b:s5+s2], $0x80, $0x38;
	[tilespmem:$0x1C200] =	vst v63  }
0x6e: {  	s6 =	sadd.s32 $0x600, s7;
	s5 =	simm.s32 $0x400  }
.LBB2_4:
0x6f: {  	[tilespmem:s24], [sflag:$0x2] =	stream.linear.gather [hbm4b:s6+s2], $0x80, $0x38;
	[tilespmem:$0x1C200] =	vst v63  }
0x70: {  	s6 =	smov.u32 s5  }
0x71: {  	p0 =	sne.s32 s5, $0x9800;
	s5 =	sadd.s32 $0x400, s5;
	_ =	swait.ge [sflag:s29], $0x80  }
0x72: {  	[sflag:s29] =	ssyncset.done $0x0  }
0x73: {  	[sflag:s29] =	ssyncadd.s32 $0xFFFFFF80  }
0x74: {  	_ =	swait.ge [sflag:s29], $0x80  }
0x75: {  	[sflag:s29] =	ssyncset.done $0x0  }
0x76: {  	[sflag:s29] =	ssyncadd.s32 $0xFFFFFF80  }
0x77: {  	[tilespmem:s30], [sflag:$0x4] =	stream.indirect.gather [hbm4b:s3+s23], $0x80, s23, s23, $0xb8;
	[tilespmem:$0x1C200] =	vst v63  }
0x78: {  	_ =	swait.ge [sflag:s31], $0x4000  }
0x79: {  	[sflag:s31] =	ssyncset.done $0x0  }
0x7a: {  	[sflag:s31] =	ssyncadd.s32 $0xFFFFC000  }
0x7b: {  	[spmem:s1] =	stream.indirect.scatter.add.f32 [tilespmem:s25], [sflag:$0x5], $0x80, s22, s23, $0xb8;
	[tilespmem:$0x1C200] =	vst v63  }
0x7c: {  	_ =	swait.ge [sflag:s26], $0x4000  }
0x7d: {  	s7 =	sadd.s32 s6, s20;
	[sflag:s26] =	ssyncset.done $0x0  }
0x7e: {  	s6 =	sadd.s32 s6, s21;
	s8 =	sadd.s32 $0x400, s7;
	[sflag:s26] =	ssyncadd.s32 $0xFFFFC000  }
0x7f: {  	[tilespmem:s2], [sflag:$0x1] =	stream.linear.gather [hbm4b:s8+s2], $0x80, $0x38;
	[tilespmem:$0x1C200] =	vst v63  }
0x80: {  	s8 =	sadd.s32 $0x400, s6  }
0x81: {  	[tilespmem:s22], [sflag:$0x1] =	stream.linear.gather [hbm4b:s8+s2], $0x80, $0x38;
	[tilespmem:$0x1C200] =	vst v63  }
0x82: {  	_ =	swait.ge [sflag:s28], $0x80  }
0x83: {  	[sflag:s28] =	ssyncset.done $0x0  }
0x84: {  	[sflag:s28] =	ssyncadd.s32 $0xFFFFFF80  }
0x85: {  	_ =	swait.ge [sflag:s28], $0x80  }
0x86: {  	[sflag:s28] =	ssyncset.done $0x0  }
0x87: {  	[sflag:s28] =	ssyncadd.s32 $0xFFFFFF80  }
0x88: {  	[tilespmem:s25], [sflag:$0x3] =	stream.indirect.gather [hbm4b:s3+s23], $0x80, s2, s23, $0xb8;
	[tilespmem:$0x1C200] =	vst v63  }
0x89: {  	_ =	swait.ge [sflag:s0], $0x4000  }
0x8a: {  	[sflag:s0] =	ssyncset.done $0x0  }
0x8b: {  	[sflag:s0] =	ssyncadd.s32 $0xFFFFC000  }
0x8c: {  	[spmem:s1] =	stream.indirect.scatter.add.f32 [tilespmem:s30], [sflag:$0x5], $0x80, s24, s23, $0xb8;
	[tilespmem:$0x1C200] =	vst v63  }
.Ltmp1:
0x8d: {  	_ =	swait.ge [sflag:s26], $0x4000;
	(pc) =	sbr.rel @p0 .LBB2_4-.Ltmp1, $4  }
0x8e: {  	[sflag:s26] =	ssyncset.done $0x0  }
0x8f: {  	s7 =	sadd.s32 $0x600, s7;
	[sflag:s26] =	ssyncadd.s32 $0xFFFFC000  }
0x90: {  	[tilespmem:s23], [sflag:$0x2] =	stream.linear.gather [hbm4b:s7+s2], $0x80, $0x38;
	[tilespmem:$0x1C200] =	vst v63  }
0x91: {  	s6 =	sadd.s32 $0x600, s6  }
0x92: {  	[tilespmem:s24], [sflag:$0x2] =	stream.linear.gather [hbm4b:s6+s2], $0x80, $0x38;
	[tilespmem:$0x1C200] =	vst v63  }
0x93: {  	_ =	swait.ge [sflag:s29], $0x80  }
0x94: {  	[sflag:s29] =	ssyncset.done $0x0  }
0x95: {  	[sflag:s29] =	ssyncadd.s32 $0xFFFFFF80  }
0x96: {  	_ =	swait.ge [sflag:s29], $0x80  }
0x97: {  	[sflag:s29] =	ssyncset.done $0x0  }
0x98: {  	[sflag:s29] =	ssyncadd.s32 $0xFFFFFF80  }
0x99: {  	[tilespmem:s30], [sflag:$0x4] =	stream.indirect.gather [hbm4b:s3+s23], $0x80, s23, s23, $0xb8;
	[tilespmem:$0x1C200] =	vst v63  }
0x9a: {  	_ =	swait.ge [sflag:s31], $0x4000  }
0x9b: {  	[sflag:s31] =	ssyncset.done $0x0  }
0x9c: {  	[sflag:s31] =	ssyncadd.s32 $0xFFFFC000  }
0x9d: {  	[spmem:s1] =	stream.indirect.scatter.add.f32 [tilespmem:s25], [sflag:$0x5], $0x80, s22, s23, $0xb8;
	[tilespmem:$0x1C200] =	vst v63  }
0x9e: {  	_ =	swait.ge [sflag:s26], $0x4000  }
0x9f: {  	[sflag:s26] =	ssyncset.done $0x0  }
0xa0: {  	[sflag:s26] =	ssyncadd.s32 $0xFFFFC000  }
0xa1: {  	_ =	swait.ge [sflag:s0], $0x4000  }
0xa2: {  	[sflag:s0] =	ssyncset.done $0x0  }
0xa3: {  	[sflag:s0] =	ssyncadd.s32 $0xFFFFC000  }
0xa4: {  	[spmem:s1] =	stream.indirect.scatter.add.f32 [tilespmem:s30], [sflag:$0x5], $0x80, s24, s23, $0xb8;
	[tilespmem:$0x1C200] =	vst v63  }
0xa5: {  	_ =	swait.ge [sflag:s26], $0x4000  }
0xa6: {  	[sflag:s26] =	ssyncset.done $0x0  }
0xa7: {  	[sflag:s26] =	ssyncadd.s32 $0xFFFFC000  }
0xa8: {  	[bflag:$0x0] =	sbarrier.arrive $0xFFFF  }
0xa9: {  	[tilespmem:s25], [sflag:$0x5] =	stream.linear.gather [spmem:s9], $0x4000, $0x38;
	[tilespmem:$0x1C200] =	vst v63  }
0xaa: {  	_ =	swait.ge [sflag:s26], $0x4000  }
0xab: {  	[sflag:s26] =	ssyncset.done $0x0  }
0xac: {  	[sflag:s26] =	ssyncadd.s32 $0xFFFFC000  }
0xad: {  	[hbm4b:s14+s2] =	stream.linear.scatter [tilespmem:s25], [sflag:$0x3], $0x4000, $0x38;
	[tilespmem:$0x1C200] =	vst v63  }
0xae: {  	_ = 	snop  }
0xaf: {  	[tilespmem:s30], [sflag:$0x5] =	stream.linear.gather [spmem:s10], $0x4000, $0x38;
	[tilespmem:$0x1C200] =	vst v63  }
0xb0: {  	_ =	swait.ge [sflag:s26], $0x4000  }
0xb1: {  	[sflag:s26] =	ssyncset.done $0x0  }
0xb2: {  	[sflag:s26] =	ssyncadd.s32 $0xFFFFC000  }
0xb3: {  	[hbm4b:s15+s2] =	stream.linear.scatter [tilespmem:s30], [sflag:$0x4], $0x4000, $0x38;
	[tilespmem:$0x1C200] =	vst v63  }
0xb4: {  	_ =	swait.ge [sflag:s31], $0x4000  }
0xb5: {  	[sflag:s31] =	ssyncset.done $0x0  }
0xb6: {  	[sflag:s31] =	ssyncadd.s32 $0xFFFFC000  }
0xb7: {  	[tilespmem:s25], [sflag:$0x5] =	stream.linear.gather [spmem:s11], $0x4000, $0x38;
	[tilespmem:$0x1C200] =	vst v63  }
0xb8: {  	_ =	swait.ge [sflag:s26], $0x4000  }
0xb9: {  	[sflag:s26] =	ssyncset.done $0x0  }
0xba: {  	[sflag:s26] =	ssyncadd.s32 $0xFFFFC000  }
0xbb: {  	[hbm4b:s16+s2] =	stream.linear.scatter [tilespmem:s25], [sflag:$0x3], $0x4000, $0x38;
	[tilespmem:$0x1C200] =	vst v63  }
0xbc: {  	_ =	swait.ge [sflag:s0], $0x4000  }
0xbd: {  	[sflag:s0] =	ssyncset.done $0x0  }
0xbe: {  	[sflag:s0] =	ssyncadd.s32 $0xFFFFC000  }
0xbf: {  	[tilespmem:s30], [sflag:$0x5] =	stream.linear.gather [spmem:s12], $0x4000, $0x38;
	[tilespmem:$0x1C200] =	vst v63  }
0xc0: {  	_ =	swait.ge [sflag:s26], $0x4000  }
0xc1: {  	[sflag:s26] =	ssyncset.done $0x0  }
0xc2: {  	[sflag:s26] =	ssyncadd.s32 $0xFFFFC000  }
0xc3: {  	[hbm4b:s17+s2] =	stream.linear.scatter [tilespmem:s30], [sflag:$0x4], $0x4000, $0x38;
	[tilespmem:$0x1C200] =	vst v63  }
0xc4: {  	_ =	swait.ge [sflag:s31], $0x4000  }
0xc5: {  	[sflag:s31] =	ssyncset.done $0x0  }
0xc6: {  	[sflag:s31] =	ssyncadd.s32 $0xFFFFC000  }
0xc7: {  	[tilespmem:s25], [sflag:$0x5] =	stream.linear.gather [spmem:s13], $0x4000, $0x38;
	[tilespmem:$0x1C200] =	vst v63  }
0xc8: {  	_ =	swait.ge [sflag:s26], $0x4000  }
0xc9: {  	[sflag:s26] =	ssyncset.done $0x0  }
0xca: {  	s4 =	sadd.s32 $0x1, s4;
	[sflag:s26] =	ssyncadd.s32 $0xFFFFC000  }
0xcb: {  	[hbm4b:s18+s2] =	stream.linear.scatter [tilespmem:s25], [sflag:$0x3], $0x4000, $0x38;
	[tilespmem:$0x1C200] =	vst v63  }
0xcc: {  	p0 =	sne.s32 s4, s19;
	_ =	swait.ge [sflag:s0], $0x4000  }
.Ltmp2:
0xcd: {  	[sflag:s0] =	ssyncset.done $0x0;
	(pc) =	sbr.rel @p0 .LBB2_1-.Ltmp2, $4  }
0xce: {  	[sflag:s0] =	ssyncadd.s32 $0xFFFFC000  }
0xcf: {  	_ =	swait.ge [sflag:s31], $0x4000  }
0xd0: {  	[sflag:s31] =	ssyncset.done $0x0  }
0xd1: {  	[sflag:s31] =	ssyncadd.s32 $0xFFFFC000  }
0xd2: {  	_ =	sfence.sel $0x180000  }
0xd3: {  	[bflag:$0x0] =	sbarrier.arrive $0xFFFF  }
0xd4: {  	_ =	strace $0x90000047  }
0xd5: {  	s0 =	stileid.u32;
	[bflag:$0x2] =	sbarrier.arrive $0xFFFF  }
0xd6: {  	p0 =	sne.s32 s0, $0x0;
	s0 =	rddreg [dreg:$0x2]  }
0xd7: {  	s0 =	sadd.s32 @!p0 $0x100000, s0  }
0xd8: {  	[sflag:s0] =	ssyncadd.tile.s32 @!p0 $0x1;
	_ =	shalt  }
.Lfunc_end2:
_tile_overlayer_lowered:
.L_overlay_start_2:
0xd9: {  	(tag) =	ssettag $0x2  }
0xda: {  	s0 =	rddreg [dreg:$0x0];
	s2 =	stileid.u32  }
0xdb: {  	s1 =	rddreg [dreg:$0x1];
	p0 =	sne.s32 s2, $0x0  }
0xdc: {  	s3 =	rddreg [dreg:$0x2];
	[bflag:$0x3] =	sbarrier.arrive $0xFFFF;
	s2 =	simm.s32 @!p0 $0x1C05  }
0xdd: {  	[timem:s3], [sflag:s2] =	dma.local @!p0 [hbm:s0], s1  }
0xde: {  	s0 =	simm.s32 @!p0 $0x5  }
0xdf: {  	_ =	swait.ge @!p0 [sflag:s0], s1  }
0xe0: {  	s1 =	ssub.s32 @!p0 $0x0, s1;
	[sflag:s0] =	ssyncset.done @!p0 $0x0  }
0xe1: {  	[sflag:s0] =	ssyncadd.s32 @!p0 s1  }
0xe2: {  	[bflag:$0x3] =	sbarrier.arrive $0xFFFF  }
0xe3: {  	_ =	shalt  }

</sc_bundles>
